<compile_context>
chip_gen: v7x
topology: tpu7x:2x2x1
jax: 0.10.2.dev20260603
libtpu: 0.0.44.dev20260713+nightly
codegen_flags: <defaults>
</compile_context>

<pallas_src>
import functools

import jax
import jax.numpy as jnp
from jax import lax
from jax.experimental import pallas as pl
from jax.experimental.pallas import tpu as pltpu
from jax.experimental.pallas import tpu_sc as plsc

_U = 100000
_I = 100000
_D = 32
_LAM = 0.001

_NNZ = 1600000
_K = 512
_SL = 512
_NSUB = _K // _SL
_CHUNKS = 200
_NNZ_PAD = 16 * _CHUNKS * _K
_NNZ_ALLOC = _NNZ_PAD + 3 * _K
_ACC_ROWS = 100096
_TILE_ACC = _ACC_ROWS // 16
_TILE_OUT = 6256
_LAST_OUT = _U - 15 * _TILE_OUT


def _sc_push(table2, edges, n_dst):
    mesh = plsc.VectorSubcoreMesh(core_axis_name="c", subcore_axis_name="s")

    @functools.partial(
        pl.kernel,
        out_type=jax.ShapeDtypeStruct((n_dst, _D), jnp.float32),
        mesh=mesh,
        scratch_types=[
            [pltpu.VMEM((2, _K), jnp.int32)] * 4,
            [pltpu.VMEM((_NSUB, _SL), jnp.int32)] * 2,
            [pltpu.VMEM((_K, 16), jnp.float32)] * 2,
            [pltpu.SemaphoreType.DMA] * 4,
            [pltpu.SemaphoreType.DMA] * 2,
            [pltpu.SemaphoreType.DMA] * 2,
            pltpu.VMEM_SHARED((_ACC_ROWS, 16), jnp.float32),
        ],
        compiler_params=pltpu.CompilerParams(use_tc_tiling_on_sc=False),
    )
    def push(edges_hbm, table_hbm, out_hbm,
             ebuf, dst2d, rows, semE, semG, semS, acc):
        c = lax.axis_index("c")
        s = lax.axis_index("s")
        tbase = s * (_CHUNKS * _K)

        def e_slice(off):
            return edges_hbm.at[:, pl.ds(off, _K)]

        pltpu.async_copy(e_slice(tbase), ebuf[0], semE[0])
        pltpu.async_copy(e_slice(tbase + _K), ebuf[1], semE[1])
        pltpu.async_copy(e_slice(tbase + 2 * _K), ebuf[2], semE[2])

        zero16 = jnp.zeros((16,), jnp.float32)

        @pl.loop(0, _K)
        def _(i):
            rows[0][i, pl.ds(0, 16)] = zero16

        zbase = s * _TILE_ACC

        @pl.loop(0, _TILE_ACC // _K)
        def _(i):
            pltpu.sync_copy(rows[0], acc.at[pl.ds(zbase + i * _K, _K), :])

        _rem = _TILE_ACC % _K
        if _rem:
            pltpu.sync_copy(
                rows[0].at[pl.ds(0, _rem), :],
                acc.at[pl.ds(zbase + (_TILE_ACC // _K) * _K, _rem), :])

        plsc.subcore_barrier()


        def gath(eb, b, j):
            return pltpu.make_async_copy(
                table_hbm.at[ebuf[eb].at[0, pl.ds(j * _SL, _SL)]],
                rows[b].at[pl.ds(j * _SL, _SL), :], semG[b])

        def scat(b, j):
            return pltpu.make_async_copy(
                rows[b].at[pl.ds(j * _SL, _SL), :],
                acc.at[dst2d[b].at[j]], semS[b])

        @pl.loop(0, _CHUNKS // 4)
        def _(t):
            g0 = 4 * t
            for p in range(4):
                b, ob, pe = p % 2, 1 - (p % 2), (p - 1) % 4
                pltpu.make_async_copy(e_slice(tbase), ebuf[p], semE[p]).wait()

                def waitS():
                    for j in range(_NSUB):
                        scat(b, j).wait()

                if p < 2:
                    pl.when(t >= 1)(waitS)
                else:
                    waitS()

                @pl.loop(0, _K // 16)
                def _(r):
                    v = ebuf[p][0, pl.ds(r * 16, 16)]
                    ebuf[p][0, pl.ds(r * 16, 16)] = v + v + c
                    dst2d[b][(r * 16) // _SL, pl.ds((r * 16) % _SL, 16)] = (
                        ebuf[p][1, pl.ds(r * 16, 16)])

                for j in range(_NSUB):
                    gath(p, b, j).start()

                def drain_prev():
                    for j in range(_NSUB):
                        gath(pe, ob, j).wait()
                    for j in range(_NSUB):
                        scat(ob, j).start(add=True)

                if p == 0:
                    pl.when(t >= 1)(drain_prev)
                else:
                    drain_prev()
                pltpu.async_copy(
                    e_slice(tbase + (g0 + p + 3) * _K), ebuf[pe], semE[pe])

        for j in range(_NSUB):
            gath(3, 1, j).wait()
        for j in range(_NSUB):
            scat(1, j).start(add=True)
        for j in range(_NSUB):
            scat(0, j).wait()
        for j in range(_NSUB):
            scat(1, j).wait()
        for p in range(3):
            pltpu.make_async_copy(e_slice(tbase), ebuf[p], semE[p]).wait()

        plsc.subcore_barrier()

        @pl.when(s < 15)
        def _():
            pltpu.sync_copy(
                acc.at[pl.ds(s * _TILE_OUT, _TILE_OUT), :],
                out_hbm.at[pl.ds(s * _TILE_OUT, _TILE_OUT),
                           pl.ds(c * 16, 16)])

        @pl.when(s == 15)
        def _():
            pltpu.sync_copy(
                acc.at[pl.ds(15 * _TILE_OUT, _LAST_OUT), :],
                out_hbm.at[pl.ds(15 * _TILE_OUT, _LAST_OUT),
                           pl.ds(c * 16, 16)])

    return push(edges, table2)


def kernel(user0, item_i0, ratings, edge_user, edge_item, edge_val, d_i, d_j,
           embed_user_w, embed_item_w, user_bias_w, item_bias_w, add_w,
           avg_rating):
    pad = _NNZ_ALLOC - _NNZ
    sink = _U + (jnp.arange(pad, dtype=jnp.int32) % 96)
    zpad = jnp.zeros((pad,), jnp.int32)
    ui_edges = jnp.stack([jnp.concatenate([edge_item, zpad]),
                          jnp.concatenate([edge_user, sink])])
    iu_edges = jnp.stack([jnp.concatenate([edge_user, zpad]),
                          jnp.concatenate([edge_item, sink])])

    su = jnp.sqrt(d_i)
    si = jnp.sqrt(d_j)

    def half(x):
        return jnp.reshape(x, (-1, 16))

    Pu1 = _sc_push(half(si * embed_item_w), ui_edges, _U)
    Pi1 = _sc_push(half(su * embed_user_w), iu_edges, _I)
    gcn1_u = jax.nn.relu(su * Pu1 + embed_user_w * d_i)
    gcn1_i = jax.nn.relu(si * Pi1 + embed_item_w * d_j)
    Pu2 = _sc_push(half(si * gcn1_i), ui_edges, _U)
    Pi2 = _sc_push(half(su * gcn1_u), iu_edges, _I)
    gcn2_u = jax.nn.relu(su * Pu2 + gcn1_u * d_i)
    gcn2_i = jax.nn.relu(si * Pi2 + gcn1_i * d_j)

    w = add_w[0]
    gcn_u = embed_user_w * w[0] + gcn1_u * w[1] + gcn2_u * w[2]
    gcn_i = embed_item_w * w[0] + gcn1_i * w[1] + gcn2_i * w[2]

    user_bias = user_bias_w[user0][:, 0]
    item_bias = item_bias_w[item_i0][:, 0]
    user = gcn_u[user0]
    item_i = gcn_i[item_i0]

    prediction_i = (jnp.sum(user * item_i, axis=-1)
                    + user_bias + item_bias + avg_rating)
    l2 = _LAM * jnp.mean(gcn_u ** 2) + _LAM * jnp.mean(gcn_i ** 2)
    loss2 = jnp.mean((prediction_i - ratings) ** 2)
    loss = loss2 + l2
    return (loss, loss2, l2)

# --- scband reference (transcript-rebuilt; emitter-appended) ---
"""Pipeline reference for scband-gcn3-bias-20727512170664 (READ-ONLY COPY).

The authoritative reference and input builder live on the scoring server;
editing this copy changes nothing except your own understanding.
"""

import jax, jax.numpy as jnp
import numpy as np

U = 100000
I = 100000
D = 32
NNZ = 1600000
B = 16384
LAMADA = 0.001


def setup_inputs(seed: int = 0):
    key = jax.random.key(seed)
    ks = jax.random.split(key, 10)
    user0 = jax.random.randint(ks[0], (B,), 0, U, dtype=jnp.int32)
    item_i0 = jax.random.randint(ks[1], (B,), 0, I, dtype=jnp.int32)
    ratings = jax.random.uniform(ks[2], (B,), dtype=jnp.float32) * 5.0
    edge_user = jax.random.randint(ks[3], (NNZ,), 0, U, dtype=jnp.int32)
    edge_item = jax.random.randint(ks[4], (NNZ,), 0, I, dtype=jnp.int32)
    deg_u = jnp.bincount(edge_user, length=U).astype(jnp.float32)
    deg_i = jnp.bincount(edge_item, length=I).astype(jnp.float32)
    edge_val = 1.0 / jnp.sqrt((deg_u[edge_user] + 1.0) * (deg_i[edge_item] + 1.0))
    d_i = (1.0 / (deg_u + 1.0))[:, None]
    d_j = (1.0 / (deg_i + 1.0))[:, None]
    embed_user_w = jax.random.normal(ks[5], (U, D), dtype=jnp.float32) * 0.01
    embed_item_w = jax.random.normal(ks[6], (I, D), dtype=jnp.float32) * 0.01
    user_bias_w = jax.random.normal(ks[7], (U, 1), dtype=jnp.float32) * 0.01
    item_bias_w = jax.random.normal(ks[8], (I, 1), dtype=jnp.float32) * 0.01
    bound = 1.0 / np.sqrt(3.0)
    add_w = jax.random.uniform(ks[9], (1, 3), dtype=jnp.float32, minval=-bound, maxval=bound)
    avg_rating = jnp.asarray(3.5, dtype=jnp.float32)
    return {
        'user0': user0, 'item_i0': item_i0, 'ratings': ratings,
        'edge_user': edge_user, 'edge_item': edge_item, 'edge_val': edge_val,
        'd_i': d_i, 'd_j': d_j,
        'embed_user_w': embed_user_w, 'embed_item_w': embed_item_w,
        'user_bias_w': user_bias_w, 'item_bias_w': item_bias_w,
        'add_w': add_w, 'avg_rating': avg_rating,
    }


def reference(user0, item_i0, ratings, edge_user, edge_item, edge_val, d_i, d_j,
              embed_user_w, embed_item_w, user_bias_w, item_bias_w, add_w, avg_rating):
    # sparse mm: user_item_matrix @ items_embedding  (gather items, scatter-add into users)
    def spmm_ui(items_emb):
        return jax.ops.segment_sum(edge_val[:, None] * items_emb[edge_item], edge_user, num_segments=U)

    # sparse mm: item_user_matrix @ users_embedding
    def spmm_iu(users_emb):
        return jax.ops.segment_sum(edge_val[:, None] * users_emb[edge_user], edge_item, num_segments=I)

    gcn1_u = jax.nn.relu(spmm_ui(embed_item_w) + embed_user_w * d_i)
    gcn1_i = jax.nn.relu(spmm_iu(embed_user_w) + embed_item_w * d_j)
    gcn2_u = jax.nn.relu(spmm_ui(gcn1_i) + gcn1_u * d_i)
    gcn2_i = jax.nn.relu(spmm_iu(gcn1_u) + gcn1_i * d_j)

    # self.add = nn.Linear(3, 1, bias=False) applied over the stacked-layer axis
    w = add_w[0]
    gcn_u = embed_user_w * w[0] + gcn1_u * w[1] + gcn2_u * w[2]
    gcn_i = embed_item_w * w[0] + gcn1_i * w[1] + gcn2_i * w[2]

    user_bias = user_bias_w[user0][:, 0]
    item_bias = item_bias_w[item_i0][:, 0]
    user = gcn_u[user0]
    item_i = gcn_i[item_i0]

    prediction_i = jnp.sum(user * item_i, axis=-1) + user_bias + item_bias + avg_rating
    l2_regulization = LAMADA * jnp.mean(gcn_u ** 2) + LAMADA * jnp.mean(gcn_i ** 2)
    loss2 = jnp.mean((prediction_i - ratings) ** 2)
    loss = loss2 + l2_regulization
    return (loss, loss2, l2_regulization)

if __name__ == "__main__":
    import jax
    _d = setup_inputs()
    print(jax.jit(kernel)(*tuple(_d.values())))

</pallas_src>

<mosaic_0001>
#map = affine_map<(d0, d1) -> (0, 0)>
module attributes {stable_mosaic.version = 14 : i64} {
  func.func @push(%arg0: i32, %arg1: i32, %arg2: memref<2x1639936xi32, #tpu.memory_space<hbm>>, %arg3: memref<200000x16xf32, #tpu.memory_space<hbm>>, %arg4: memref<100000x32xf32, #tpu.memory_space<hbm>>, %arg5: memref<2x512xi32, #tpu.memory_space<vmem>>, %arg6: memref<2x512xi32, #tpu.memory_space<vmem>>, %arg7: memref<2x512xi32, #tpu.memory_space<vmem>>, %arg8: memref<2x512xi32, #tpu.memory_space<vmem>>, %arg9: memref<1x512xi32, #tpu.memory_space<vmem>>, %arg10: memref<1x512xi32, #tpu.memory_space<vmem>>, %arg11: memref<512x16xf32, #tpu.memory_space<vmem>>, %arg12: memref<512x16xf32, #tpu.memory_space<vmem>>, %arg13: memref<!tpu.dma_semaphore, #tpu.memory_space<semaphore_mem>>, %arg14: memref<!tpu.dma_semaphore, #tpu.memory_space<semaphore_mem>>, %arg15: memref<!tpu.dma_semaphore, #tpu.memory_space<semaphore_mem>>, %arg16: memref<!tpu.dma_semaphore, #tpu.memory_space<semaphore_mem>>, %arg17: memref<!tpu.dma_semaphore, #tpu.memory_space<semaphore_mem>>, %arg18: memref<!tpu.dma_semaphore, #tpu.memory_space<semaphore_mem>>, %arg19: memref<!tpu.dma_semaphore, #tpu.memory_space<semaphore_mem>>, %arg20: memref<!tpu.dma_semaphore, #tpu.memory_space<semaphore_mem>>, %arg21: memref<100096x16xf32, #tpu.memory_space<vmem_shared>>) attributes {dimension_semantics = [#tpu.dimension_semantics<core_parallel>, #tpu.dimension_semantics<subcore_parallel>], iteration_bounds = array<i64: 2, 16>, scalar_prefetch = 0 : i64, scratch_operands = 17 : i64, tpu.core_type = #tpu.core_type<sc_vector_subcore>, window_params = [{transform_indices = #map}, {transform_indices = #map}, {transform_indices = #map}]} {
    %mul3A = arith.constant 102400 : i32
    %mul3A_0 = arith.muli %arg1, %mul3A : i32
    %dma_start3A = arith.constant 0 : i32
    %dma_start3A_1 = tpu.memref_slice %arg2[%dma_start3A, %mul3A_0] : memref<2x1639936xi32, #tpu.memory_space<hbm>> -> memref<2x512xi32, #tpu.memory_space<hbm>>
    %dma_start3A_2 = arith.constant 0 : i32
    %dma_start3A_3 = tpu.memref_slice %arg2[%dma_start3A_2, %mul3A_0] : memref<2x1639936xi32, #tpu.memory_space<hbm>> -> memref<2x512xi32, #tpu.memory_space<hbm>>
    tpu.enqueue_dma source(%dma_start3A_3 : memref<2x512xi32, #tpu.memory_space<hbm>>) target(%arg5 : memref<2x512xi32, #tpu.memory_space<vmem>>) target_semaphore(%arg13 : memref<!tpu.dma_semaphore, #tpu.memory_space<semaphore_mem>>)
    %add3A = arith.constant 512 : i32
    %add3A_4 = arith.addi %mul3A_0, %add3A : i32
    %dma_start3A_5 = arith.constant 0 : i32
    %dma_start3A_6 = tpu.memref_slice %arg2[%dma_start3A_5, %add3A_4] : memref<2x1639936xi32, #tpu.memory_space<hbm>> -> memref<2x512xi32, #tpu.memory_space<hbm>>
    %dma_start3A_7 = arith.constant 0 : i32
    %dma_start3A_8 = tpu.memref_slice %arg2[%dma_start3A_7, %add3A_4] : memref<2x1639936xi32, #tpu.memory_space<hbm>> -> memref<2x512xi32, #tpu.memory_space<hbm>>
    tpu.enqueue_dma source(%dma_start3A_8 : memref<2x512xi32, #tpu.memory_space<hbm>>) target(%arg6 : memref<2x512xi32, #tpu.memory_space<vmem>>) target_semaphore(%arg14 : memref<!tpu.dma_semaphore, #tpu.memory_space<semaphore_mem>>)
    %add3A_9 = arith.constant 1024 : i32
    %add3A_10 = arith.addi %mul3A_0, %add3A_9 : i32
    %dma_start3A_11 = arith.constant 0 : i32
    %dma_start3A_12 = tpu.memref_slice %arg2[%dma_start3A_11, %add3A_10] : memref<2x1639936xi32, #tpu.memory_space<hbm>> -> memref<2x512xi32, #tpu.memory_space<hbm>>
    %dma_start3A_13 = arith.constant 0 : i32
    %dma_start3A_14 = tpu.memref_slice %arg2[%dma_start3A_13, %add3A_10] : memref<2x1639936xi32, #tpu.memory_space<hbm>> -> memref<2x512xi32, #tpu.memory_space<hbm>>
    tpu.enqueue_dma source(%dma_start3A_14 : memref<2x512xi32, #tpu.memory_space<hbm>>) target(%arg7 : memref<2x512xi32, #tpu.memory_space<vmem>>) target_semaphore(%arg15 : memref<!tpu.dma_semaphore, #tpu.memory_space<semaphore_mem>>)
    %broadcast_in_dim3A = arith.constant 0.000000e+00 : f32
    %broadcast_in_dim3A_15 = vector.broadcast %broadcast_in_dim3A : f32 to vector<16xf32>
    %scan3A = arith.constant 0 : i32
    %scan3A_16 = arith.constant 512 : i32
    %scan3A_17 = arith.addi %scan3A, %scan3A_16 : i32
    %scan3A_18 = arith.constant 1 : i32
    scf.for %scan3A_92 = %scan3A to %scan3A_17 step %scan3A_18  : i32 {
      %mul3A_93 = arith.constant 1 : i32
      %mul3A_94 = arith.muli %scan3A_92, %mul3A_93 : i32
      %add3A_95 = arith.constant 0 : i32
      %add3A_96 = arith.addi %add3A_95, %mul3A_94 : i32
      %swap3A = arith.index_cast %add3A_96 : i32 to index
      %swap3A_97 = arith.constant 0 : index
      %swap3A_98 = tpu.vector_load %arg11[%swap3A, %swap3A_97] {strides = array<i32>} : memref<512x16xf32, #tpu.memory_space<vmem>>, vector<1x16xf32>,
      %swap3A_99 = vector.shape_cast %swap3A_98 : vector<1x16xf32> to vector<16xf32>
      %swap3A_100 = vector.shape_cast %broadcast_in_dim3A_15 : vector<16xf32> to vector<1x16xf32>
      tpu.vector_store %arg11[%swap3A, %swap3A_97], %swap3A_100 {strides = array<i32>} : memref<512x16xf32, #tpu.memory_space<vmem>>, vector<1x16xf32>,
    }
    %scan3A_19 = arith.constant 512 : i32
    %mul3A_20 = arith.constant 6256 : i32
    %mul3A_21 = arith.muli %arg1, %mul3A_20 : i32
    %scan3A_22 = arith.constant 0 : i32
    %scan3A_23 = arith.constant 12 : i32
    %scan3A_24 = arith.addi %scan3A_22, %scan3A_23 : i32
    %scan3A_25 = arith.constant 1 : i32
    scf.for %scan3A_92 = %scan3A_22 to %scan3A_24 step %scan3A_25  : i32 {
      %mul3A_93 = arith.constant 1 : i32
      %mul3A_94 = arith.muli %scan3A_92, %mul3A_93 : i32
      %add3A_95 = arith.constant 0 : i32
      %add3A_96 = arith.addi %add3A_95, %mul3A_94 : i32
      %mul3A_97 = arith.constant 512 : i32
      %mul3A_98 = arith.muli %add3A_96, %mul3A_97 : i32
      %add3A_99 = arith.addi %mul3A_21, %mul3A_98 : i32
      "tpu.region"() ({
        %run_scoped3A = tpu.sem_alloc : memref<!tpu.dma_semaphore, #tpu.memory_space<semaphore_mem>>
        %dma_start3A_100 = arith.constant 0 : i32
        %dma_start3A_101 = tpu.memref_slice %arg21[%add3A_99, %dma_start3A_100] : memref<100096x16xf32, #tpu.memory_space<vmem_shared>> -> memref<512x16xf32, #tpu.memory_space<vmem_shared>>
        %dma_start3A_102 = arith.constant 0 : i32
        %dma_start3A_103 = tpu.memref_slice %arg21[%add3A_99, %dma_start3A_102] : memref<100096x16xf32, #tpu.memory_space<vmem_shared>> -> memref<512x16xf32, #tpu.memory_space<vmem_shared>>
        tpu.enqueue_dma source(%arg11 : memref<512x16xf32, #tpu.memory_space<vmem>>) target(%dma_start3A_103 : memref<512x16xf32, #tpu.memory_space<vmem_shared>>) target_semaphore(%run_scoped3A : memref<!tpu.dma_semaphore, #tpu.memory_space<semaphore_mem>>)
        %dma_wait3A_104 = arith.constant 0 : i32
        %dma_wait3A_105 = tpu.memref_slice %arg21[%add3A_99, %dma_wait3A_104] : memref<100096x16xf32, #tpu.memory_space<vmem_shared>> -> memref<512x16xf32, #tpu.memory_space<vmem_shared>>
        %dma_wait3A_106 = arith.constant 0 : i32
        %dma_wait3A_107 = tpu.memref_slice %arg21[%add3A_99, %dma_wait3A_106] : memref<100096x16xf32, #tpu.memory_space<vmem_shared>> -> memref<512x16xf32, #tpu.memory_space<vmem_shared>>
        tpu.wait_dma2 semaphore(%run_scoped3A : memref<!tpu.dma_semaphore, #tpu.memory_space<semaphore_mem>>) src(%arg11 : memref<512x16xf32, #tpu.memory_space<vmem>>) dst(%dma_wait3A_107 : memref<512x16xf32, #tpu.memory_space<vmem_shared>>)
        tpu.yield
      }) : () -> ()
    }
    %scan3A_26 = arith.constant 12 : i32
    %add3A_27 = arith.constant 6144 : i32
    %add3A_28 = arith.addi %mul3A_21, %add3A_27 : i32
    "tpu.region"() ({
      %run_scoped3A = tpu.sem_alloc : memref<!tpu.dma_semaphore, #tpu.memory_space<semaphore_mem>>
      %dma_start3A_92 = arith.constant 0 : i32
      %dma_start3A_93 = arith.constant 0 : i32
      %dma_start3A_94 = tpu.memref_slice %arg11[%dma_start3A_92, %dma_start3A_93] : memref<512x16xf32, #tpu.memory_space<vmem>> -> memref<112x16xf32, #tpu.memory_space<vmem>>
      %dma_start3A_95 = arith.constant 0 : i32
      %dma_start3A_96 = tpu.memref_slice %arg21[%add3A_28, %dma_start3A_95] : memref<100096x16xf32, #tpu.memory_space<vmem_shared>> -> memref<112x16xf32, #tpu.memory_space<vmem_shared>>
      %dma_start3A_97 = arith.constant 0 : i32
      %dma_start3A_98 = tpu.memref_slice %arg21[%add3A_28, %dma_start3A_97] : memref<100096x16xf32, #tpu.memory_space<vmem_shared>> -> memref<112x16xf32, #tpu.memory_space<vmem_shared>>
      %dma_start3A_99 = arith.constant 0 : i32
      %dma_start3A_100 = arith.constant 0 : i32
      %dma_start3A_101 = tpu.memref_slice %arg11[%dma_start3A_99, %dma_start3A_100] : memref<512x16xf32, #tpu.memory_space<vmem>> -> memref<112x16xf32, #tpu.memory_space<vmem>>
      tpu.enqueue_dma source(%dma_start3A_101 : memref<112x16xf32, #tpu.memory_space<vmem>>) target(%dma_start3A_98 : memref<112x16xf32, #tpu.memory_space<vmem_shared>>) target_semaphore(%run_scoped3A : memref<!tpu.dma_semaphore, #tpu.memory_space<semaphore_mem>>)
      %dma_wait3A_102 = arith.constant 0 : i32
      %dma_wait3A_103 = arith.constant 0 : i32
      %dma_wait3A_104 = tpu.memref_slice %arg11[%dma_wait3A_102, %dma_wait3A_103] : memref<512x16xf32, #tpu.memory_space<vmem>> -> memref<112x16xf32, #tpu.memory_space<vmem>>
      %dma_wait3A_105 = arith.constant 0 : i32
      %dma_wait3A_106 = tpu.memref_slice %arg21[%add3A_28, %dma_wait3A_105] : memref<100096x16xf32, #tpu.memory_space<vmem_shared>> -> memref<112x16xf32, #tpu.memory_space<vmem_shared>>
      %dma_wait3A_107 = arith.constant 0 : i32
      %dma_wait3A_108 = tpu.memref_slice %arg21[%add3A_28, %dma_wait3A_107] : memref<100096x16xf32, #tpu.memory_space<vmem_shared>> -> memref<112x16xf32, #tpu.memory_space<vmem_shared>>
      %dma_wait3A_109 = arith.constant 0 : i32
      %dma_wait3A_110 = arith.constant 0 : i32
      %dma_wait3A_111 = tpu.memref_slice %arg11[%dma_wait3A_109, %dma_wait3A_110] : memref<512x16xf32, #tpu.memory_space<vmem>> -> memref<112x16xf32, #tpu.memory_space<vmem>>
      tpu.wait_dma2 semaphore(%run_scoped3A : memref<!tpu.dma_semaphore, #tpu.memory_space<semaphore_mem>>) src(%dma_wait3A_111 : memref<112x16xf32, #tpu.memory_space<vmem>>) dst(%dma_wait3A_108 : memref<112x16xf32, #tpu.memory_space<vmem_shared>>)
      tpu.yield
    }) : () -> ()
    %barrier3A = arith.constant 0 : index
    tpu.barrier barrier_id(%barrier3A)
    %scan3A_29 = arith.constant 0 : i32
    %scan3A_30 = arith.constant 50 : i32
    %scan3A_31 = arith.addi %scan3A_29, %scan3A_30 : i32
    %scan3A_32 = arith.constant 1 : i32
    scf.for %scan3A_92 = %scan3A_29 to %scan3A_31 step %scan3A_32  : i32 {
      %mul3A_93 = arith.constant 1 : i32
      %mul3A_94 = arith.muli %scan3A_92, %mul3A_93 : i32
      %add3A_95 = arith.constant 0 : i32
      %add3A_96 = arith.addi %add3A_95, %mul3A_94 : i32
      %mul3A_97 = arith.constant 4 : i32
      %mul3A_98 = arith.muli %mul3A_97, %add3A_96 : i32
      %dma_wait3A_99 = arith.constant 0 : i32
      %dma_wait3A_100 = tpu.memref_slice %arg2[%dma_wait3A_99, %mul3A_0] : memref<2x1639936xi32, #tpu.memory_space<hbm>> -> memref<2x512xi32, #tpu.memory_space<hbm>>
      %dma_wait3A_101 = arith.constant 0 : i32
      %dma_wait3A_102 = tpu.memref_slice %arg2[%dma_wait3A_101, %mul3A_0] : memref<2x1639936xi32, #tpu.memory_space<hbm>> -> memref<2x512xi32, #tpu.memory_space<hbm>>
      tpu.wait_dma2 semaphore(%arg13 : memref<!tpu.dma_semaphore, #tpu.memory_space<semaphore_mem>>) src(%dma_wait3A_102 : memref<2x512xi32, #tpu.memory_space<hbm>>) dst(%arg5 : memref<2x512xi32, #tpu.memory_space<vmem>>)
      %ge3A = arith.constant 1 : i32
      %ge3A_103 = arith.cmpi sge, %add3A_96, %ge3A : i32
      %convert_element_type3A_104 = arith.extui %ge3A_103 : i1 to i32
      %cond3A_105 = arith.constant 0 : i32
      %cond3A_106 = arith.cmpi ne, %convert_element_type3A_104, %cond3A_105 : i32
      scf.if %cond3A_106 {
        %dma_wait3A_313 = arith.constant 0 : i32
        %dma_wait3A_314 = arith.constant 0 : i32
        %dma_wait3A_315 = arith.constant 0 : i32
        %dma_wait3A_316 = tpu.memref_slice %arg11[%dma_wait3A_314, %dma_wait3A_315] : memref<512x16xf32, #tpu.memory_space<vmem>> -> memref<512x16xf32, #tpu.memory_space<vmem>>
        %dma_wait3A_317 = arith.constant 0 : i32
        %dma_wait3A_318 = tpu.memref_slice %arg9[%dma_wait3A_313, %dma_wait3A_317] : memref<1x512xi32, #tpu.memory_space<vmem>> -> memref<1x512xi32, #tpu.memory_space<vmem>>
        %dma_wait3A_319 = tpu.memref_squeeze %dma_wait3A_318 : memref<1x512xi32, #tpu.memory_space<vmem>> -> memref<512xi32, #tpu.memory_space<vmem>>
        %dma_wait3A_320 = arith.constant 0 : i32
        %dma_wait3A_321 = arith.constant 0 : i32
        %dma_wait3A_322 = tpu.memref_slice %arg21[%dma_wait3A_320, %dma_wait3A_321] : memref<100096x16xf32, #tpu.memory_space<vmem_shared>> -> memref<100096x16xf32, #tpu.memory_space<vmem_shared>>
        tpu.wait_indirect_dma semaphore(%arg19 : memref<!tpu.dma_semaphore, #tpu.memory_space<semaphore_mem>>) src(%dma_wait3A_316 : memref<512x16xf32, #tpu.memory_space<vmem>>) dst(%dma_wait3A_322 : memref<100096x16xf32, #tpu.memory_space<vmem_shared>>)
      } else {
      }
      %scan3A_107 = arith.constant 0 : i32
      %scan3A_108 = arith.constant 32 : i32
      %scan3A_109 = arith.addi %scan3A_107, %scan3A_108 : i32
      %scan3A_110 = arith.constant 1 : i32
      scf.for %scan3A_313 = %scan3A_107 to %scan3A_109 step %scan3A_110  : i32 {
        %mul3A_314 = arith.constant 1 : i32
        %mul3A_315 = arith.muli %scan3A_313, %mul3A_314 : i32
        %add3A_316 = arith.constant 0 : i32
        %add3A_317 = arith.addi %add3A_316, %mul3A_315 : i32
        %mul3A_318 = arith.constant 16 : i32
        %mul3A_319 = arith.muli %add3A_317, %mul3A_318 : i32
        %get3A = arith.constant 0 : i32
        %get3A_320 = arith.index_cast %get3A : i32 to index
        %get3A_321 = arith.index_cast %mul3A_319 : i32 to index
        %get3A_322 = tpu.vector_load %arg5[%get3A_320, %get3A_321] {strides = array<i32>} : memref<2x512xi32, #tpu.memory_space<vmem>>, vector<1x16xi32>,
        %get3A_323 = vector.shape_cast %get3A_322 : vector<1x16xi32> to vector<16xi32>
        %add3A_324 = arith.addi %get3A_323, %get3A_323 : vector<16xi32>
        %add3A_325 = vector.broadcast %arg0 : i32 to vector<16xi32>
        %add3A_326 = arith.addi %add3A_324, %add3A_325 : vector<16xi32>
        %mul3A_327 = arith.constant 16 : i32
        %mul3A_328 = arith.muli %add3A_317, %mul3A_327 : i32
        %swap3A = arith.constant 0 : i32
        %swap3A_329 = arith.index_cast %swap3A : i32 to index
        %swap3A_330 = arith.index_cast %mul3A_328 : i32 to index
        %swap3A_331 = tpu.vector_load %arg5[%swap3A_329, %swap3A_330] {strides = array<i32>} : memref<2x512xi32, #tpu.memory_space<vmem>>, vector<1x16xi32>,
        %swap3A_332 = vector.shape_cast %swap3A_331 : vector<1x16xi32> to vector<16xi32>
        %swap3A_333 = vector.shape_cast %add3A_326 : vector<16xi32> to vector<1x16xi32>
        tpu.vector_store %arg5[%swap3A_329, %swap3A_330], %swap3A_333 {strides = array<i32>} : memref<2x512xi32, #tpu.memory_space<vmem>>, vector<1x16xi32>,
        %mul3A_334 = arith.constant 16 : i32
        %mul3A_335 = arith.muli %add3A_317, %mul3A_334 : i32
        %get3A_336 = arith.constant 1 : i32
        %get3A_337 = arith.index_cast %get3A_336 : i32 to index
        %get3A_338 = arith.index_cast %mul3A_335 : i32 to index
        %get3A_339 = tpu.vector_load %arg5[%get3A_337, %get3A_338] {strides = array<i32>} : memref<2x512xi32, #tpu.memory_space<vmem>>, vector<1x16xi32>,
        %get3A_340 = vector.shape_cast %get3A_339 : vector<1x16xi32> to vector<16xi32>
        %mul3A_341 = arith.constant 16 : i32
        %mul3A_342 = arith.muli %add3A_317, %mul3A_341 : i32
        %jit3A = arith.constant 512 : i32
        %div3A = arith.divsi %mul3A_342, %jit3A : i32
        %sign3A = arith.constant 0 : i32
        %sign3A_343 = arith.cmpi sgt, %mul3A_342, %sign3A : i32
        %sign3A_344 = arith.extui %sign3A_343 : i1 to i32
        %sign3A_345 = arith.constant 0 : i32
        %sign3A_346 = arith.cmpi slt, %mul3A_342, %sign3A_345 : i32
        %sign3A_347 = arith.extui %sign3A_346 : i1 to i32
        %sign3A_348 = arith.subi %sign3A_344, %sign3A_347 : i32
        %sign3A_349 = arith.constant 0 : i32
        %sign3A_350 = arith.cmpi sgt, %jit3A, %sign3A_349 : i32
        %sign3A_351 = arith.extui %sign3A_350 : i1 to i32
        %sign3A_352 = arith.constant 0 : i32
        %sign3A_353 = arith.cmpi slt, %jit3A, %sign3A_352 : i32
        %sign3A_354 = arith.extui %sign3A_353 : i1 to i32
        %sign3A_355 = arith.subi %sign3A_351, %sign3A_354 : i32
        %ne3A = arith.cmpi ne, %sign3A_348, %sign3A_355 : i32
        %rem3A = arith.remsi %mul3A_342, %jit3A : i32
        %ne3A_356 = arith.constant 0 : i32
        %ne3A_357 = arith.cmpi ne, %rem3A, %ne3A_356 : i32
        %and3A = arith.andi %ne3A, %ne3A_357 : i1
        %sub3A = arith.constant 1 : i32
        %sub3A_358 = arith.subi %div3A, %sub3A : i32
        %select_n3A = arith.select %and3A, %sub3A_358, %div3A : i32
        %mul3A_359 = arith.constant 16 : i32
        %mul3A_360 = arith.muli %add3A_317, %mul3A_359 : i32
        %jit3A_361 = arith.constant 512 : i32
        %eq3A_362 = arith.constant 0 : i32
        %eq3A_363 = arith.cmpi eq, %jit3A_361, %eq3A_362 : i32
        %jit3A_364 = arith.constant 1 : i32
        %select_n3A_365 = arith.select %eq3A_363, %jit3A_364, %jit3A_361 : i32
        %rem3A_366 = arith.remsi %mul3A_360, %select_n3A_365 : i32
        %ne3A_367 = arith.constant 0 : i32
        %ne3A_368 = arith.cmpi ne, %rem3A_366, %ne3A_367 : i32
        %lt3A_369 = arith.constant 0 : i32
        %lt3A_370 = arith.cmpi slt, %rem3A_366, %lt3A_369 : i32
        %lt3A_371 = arith.constant 0 : i32
        %lt3A_372 = arith.cmpi slt, %select_n3A_365, %lt3A_371 : i32
        %ne3A_373 = arith.xori %lt3A_370, %lt3A_372 : i1
        %and3A_374 = arith.andi %ne3A_373, %ne3A_368 : i1
        %add3A_375 = arith.addi %rem3A_366, %select_n3A_365 : i32
        %select_n3A_376 = arith.select %and3A_374, %add3A_375, %rem3A_366 : i32
        %swap3A_377 = arith.index_cast %select_n3A : i32 to index
        %swap3A_378 = arith.index_cast %select_n3A_376 : i32 to index
        %swap3A_379 = tpu.vector_load %arg9[%swap3A_377, %swap3A_378] {strides = array<i32>} : memref<1x512xi32, #tpu.memory_space<vmem>>, vector<1x16xi32>,
        %swap3A_380 = vector.shape_cast %swap3A_379 : vector<1x16xi32> to vector<16xi32>
        %swap3A_381 = vector.shape_cast %get3A_340 : vector<16xi32> to vector<1x16xi32>
        tpu.vector_store %arg9[%swap3A_377, %swap3A_378], %swap3A_381 {strides = array<i32>} : memref<1x512xi32, #tpu.memory_space<vmem>>, vector<1x16xi32>,
      }
      %scan3A_111 = arith.constant 32 : i32
      %dma_start3A_112 = arith.constant 0 : i32
      %dma_start3A_113 = arith.constant 0 : i32
      %dma_start3A_114 = arith.constant 0 : i32
      %dma_start3A_115 = tpu.memref_slice %arg11[%dma_start3A_113, %dma_start3A_114] : memref<512x16xf32, #tpu.memory_space<vmem>> -> memref<512x16xf32, #tpu.memory_space<vmem>>
      %dma_start3A_116 = arith.constant 0 : i32
      %dma_start3A_117 = tpu.memref_slice %arg5[%dma_start3A_112, %dma_start3A_116] : memref<2x512xi32, #tpu.memory_space<vmem>> -> memref<1x512xi32, #tpu.memory_space<vmem>>
      %dma_start3A_118 = tpu.memref_squeeze %dma_start3A_117 : memref<1x512xi32, #tpu.memory_space<vmem>> -> memref<512xi32, #tpu.memory_space<vmem>>
      %dma_start3A_119 = arith.constant 0 : i32
      %dma_start3A_120 = arith.constant 0 : i32
      %dma_start3A_121 = tpu.memref_slice %arg3[%dma_start3A_119, %dma_start3A_120] : memref<200000x16xf32, #tpu.memory_space<hbm>> -> memref<200000x16xf32, #tpu.memory_space<hbm>>
      tpu.enqueue_indirect_dma source(%dma_start3A_121 : memref<200000x16xf32, #tpu.memory_space<hbm>>) target(%dma_start3A_115 : memref<512x16xf32, #tpu.memory_space<vmem>>) offsets(%dma_start3A_118 : memref<512xi32, #tpu.memory_space<vmem>>) semaphore(%arg17 : memref<!tpu.dma_semaphore, #tpu.memory_space<semaphore_mem>>)
      %ge3A_122 = arith.constant 1 : i32
      %ge3A_123 = arith.cmpi sge, %add3A_96, %ge3A_122 : i32
      %convert_element_type3A_124 = arith.extui %ge3A_123 : i1 to i32
      %cond3A_125 = arith.constant 0 : i32
      %cond3A_126 = arith.cmpi ne, %convert_element_type3A_124, %cond3A_125 : i32
      scf.if %cond3A_126 {
        %dma_wait3A_313 = arith.constant 0 : i32
        %dma_wait3A_314 = arith.constant 0 : i32
        %dma_wait3A_315 = arith.constant 0 : i32
        %dma_wait3A_316 = tpu.memref_slice %arg12[%dma_wait3A_314, %dma_wait3A_315] : memref<512x16xf32, #tpu.memory_space<vmem>> -> memref<512x16xf32, #tpu.memory_space<vmem>>
        %dma_wait3A_317 = arith.constant 0 : i32
        %dma_wait3A_318 = tpu.memref_slice %arg8[%dma_wait3A_313, %dma_wait3A_317] : memref<2x512xi32, #tpu.memory_space<vmem>> -> memref<1x512xi32, #tpu.memory_space<vmem>>
        %dma_wait3A_319 = tpu.memref_squeeze %dma_wait3A_318 : memref<1x512xi32, #tpu.memory_space<vmem>> -> memref<512xi32, #tpu.memory_space<vmem>>
        %dma_wait3A_320 = arith.constant 0 : i32
        %dma_wait3A_321 = arith.constant 0 : i32
        %dma_wait3A_322 = tpu.memref_slice %arg3[%dma_wait3A_320, %dma_wait3A_321] : memref<200000x16xf32, #tpu.memory_space<hbm>> -> memref<200000x16xf32, #tpu.memory_space<hbm>>
        tpu.wait_indirect_dma semaphore(%arg18 : memref<!tpu.dma_semaphore, #tpu.memory_space<semaphore_mem>>) src(%dma_wait3A_322 : memref<200000x16xf32, #tpu.memory_space<hbm>>) dst(%dma_wait3A_316 : memref<512x16xf32, #tpu.memory_space<vmem>>)
        %dma_start3A_323 = arith.constant 0 : i32
        %dma_start3A_324 = arith.constant 0 : i32
        %dma_start3A_325 = arith.constant 0 : i32
        %dma_start3A_326 = tpu.memref_slice %arg12[%dma_start3A_324, %dma_start3A_325] : memref<512x16xf32, #tpu.memory_space<vmem>> -> memref<512x16xf32, #tpu.memory_space<vmem>>
        %dma_start3A_327 = arith.constant 0 : i32
        %dma_start3A_328 = tpu.memref_slice %arg10[%dma_start3A_323, %dma_start3A_327] : memref<1x512xi32, #tpu.memory_space<vmem>> -> memref<1x512xi32, #tpu.memory_space<vmem>>
        %dma_start3A_329 = tpu.memref_squeeze %dma_start3A_328 : memref<1x512xi32, #tpu.memory_space<vmem>> -> memref<512xi32, #tpu.memory_space<vmem>>
        %dma_start3A_330 = arith.constant 0 : i32
        %dma_start3A_331 = arith.constant 0 : i32
        %dma_start3A_332 = tpu.memref_slice %arg21[%dma_start3A_330, %dma_start3A_331] : memref<100096x16xf32, #tpu.memory_space<vmem_shared>> -> memref<100096x16xf32, #tpu.memory_space<vmem_shared>>
        tpu.enqueue_indirect_dma source(%dma_start3A_326 : memref<512x16xf32, #tpu.memory_space<vmem>>) target(%dma_start3A_332 : memref<100096x16xf32, #tpu.memory_space<vmem_shared>>) offsets(%dma_start3A_329 : memref<512xi32, #tpu.memory_space<vmem>>) semaphore(%arg20 : memref<!tpu.dma_semaphore, #tpu.memory_space<semaphore_mem>>) {add = true}
      } else {
      }
      %add3A_127 = arith.constant 0 : i32
      %add3A_128 = arith.addi %mul3A_98, %add3A_127 : i32
      %add3A_129 = arith.constant 3 : i32
      %add3A_130 = arith.addi %add3A_128, %add3A_129 : i32
      %mul3A_131 = arith.constant 512 : i32
      %mul3A_132 = arith.muli %add3A_130, %mul3A_131 : i32
      %add3A_133 = arith.addi %mul3A_0, %mul3A_132 : i32
      %dma_start3A_134 = arith.constant 0 : i32
      %dma_start3A_135 = tpu.memref_slice %arg2[%dma_start3A_134, %add3A_133] : memref<2x1639936xi32, #tpu.memory_space<hbm>> -> memref<2x512xi32, #tpu.memory_space<hbm>>
      %dma_start3A_136 = arith.constant 0 : i32
      %dma_start3A_137 = tpu.memref_slice %arg2[%dma_start3A_136, %add3A_133] : memref<2x1639936xi32, #tpu.memory_space<hbm>> -> memref<2x512xi32, #tpu.memory_space<hbm>>
      tpu.enqueue_dma source(%dma_start3A_137 : memref<2x512xi32, #tpu.memory_space<hbm>>) target(%arg8 : memref<2x512xi32, #tpu.memory_space<vmem>>) target_semaphore(%arg16 : memref<!tpu.dma_semaphore, #tpu.memory_space<semaphore_mem>>)
      %dma_wait3A_138 = arith.constant 0 : i32
      %dma_wait3A_139 = tpu.memref_slice %arg2[%dma_wait3A_138, %mul3A_0] : memref<2x1639936xi32, #tpu.memory_space<hbm>> -> memref<2x512xi32, #tpu.memory_space<hbm>>
      %dma_wait3A_140 = arith.constant 0 : i32
      %dma_wait3A_141 = tpu.memref_slice %arg2[%dma_wait3A_140, %mul3A_0] : memref<2x1639936xi32, #tpu.memory_space<hbm>> -> memref<2x512xi32, #tpu.memory_space<hbm>>
      tpu.wait_dma2 semaphore(%arg14 : memref<!tpu.dma_semaphore, #tpu.memory_space<semaphore_mem>>) src(%dma_wait3A_141 : memref<2x512xi32, #tpu.memory_space<hbm>>) dst(%arg6 : memref<2x512xi32, #tpu.memory_space<vmem>>)
      %ge3A_142 = arith.constant 1 : i32
      %ge3A_143 = arith.cmpi sge, %add3A_96, %ge3A_142 : i32
      %convert_element_type3A_144 = arith.extui %ge3A_143 : i1 to i32
      %cond3A_145 = arith.constant 0 : i32
      %cond3A_146 = arith.cmpi ne, %convert_element_type3A_144, %cond3A_145 : i32
      scf.if %cond3A_146 {
        %dma_wait3A_313 = arith.constant 0 : i32
        %dma_wait3A_314 = arith.constant 0 : i32
        %dma_wait3A_315 = arith.constant 0 : i32
        %dma_wait3A_316 = tpu.memref_slice %arg12[%dma_wait3A_314, %dma_wait3A_315] : memref<512x16xf32, #tpu.memory_space<vmem>> -> memref<512x16xf32, #tpu.memory_space<vmem>>
        %dma_wait3A_317 = arith.constant 0 : i32
        %dma_wait3A_318 = tpu.memref_slice %arg10[%dma_wait3A_313, %dma_wait3A_317] : memref<1x512xi32, #tpu.memory_space<vmem>> -> memref<1x512xi32, #tpu.memory_space<vmem>>
        %dma_wait3A_319 = tpu.memref_squeeze %dma_wait3A_318 : memref<1x512xi32, #tpu.memory_space<vmem>> -> memref<512xi32, #tpu.memory_space<vmem>>
        %dma_wait3A_320 = arith.constant 0 : i32
        %dma_wait3A_321 = arith.constant 0 : i32
        %dma_wait3A_322 = tpu.memref_slice %arg21[%dma_wait3A_320, %dma_wait3A_321] : memref<100096x16xf32, #tpu.memory_space<vmem_shared>> -> memref<100096x16xf32, #tpu.memory_space<vmem_shared>>
        tpu.wait_indirect_dma semaphore(%arg20 : memref<!tpu.dma_semaphore, #tpu.memory_space<semaphore_mem>>) src(%dma_wait3A_316 : memref<512x16xf32, #tpu.memory_space<vmem>>) dst(%dma_wait3A_322 : memref<100096x16xf32, #tpu.memory_space<vmem_shared>>)
      } else {
      }
      %scan3A_147 = arith.constant 0 : i32
      %scan3A_148 = arith.constant 32 : i32
      %scan3A_149 = arith.addi %scan3A_147, %scan3A_148 : i32
      %scan3A_150 = arith.constant 1 : i32
      scf.for %scan3A_313 = %scan3A_147 to %scan3A_149 step %scan3A_150  : i32 {
        %mul3A_314 = arith.constant 1 : i32
        %mul3A_315 = arith.muli %scan3A_313, %mul3A_314 : i32
        %add3A_316 = arith.constant 0 : i32
        %add3A_317 = arith.addi %add3A_316, %mul3A_315 : i32
        %mul3A_318 = arith.constant 16 : i32
        %mul3A_319 = arith.muli %add3A_317, %mul3A_318 : i32
        %get3A = arith.constant 0 : i32
        %get3A_320 = arith.index_cast %get3A : i32 to index
        %get3A_321 = arith.index_cast %mul3A_319 : i32 to index
        %get3A_322 = tpu.vector_load %arg6[%get3A_320, %get3A_321] {strides = array<i32>} : memref<2x512xi32, #tpu.memory_space<vmem>>, vector<1x16xi32>,
        %get3A_323 = vector.shape_cast %get3A_322 : vector<1x16xi32> to vector<16xi32>
        %add3A_324 = arith.addi %get3A_323, %get3A_323 : vector<16xi32>
        %add3A_325 = vector.broadcast %arg0 : i32 to vector<16xi32>
        %add3A_326 = arith.addi %add3A_324, %add3A_325 : vector<16xi32>
        %mul3A_327 = arith.constant 16 : i32
        %mul3A_328 = arith.muli %add3A_317, %mul3A_327 : i32
        %swap3A = arith.constant 0 : i32
        %swap3A_329 = arith.index_cast %swap3A : i32 to index
        %swap3A_330 = arith.index_cast %mul3A_328 : i32 to index
        %swap3A_331 = tpu.vector_load %arg6[%swap3A_329, %swap3A_330] {strides = array<i32>} : memref<2x512xi32, #tpu.memory_space<vmem>>, vector<1x16xi32>,
        %swap3A_332 = vector.shape_cast %swap3A_331 : vector<1x16xi32> to vector<16xi32>
        %swap3A_333 = vector.shape_cast %add3A_326 : vector<16xi32> to vector<1x16xi32>
        tpu.vector_store %arg6[%swap3A_329, %swap3A_330], %swap3A_333 {strides = array<i32>} : memref<2x512xi32, #tpu.memory_space<vmem>>, vector<1x16xi32>,
        %mul3A_334 = arith.constant 16 : i32
        %mul3A_335 = arith.muli %add3A_317, %mul3A_334 : i32
        %get3A_336 = arith.constant 1 : i32
        %get3A_337 = arith.index_cast %get3A_336 : i32 to index
        %get3A_338 = arith.index_cast %mul3A_335 : i32 to index
        %get3A_339 = tpu.vector_load %arg6[%get3A_337, %get3A_338] {strides = array<i32>} : memref<2x512xi32, #tpu.memory_space<vmem>>, vector<1x16xi32>,
        %get3A_340 = vector.shape_cast %get3A_339 : vector<1x16xi32> to vector<16xi32>
        %mul3A_341 = arith.constant 16 : i32
        %mul3A_342 = arith.muli %add3A_317, %mul3A_341 : i32
        %jit3A = arith.constant 512 : i32
        %div3A = arith.divsi %mul3A_342, %jit3A : i32
        %sign3A = arith.constant 0 : i32
        %sign3A_343 = arith.cmpi sgt, %mul3A_342, %sign3A : i32
        %sign3A_344 = arith.extui %sign3A_343 : i1 to i32
        %sign3A_345 = arith.constant 0 : i32
        %sign3A_346 = arith.cmpi slt, %mul3A_342, %sign3A_345 : i32
        %sign3A_347 = arith.extui %sign3A_346 : i1 to i32
        %sign3A_348 = arith.subi %sign3A_344, %sign3A_347 : i32
        %sign3A_349 = arith.constant 0 : i32
        %sign3A_350 = arith.cmpi sgt, %jit3A, %sign3A_349 : i32
        %sign3A_351 = arith.extui %sign3A_350 : i1 to i32
        %sign3A_352 = arith.constant 0 : i32
        %sign3A_353 = arith.cmpi slt, %jit3A, %sign3A_352 : i32
        %sign3A_354 = arith.extui %sign3A_353 : i1 to i32
        %sign3A_355 = arith.subi %sign3A_351, %sign3A_354 : i32
        %ne3A = arith.cmpi ne, %sign3A_348, %sign3A_355 : i32
        %rem3A = arith.remsi %mul3A_342, %jit3A : i32
        %ne3A_356 = arith.constant 0 : i32
        %ne3A_357 = arith.cmpi ne, %rem3A, %ne3A_356 : i32
        %and3A = arith.andi %ne3A, %ne3A_357 : i1
        %sub3A = arith.constant 1 : i32
        %sub3A_358 = arith.subi %div3A, %sub3A : i32
        %select_n3A = arith.select %and3A, %sub3A_358, %div3A : i32
        %mul3A_359 = arith.constant 16 : i32
        %mul3A_360 = arith.muli %add3A_317, %mul3A_359 : i32
        %jit3A_361 = arith.constant 512 : i32
        %eq3A_362 = arith.constant 0 : i32
        %eq3A_363 = arith.cmpi eq, %jit3A_361, %eq3A_362 : i32
        %jit3A_364 = arith.constant 1 : i32
        %select_n3A_365 = arith.select %eq3A_363, %jit3A_364, %jit3A_361 : i32
        %rem3A_366 = arith.remsi %mul3A_360, %select_n3A_365 : i32
        %ne3A_367 = arith.constant 0 : i32
        %ne3A_368 = arith.cmpi ne, %rem3A_366, %ne3A_367 : i32
        %lt3A_369 = arith.constant 0 : i32
        %lt3A_370 = arith.cmpi slt, %rem3A_366, %lt3A_369 : i32
        %lt3A_371 = arith.constant 0 : i32
        %lt3A_372 = arith.cmpi slt, %select_n3A_365, %lt3A_371 : i32
        %ne3A_373 = arith.xori %lt3A_370, %lt3A_372 : i1
        %and3A_374 = arith.andi %ne3A_373, %ne3A_368 : i1
        %add3A_375 = arith.addi %rem3A_366, %select_n3A_365 : i32
        %select_n3A_376 = arith.select %and3A_374, %add3A_375, %rem3A_366 : i32
        %swap3A_377 = arith.index_cast %select_n3A : i32 to index
        %swap3A_378 = arith.index_cast %select_n3A_376 : i32 to index
        %swap3A_379 = tpu.vector_load %arg10[%swap3A_377, %swap3A_378] {strides = array<i32>} : memref<1x512xi32, #tpu.memory_space<vmem>>, vector<1x16xi32>,
        %swap3A_380 = vector.shape_cast %swap3A_379 : vector<1x16xi32> to vector<16xi32>
        %swap3A_381 = vector.shape_cast %get3A_340 : vector<16xi32> to vector<1x16xi32>
        tpu.vector_store %arg10[%swap3A_377, %swap3A_378], %swap3A_381 {strides = array<i32>} : memref<1x512xi32, #tpu.memory_space<vmem>>, vector<1x16xi32>,
      }
      %scan3A_151 = arith.constant 32 : i32
      %dma_start3A_152 = arith.constant 0 : i32
      %dma_start3A_153 = arith.constant 0 : i32
      %dma_start3A_154 = arith.constant 0 : i32
      %dma_start3A_155 = tpu.memref_slice %arg12[%dma_start3A_153, %dma_start3A_154] : memref<512x16xf32, #tpu.memory_space<vmem>> -> memref<512x16xf32, #tpu.memory_space<vmem>>
      %dma_start3A_156 = arith.constant 0 : i32
      %dma_start3A_157 = tpu.memref_slice %arg6[%dma_start3A_152, %dma_start3A_156] : memref<2x512xi32, #tpu.memory_space<vmem>> -> memref<1x512xi32, #tpu.memory_space<vmem>>
      %dma_start3A_158 = tpu.memref_squeeze %dma_start3A_157 : memref<1x512xi32, #tpu.memory_space<vmem>> -> memref<512xi32, #tpu.memory_space<vmem>>
      %dma_start3A_159 = arith.constant 0 : i32
      %dma_start3A_160 = arith.constant 0 : i32
      %dma_start3A_161 = tpu.memref_slice %arg3[%dma_start3A_159, %dma_start3A_160] : memref<200000x16xf32, #tpu.memory_space<hbm>> -> memref<200000x16xf32, #tpu.memory_space<hbm>>
      tpu.enqueue_indirect_dma source(%dma_start3A_161 : memref<200000x16xf32, #tpu.memory_space<hbm>>) target(%dma_start3A_155 : memref<512x16xf32, #tpu.memory_space<vmem>>) offsets(%dma_start3A_158 : memref<512xi32, #tpu.memory_space<vmem>>) semaphore(%arg18 : memref<!tpu.dma_semaphore, #tpu.memory_space<semaphore_mem>>)
      %dma_wait3A_162 = arith.constant 0 : i32
      %dma_wait3A_163 = arith.constant 0 : i32
      %dma_wait3A_164 = arith.constant 0 : i32
      %dma_wait3A_165 = tpu.memref_slice %arg11[%dma_wait3A_163, %dma_wait3A_164] : memref<512x16xf32, #tpu.memory_space<vmem>> -> memref<512x16xf32, #tpu.memory_space<vmem>>
      %dma_wait3A_166 = arith.constant 0 : i32
      %dma_wait3A_167 = tpu.memref_slice %arg5[%dma_wait3A_162, %dma_wait3A_166] : memref<2x512xi32, #tpu.memory_space<vmem>> -> memref<1x512xi32, #tpu.memory_space<vmem>>
      %dma_wait3A_168 = tpu.memref_squeeze %dma_wait3A_167 : memref<1x512xi32, #tpu.memory_space<vmem>> -> memref<512xi32, #tpu.memory_space<vmem>>
      %dma_wait3A_169 = arith.constant 0 : i32
      %dma_wait3A_170 = arith.constant 0 : i32
      %dma_wait3A_171 = tpu.memref_slice %arg3[%dma_wait3A_169, %dma_wait3A_170] : memref<200000x16xf32, #tpu.memory_space<hbm>> -> memref<200000x16xf32, #tpu.memory_space<hbm>>
      tpu.wait_indirect_dma semaphore(%arg17 : memref<!tpu.dma_semaphore, #tpu.memory_space<semaphore_mem>>) src(%dma_wait3A_171 : memref<200000x16xf32, #tpu.memory_space<hbm>>) dst(%dma_wait3A_165 : memref<512x16xf32, #tpu.memory_space<vmem>>)
      %dma_start3A_172 = arith.constant 0 : i32
      %dma_start3A_173 = arith.constant 0 : i32
      %dma_start3A_174 = arith.constant 0 : i32
      %dma_start3A_175 = tpu.memref_slice %arg11[%dma_start3A_173, %dma_start3A_174] : memref<512x16xf32, #tpu.memory_space<vmem>> -> memref<512x16xf32, #tpu.memory_space<vmem>>
      %dma_start3A_176 = arith.constant 0 : i32
      %dma_start3A_177 = tpu.memref_slice %arg9[%dma_start3A_172, %dma_start3A_176] : memref<1x512xi32, #tpu.memory_space<vmem>> -> memref<1x512xi32, #tpu.memory_space<vmem>>
      %dma_start3A_178 = tpu.memref_squeeze %dma_start3A_177 : memref<1x512xi32, #tpu.memory_space<vmem>> -> memref<512xi32, #tpu.memory_space<vmem>>
      %dma_start3A_179 = arith.constant 0 : i32
      %dma_start3A_180 = arith.constant 0 : i32
      %dma_start3A_181 = tpu.memref_slice %arg21[%dma_start3A_179, %dma_start3A_180] : memref<100096x16xf32, #tpu.memory_space<vmem_shared>> -> memref<100096x16xf32, #tpu.memory_space<vmem_shared>>
      tpu.enqueue_indirect_dma source(%dma_start3A_175 : memref<512x16xf32, #tpu.memory_space<vmem>>) target(%dma_start3A_181 : memref<100096x16xf32, #tpu.memory_space<vmem_shared>>) offsets(%dma_start3A_178 : memref<512xi32, #tpu.memory_space<vmem>>) semaphore(%arg19 : memref<!tpu.dma_semaphore, #tpu.memory_space<semaphore_mem>>) {add = true}
      %add3A_182 = arith.constant 1 : i32
      %add3A_183 = arith.addi %mul3A_98, %add3A_182 : i32
      %add3A_184 = arith.constant 3 : i32
      %add3A_185 = arith.addi %add3A_183, %add3A_184 : i32
      %mul3A_186 = arith.constant 512 : i32
      %mul3A_187 = arith.muli %add3A_185, %mul3A_186 : i32
      %add3A_188 = arith.addi %mul3A_0, %mul3A_187 : i32
      %dma_start3A_189 = arith.constant 0 : i32
      %dma_start3A_190 = tpu.memref_slice %arg2[%dma_start3A_189, %add3A_188] : memref<2x1639936xi32, #tpu.memory_space<hbm>> -> memref<2x512xi32, #tpu.memory_space<hbm>>
      %dma_start3A_191 = arith.constant 0 : i32
      %dma_start3A_192 = tpu.memref_slice %arg2[%dma_start3A_191, %add3A_188] : memref<2x1639936xi32, #tpu.memory_space<hbm>> -> memref<2x512xi32, #tpu.memory_space<hbm>>
      tpu.enqueue_dma source(%dma_start3A_192 : memref<2x512xi32, #tpu.memory_space<hbm>>) target(%arg5 : memref<2x512xi32, #tpu.memory_space<vmem>>) target_semaphore(%arg13 : memref<!tpu.dma_semaphore, #tpu.memory_space<semaphore_mem>>)
      %dma_wait3A_193 = arith.constant 0 : i32
      %dma_wait3A_194 = tpu.memref_slice %arg2[%dma_wait3A_193, %mul3A_0] : memref<2x1639936xi32, #tpu.memory_space<hbm>> -> memref<2x512xi32, #tpu.memory_space<hbm>>
      %dma_wait3A_195 = arith.constant 0 : i32
      %dma_wait3A_196 = tpu.memref_slice %arg2[%dma_wait3A_195, %mul3A_0] : memref<2x1639936xi32, #tpu.memory_space<hbm>> -> memref<2x512xi32, #tpu.memory_space<hbm>>
      tpu.wait_dma2 semaphore(%arg15 : memref<!tpu.dma_semaphore, #tpu.memory_space<semaphore_mem>>) src(%dma_wait3A_196 : memref<2x512xi32, #tpu.memory_space<hbm>>) dst(%arg7 : memref<2x512xi32, #tpu.memory_space<vmem>>)
      %dma_wait3A_197 = arith.constant 0 : i32
      %dma_wait3A_198 = arith.constant 0 : i32
      %dma_wait3A_199 = arith.constant 0 : i32
      %dma_wait3A_200 = tpu.memref_slice %arg11[%dma_wait3A_198, %dma_wait3A_199] : memref<512x16xf32, #tpu.memory_space<vmem>> -> memref<512x16xf32, #tpu.memory_space<vmem>>
      %dma_wait3A_201 = arith.constant 0 : i32
      %dma_wait3A_202 = tpu.memref_slice %arg9[%dma_wait3A_197, %dma_wait3A_201] : memref<1x512xi32, #tpu.memory_space<vmem>> -> memref<1x512xi32, #tpu.memory_space<vmem>>
      %dma_wait3A_203 = tpu.memref_squeeze %dma_wait3A_202 : memref<1x512xi32, #tpu.memory_space<vmem>> -> memref<512xi32, #tpu.memory_space<vmem>>
      %dma_wait3A_204 = arith.constant 0 : i32
      %dma_wait3A_205 = arith.constant 0 : i32
      %dma_wait3A_206 = tpu.memref_slice %arg21[%dma_wait3A_204, %dma_wait3A_205] : memref<100096x16xf32, #tpu.memory_space<vmem_shared>> -> memref<100096x16xf32, #tpu.memory_space<vmem_shared>>
      tpu.wait_indirect_dma semaphore(%arg19 : memref<!tpu.dma_semaphore, #tpu.memory_space<semaphore_mem>>) src(%dma_wait3A_200 : memref<512x16xf32, #tpu.memory_space<vmem>>) dst(%dma_wait3A_206 : memref<100096x16xf32, #tpu.memory_space<vmem_shared>>)
      %scan3A_207 = arith.constant 0 : i32
      %scan3A_208 = arith.constant 32 : i32
      %scan3A_209 = arith.addi %scan3A_207, %scan3A_208 : i32
      %scan3A_210 = arith.constant 1 : i32
      scf.for %scan3A_313 = %scan3A_207 to %scan3A_209 step %scan3A_210  : i32 {
        %mul3A_314 = arith.constant 1 : i32
        %mul3A_315 = arith.muli %scan3A_313, %mul3A_314 : i32
        %add3A_316 = arith.constant 0 : i32
        %add3A_317 = arith.addi %add3A_316, %mul3A_315 : i32
        %mul3A_318 = arith.constant 16 : i32
        %mul3A_319 = arith.muli %add3A_317, %mul3A_318 : i32
        %get3A = arith.constant 0 : i32
        %get3A_320 = arith.index_cast %get3A : i32 to index
        %get3A_321 = arith.index_cast %mul3A_319 : i32 to index
        %get3A_322 = tpu.vector_load %arg7[%get3A_320, %get3A_321] {strides = array<i32>} : memref<2x512xi32, #tpu.memory_space<vmem>>, vector<1x16xi32>,
        %get3A_323 = vector.shape_cast %get3A_322 : vector<1x16xi32> to vector<16xi32>
        %add3A_324 = arith.addi %get3A_323, %get3A_323 : vector<16xi32>
        %add3A_325 = vector.broadcast %arg0 : i32 to vector<16xi32>
        %add3A_326 = arith.addi %add3A_324, %add3A_325 : vector<16xi32>
        %mul3A_327 = arith.constant 16 : i32
        %mul3A_328 = arith.muli %add3A_317, %mul3A_327 : i32
        %swap3A = arith.constant 0 : i32
        %swap3A_329 = arith.index_cast %swap3A : i32 to index
        %swap3A_330 = arith.index_cast %mul3A_328 : i32 to index
        %swap3A_331 = tpu.vector_load %arg7[%swap3A_329, %swap3A_330] {strides = array<i32>} : memref<2x512xi32, #tpu.memory_space<vmem>>, vector<1x16xi32>,
        %swap3A_332 = vector.shape_cast %swap3A_331 : vector<1x16xi32> to vector<16xi32>
        %swap3A_333 = vector.shape_cast %add3A_326 : vector<16xi32> to vector<1x16xi32>
        tpu.vector_store %arg7[%swap3A_329, %swap3A_330], %swap3A_333 {strides = array<i32>} : memref<2x512xi32, #tpu.memory_space<vmem>>, vector<1x16xi32>,
        %mul3A_334 = arith.constant 16 : i32
        %mul3A_335 = arith.muli %add3A_317, %mul3A_334 : i32
        %get3A_336 = arith.constant 1 : i32
        %get3A_337 = arith.index_cast %get3A_336 : i32 to index
        %get3A_338 = arith.index_cast %mul3A_335 : i32 to index
        %get3A_339 = tpu.vector_load %arg7[%get3A_337, %get3A_338] {strides = array<i32>} : memref<2x512xi32, #tpu.memory_space<vmem>>, vector<1x16xi32>,
        %get3A_340 = vector.shape_cast %get3A_339 : vector<1x16xi32> to vector<16xi32>
        %mul3A_341 = arith.constant 16 : i32
        %mul3A_342 = arith.muli %add3A_317, %mul3A_341 : i32
        %jit3A = arith.constant 512 : i32
        %div3A = arith.divsi %mul3A_342, %jit3A : i32
        %sign3A = arith.constant 0 : i32
        %sign3A_343 = arith.cmpi sgt, %mul3A_342, %sign3A : i32
        %sign3A_344 = arith.extui %sign3A_343 : i1 to i32
        %sign3A_345 = arith.constant 0 : i32
        %sign3A_346 = arith.cmpi slt, %mul3A_342, %sign3A_345 : i32
        %sign3A_347 = arith.extui %sign3A_346 : i1 to i32
        %sign3A_348 = arith.subi %sign3A_344, %sign3A_347 : i32
        %sign3A_349 = arith.constant 0 : i32
        %sign3A_350 = arith.cmpi sgt, %jit3A, %sign3A_349 : i32
        %sign3A_351 = arith.extui %sign3A_350 : i1 to i32
        %sign3A_352 = arith.constant 0 : i32
        %sign3A_353 = arith.cmpi slt, %jit3A, %sign3A_352 : i32
        %sign3A_354 = arith.extui %sign3A_353 : i1 to i32
        %sign3A_355 = arith.subi %sign3A_351, %sign3A_354 : i32
        %ne3A = arith.cmpi ne, %sign3A_348, %sign3A_355 : i32
        %rem3A = arith.remsi %mul3A_342, %jit3A : i32
        %ne3A_356 = arith.constant 0 : i32
        %ne3A_357 = arith.cmpi ne, %rem3A, %ne3A_356 : i32
        %and3A = arith.andi %ne3A, %ne3A_357 : i1
        %sub3A = arith.constant 1 : i32
        %sub3A_358 = arith.subi %div3A, %sub3A : i32
        %select_n3A = arith.select %and3A, %sub3A_358, %div3A : i32
        %mul3A_359 = arith.constant 16 : i32
        %mul3A_360 = arith.muli %add3A_317, %mul3A_359 : i32
        %jit3A_361 = arith.constant 512 : i32
        %eq3A_362 = arith.constant 0 : i32
        %eq3A_363 = arith.cmpi eq, %jit3A_361, %eq3A_362 : i32
        %jit3A_364 = arith.constant 1 : i32
        %select_n3A_365 = arith.select %eq3A_363, %jit3A_364, %jit3A_361 : i32
        %rem3A_366 = arith.remsi %mul3A_360, %select_n3A_365 : i32
        %ne3A_367 = arith.constant 0 : i32
        %ne3A_368 = arith.cmpi ne, %rem3A_366, %ne3A_367 : i32
        %lt3A_369 = arith.constant 0 : i32
        %lt3A_370 = arith.cmpi slt, %rem3A_366, %lt3A_369 : i32
        %lt3A_371 = arith.constant 0 : i32
        %lt3A_372 = arith.cmpi slt, %select_n3A_365, %lt3A_371 : i32
        %ne3A_373 = arith.xori %lt3A_370, %lt3A_372 : i1
        %and3A_374 = arith.andi %ne3A_373, %ne3A_368 : i1
        %add3A_375 = arith.addi %rem3A_366, %select_n3A_365 : i32
        %select_n3A_376 = arith.select %and3A_374, %add3A_375, %rem3A_366 : i32
        %swap3A_377 = arith.index_cast %select_n3A : i32 to index
        %swap3A_378 = arith.index_cast %select_n3A_376 : i32 to index
        %swap3A_379 = tpu.vector_load %arg9[%swap3A_377, %swap3A_378] {strides = array<i32>} : memref<1x512xi32, #tpu.memory_space<vmem>>, vector<1x16xi32>,
        %swap3A_380 = vector.shape_cast %swap3A_379 : vector<1x16xi32> to vector<16xi32>
        %swap3A_381 = vector.shape_cast %get3A_340 : vector<16xi32> to vector<1x16xi32>
        tpu.vector_store %arg9[%swap3A_377, %swap3A_378], %swap3A_381 {strides = array<i32>} : memref<1x512xi32, #tpu.memory_space<vmem>>, vector<1x16xi32>,
      }
      %scan3A_211 = arith.constant 32 : i32
      %dma_start3A_212 = arith.constant 0 : i32
      %dma_start3A_213 = arith.constant 0 : i32
      %dma_start3A_214 = arith.constant 0 : i32
      %dma_start3A_215 = tpu.memref_slice %arg11[%dma_start3A_213, %dma_start3A_214] : memref<512x16xf32, #tpu.memory_space<vmem>> -> memref<512x16xf32, #tpu.memory_space<vmem>>
      %dma_start3A_216 = arith.constant 0 : i32
      %dma_start3A_217 = tpu.memref_slice %arg7[%dma_start3A_212, %dma_start3A_216] : memref<2x512xi32, #tpu.memory_space<vmem>> -> memref<1x512xi32, #tpu.memory_space<vmem>>
      %dma_start3A_218 = tpu.memref_squeeze %dma_start3A_217 : memref<1x512xi32, #tpu.memory_space<vmem>> -> memref<512xi32, #tpu.memory_space<vmem>>
      %dma_start3A_219 = arith.constant 0 : i32
      %dma_start3A_220 = arith.constant 0 : i32
      %dma_start3A_221 = tpu.memref_slice %arg3[%dma_start3A_219, %dma_start3A_220] : memref<200000x16xf32, #tpu.memory_space<hbm>> -> memref<200000x16xf32, #tpu.memory_space<hbm>>
      tpu.enqueue_indirect_dma source(%dma_start3A_221 : memref<200000x16xf32, #tpu.memory_space<hbm>>) target(%dma_start3A_215 : memref<512x16xf32, #tpu.memory_space<vmem>>) offsets(%dma_start3A_218 : memref<512xi32, #tpu.memory_space<vmem>>) semaphore(%arg17 : memref<!tpu.dma_semaphore, #tpu.memory_space<semaphore_mem>>)
      %dma_wait3A_222 = arith.constant 0 : i32
      %dma_wait3A_223 = arith.constant 0 : i32
      %dma_wait3A_224 = arith.constant 0 : i32
      %dma_wait3A_225 = tpu.memref_slice %arg12[%dma_wait3A_223, %dma_wait3A_224] : memref<512x16xf32, #tpu.memory_space<vmem>> -> memref<512x16xf32, #tpu.memory_space<vmem>>
      %dma_wait3A_226 = arith.constant 0 : i32
      %dma_wait3A_227 = tpu.memref_slice %arg6[%dma_wait3A_222, %dma_wait3A_226] : memref<2x512xi32, #tpu.memory_space<vmem>> -> memref<1x512xi32, #tpu.memory_space<vmem>>
      %dma_wait3A_228 = tpu.memref_squeeze %dma_wait3A_227 : memref<1x512xi32, #tpu.memory_space<vmem>> -> memref<512xi32, #tpu.memory_space<vmem>>
      %dma_wait3A_229 = arith.constant 0 : i32
      %dma_wait3A_230 = arith.constant 0 : i32
      %dma_wait3A_231 = tpu.memref_slice %arg3[%dma_wait3A_229, %dma_wait3A_230] : memref<200000x16xf32, #tpu.memory_space<hbm>> -> memref<200000x16xf32, #tpu.memory_space<hbm>>
      tpu.wait_indirect_dma semaphore(%arg18 : memref<!tpu.dma_semaphore, #tpu.memory_space<semaphore_mem>>) src(%dma_wait3A_231 : memref<200000x16xf32, #tpu.memory_space<hbm>>) dst(%dma_wait3A_225 : memref<512x16xf32, #tpu.memory_space<vmem>>)
      %dma_start3A_232 = arith.constant 0 : i32
      %dma_start3A_233 = arith.constant 0 : i32
      %dma_start3A_234 = arith.constant 0 : i32
      %dma_start3A_235 = tpu.memref_slice %arg12[%dma_start3A_233, %dma_start3A_234] : memref<512x16xf32, #tpu.memory_space<vmem>> -> memref<512x16xf32, #tpu.memory_space<vmem>>
      %dma_start3A_236 = arith.constant 0 : i32
      %dma_start3A_237 = tpu.memref_slice %arg10[%dma_start3A_232, %dma_start3A_236] : memref<1x512xi32, #tpu.memory_space<vmem>> -> memref<1x512xi32, #tpu.memory_space<vmem>>
      %dma_start3A_238 = tpu.memref_squeeze %dma_start3A_237 : memref<1x512xi32, #tpu.memory_space<vmem>> -> memref<512xi32, #tpu.memory_space<vmem>>
      %dma_start3A_239 = arith.constant 0 : i32
      %dma_start3A_240 = arith.constant 0 : i32
      %dma_start3A_241 = tpu.memref_slice %arg21[%dma_start3A_239, %dma_start3A_240] : memref<100096x16xf32, #tpu.memory_space<vmem_shared>> -> memref<100096x16xf32, #tpu.memory_space<vmem_shared>>
      tpu.enqueue_indirect_dma source(%dma_start3A_235 : memref<512x16xf32, #tpu.memory_space<vmem>>) target(%dma_start3A_241 : memref<100096x16xf32, #tpu.memory_space<vmem_shared>>) offsets(%dma_start3A_238 : memref<512xi32, #tpu.memory_space<vmem>>) semaphore(%arg20 : memref<!tpu.dma_semaphore, #tpu.memory_space<semaphore_mem>>) {add = true}
      %add3A_242 = arith.constant 2 : i32
      %add3A_243 = arith.addi %mul3A_98, %add3A_242 : i32
      %add3A_244 = arith.constant 3 : i32
      %add3A_245 = arith.addi %add3A_243, %add3A_244 : i32
      %mul3A_246 = arith.constant 512 : i32
      %mul3A_247 = arith.muli %add3A_245, %mul3A_246 : i32
      %add3A_248 = arith.addi %mul3A_0, %mul3A_247 : i32
      %dma_start3A_249 = arith.constant 0 : i32
      %dma_start3A_250 = tpu.memref_slice %arg2[%dma_start3A_249, %add3A_248] : memref<2x1639936xi32, #tpu.memory_space<hbm>> -> memref<2x512xi32, #tpu.memory_space<hbm>>
      %dma_start3A_251 = arith.constant 0 : i32
      %dma_start3A_252 = tpu.memref_slice %arg2[%dma_start3A_251, %add3A_248] : memref<2x1639936xi32, #tpu.memory_space<hbm>> -> memref<2x512xi32, #tpu.memory_space<hbm>>
      tpu.enqueue_dma source(%dma_start3A_252 : memref<2x512xi32, #tpu.memory_space<hbm>>) target(%arg6 : memref<2x512xi32, #tpu.memory_space<vmem>>) target_semaphore(%arg14 : memref<!tpu.dma_semaphore, #tpu.memory_space<semaphore_mem>>)
      %dma_wait3A_253 = arith.constant 0 : i32
      %dma_wait3A_254 = tpu.memref_slice %arg2[%dma_wait3A_253, %mul3A_0] : memref<2x1639936xi32, #tpu.memory_space<hbm>> -> memref<2x512xi32, #tpu.memory_space<hbm>>
      %dma_wait3A_255 = arith.constant 0 : i32
      %dma_wait3A_256 = tpu.memref_slice %arg2[%dma_wait3A_255, %mul3A_0] : memref<2x1639936xi32, #tpu.memory_space<hbm>> -> memref<2x512xi32, #tpu.memory_space<hbm>>
      tpu.wait_dma2 semaphore(%arg16 : memref<!tpu.dma_semaphore, #tpu.memory_space<semaphore_mem>>) src(%dma_wait3A_256 : memref<2x512xi32, #tpu.memory_space<hbm>>) dst(%arg8 : memref<2x512xi32, #tpu.memory_space<vmem>>)
      %dma_wait3A_257 = arith.constant 0 : i32
      %dma_wait3A_258 = arith.constant 0 : i32
      %dma_wait3A_259 = arith.constant 0 : i32
      %dma_wait3A_260 = tpu.memref_slice %arg12[%dma_wait3A_258, %dma_wait3A_259] : memref<512x16xf32, #tpu.memory_space<vmem>> -> memref<512x16xf32, #tpu.memory_space<vmem>>
      %dma_wait3A_261 = arith.constant 0 : i32
      %dma_wait3A_262 = tpu.memref_slice %arg10[%dma_wait3A_257, %dma_wait3A_261] : memref<1x512xi32, #tpu.memory_space<vmem>> -> memref<1x512xi32, #tpu.memory_space<vmem>>
      %dma_wait3A_263 = tpu.memref_squeeze %dma_wait3A_262 : memref<1x512xi32, #tpu.memory_space<vmem>> -> memref<512xi32, #tpu.memory_space<vmem>>
      %dma_wait3A_264 = arith.constant 0 : i32
      %dma_wait3A_265 = arith.constant 0 : i32
      %dma_wait3A_266 = tpu.memref_slice %arg21[%dma_wait3A_264, %dma_wait3A_265] : memref<100096x16xf32, #tpu.memory_space<vmem_shared>> -> memref<100096x16xf32, #tpu.memory_space<vmem_shared>>
      tpu.wait_indirect_dma semaphore(%arg20 : memref<!tpu.dma_semaphore, #tpu.memory_space<semaphore_mem>>) src(%dma_wait3A_260 : memref<512x16xf32, #tpu.memory_space<vmem>>) dst(%dma_wait3A_266 : memref<100096x16xf32, #tpu.memory_space<vmem_shared>>)
      %scan3A_267 = arith.constant 0 : i32
      %scan3A_268 = arith.constant 32 : i32
      %scan3A_269 = arith.addi %scan3A_267, %scan3A_268 : i32
      %scan3A_270 = arith.constant 1 : i32
      scf.for %scan3A_313 = %scan3A_267 to %scan3A_269 step %scan3A_270  : i32 {
        %mul3A_314 = arith.constant 1 : i32
        %mul3A_315 = arith.muli %scan3A_313, %mul3A_314 : i32
        %add3A_316 = arith.constant 0 : i32
        %add3A_317 = arith.addi %add3A_316, %mul3A_315 : i32
        %mul3A_318 = arith.constant 16 : i32
        %mul3A_319 = arith.muli %add3A_317, %mul3A_318 : i32
        %get3A = arith.constant 0 : i32
        %get3A_320 = arith.index_cast %get3A : i32 to index
        %get3A_321 = arith.index_cast %mul3A_319 : i32 to index
        %get3A_322 = tpu.vector_load %arg8[%get3A_320, %get3A_321] {strides = array<i32>} : memref<2x512xi32, #tpu.memory_space<vmem>>, vector<1x16xi32>,
        %get3A_323 = vector.shape_cast %get3A_322 : vector<1x16xi32> to vector<16xi32>
        %add3A_324 = arith.addi %get3A_323, %get3A_323 : vector<16xi32>
        %add3A_325 = vector.broadcast %arg0 : i32 to vector<16xi32>
        %add3A_326 = arith.addi %add3A_324, %add3A_325 : vector<16xi32>
        %mul3A_327 = arith.constant 16 : i32
        %mul3A_328 = arith.muli %add3A_317, %mul3A_327 : i32
        %swap3A = arith.constant 0 : i32
        %swap3A_329 = arith.index_cast %swap3A : i32 to index
        %swap3A_330 = arith.index_cast %mul3A_328 : i32 to index
        %swap3A_331 = tpu.vector_load %arg8[%swap3A_329, %swap3A_330] {strides = array<i32>} : memref<2x512xi32, #tpu.memory_space<vmem>>, vector<1x16xi32>,
        %swap3A_332 = vector.shape_cast %swap3A_331 : vector<1x16xi32> to vector<16xi32>
        %swap3A_333 = vector.shape_cast %add3A_326 : vector<16xi32> to vector<1x16xi32>
        tpu.vector_store %arg8[%swap3A_329, %swap3A_330], %swap3A_333 {strides = array<i32>} : memref<2x512xi32, #tpu.memory_space<vmem>>, vector<1x16xi32>,
        %mul3A_334 = arith.constant 16 : i32
        %mul3A_335 = arith.muli %add3A_317, %mul3A_334 : i32
        %get3A_336 = arith.constant 1 : i32
        %get3A_337 = arith.index_cast %get3A_336 : i32 to index
        %get3A_338 = arith.index_cast %mul3A_335 : i32 to index
        %get3A_339 = tpu.vector_load %arg8[%get3A_337, %get3A_338] {strides = array<i32>} : memref<2x512xi32, #tpu.memory_space<vmem>>, vector<1x16xi32>,
        %get3A_340 = vector.shape_cast %get3A_339 : vector<1x16xi32> to vector<16xi32>
        %mul3A_341 = arith.constant 16 : i32
        %mul3A_342 = arith.muli %add3A_317, %mul3A_341 : i32
        %jit3A = arith.constant 512 : i32
        %div3A = arith.divsi %mul3A_342, %jit3A : i32
        %sign3A = arith.constant 0 : i32
        %sign3A_343 = arith.cmpi sgt, %mul3A_342, %sign3A : i32
        %sign3A_344 = arith.extui %sign3A_343 : i1 to i32
        %sign3A_345 = arith.constant 0 : i32
        %sign3A_346 = arith.cmpi slt, %mul3A_342, %sign3A_345 : i32
        %sign3A_347 = arith.extui %sign3A_346 : i1 to i32
        %sign3A_348 = arith.subi %sign3A_344, %sign3A_347 : i32
        %sign3A_349 = arith.constant 0 : i32
        %sign3A_350 = arith.cmpi sgt, %jit3A, %sign3A_349 : i32
        %sign3A_351 = arith.extui %sign3A_350 : i1 to i32
        %sign3A_352 = arith.constant 0 : i32
        %sign3A_353 = arith.cmpi slt, %jit3A, %sign3A_352 : i32
        %sign3A_354 = arith.extui %sign3A_353 : i1 to i32
        %sign3A_355 = arith.subi %sign3A_351, %sign3A_354 : i32
        %ne3A = arith.cmpi ne, %sign3A_348, %sign3A_355 : i32
        %rem3A = arith.remsi %mul3A_342, %jit3A : i32
        %ne3A_356 = arith.constant 0 : i32
        %ne3A_357 = arith.cmpi ne, %rem3A, %ne3A_356 : i32
        %and3A = arith.andi %ne3A, %ne3A_357 : i1
        %sub3A = arith.constant 1 : i32
        %sub3A_358 = arith.subi %div3A, %sub3A : i32
        %select_n3A = arith.select %and3A, %sub3A_358, %div3A : i32
        %mul3A_359 = arith.constant 16 : i32
        %mul3A_360 = arith.muli %add3A_317, %mul3A_359 : i32
        %jit3A_361 = arith.constant 512 : i32
        %eq3A_362 = arith.constant 0 : i32
        %eq3A_363 = arith.cmpi eq, %jit3A_361, %eq3A_362 : i32
        %jit3A_364 = arith.constant 1 : i32
        %select_n3A_365 = arith.select %eq3A_363, %jit3A_364, %jit3A_361 : i32
        %rem3A_366 = arith.remsi %mul3A_360, %select_n3A_365 : i32
        %ne3A_367 = arith.constant 0 : i32
        %ne3A_368 = arith.cmpi ne, %rem3A_366, %ne3A_367 : i32
        %lt3A_369 = arith.constant 0 : i32
        %lt3A_370 = arith.cmpi slt, %rem3A_366, %lt3A_369 : i32
        %lt3A_371 = arith.constant 0 : i32
        %lt3A_372 = arith.cmpi slt, %select_n3A_365, %lt3A_371 : i32
        %ne3A_373 = arith.xori %lt3A_370, %lt3A_372 : i1
        %and3A_374 = arith.andi %ne3A_373, %ne3A_368 : i1
        %add3A_375 = arith.addi %rem3A_366, %select_n3A_365 : i32
        %select_n3A_376 = arith.select %and3A_374, %add3A_375, %rem3A_366 : i32
        %swap3A_377 = arith.index_cast %select_n3A : i32 to index
        %swap3A_378 = arith.index_cast %select_n3A_376 : i32 to index
        %swap3A_379 = tpu.vector_load %arg10[%swap3A_377, %swap3A_378] {strides = array<i32>} : memref<1x512xi32, #tpu.memory_space<vmem>>, vector<1x16xi32>,
        %swap3A_380 = vector.shape_cast %swap3A_379 : vector<1x16xi32> to vector<16xi32>
        %swap3A_381 = vector.shape_cast %get3A_340 : vector<16xi32> to vector<1x16xi32>
        tpu.vector_store %arg10[%swap3A_377, %swap3A_378], %swap3A_381 {strides = array<i32>} : memref<1x512xi32, #tpu.memory_space<vmem>>, vector<1x16xi32>,
      }
      %scan3A_271 = arith.constant 32 : i32
      %dma_start3A_272 = arith.constant 0 : i32
      %dma_start3A_273 = arith.constant 0 : i32
      %dma_start3A_274 = arith.constant 0 : i32
      %dma_start3A_275 = tpu.memref_slice %arg12[%dma_start3A_273, %dma_start3A_274] : memref<512x16xf32, #tpu.memory_space<vmem>> -> memref<512x16xf32, #tpu.memory_space<vmem>>
      %dma_start3A_276 = arith.constant 0 : i32
      %dma_start3A_277 = tpu.memref_slice %arg8[%dma_start3A_272, %dma_start3A_276] : memref<2x512xi32, #tpu.memory_space<vmem>> -> memref<1x512xi32, #tpu.memory_space<vmem>>
      %dma_start3A_278 = tpu.memref_squeeze %dma_start3A_277 : memref<1x512xi32, #tpu.memory_space<vmem>> -> memref<512xi32, #tpu.memory_space<vmem>>
      %dma_start3A_279 = arith.constant 0 : i32
      %dma_start3A_280 = arith.constant 0 : i32
      %dma_start3A_281 = tpu.memref_slice %arg3[%dma_start3A_279, %dma_start3A_280] : memref<200000x16xf32, #tpu.memory_space<hbm>> -> memref<200000x16xf32, #tpu.memory_space<hbm>>
      tpu.enqueue_indirect_dma source(%dma_start3A_281 : memref<200000x16xf32, #tpu.memory_space<hbm>>) target(%dma_start3A_275 : memref<512x16xf32, #tpu.memory_space<vmem>>) offsets(%dma_start3A_278 : memref<512xi32, #tpu.memory_space<vmem>>) semaphore(%arg18 : memref<!tpu.dma_semaphore, #tpu.memory_space<semaphore_mem>>)
      %dma_wait3A_282 = arith.constant 0 : i32
      %dma_wait3A_283 = arith.constant 0 : i32
      %dma_wait3A_284 = arith.constant 0 : i32
      %dma_wait3A_285 = tpu.memref_slice %arg11[%dma_wait3A_283, %dma_wait3A_284] : memref<512x16xf32, #tpu.memory_space<vmem>> -> memref<512x16xf32, #tpu.memory_space<vmem>>
      %dma_wait3A_286 = arith.constant 0 : i32
      %dma_wait3A_287 = tpu.memref_slice %arg7[%dma_wait3A_282, %dma_wait3A_286] : memref<2x512xi32, #tpu.memory_space<vmem>> -> memref<1x512xi32, #tpu.memory_space<vmem>>
      %dma_wait3A_288 = tpu.memref_squeeze %dma_wait3A_287 : memref<1x512xi32, #tpu.memory_space<vmem>> -> memref<512xi32, #tpu.memory_space<vmem>>
      %dma_wait3A_289 = arith.constant 0 : i32
      %dma_wait3A_290 = arith.constant 0 : i32
      %dma_wait3A_291 = tpu.memref_slice %arg3[%dma_wait3A_289, %dma_wait3A_290] : memref<200000x16xf32, #tpu.memory_space<hbm>> -> memref<200000x16xf32, #tpu.memory_space<hbm>>
      tpu.wait_indirect_dma semaphore(%arg17 : memref<!tpu.dma_semaphore, #tpu.memory_space<semaphore_mem>>) src(%dma_wait3A_291 : memref<200000x16xf32, #tpu.memory_space<hbm>>) dst(%dma_wait3A_285 : memref<512x16xf32, #tpu.memory_space<vmem>>)
      %dma_start3A_292 = arith.constant 0 : i32
      %dma_start3A_293 = arith.constant 0 : i32
      %dma_start3A_294 = arith.constant 0 : i32
      %dma_start3A_295 = tpu.memref_slice %arg11[%dma_start3A_293, %dma_start3A_294] : memref<512x16xf32, #tpu.memory_space<vmem>> -> memref<512x16xf32, #tpu.memory_space<vmem>>
      %dma_start3A_296 = arith.constant 0 : i32
      %dma_start3A_297 = tpu.memref_slice %arg9[%dma_start3A_292, %dma_start3A_296] : memref<1x512xi32, #tpu.memory_space<vmem>> -> memref<1x512xi32, #tpu.memory_space<vmem>>
      %dma_start3A_298 = tpu.memref_squeeze %dma_start3A_297 : memref<1x512xi32, #tpu.memory_space<vmem>> -> memref<512xi32, #tpu.memory_space<vmem>>
      %dma_start3A_299 = arith.constant 0 : i32
      %dma_start3A_300 = arith.constant 0 : i32
      %dma_start3A_301 = tpu.memref_slice %arg21[%dma_start3A_299, %dma_start3A_300] : memref<100096x16xf32, #tpu.memory_space<vmem_shared>> -> memref<100096x16xf32, #tpu.memory_space<vmem_shared>>
      tpu.enqueue_indirect_dma source(%dma_start3A_295 : memref<512x16xf32, #tpu.memory_space<vmem>>) target(%dma_start3A_301 : memref<100096x16xf32, #tpu.memory_space<vmem_shared>>) offsets(%dma_start3A_298 : memref<512xi32, #tpu.memory_space<vmem>>) semaphore(%arg19 : memref<!tpu.dma_semaphore, #tpu.memory_space<semaphore_mem>>) {add = true}
      %add3A_302 = arith.constant 3 : i32
      %add3A_303 = arith.addi %mul3A_98, %add3A_302 : i32
      %add3A_304 = arith.constant 3 : i32
      %add3A_305 = arith.addi %add3A_303, %add3A_304 : i32
      %mul3A_306 = arith.constant 512 : i32
      %mul3A_307 = arith.muli %add3A_305, %mul3A_306 : i32
      %add3A_308 = arith.addi %mul3A_0, %mul3A_307 : i32
      %dma_start3A_309 = arith.constant 0 : i32
      %dma_start3A_310 = tpu.memref_slice %arg2[%dma_start3A_309, %add3A_308] : memref<2x1639936xi32, #tpu.memory_space<hbm>> -> memref<2x512xi32, #tpu.memory_space<hbm>>
      %dma_start3A_311 = arith.constant 0 : i32
      %dma_start3A_312 = tpu.memref_slice %arg2[%dma_start3A_311, %add3A_308] : memref<2x1639936xi32, #tpu.memory_space<hbm>> -> memref<2x512xi32, #tpu.memory_space<hbm>>
      tpu.enqueue_dma source(%dma_start3A_312 : memref<2x512xi32, #tpu.memory_space<hbm>>) target(%arg7 : memref<2x512xi32, #tpu.memory_space<vmem>>) target_semaphore(%arg15 : memref<!tpu.dma_semaphore, #tpu.memory_space<semaphore_mem>>)
    }
    %scan3A_33 = arith.constant 50 : i32
    %dma_wait3A = arith.constant 0 : i32
    %dma_wait3A_34 = arith.constant 0 : i32
    %dma_wait3A_35 = arith.constant 0 : i32
    %dma_wait3A_36 = tpu.memref_slice %arg12[%dma_wait3A_34, %dma_wait3A_35] : memref<512x16xf32, #tpu.memory_space<vmem>> -> memref<512x16xf32, #tpu.memory_space<vmem>>
    %dma_wait3A_37 = arith.constant 0 : i32
    %dma_wait3A_38 = tpu.memref_slice %arg8[%dma_wait3A, %dma_wait3A_37] : memref<2x512xi32, #tpu.memory_space<vmem>> -> memref<1x512xi32, #tpu.memory_space<vmem>>
    %dma_wait3A_39 = tpu.memref_squeeze %dma_wait3A_38 : memref<1x512xi32, #tpu.memory_space<vmem>> -> memref<512xi32, #tpu.memory_space<vmem>>
    %dma_wait3A_40 = arith.constant 0 : i32
    %dma_wait3A_41 = arith.constant 0 : i32
    %dma_wait3A_42 = tpu.memref_slice %arg3[%dma_wait3A_40, %dma_wait3A_41] : memref<200000x16xf32, #tpu.memory_space<hbm>> -> memref<200000x16xf32, #tpu.memory_space<hbm>>
    tpu.wait_indirect_dma semaphore(%arg18 : memref<!tpu.dma_semaphore, #tpu.memory_space<semaphore_mem>>) src(%dma_wait3A_42 : memref<200000x16xf32, #tpu.memory_space<hbm>>) dst(%dma_wait3A_36 : memref<512x16xf32, #tpu.memory_space<vmem>>)
    %dma_start3A_43 = arith.constant 0 : i32
    %dma_start3A_44 = arith.constant 0 : i32
    %dma_start3A_45 = arith.constant 0 : i32
    %dma_start3A_46 = tpu.memref_slice %arg12[%dma_start3A_44, %dma_start3A_45] : memref<512x16xf32, #tpu.memory_space<vmem>> -> memref<512x16xf32, #tpu.memory_space<vmem>>
    %dma_start3A_47 = arith.constant 0 : i32
    %dma_start3A_48 = tpu.memref_slice %arg10[%dma_start3A_43, %dma_start3A_47] : memref<1x512xi32, #tpu.memory_space<vmem>> -> memref<1x512xi32, #tpu.memory_space<vmem>>
    %dma_start3A_49 = tpu.memref_squeeze %dma_start3A_48 : memref<1x512xi32, #tpu.memory_space<vmem>> -> memref<512xi32, #tpu.memory_space<vmem>>
    %dma_start3A_50 = arith.constant 0 : i32
    %dma_start3A_51 = arith.constant 0 : i32
    %dma_start3A_52 = tpu.memref_slice %arg21[%dma_start3A_50, %dma_start3A_51] : memref<100096x16xf32, #tpu.memory_space<vmem_shared>> -> memref<100096x16xf32, #tpu.memory_space<vmem_shared>>
    tpu.enqueue_indirect_dma source(%dma_start3A_46 : memref<512x16xf32, #tpu.memory_space<vmem>>) target(%dma_start3A_52 : memref<100096x16xf32, #tpu.memory_space<vmem_shared>>) offsets(%dma_start3A_49 : memref<512xi32, #tpu.memory_space<vmem>>) semaphore(%arg20 : memref<!tpu.dma_semaphore, #tpu.memory_space<semaphore_mem>>) {add = true}
    %dma_wait3A_53 = arith.constant 0 : i32
    %dma_wait3A_54 = arith.constant 0 : i32
    %dma_wait3A_55 = arith.constant 0 : i32
    %dma_wait3A_56 = tpu.memref_slice %arg11[%dma_wait3A_54, %dma_wait3A_55] : memref<512x16xf32, #tpu.memory_space<vmem>> -> memref<512x16xf32, #tpu.memory_space<vmem>>
    %dma_wait3A_57 = arith.constant 0 : i32
    %dma_wait3A_58 = tpu.memref_slice %arg9[%dma_wait3A_53, %dma_wait3A_57] : memref<1x512xi32, #tpu.memory_space<vmem>> -> memref<1x512xi32, #tpu.memory_space<vmem>>
    %dma_wait3A_59 = tpu.memref_squeeze %dma_wait3A_58 : memref<1x512xi32, #tpu.memory_space<vmem>> -> memref<512xi32, #tpu.memory_space<vmem>>
    %dma_wait3A_60 = arith.constant 0 : i32
    %dma_wait3A_61 = arith.constant 0 : i32
    %dma_wait3A_62 = tpu.memref_slice %arg21[%dma_wait3A_60, %dma_wait3A_61] : memref<100096x16xf32, #tpu.memory_space<vmem_shared>> -> memref<100096x16xf32, #tpu.memory_space<vmem_shared>>
    tpu.wait_indirect_dma semaphore(%arg19 : memref<!tpu.dma_semaphore, #tpu.memory_space<semaphore_mem>>) src(%dma_wait3A_56 : memref<512x16xf32, #tpu.memory_space<vmem>>) dst(%dma_wait3A_62 : memref<100096x16xf32, #tpu.memory_space<vmem_shared>>)
    %dma_wait3A_63 = arith.constant 0 : i32
    %dma_wait3A_64 = arith.constant 0 : i32
    %dma_wait3A_65 = arith.constant 0 : i32
    %dma_wait3A_66 = tpu.memref_slice %arg12[%dma_wait3A_64, %dma_wait3A_65] : memref<512x16xf32, #tpu.memory_space<vmem>> -> memref<512x16xf32, #tpu.memory_space<vmem>>
    %dma_wait3A_67 = arith.constant 0 : i32
    %dma_wait3A_68 = tpu.memref_slice %arg10[%dma_wait3A_63, %dma_wait3A_67] : memref<1x512xi32, #tpu.memory_space<vmem>> -> memref<1x512xi32, #tpu.memory_space<vmem>>
    %dma_wait3A_69 = tpu.memref_squeeze %dma_wait3A_68 : memref<1x512xi32, #tpu.memory_space<vmem>> -> memref<512xi32, #tpu.memory_space<vmem>>
    %dma_wait3A_70 = arith.constant 0 : i32
    %dma_wait3A_71 = arith.constant 0 : i32
    %dma_wait3A_72 = tpu.memref_slice %arg21[%dma_wait3A_70, %dma_wait3A_71] : memref<100096x16xf32, #tpu.memory_space<vmem_shared>> -> memref<100096x16xf32, #tpu.memory_space<vmem_shared>>
    tpu.wait_indirect_dma semaphore(%arg20 : memref<!tpu.dma_semaphore, #tpu.memory_space<semaphore_mem>>) src(%dma_wait3A_66 : memref<512x16xf32, #tpu.memory_space<vmem>>) dst(%dma_wait3A_72 : memref<100096x16xf32, #tpu.memory_space<vmem_shared>>)
    %dma_wait3A_73 = arith.constant 0 : i32
    %dma_wait3A_74 = tpu.memref_slice %arg2[%dma_wait3A_73, %mul3A_0] : memref<2x1639936xi32, #tpu.memory_space<hbm>> -> memref<2x512xi32, #tpu.memory_space<hbm>>
    %dma_wait3A_75 = arith.constant 0 : i32
    %dma_wait3A_76 = tpu.memref_slice %arg2[%dma_wait3A_75, %mul3A_0] : memref<2x1639936xi32, #tpu.memory_space<hbm>> -> memref<2x512xi32, #tpu.memory_space<hbm>>
    tpu.wait_dma2 semaphore(%arg13 : memref<!tpu.dma_semaphore, #tpu.memory_space<semaphore_mem>>) src(%dma_wait3A_76 : memref<2x512xi32, #tpu.memory_space<hbm>>) dst(%arg5 : memref<2x512xi32, #tpu.memory_space<vmem>>)
    %dma_wait3A_77 = arith.constant 0 : i32
    %dma_wait3A_78 = tpu.memref_slice %arg2[%dma_wait3A_77, %mul3A_0] : memref<2x1639936xi32, #tpu.memory_space<hbm>> -> memref<2x512xi32, #tpu.memory_space<hbm>>
    %dma_wait3A_79 = arith.constant 0 : i32
    %dma_wait3A_80 = tpu.memref_slice %arg2[%dma_wait3A_79, %mul3A_0] : memref<2x1639936xi32, #tpu.memory_space<hbm>> -> memref<2x512xi32, #tpu.memory_space<hbm>>
    tpu.wait_dma2 semaphore(%arg14 : memref<!tpu.dma_semaphore, #tpu.memory_space<semaphore_mem>>) src(%dma_wait3A_80 : memref<2x512xi32, #tpu.memory_space<hbm>>) dst(%arg6 : memref<2x512xi32, #tpu.memory_space<vmem>>)
    %dma_wait3A_81 = arith.constant 0 : i32
    %dma_wait3A_82 = tpu.memref_slice %arg2[%dma_wait3A_81, %mul3A_0] : memref<2x1639936xi32, #tpu.memory_space<hbm>> -> memref<2x512xi32, #tpu.memory_space<hbm>>
    %dma_wait3A_83 = arith.constant 0 : i32
    %dma_wait3A_84 = tpu.memref_slice %arg2[%dma_wait3A_83, %mul3A_0] : memref<2x1639936xi32, #tpu.memory_space<hbm>> -> memref<2x512xi32, #tpu.memory_space<hbm>>
    tpu.wait_dma2 semaphore(%arg15 : memref<!tpu.dma_semaphore, #tpu.memory_space<semaphore_mem>>) src(%dma_wait3A_84 : memref<2x512xi32, #tpu.memory_space<hbm>>) dst(%arg7 : memref<2x512xi32, #tpu.memory_space<vmem>>)
    %barrier3A_85 = arith.constant 0 : index
    tpu.barrier barrier_id(%barrier3A_85)
    %lt3A = arith.constant 15 : i32
    %lt3A_86 = arith.cmpi slt, %arg1, %lt3A : i32
    %convert_element_type3A = arith.extui %lt3A_86 : i1 to i32
    %cond3A = arith.constant 0 : i32
    %cond3A_87 = arith.cmpi ne, %convert_element_type3A, %cond3A : i32
    scf.if %cond3A_87 {
      %mul3A_92 = arith.constant 6256 : i32
      %mul3A_93 = arith.muli %arg1, %mul3A_92 : i32
      %mul3A_94 = arith.constant 6256 : i32
      %mul3A_95 = arith.muli %arg1, %mul3A_94 : i32
      %mul3A_96 = arith.constant 16 : i32
      %mul3A_97 = arith.muli %arg0, %mul3A_96 : i32
      "tpu.region"() ({
        %run_scoped3A = tpu.sem_alloc : memref<!tpu.dma_semaphore, #tpu.memory_space<semaphore_mem>>
        %dma_start3A_98 = tpu.memref_slice %arg4[%mul3A_95, %mul3A_97] : memref<100000x32xf32, #tpu.memory_space<hbm>> -> memref<6256x16xf32, #tpu.memory_space<hbm>>
        %dma_start3A_99 = arith.constant 0 : i32
        %dma_start3A_100 = tpu.memref_slice %arg21[%mul3A_93, %dma_start3A_99] : memref<100096x16xf32, #tpu.memory_space<vmem_shared>> -> memref<6256x16xf32, #tpu.memory_space<vmem_shared>>
        tpu.enqueue_dma source(%dma_start3A_100 : memref<6256x16xf32, #tpu.memory_space<vmem_shared>>) target(%dma_start3A_98 : memref<6256x16xf32, #tpu.memory_space<hbm>>) target_semaphore(%run_scoped3A : memref<!tpu.dma_semaphore, #tpu.memory_space<semaphore_mem>>)
        %dma_wait3A_101 = tpu.memref_slice %arg4[%mul3A_95, %mul3A_97] : memref<100000x32xf32, #tpu.memory_space<hbm>> -> memref<6256x16xf32, #tpu.memory_space<hbm>>
        %dma_wait3A_102 = arith.constant 0 : i32
        %dma_wait3A_103 = tpu.memref_slice %arg21[%mul3A_93, %dma_wait3A_102] : memref<100096x16xf32, #tpu.memory_space<vmem_shared>> -> memref<6256x16xf32, #tpu.memory_space<vmem_shared>>
        tpu.wait_dma2 semaphore(%run_scoped3A : memref<!tpu.dma_semaphore, #tpu.memory_space<semaphore_mem>>) src(%dma_wait3A_103 : memref<6256x16xf32, #tpu.memory_space<vmem_shared>>) dst(%dma_wait3A_101 : memref<6256x16xf32, #tpu.memory_space<hbm>>)
        tpu.yield
      }) : () -> ()
    } else {
    }
    %eq3A = arith.constant 15 : i32
    %eq3A_88 = arith.cmpi eq, %arg1, %eq3A : i32
    %convert_element_type3A_89 = arith.extui %eq3A_88 : i1 to i32
    %cond3A_90 = arith.constant 0 : i32
    %cond3A_91 = arith.cmpi ne, %convert_element_type3A_89, %cond3A_90 : i32
    scf.if %cond3A_91 {
      %mul3A_92 = arith.constant 16 : i32
      %mul3A_93 = arith.muli %arg0, %mul3A_92 : i32
      "tpu.region"() ({
        %run_scoped3A = tpu.sem_alloc : memref<!tpu.dma_semaphore, #tpu.memory_space<semaphore_mem>>
        %dma_start3A_94 = arith.constant 93840 : i32
        %dma_start3A_95 = tpu.memref_slice %arg4[%dma_start3A_94, %mul3A_93] : memref<100000x32xf32, #tpu.memory_space<hbm>> -> memref<6160x16xf32, #tpu.memory_space<hbm>>
        %dma_start3A_96 = arith.constant 93840 : i32
        %dma_start3A_97 = arith.constant 0 : i32
        %dma_start3A_98 = tpu.memref_slice %arg21[%dma_start3A_96, %dma_start3A_97] : memref<100096x16xf32, #tpu.memory_space<vmem_shared>> -> memref<6160x16xf32, #tpu.memory_space<vmem_shared>>
        tpu.enqueue_dma source(%dma_start3A_98 : memref<6160x16xf32, #tpu.memory_space<vmem_shared>>) target(%dma_start3A_95 : memref<6160x16xf32, #tpu.memory_space<hbm>>) target_semaphore(%run_scoped3A : memref<!tpu.dma_semaphore, #tpu.memory_space<semaphore_mem>>)
        %dma_wait3A_99 = arith.constant 93840 : i32
        %dma_wait3A_100 = tpu.memref_slice %arg4[%dma_wait3A_99, %mul3A_93] : memref<100000x32xf32, #tpu.memory_space<hbm>> -> memref<6160x16xf32, #tpu.memory_space<hbm>>
        %dma_wait3A_101 = arith.constant 93840 : i32
        %dma_wait3A_102 = arith.constant 0 : i32
        %dma_wait3A_103 = tpu.memref_slice %arg21[%dma_wait3A_101, %dma_wait3A_102] : memref<100096x16xf32, #tpu.memory_space<vmem_shared>> -> memref<6160x16xf32, #tpu.memory_space<vmem_shared>>
        tpu.wait_dma2 semaphore(%run_scoped3A : memref<!tpu.dma_semaphore, #tpu.memory_space<semaphore_mem>>) src(%dma_wait3A_103 : memref<6160x16xf32, #tpu.memory_space<vmem_shared>>) dst(%dma_wait3A_100 : memref<6160x16xf32, #tpu.memory_space<hbm>>)
        tpu.yield
      }) : () -> ()
    } else {
    }
    return
  }
}

#map = affine_map<(d0, d1) -> (0, 0)>
module attributes {stable_mosaic.version = 14 : i64} {
  func.func @push(%arg0: i32, %arg1: i32, %arg2: memref<2x1639936xi32, #tpu.memory_space<hbm>>, %arg3: memref<200000x16xf32, #tpu.memory_space<hbm>>, %arg4: memref<100000x32xf32, #tpu.memory_space<hbm>>, %arg5: memref<2x512xi32, #tpu.memory_space<vmem>>, %arg6: memref<2x512xi32, #tpu.memory_space<vmem>>, %arg7: memref<2x512xi32, #tpu.memory_space<vmem>>, %arg8: memref<2x512xi32, #tpu.memory_space<vmem>>, %arg9: memref<1x512xi32, #tpu.memory_space<vmem>>, %arg10: memref<1x512xi32, #tpu.memory_space<vmem>>, %arg11: memref<512x16xf32, #tpu.memory_space<vmem>>, %arg12: memref<512x16xf32, #tpu.memory_space<vmem>>, %arg13: memref<!tpu.dma_semaphore, #tpu.memory_space<semaphore_mem>>, %arg14: memref<!tpu.dma_semaphore, #tpu.memory_space<semaphore_mem>>, %arg15: memref<!tpu.dma_semaphore, #tpu.memory_space<semaphore_mem>>, %arg16: memref<!tpu.dma_semaphore, #tpu.memory_space<semaphore_mem>>, %arg17: memref<!tpu.dma_semaphore, #tpu.memory_space<semaphore_mem>>, %arg18: memref<!tpu.dma_semaphore, #tpu.memory_space<semaphore_mem>>, %arg19: memref<!tpu.dma_semaphore, #tpu.memory_space<semaphore_mem>>, %arg20: memref<!tpu.dma_semaphore, #tpu.memory_space<semaphore_mem>>, %arg21: memref<100096x16xf32, #tpu.memory_space<vmem_shared>>) attributes {dimension_semantics = [#tpu.dimension_semantics<core_parallel>, #tpu.dimension_semantics<subcore_parallel>], iteration_bounds = array<i64: 2, 16>, scalar_prefetch = 0 : i64, scratch_operands = 17 : i64, tpu.core_type = #tpu.core_type<sc_vector_subcore>, window_params = [{transform_indices = #map}, {transform_indices = #map}, {transform_indices = #map}]} {
    %mul3A = arith.constant 102400 : i32
    %mul3A_0 = arith.muli %arg1, %mul3A : i32
    %dma_start3A = arith.constant 0 : i32
    %dma_start3A_1 = tpu.memref_slice %arg2[%dma_start3A, %mul3A_0] : memref<2x1639936xi32, #tpu.memory_space<hbm>> -> memref<2x512xi32, #tpu.memory_space<hbm>>
    %dma_start3A_2 = arith.constant 0 : i32
    %dma_start3A_3 = tpu.memref_slice %arg2[%dma_start3A_2, %mul3A_0] : memref<2x1639936xi32, #tpu.memory_space<hbm>> -> memref<2x512xi32, #tpu.memory_space<hbm>>
    tpu.enqueue_dma source(%dma_start3A_3 : memref<2x512xi32, #tpu.memory_space<hbm>>) target(%arg5 : memref<2x512xi32, #tpu.memory_space<vmem>>) target_semaphore(%arg13 : memref<!tpu.dma_semaphore, #tpu.memory_space<semaphore_mem>>)
    %add3A = arith.constant 512 : i32
    %add3A_4 = arith.addi %mul3A_0, %add3A : i32
    %dma_start3A_5 = arith.constant 0 : i32
    %dma_start3A_6 = tpu.memref_slice %arg2[%dma_start3A_5, %add3A_4] : memref<2x1639936xi32, #tpu.memory_space<hbm>> -> memref<2x512xi32, #tpu.memory_space<hbm>>
    %dma_start3A_7 = arith.constant 0 : i32
    %dma_start3A_8 = tpu.memref_slice %arg2[%dma_start3A_7, %add3A_4] : memref<2x1639936xi32, #tpu.memory_space<hbm>> -> memref<2x512xi32, #tpu.memory_space<hbm>>
    tpu.enqueue_dma source(%dma_start3A_8 : memref<2x512xi32, #tpu.memory_space<hbm>>) target(%arg6 : memref<2x512xi32, #tpu.memory_space<vmem>>) target_semaphore(%arg14 : memref<!tpu.dma_semaphore, #tpu.memory_space<semaphore_mem>>)
    %add3A_9 = arith.constant 1024 : i32
    %add3A_10 = arith.addi %mul3A_0, %add3A_9 : i32
    %dma_start3A_11 = arith.constant 0 : i32
    %dma_start3A_12 = tpu.memref_slice %arg2[%dma_start3A_11, %add3A_10] : memref<2x1639936xi32, #tpu.memory_space<hbm>> -> memref<2x512xi32, #tpu.memory_space<hbm>>
    %dma_start3A_13 = arith.constant 0 : i32
    %dma_start3A_14 = tpu.memref_slice %arg2[%dma_start3A_13, %add3A_10] : memref<2x1639936xi32, #tpu.memory_space<hbm>> -> memref<2x512xi32, #tpu.memory_space<hbm>>
    tpu.enqueue_dma source(%dma_start3A_14 : memref<2x512xi32, #tpu.memory_space<hbm>>) target(%arg7 : memref<2x512xi32, #tpu.memory_space<vmem>>) target_semaphore(%arg15 : memref<!tpu.dma_semaphore, #tpu.memory_space<semaphore_mem>>)
    %broadcast_in_dim3A = arith.constant 0.000000e+00 : f32
    %broadcast_in_dim3A_15 = vector.broadcast %broadcast_in_dim3A : f32 to vector<16xf32>
    %scan3A = arith.constant 0 : i32
    %scan3A_16 = arith.constant 512 : i32
    %scan3A_17 = arith.addi %scan3A, %scan3A_16 : i32
    %scan3A_18 = arith.constant 1 : i32
    scf.for %scan3A_92 = %scan3A to %scan3A_17 step %scan3A_18  : i32 {
      %mul3A_93 = arith.constant 1 : i32
      %mul3A_94 = arith.muli %scan3A_92, %mul3A_93 : i32
      %add3A_95 = arith.constant 0 : i32
      %add3A_96 = arith.addi %add3A_95, %mul3A_94 : i32
      %swap3A = arith.index_cast %add3A_96 : i32 to index
      %swap3A_97 = arith.constant 0 : index
      %swap3A_98 = tpu.vector_load %arg11[%swap3A, %swap3A_97] {strides = array<i32>} : memref<512x16xf32, #tpu.memory_space<vmem>>, vector<1x16xf32>,
      %swap3A_99 = vector.shape_cast %swap3A_98 : vector<1x16xf32> to vector<16xf32>
      %swap3A_100 = vector.shape_cast %broadcast_in_dim3A_15 : vector<16xf32> to vector<1x16xf32>
      tpu.vector_store %arg11[%swap3A, %swap3A_97], %swap3A_100 {strides = array<i32>} : memref<512x16xf32, #tpu.memory_space<vmem>>, vector<1x16xf32>,
    }
    %scan3A_19 = arith.constant 512 : i32
    %mul3A_20 = arith.constant 6256 : i32
    %mul3A_21 = arith.muli %arg1, %mul3A_20 : i32
    %scan3A_22 = arith.constant 0 : i32
    %scan3A_23 = arith.constant 12 : i32
    %scan3A_24 = arith.addi %scan3A_22, %scan3A_23 : i32
    %scan3A_25 = arith.constant 1 : i32
    scf.for %scan3A_92 = %scan3A_22 to %scan3A_24 step %scan3A_25  : i32 {
      %mul3A_93 = arith.constant 1 : i32
      %mul3A_94 = arith.muli %scan3A_92, %mul3A_93 : i32
      %add3A_95 = arith.constant 0 : i32
      %add3A_96 = arith.addi %add3A_95, %mul3A_94 : i32
      %mul3A_97 = arith.constant 512 : i32
      %mul3A_98 = arith.muli %add3A_96, %mul3A_97 : i32
      %add3A_99 = arith.addi %mul3A_21, %mul3A_98 : i32
      "tpu.region"() ({
        %run_scoped3A = tpu.sem_alloc : memref<!tpu.dma_semaphore, #tpu.memory_space<semaphore_mem>>
        %dma_start3A_100 = arith.constant 0 : i32
        %dma_start3A_101 = tpu.memref_slice %arg21[%add3A_99, %dma_start3A_100] : memref<100096x16xf32, #tpu.memory_space<vmem_shared>> -> memref<512x16xf32, #tpu.memory_space<vmem_shared>>
        %dma_start3A_102 = arith.constant 0 : i32
        %dma_start3A_103 = tpu.memref_slice %arg21[%add3A_99, %dma_start3A_102] : memref<100096x16xf32, #tpu.memory_space<vmem_shared>> -> memref<512x16xf32, #tpu.memory_space<vmem_shared>>
        tpu.enqueue_dma source(%arg11 : memref<512x16xf32, #tpu.memory_space<vmem>>) target(%dma_start3A_103 : memref<512x16xf32, #tpu.memory_space<vmem_shared>>) target_semaphore(%run_scoped3A : memref<!tpu.dma_semaphore, #tpu.memory_space<semaphore_mem>>)
        %dma_wait3A_104 = arith.constant 0 : i32
        %dma_wait3A_105 = tpu.memref_slice %arg21[%add3A_99, %dma_wait3A_104] : memref<100096x16xf32, #tpu.memory_space<vmem_shared>> -> memref<512x16xf32, #tpu.memory_space<vmem_shared>>
        %dma_wait3A_106 = arith.constant 0 : i32
        %dma_wait3A_107 = tpu.memref_slice %arg21[%add3A_99, %dma_wait3A_106] : memref<100096x16xf32, #tpu.memory_space<vmem_shared>> -> memref<512x16xf32, #tpu.memory_space<vmem_shared>>
        tpu.wait_dma2 semaphore(%run_scoped3A : memref<!tpu.dma_semaphore, #tpu.memory_space<semaphore_mem>>) src(%arg11 : memref<512x16xf32, #tpu.memory_space<vmem>>) dst(%dma_wait3A_107 : memref<512x16xf32, #tpu.memory_space<vmem_shared>>)
        tpu.yield
      }) : () -> ()
    }
    %scan3A_26 = arith.constant 12 : i32
    %add3A_27 = arith.constant 6144 : i32
    %add3A_28 = arith.addi %mul3A_21, %add3A_27 : i32
    "tpu.region"() ({
      %run_scoped3A = tpu.sem_alloc : memref<!tpu.dma_semaphore, #tpu.memory_space<semaphore_mem>>
      %dma_start3A_92 = arith.constant 0 : i32
      %dma_start3A_93 = arith.constant 0 : i32
      %dma_start3A_94 = tpu.memref_slice %arg11[%dma_start3A_92, %dma_start3A_93] : memref<512x16xf32, #tpu.memory_space<vmem>> -> memref<112x16xf32, #tpu.memory_space<vmem>>
      %dma_start3A_95 = arith.constant 0 : i32
      %dma_start3A_96 = tpu.memref_slice %arg21[%add3A_28, %dma_start3A_95] : memref<100096x16xf32, #tpu.memory_space<vmem_shared>> -> memref<112x16xf32, #tpu.memory_space<vmem_shared>>
      %dma_start3A_97 = arith.constant 0 : i32
      %dma_start3A_98 = tpu.memref_slice %arg21[%add3A_28, %dma_start3A_97] : memref<100096x16xf32, #tpu.memory_space<vmem_shared>> -> memref<112x16xf32, #tpu.memory_space<vmem_shared>>
      %dma_start3A_99 = arith.constant 0 : i32
      %dma_start3A_100 = arith.constant 0 : i32
      %dma_start3A_101 = tpu.memref_slice %arg11[%dma_start3A_99, %dma_start3A_100] : memref<512x16xf32, #tpu.memory_space<vmem>> -> memref<112x16xf32, #tpu.memory_space<vmem>>
      tpu.enqueue_dma source(%dma_start3A_101 : memref<112x16xf32, #tpu.memory_space<vmem>>) target(%dma_start3A_98 : memref<112x16xf32, #tpu.memory_space<vmem_shared>>) target_semaphore(%run_scoped3A : memref<!tpu.dma_semaphore, #tpu.memory_space<semaphore_mem>>)
      %dma_wait3A_102 = arith.constant 0 : i32
      %dma_wait3A_103 = arith.constant 0 : i32
      %dma_wait3A_104 = tpu.memref_slice %arg11[%dma_wait3A_102, %dma_wait3A_103] : memref<512x16xf32, #tpu.memory_space<vmem>> -> memref<112x16xf32, #tpu.memory_space<vmem>>
      %dma_wait3A_105 = arith.constant 0 : i32
      %dma_wait3A_106 = tpu.memref_slice %arg21[%add3A_28, %dma_wait3A_105] : memref<100096x16xf32, #tpu.memory_space<vmem_shared>> -> memref<112x16xf32, #tpu.memory_space<vmem_shared>>
      %dma_wait3A_107 = arith.constant 0 : i32
      %dma_wait3A_108 = tpu.memref_slice %arg21[%add3A_28, %dma_wait3A_107] : memref<100096x16xf32, #tpu.memory_space<vmem_shared>> -> memref<112x16xf32, #tpu.memory_space<vmem_shared>>
      %dma_wait3A_109 = arith.constant 0 : i32
      %dma_wait3A_110 = arith.constant 0 : i32
      %dma_wait3A_111 = tpu.memref_slice %arg11[%dma_wait3A_109, %dma_wait3A_110] : memref<512x16xf32, #tpu.memory_space<vmem>> -> memref<112x16xf32, #tpu.memory_space<vmem>>
      tpu.wait_dma2 semaphore(%run_scoped3A : memref<!tpu.dma_semaphore, #tpu.memory_space<semaphore_mem>>) src(%dma_wait3A_111 : memref<112x16xf32, #tpu.memory_space<vmem>>) dst(%dma_wait3A_108 : memref<112x16xf32, #tpu.memory_space<vmem_shared>>)
      tpu.yield
    }) : () -> ()
    %barrier3A = arith.constant 0 : index
    tpu.barrier barrier_id(%barrier3A)
    %scan3A_29 = arith.constant 0 : i32
    %scan3A_30 = arith.constant 50 : i32
    %scan3A_31 = arith.addi %scan3A_29, %scan3A_30 : i32
    %scan3A_32 = arith.constant 1 : i32
    scf.for %scan3A_92 = %scan3A_29 to %scan3A_31 step %scan3A_32  : i32 {
      %mul3A_93 = arith.constant 1 : i32
      %mul3A_94 = arith.muli %scan3A_92, %mul3A_93 : i32
      %add3A_95 = arith.constant 0 : i32
      %add3A_96 = arith.addi %add3A_95, %mul3A_94 : i32
      %mul3A_97 = arith.constant 4 : i32
      %mul3A_98 = arith.muli %mul3A_97, %add3A_96 : i32
      %dma_wait3A_99 = arith.constant 0 : i32
      %dma_wait3A_100 = tpu.memref_slice %arg2[%dma_wait3A_99, %mul3A_0] : memref<2x1639936xi32, #tpu.memory_space<hbm>> -> memref<2x512xi32, #tpu.memory_space<hbm>>
      %dma_wait3A_101 = arith.constant 0 : i32
      %dma_wait3A_102 = tpu.memref_slice %arg2[%dma_wait3A_101, %mul3A_0] : memref<2x1639936xi32, #tpu.memory_space<hbm>> -> memref<2x512xi32, #tpu.memory_space<hbm>>
      tpu.wait_dma2 semaphore(%arg13 : memref<!tpu.dma_semaphore, #tpu.memory_space<semaphore_mem>>) src(%dma_wait3A_102 : memref<2x512xi32, #tpu.memory_space<hbm>>) dst(%arg5 : memref<2x512xi32, #tpu.memory_space<vmem>>)
      %ge3A = arith.constant 1 : i32
      %ge3A_103 = arith.cmpi sge, %add3A_96, %ge3A : i32
      %convert_element_type3A_104 = arith.extui %ge3A_103 : i1 to i32
      %cond3A_105 = arith.constant 0 : i32
      %cond3A_106 = arith.cmpi ne, %convert_element_type3A_104, %cond3A_105 : i32
      scf.if %cond3A_106 {
        %dma_wait3A_313 = arith.constant 0 : i32
        %dma_wait3A_314 = arith.constant 0 : i32
        %dma_wait3A_315 = arith.constant 0 : i32
        %dma_wait3A_316 = tpu.memref_slice %arg11[%dma_wait3A_314, %dma_wait3A_315] : memref<512x16xf32, #tpu.memory_space<vmem>> -> memref<512x16xf32, #tpu.memory_space<vmem>>
        %dma_wait3A_317 = arith.constant 0 : i32
        %dma_wait3A_318 = tpu.memref_slice %arg9[%dma_wait3A_313, %dma_wait3A_317] : memref<1x512xi32, #tpu.memory_space<vmem>> -> memref<1x512xi32, #tpu.memory_space<vmem>>
        %dma_wait3A_319 = tpu.memref_squeeze %dma_wait3A_318 : memref<1x512xi32, #tpu.memory_space<vmem>> -> memref<512xi32, #tpu.memory_space<vmem>>
        %dma_wait3A_320 = arith.constant 0 : i32
        %dma_wait3A_321 = arith.constant 0 : i32
        %dma_wait3A_322 = tpu.memref_slice %arg21[%dma_wait3A_320, %dma_wait3A_321] : memref<100096x16xf32, #tpu.memory_space<vmem_shared>> -> memref<100096x16xf32, #tpu.memory_space<vmem_shared>>
        tpu.wait_indirect_dma semaphore(%arg19 : memref<!tpu.dma_semaphore, #tpu.memory_space<semaphore_mem>>) src(%dma_wait3A_316 : memref<512x16xf32, #tpu.memory_space<vmem>>) dst(%dma_wait3A_322 : memref<100096x16xf32, #tpu.memory_space<vmem_shared>>)
      } else {
      }
      %scan3A_107 = arith.constant 0 : i32
      %scan3A_108 = arith.constant 32 : i32
      %scan3A_109 = arith.addi %scan3A_107, %scan3A_108 : i32
      %scan3A_110 = arith.constant 1 : i32
      scf.for %scan3A_313 = %scan3A_107 to %scan3A_109 step %scan3A_110  : i32 {
        %mul3A_314 = arith.constant 1 : i32
        %mul3A_315 = arith.muli %scan3A_313, %mul3A_314 : i32
        %add3A_316 = arith.constant 0 : i32
        %add3A_317 = arith.addi %add3A_316, %mul3A_315 : i32
        %mul3A_318 = arith.constant 16 : i32
        %mul3A_319 = arith.muli %add3A_317, %mul3A_318 : i32
        %get3A = arith.constant 0 : i32
        %get3A_320 = arith.index_cast %get3A : i32 to index
        %get3A_321 = arith.index_cast %mul3A_319 : i32 to index
        %get3A_322 = tpu.vector_load %arg5[%get3A_320, %get3A_321] {strides = array<i32>} : memref<2x512xi32, #tpu.memory_space<vmem>>, vector<1x16xi32>,
        %get3A_323 = vector.shape_cast %get3A_322 : vector<1x16xi32> to vector<16xi32>
        %add3A_324 = arith.addi %get3A_323, %get3A_323 : vector<16xi32>
        %add3A_325 = vector.broadcast %arg0 : i32 to vector<16xi32>
        %add3A_326 = arith.addi %add3A_324, %add3A_325 : vector<16xi32>
        %mul3A_327 = arith.constant 16 : i32
        %mul3A_328 = arith.muli %add3A_317, %mul3A_327 : i32
        %swap3A = arith.constant 0 : i32
        %swap3A_329 = arith.index_cast %swap3A : i32 to index
        %swap3A_330 = arith.index_cast %mul3A_328 : i32 to index
        %swap3A_331 = tpu.vector_load %arg5[%swap3A_329, %swap3A_330] {strides = array<i32>} : memref<2x512xi32, #tpu.memory_space<vmem>>, vector<1x16xi32>,
        %swap3A_332 = vector.shape_cast %swap3A_331 : vector<1x16xi32> to vector<16xi32>
        %swap3A_333 = vector.shape_cast %add3A_326 : vector<16xi32> to vector<1x16xi32>
        tpu.vector_store %arg5[%swap3A_329, %swap3A_330], %swap3A_333 {strides = array<i32>} : memref<2x512xi32, #tpu.memory_space<vmem>>, vector<1x16xi32>,
        %mul3A_334 = arith.constant 16 : i32
        %mul3A_335 = arith.muli %add3A_317, %mul3A_334 : i32
        %get3A_336 = arith.constant 1 : i32
        %get3A_337 = arith.index_cast %get3A_336 : i32 to index
        %get3A_338 = arith.index_cast %mul3A_335 : i32 to index
        %get3A_339 = tpu.vector_load %arg5[%get3A_337, %get3A_338] {strides = array<i32>} : memref<2x512xi32, #tpu.memory_space<vmem>>, vector<1x16xi32>,
        %get3A_340 = vector.shape_cast %get3A_339 : vector<1x16xi32> to vector<16xi32>
        %mul3A_341 = arith.constant 16 : i32
        %mul3A_342 = arith.muli %add3A_317, %mul3A_341 : i32
        %jit3A = arith.constant 512 : i32
        %div3A = arith.divsi %mul3A_342, %jit3A : i32
        %sign3A = arith.constant 0 : i32
        %sign3A_343 = arith.cmpi sgt, %mul3A_342, %sign3A : i32
        %sign3A_344 = arith.extui %sign3A_343 : i1 to i32
        %sign3A_345 = arith.constant 0 : i32
        %sign3A_346 = arith.cmpi slt, %mul3A_342, %sign3A_345 : i32
        %sign3A_347 = arith.extui %sign3A_346 : i1 to i32
        %sign3A_348 = arith.subi %sign3A_344, %sign3A_347 : i32
        %sign3A_349 = arith.constant 0 : i32
        %sign3A_350 = arith.cmpi sgt, %jit3A, %sign3A_349 : i32
        %sign3A_351 = arith.extui %sign3A_350 : i1 to i32
        %sign3A_352 = arith.constant 0 : i32
        %sign3A_353 = arith.cmpi slt, %jit3A, %sign3A_352 : i32
        %sign3A_354 = arith.extui %sign3A_353 : i1 to i32
        %sign3A_355 = arith.subi %sign3A_351, %sign3A_354 : i32
        %ne3A = arith.cmpi ne, %sign3A_348, %sign3A_355 : i32
        %rem3A = arith.remsi %mul3A_342, %jit3A : i32
        %ne3A_356 = arith.constant 0 : i32
        %ne3A_357 = arith.cmpi ne, %rem3A, %ne3A_356 : i32
        %and3A = arith.andi %ne3A, %ne3A_357 : i1
        %sub3A = arith.constant 1 : i32
        %sub3A_358 = arith.subi %div3A, %sub3A : i32
        %select_n3A = arith.select %and3A, %sub3A_358, %div3A : i32
        %mul3A_359 = arith.constant 16 : i32
        %mul3A_360 = arith.muli %add3A_317, %mul3A_359 : i32
        %jit3A_361 = arith.constant 512 : i32
        %eq3A_362 = arith.constant 0 : i32
        %eq3A_363 = arith.cmpi eq, %jit3A_361, %eq3A_362 : i32
        %jit3A_364 = arith.constant 1 : i32
        %select_n3A_365 = arith.select %eq3A_363, %jit3A_364, %jit3A_361 : i32
        %rem3A_366 = arith.remsi %mul3A_360, %select_n3A_365 : i32
        %ne3A_367 = arith.constant 0 : i32
        %ne3A_368 = arith.cmpi ne, %rem3A_366, %ne3A_367 : i32
        %lt3A_369 = arith.constant 0 : i32
        %lt3A_370 = arith.cmpi slt, %rem3A_366, %lt3A_369 : i32
        %lt3A_371 = arith.constant 0 : i32
        %lt3A_372 = arith.cmpi slt, %select_n3A_365, %lt3A_371 : i32
        %ne3A_373 = arith.xori %lt3A_370, %lt3A_372 : i1
        %and3A_374 = arith.andi %ne3A_373, %ne3A_368 : i1
        %add3A_375 = arith.addi %rem3A_366, %select_n3A_365 : i32
        %select_n3A_376 = arith.select %and3A_374, %add3A_375, %rem3A_366 : i32
        %swap3A_377 = arith.index_cast %select_n3A : i32 to index
        %swap3A_378 = arith.index_cast %select_n3A_376 : i32 to index
        %swap3A_379 = tpu.vector_load %arg9[%swap3A_377, %swap3A_378] {strides = array<i32>} : memref<1x512xi32, #tpu.memory_space<vmem>>, vector<1x16xi32>,
        %swap3A_380 = vector.shape_cast %swap3A_379 : vector<1x16xi32> to vector<16xi32>
        %swap3A_381 = vector.shape_cast %get3A_340 : vector<16xi32> to vector<1x16xi32>
        tpu.vector_store %arg9[%swap3A_377, %swap3A_378], %swap3A_381 {strides = array<i32>} : memref<1x512xi32, #tpu.memory_space<vmem>>, vector<1x16xi32>,
      }
      %scan3A_111 = arith.constant 32 : i32
      %dma_start3A_112 = arith.constant 0 : i32
      %dma_start3A_113 = arith.constant 0 : i32
      %dma_start3A_114 = arith.constant 0 : i32
      %dma_start3A_115 = tpu.memref_slice %arg11[%dma_start3A_113, %dma_start3A_114] : memref<512x16xf32, #tpu.memory_space<vmem>> -> memref<512x16xf32, #tpu.memory_space<vmem>>
      %dma_start3A_116 = arith.constant 0 : i32
      %dma_start3A_117 = tpu.memref_slice %arg5[%dma_start3A_112, %dma_start3A_116] : memref<2x512xi32, #tpu.memory_space<vmem>> -> memref<1x512xi32, #tpu.memory_space<vmem>>
      %dma_start3A_118 = tpu.memref_squeeze %dma_start3A_117 : memref<1x512xi32, #tpu.memory_space<vmem>> -> memref<512xi32, #tpu.memory_space<vmem>>
      %dma_start3A_119 = arith.constant 0 : i32
      %dma_start3A_120 = arith.constant 0 : i32
      %dma_start3A_121 = tpu.memref_slice %arg3[%dma_start3A_119, %dma_start3A_120] : memref<200000x16xf32, #tpu.memory_space<hbm>> -> memref<200000x16xf32, #tpu.memory_space<hbm>>
      tpu.enqueue_indirect_dma source(%dma_start3A_121 : memref<200000x16xf32, #tpu.memory_space<hbm>>) target(%dma_start3A_115 : memref<512x16xf32, #tpu.memory_space<vmem>>) offsets(%dma_start3A_118 : memref<512xi32, #tpu.memory_space<vmem>>) semaphore(%arg17 : memref<!tpu.dma_semaphore, #tpu.memory_space<semaphore_mem>>)
      %ge3A_122 = arith.constant 1 : i32
      %ge3A_123 = arith.cmpi sge, %add3A_96, %ge3A_122 : i32
      %convert_element_type3A_124 = arith.extui %ge3A_123 : i1 to i32
      %cond3A_125 = arith.constant 0 : i32
      %cond3A_126 = arith.cmpi ne, %convert_element_type3A_124, %cond3A_125 : i32
      scf.if %cond3A_126 {
        %dma_wait3A_313 = arith.constant 0 : i32
        %dma_wait3A_314 = arith.constant 0 : i32
        %dma_wait3A_315 = arith.constant 0 : i32
        %dma_wait3A_316 = tpu.memref_slice %arg12[%dma_wait3A_314, %dma_wait3A_315] : memref<512x16xf32, #tpu.memory_space<vmem>> -> memref<512x16xf32, #tpu.memory_space<vmem>>
        %dma_wait3A_317 = arith.constant 0 : i32
        %dma_wait3A_318 = tpu.memref_slice %arg8[%dma_wait3A_313, %dma_wait3A_317] : memref<2x512xi32, #tpu.memory_space<vmem>> -> memref<1x512xi32, #tpu.memory_space<vmem>>
        %dma_wait3A_319 = tpu.memref_squeeze %dma_wait3A_318 : memref<1x512xi32, #tpu.memory_space<vmem>> -> memref<512xi32, #tpu.memory_space<vmem>>
        %dma_wait3A_320 = arith.constant 0 : i32
        %dma_wait3A_321 = arith.constant 0 : i32
        %dma_wait3A_322 = tpu.memref_slice %arg3[%dma_wait3A_320, %dma_wait3A_321] : memref<200000x16xf32, #tpu.memory_space<hbm>> -> memref<200000x16xf32, #tpu.memory_space<hbm>>
        tpu.wait_indirect_dma semaphore(%arg18 : memref<!tpu.dma_semaphore, #tpu.memory_space<semaphore_mem>>) src(%dma_wait3A_322 : memref<200000x16xf32, #tpu.memory_space<hbm>>) dst(%dma_wait3A_316 : memref<512x16xf32, #tpu.memory_space<vmem>>)
        %dma_start3A_323 = arith.constant 0 : i32
        %dma_start3A_324 = arith.constant 0 : i32
        %dma_start3A_325 = arith.constant 0 : i32
        %dma_start3A_326 = tpu.memref_slice %arg12[%dma_start3A_324, %dma_start3A_325] : memref<512x16xf32, #tpu.memory_space<vmem>> -> memref<512x16xf32, #tpu.memory_space<vmem>>
        %dma_start3A_327 = arith.constant 0 : i32
        %dma_start3A_328 = tpu.memref_slice %arg10[%dma_start3A_323, %dma_start3A_327] : memref<1x512xi32, #tpu.memory_space<vmem>> -> memref<1x512xi32, #tpu.memory_space<vmem>>
        %dma_start3A_329 = tpu.memref_squeeze %dma_start3A_328 : memref<1x512xi32, #tpu.memory_space<vmem>> -> memref<512xi32, #tpu.memory_space<vmem>>
        %dma_start3A_330 = arith.constant 0 : i32
        %dma_start3A_331 = arith.constant 0 : i32
        %dma_start3A_332 = tpu.memref_slice %arg21[%dma_start3A_330, %dma_start3A_331] : memref<100096x16xf32, #tpu.memory_space<vmem_shared>> -> memref<100096x16xf32, #tpu.memory_space<vmem_shared>>
        tpu.enqueue_indirect_dma source(%dma_start3A_326 : memref<512x16xf32, #tpu.memory_space<vmem>>) target(%dma_start3A_332 : memref<100096x16xf32, #tpu.memory_space<vmem_shared>>) offsets(%dma_start3A_329 : memref<512xi32, #tpu.memory_space<vmem>>) semaphore(%arg20 : memref<!tpu.dma_semaphore, #tpu.memory_space<semaphore_mem>>) {add = true}
      } else {
      }
      %add3A_127 = arith.constant 0 : i32
      %add3A_128 = arith.addi %mul3A_98, %add3A_127 : i32
      %add3A_129 = arith.constant 3 : i32
      %add3A_130 = arith.addi %add3A_128, %add3A_129 : i32
      %mul3A_131 = arith.constant 512 : i32
      %mul3A_132 = arith.muli %add3A_130, %mul3A_131 : i32
      %add3A_133 = arith.addi %mul3A_0, %mul3A_132 : i32
      %dma_start3A_134 = arith.constant 0 : i32
      %dma_start3A_135 = tpu.memref_slice %arg2[%dma_start3A_134, %add3A_133] : memref<2x1639936xi32, #tpu.memory_space<hbm>> -> memref<2x512xi32, #tpu.memory_space<hbm>>
      %dma_start3A_136 = arith.constant 0 : i32
      %dma_start3A_137 = tpu.memref_slice %arg2[%dma_start3A_136, %add3A_133] : memref<2x1639936xi32, #tpu.memory_space<hbm>> -> memref<2x512xi32, #tpu.memory_space<hbm>>
      tpu.enqueue_dma source(%dma_start3A_137 : memref<2x512xi32, #tpu.memory_space<hbm>>) target(%arg8 : memref<2x512xi32, #tpu.memory_space<vmem>>) target_semaphore(%arg16 : memref<!tpu.dma_semaphore, #tpu.memory_space<semaphore_mem>>)
      %dma_wait3A_138 = arith.constant 0 : i32
      %dma_wait3A_139 = tpu.memref_slice %arg2[%dma_wait3A_138, %mul3A_0] : memref<2x1639936xi32, #tpu.memory_space<hbm>> -> memref<2x512xi32, #tpu.memory_space<hbm>>
      %dma_wait3A_140 = arith.constant 0 : i32
      %dma_wait3A_141 = tpu.memref_slice %arg2[%dma_wait3A_140, %mul3A_0] : memref<2x1639936xi32, #tpu.memory_space<hbm>> -> memref<2x512xi32, #tpu.memory_space<hbm>>
      tpu.wait_dma2 semaphore(%arg14 : memref<!tpu.dma_semaphore, #tpu.memory_space<semaphore_mem>>) src(%dma_wait3A_141 : memref<2x512xi32, #tpu.memory_space<hbm>>) dst(%arg6 : memref<2x512xi32, #tpu.memory_space<vmem>>)
      %ge3A_142 = arith.constant 1 : i32
      %ge3A_143 = arith.cmpi sge, %add3A_96, %ge3A_142 : i32
      %convert_element_type3A_144 = arith.extui %ge3A_143 : i1 to i32
      %cond3A_145 = arith.constant 0 : i32
      %cond3A_146 = arith.cmpi ne, %convert_element_type3A_144, %cond3A_145 : i32
      scf.if %cond3A_146 {
        %dma_wait3A_313 = arith.constant 0 : i32
        %dma_wait3A_314 = arith.constant 0 : i32
        %dma_wait3A_315 = arith.constant 0 : i32
        %dma_wait3A_316 = tpu.memref_slice %arg12[%dma_wait3A_314, %dma_wait3A_315] : memref<512x16xf32, #tpu.memory_space<vmem>> -> memref<512x16xf32, #tpu.memory_space<vmem>>
        %dma_wait3A_317 = arith.constant 0 : i32
        %dma_wait3A_318 = tpu.memref_slice %arg10[%dma_wait3A_313, %dma_wait3A_317] : memref<1x512xi32, #tpu.memory_space<vmem>> -> memref<1x512xi32, #tpu.memory_space<vmem>>
        %dma_wait3A_319 = tpu.memref_squeeze %dma_wait3A_318 : memref<1x512xi32, #tpu.memory_space<vmem>> -> memref<512xi32, #tpu.memory_space<vmem>>
        %dma_wait3A_320 = arith.constant 0 : i32
        %dma_wait3A_321 = arith.constant 0 : i32
        %dma_wait3A_322 = tpu.memref_slice %arg21[%dma_wait3A_320, %dma_wait3A_321] : memref<100096x16xf32, #tpu.memory_space<vmem_shared>> -> memref<100096x16xf32, #tpu.memory_space<vmem_shared>>
        tpu.wait_indirect_dma semaphore(%arg20 : memref<!tpu.dma_semaphore, #tpu.memory_space<semaphore_mem>>) src(%dma_wait3A_316 : memref<512x16xf32, #tpu.memory_space<vmem>>) dst(%dma_wait3A_322 : memref<100096x16xf32, #tpu.memory_space<vmem_shared>>)
      } else {
      }
      %scan3A_147 = arith.constant 0 : i32
      %scan3A_148 = arith.constant 32 : i32
      %scan3A_149 = arith.addi %scan3A_147, %scan3A_148 : i32
      %scan3A_150 = arith.constant 1 : i32
      scf.for %scan3A_313 = %scan3A_147 to %scan3A_149 step %scan3A_150  : i32 {
        %mul3A_314 = arith.constant 1 : i32
        %mul3A_315 = arith.muli %scan3A_313, %mul3A_314 : i32
        %add3A_316 = arith.constant 0 : i32
        %add3A_317 = arith.addi %add3A_316, %mul3A_315 : i32
        %mul3A_318 = arith.constant 16 : i32
        %mul3A_319 = arith.muli %add3A_317, %mul3A_318 : i32
        %get3A = arith.constant 0 : i32
        %get3A_320 = arith.index_cast %get3A : i32 to index
        %get3A_321 = arith.index_cast %mul3A_319 : i32 to index
        %get3A_322 = tpu.vector_load %arg6[%get3A_320, %get3A_321] {strides = array<i32>} : memref<2x512xi32, #tpu.memory_space<vmem>>, vector<1x16xi32>,
        %get3A_323 = vector.shape_cast %get3A_322 : vector<1x16xi32> to vector<16xi32>
        %add3A_324 = arith.addi %get3A_323, %get3A_323 : vector<16xi32>
        %add3A_325 = vector.broadcast %arg0 : i32 to vector<16xi32>
        %add3A_326 = arith.addi %add3A_324, %add3A_325 : vector<16xi32>
        %mul3A_327 = arith.constant 16 : i32
        %mul3A_328 = arith.muli %add3A_317, %mul3A_327 : i32
        %swap3A = arith.constant 0 : i32
        %swap3A_329 = arith.index_cast %swap3A : i32 to index
        %swap3A_330 = arith.index_cast %mul3A_328 : i32 to index
        %swap3A_331 = tpu.vector_load %arg6[%swap3A_329, %swap3A_330] {strides = array<i32>} : memref<2x512xi32, #tpu.memory_space<vmem>>, vector<1x16xi32>,
        %swap3A_332 = vector.shape_cast %swap3A_331 : vector<1x16xi32> to vector<16xi32>
        %swap3A_333 = vector.shape_cast %add3A_326 : vector<16xi32> to vector<1x16xi32>
        tpu.vector_store %arg6[%swap3A_329, %swap3A_330], %swap3A_333 {strides = array<i32>} : memref<2x512xi32, #tpu.memory_space<vmem>>, vector<1x16xi32>,
        %mul3A_334 = arith.constant 16 : i32
        %mul3A_335 = arith.muli %add3A_317, %mul3A_334 : i32
        %get3A_336 = arith.constant 1 : i32
        %get3A_337 = arith.index_cast %get3A_336 : i32 to index
        %get3A_338 = arith.index_cast %mul3A_335 : i32 to index
        %get3A_339 = tpu.vector_load %arg6[%get3A_337, %get3A_338] {strides = array<i32>} : memref<2x512xi32, #tpu.memory_space<vmem>>, vector<1x16xi32>,
        %get3A_340 = vector.shape_cast %get3A_339 : vector<1x16xi32> to vector<16xi32>
        %mul3A_341 = arith.constant 16 : i32
        %mul3A_342 = arith.muli %add3A_317, %mul3A_341 : i32
        %jit3A = arith.constant 512 : i32
        %div3A = arith.divsi %mul3A_342, %jit3A : i32
        %sign3A = arith.constant 0 : i32
        %sign3A_343 = arith.cmpi sgt, %mul3A_342, %sign3A : i32
        %sign3A_344 = arith.extui %sign3A_343 : i1 to i32
        %sign3A_345 = arith.constant 0 : i32
        %sign3A_346 = arith.cmpi slt, %mul3A_342, %sign3A_345 : i32
        %sign3A_347 = arith.extui %sign3A_346 : i1 to i32
        %sign3A_348 = arith.subi %sign3A_344, %sign3A_347 : i32
        %sign3A_349 = arith.constant 0 : i32
        %sign3A_350 = arith.cmpi sgt, %jit3A, %sign3A_349 : i32
        %sign3A_351 = arith.extui %sign3A_350 : i1 to i32
        %sign3A_352 = arith.constant 0 : i32
        %sign3A_353 = arith.cmpi slt, %jit3A, %sign3A_352 : i32
        %sign3A_354 = arith.extui %sign3A_353 : i1 to i32
        %sign3A_355 = arith.subi %sign3A_351, %sign3A_354 : i32
        %ne3A = arith.cmpi ne, %sign3A_348, %sign3A_355 : i32
        %rem3A = arith.remsi %mul3A_342, %jit3A : i32
        %ne3A_356 = arith.constant 0 : i32
        %ne3A_357 = arith.cmpi ne, %rem3A, %ne3A_356 : i32
        %and3A = arith.andi %ne3A, %ne3A_357 : i1
        %sub3A = arith.constant 1 : i32
        %sub3A_358 = arith.subi %div3A, %sub3A : i32
        %select_n3A = arith.select %and3A, %sub3A_358, %div3A : i32
        %mul3A_359 = arith.constant 16 : i32
        %mul3A_360 = arith.muli %add3A_317, %mul3A_359 : i32
        %jit3A_361 = arith.constant 512 : i32
        %eq3A_362 = arith.constant 0 : i32
        %eq3A_363 = arith.cmpi eq, %jit3A_361, %eq3A_362 : i32
        %jit3A_364 = arith.constant 1 : i32
        %select_n3A_365 = arith.select %eq3A_363, %jit3A_364, %jit3A_361 : i32
        %rem3A_366 = arith.remsi %mul3A_360, %select_n3A_365 : i32
        %ne3A_367 = arith.constant 0 : i32
        %ne3A_368 = arith.cmpi ne, %rem3A_366, %ne3A_367 : i32
        %lt3A_369 = arith.constant 0 : i32
        %lt3A_370 = arith.cmpi slt, %rem3A_366, %lt3A_369 : i32
        %lt3A_371 = arith.constant 0 : i32
        %lt3A_372 = arith.cmpi slt, %select_n3A_365, %lt3A_371 : i32
        %ne3A_373 = arith.xori %lt3A_370, %lt3A_372 : i1
        %and3A_374 = arith.andi %ne3A_373, %ne3A_368 : i1
        %add3A_375 = arith.addi %rem3A_366, %select_n3A_365 : i32
        %select_n3A_376 = arith.select %and3A_374, %add3A_375, %rem3A_366 : i32
        %swap3A_377 = arith.index_cast %select_n3A : i32 to index
        %swap3A_378 = arith.index_cast %select_n3A_376 : i32 to index
        %swap3A_379 = tpu.vector_load %arg10[%swap3A_377, %swap3A_378] {strides = array<i32>} : memref<1x512xi32, #tpu.memory_space<vmem>>, vector<1x16xi32>,
        %swap3A_380 = vector.shape_cast %swap3A_379 : vector<1x16xi32> to vector<16xi32>
        %swap3A_381 = vector.shape_cast %get3A_340 : vector<16xi32> to vector<1x16xi32>
        tpu.vector_store %arg10[%swap3A_377, %swap3A_378], %swap3A_381 {strides = array<i32>} : memref<1x512xi32, #tpu.memory_space<vmem>>, vector<1x16xi32>,
      }
      %scan3A_151 = arith.constant 32 : i32
      %dma_start3A_152 = arith.constant 0 : i32
      %dma_start3A_153 = arith.constant 0 : i32
      %dma_start3A_154 = arith.constant 0 : i32
      %dma_start3A_155 = tpu.memref_slice %arg12[%dma_start3A_153, %dma_start3A_154] : memref<512x16xf32, #tpu.memory_space<vmem>> -> memref<512x16xf32, #tpu.memory_space<vmem>>
      %dma_start3A_156 = arith.constant 0 : i32
      %dma_start3A_157 = tpu.memref_slice %arg6[%dma_start3A_152, %dma_start3A_156] : memref<2x512xi32, #tpu.memory_space<vmem>> -> memref<1x512xi32, #tpu.memory_space<vmem>>
      %dma_start3A_158 = tpu.memref_squeeze %dma_start3A_157 : memref<1x512xi32, #tpu.memory_space<vmem>> -> memref<512xi32, #tpu.memory_space<vmem>>
      %dma_start3A_159 = arith.constant 0 : i32
      %dma_start3A_160 = arith.constant 0 : i32
      %dma_start3A_161 = tpu.memref_slice %arg3[%dma_start3A_159, %dma_start3A_160] : memref<200000x16xf32, #tpu.memory_space<hbm>> -> memref<200000x16xf32, #tpu.memory_space<hbm>>
      tpu.enqueue_indirect_dma source(%dma_start3A_161 : memref<200000x16xf32, #tpu.memory_space<hbm>>) target(%dma_start3A_155 : memref<512x16xf32, #tpu.memory_space<vmem>>) offsets(%dma_start3A_158 : memref<512xi32, #tpu.memory_space<vmem>>) semaphore(%arg18 : memref<!tpu.dma_semaphore, #tpu.memory_space<semaphore_mem>>)
      %dma_wait3A_162 = arith.constant 0 : i32
      %dma_wait3A_163 = arith.constant 0 : i32
      %dma_wait3A_164 = arith.constant 0 : i32
      %dma_wait3A_165 = tpu.memref_slice %arg11[%dma_wait3A_163, %dma_wait3A_164] : memref<512x16xf32, #tpu.memory_space<vmem>> -> memref<512x16xf32, #tpu.memory_space<vmem>>
      %dma_wait3A_166 = arith.constant 0 : i32
      %dma_wait3A_167 = tpu.memref_slice %arg5[%dma_wait3A_162, %dma_wait3A_166] : memref<2x512xi32, #tpu.memory_space<vmem>> -> memref<1x512xi32, #tpu.memory_space<vmem>>
      %dma_wait3A_168 = tpu.memref_squeeze %dma_wait3A_167 : memref<1x512xi32, #tpu.memory_space<vmem>> -> memref<512xi32, #tpu.memory_space<vmem>>
      %dma_wait3A_169 = arith.constant 0 : i32
      %dma_wait3A_170 = arith.constant 0 : i32
      %dma_wait3A_171 = tpu.memref_slice %arg3[%dma_wait3A_169, %dma_wait3A_170] : memref<200000x16xf32, #tpu.memory_space<hbm>> -> memref<200000x16xf32, #tpu.memory_space<hbm>>
      tpu.wait_indirect_dma semaphore(%arg17 : memref<!tpu.dma_semaphore, #tpu.memory_space<semaphore_mem>>) src(%dma_wait3A_171 : memref<200000x16xf32, #tpu.memory_space<hbm>>) dst(%dma_wait3A_165 : memref<512x16xf32, #tpu.memory_space<vmem>>)
      %dma_start3A_172 = arith.constant 0 : i32
      %dma_start3A_173 = arith.constant 0 : i32
      %dma_start3A_174 = arith.constant 0 : i32
      %dma_start3A_175 = tpu.memref_slice %arg11[%dma_start3A_173, %dma_start3A_174] : memref<512x16xf32, #tpu.memory_space<vmem>> -> memref<512x16xf32, #tpu.memory_space<vmem>>
      %dma_start3A_176 = arith.constant 0 : i32
      %dma_start3A_177 = tpu.memref_slice %arg9[%dma_start3A_172, %dma_start3A_176] : memref<1x512xi32, #tpu.memory_space<vmem>> -> memref<1x512xi32, #tpu.memory_space<vmem>>
      %dma_start3A_178 = tpu.memref_squeeze %dma_start3A_177 : memref<1x512xi32, #tpu.memory_space<vmem>> -> memref<512xi32, #tpu.memory_space<vmem>>
      %dma_start3A_179 = arith.constant 0 : i32
      %dma_start3A_180 = arith.constant 0 : i32
      %dma_start3A_181 = tpu.memref_slice %arg21[%dma_start3A_179, %dma_start3A_180] : memref<100096x16xf32, #tpu.memory_space<vmem_shared>> -> memref<100096x16xf32, #tpu.memory_space<vmem_shared>>
      tpu.enqueue_indirect_dma source(%dma_start3A_175 : memref<512x16xf32, #tpu.memory_space<vmem>>) target(%dma_start3A_181 : memref<100096x16xf32, #tpu.memory_space<vmem_shared>>) offsets(%dma_start3A_178 : memref<512xi32, #tpu.memory_space<vmem>>) semaphore(%arg19 : memref<!tpu.dma_semaphore, #tpu.memory_space<semaphore_mem>>) {add = true}
      %add3A_182 = arith.constant 1 : i32
      %add3A_183 = arith.addi %mul3A_98, %add3A_182 : i32
      %add3A_184 = arith.constant 3 : i32
      %add3A_185 = arith.addi %add3A_183, %add3A_184 : i32
      %mul3A_186 = arith.constant 512 : i32
      %mul3A_187 = arith.muli %add3A_185, %mul3A_186 : i32
      %add3A_188 = arith.addi %mul3A_0, %mul3A_187 : i32
      %dma_start3A_189 = arith.constant 0 : i32
      %dma_start3A_190 = tpu.memref_slice %arg2[%dma_start3A_189, %add3A_188] : memref<2x1639936xi32, #tpu.memory_space<hbm>> -> memref<2x512xi32, #tpu.memory_space<hbm>>
      %dma_start3A_191 = arith.constant 0 : i32
      %dma_start3A_192 = tpu.memref_slice %arg2[%dma_start3A_191, %add3A_188] : memref<2x1639936xi32, #tpu.memory_space<hbm>> -> memref<2x512xi32, #tpu.memory_space<hbm>>
      tpu.enqueue_dma source(%dma_start3A_192 : memref<2x512xi32, #tpu.memory_space<hbm>>) target(%arg5 : memref<2x512xi32, #tpu.memory_space<vmem>>) target_semaphore(%arg13 : memref<!tpu.dma_semaphore, #tpu.memory_space<semaphore_mem>>)
      %dma_wait3A_193 = arith.constant 0 : i32
      %dma_wait3A_194 = tpu.memref_slice %arg2[%dma_wait3A_193, %mul3A_0] : memref<2x1639936xi32, #tpu.memory_space<hbm>> -> memref<2x512xi32, #tpu.memory_space<hbm>>
      %dma_wait3A_195 = arith.constant 0 : i32
      %dma_wait3A_196 = tpu.memref_slice %arg2[%dma_wait3A_195, %mul3A_0] : memref<2x1639936xi32, #tpu.memory_space<hbm>> -> memref<2x512xi32, #tpu.memory_space<hbm>>
      tpu.wait_dma2 semaphore(%arg15 : memref<!tpu.dma_semaphore, #tpu.memory_space<semaphore_mem>>) src(%dma_wait3A_196 : memref<2x512xi32, #tpu.memory_space<hbm>>) dst(%arg7 : memref<2x512xi32, #tpu.memory_space<vmem>>)
      %dma_wait3A_197 = arith.constant 0 : i32
      %dma_wait3A_198 = arith.constant 0 : i32
      %dma_wait3A_199 = arith.constant 0 : i32
      %dma_wait3A_200 = tpu.memref_slice %arg11[%dma_wait3A_198, %dma_wait3A_199] : memref<512x16xf32, #tpu.memory_space<vmem>> -> memref<512x16xf32, #tpu.memory_space<vmem>>
      %dma_wait3A_201 = arith.constant 0 : i32
      %dma_wait3A_202 = tpu.memref_slice %arg9[%dma_wait3A_197, %dma_wait3A_201] : memref<1x512xi32, #tpu.memory_space<vmem>> -> memref<1x512xi32, #tpu.memory_space<vmem>>
      %dma_wait3A_203 = tpu.memref_squeeze %dma_wait3A_202 : memref<1x512xi32, #tpu.memory_space<vmem>> -> memref<512xi32, #tpu.memory_space<vmem>>
      %dma_wait3A_204 = arith.constant 0 : i32
      %dma_wait3A_205 = arith.constant 0 : i32
      %dma_wait3A_206 = tpu.memref_slice %arg21[%dma_wait3A_204, %dma_wait3A_205] : memref<100096x16xf32, #tpu.memory_space<vmem_shared>> -> memref<100096x16xf32, #tpu.memory_space<vmem_shared>>
      tpu.wait_indirect_dma semaphore(%arg19 : memref<!tpu.dma_semaphore, #tpu.memory_space<semaphore_mem>>) src(%dma_wait3A_200 : memref<512x16xf32, #tpu.memory_space<vmem>>) dst(%dma_wait3A_206 : memref<100096x16xf32, #tpu.memory_space<vmem_shared>>)
      %scan3A_207 = arith.constant 0 : i32
      %scan3A_208 = arith.constant 32 : i32
      %scan3A_209 = arith.addi %scan3A_207, %scan3A_208 : i32
      %scan3A_210 = arith.constant 1 : i32
      scf.for %scan3A_313 = %scan3A_207 to %scan3A_209 step %scan3A_210  : i32 {
        %mul3A_314 = arith.constant 1 : i32
        %mul3A_315 = arith.muli %scan3A_313, %mul3A_314 : i32
        %add3A_316 = arith.constant 0 : i32
        %add3A_317 = arith.addi %add3A_316, %mul3A_315 : i32
        %mul3A_318 = arith.constant 16 : i32
        %mul3A_319 = arith.muli %add3A_317, %mul3A_318 : i32
        %get3A = arith.constant 0 : i32
        %get3A_320 = arith.index_cast %get3A : i32 to index
        %get3A_321 = arith.index_cast %mul3A_319 : i32 to index
        %get3A_322 = tpu.vector_load %arg7[%get3A_320, %get3A_321] {strides = array<i32>} : memref<2x512xi32, #tpu.memory_space<vmem>>, vector<1x16xi32>,
        %get3A_323 = vector.shape_cast %get3A_322 : vector<1x16xi32> to vector<16xi32>
        %add3A_324 = arith.addi %get3A_323, %get3A_323 : vector<16xi32>
        %add3A_325 = vector.broadcast %arg0 : i32 to vector<16xi32>
        %add3A_326 = arith.addi %add3A_324, %add3A_325 : vector<16xi32>
        %mul3A_327 = arith.constant 16 : i32
        %mul3A_328 = arith.muli %add3A_317, %mul3A_327 : i32
        %swap3A = arith.constant 0 : i32
        %swap3A_329 = arith.index_cast %swap3A : i32 to index
        %swap3A_330 = arith.index_cast %mul3A_328 : i32 to index
        %swap3A_331 = tpu.vector_load %arg7[%swap3A_329, %swap3A_330] {strides = array<i32>} : memref<2x512xi32, #tpu.memory_space<vmem>>, vector<1x16xi32>,
        %swap3A_332 = vector.shape_cast %swap3A_331 : vector<1x16xi32> to vector<16xi32>
        %swap3A_333 = vector.shape_cast %add3A_326 : vector<16xi32> to vector<1x16xi32>
        tpu.vector_store %arg7[%swap3A_329, %swap3A_330], %swap3A_333 {strides = array<i32>} : memref<2x512xi32, #tpu.memory_space<vmem>>, vector<1x16xi32>,
        %mul3A_334 = arith.constant 16 : i32
        %mul3A_335 = arith.muli %add3A_317, %mul3A_334 : i32
        %get3A_336 = arith.constant 1 : i32
        %get3A_337 = arith.index_cast %get3A_336 : i32 to index
        %get3A_338 = arith.index_cast %mul3A_335 : i32 to index
        %get3A_339 = tpu.vector_load %arg7[%get3A_337, %get3A_338] {strides = array<i32>} : memref<2x512xi32, #tpu.memory_space<vmem>>, vector<1x16xi32>,
        %get3A_340 = vector.shape_cast %get3A_339 : vector<1x16xi32> to vector<16xi32>
        %mul3A_341 = arith.constant 16 : i32
        %mul3A_342 = arith.muli %add3A_317, %mul3A_341 : i32
        %jit3A = arith.constant 512 : i32
        %div3A = arith.divsi %mul3A_342, %jit3A : i32
        %sign3A = arith.constant 0 : i32
        %sign3A_343 = arith.cmpi sgt, %mul3A_342, %sign3A : i32
        %sign3A_344 = arith.extui %sign3A_343 : i1 to i32
        %sign3A_345 = arith.constant 0 : i32
        %sign3A_346 = arith.cmpi slt, %mul3A_342, %sign3A_345 : i32
        %sign3A_347 = arith.extui %sign3A_346 : i1 to i32
        %sign3A_348 = arith.subi %sign3A_344, %sign3A_347 : i32
        %sign3A_349 = arith.constant 0 : i32
        %sign3A_350 = arith.cmpi sgt, %jit3A, %sign3A_349 : i32
        %sign3A_351 = arith.extui %sign3A_350 : i1 to i32
        %sign3A_352 = arith.constant 0 : i32
        %sign3A_353 = arith.cmpi slt, %jit3A, %sign3A_352 : i32
        %sign3A_354 = arith.extui %sign3A_353 : i1 to i32
        %sign3A_355 = arith.subi %sign3A_351, %sign3A_354 : i32
        %ne3A = arith.cmpi ne, %sign3A_348, %sign3A_355 : i32
        %rem3A = arith.remsi %mul3A_342, %jit3A : i32
        %ne3A_356 = arith.constant 0 : i32
        %ne3A_357 = arith.cmpi ne, %rem3A, %ne3A_356 : i32
        %and3A = arith.andi %ne3A, %ne3A_357 : i1
        %sub3A = arith.constant 1 : i32
        %sub3A_358 = arith.subi %div3A, %sub3A : i32
        %select_n3A = arith.select %and3A, %sub3A_358, %div3A : i32
        %mul3A_359 = arith.constant 16 : i32
        %mul3A_360 = arith.muli %add3A_317, %mul3A_359 : i32
        %jit3A_361 = arith.constant 512 : i32
        %eq3A_362 = arith.constant 0 : i32
        %eq3A_363 = arith.cmpi eq, %jit3A_361, %eq3A_362 : i32
        %jit3A_364 = arith.constant 1 : i32
        %select_n3A_365 = arith.select %eq3A_363, %jit3A_364, %jit3A_361 : i32
        %rem3A_366 = arith.remsi %mul3A_360, %select_n3A_365 : i32
        %ne3A_367 = arith.constant 0 : i32
        %ne3A_368 = arith.cmpi ne, %rem3A_366, %ne3A_367 : i32
        %lt3A_369 = arith.constant 0 : i32
        %lt3A_370 = arith.cmpi slt, %rem3A_366, %lt3A_369 : i32
        %lt3A_371 = arith.constant 0 : i32
        %lt3A_372 = arith.cmpi slt, %select_n3A_365, %lt3A_371 : i32
        %ne3A_373 = arith.xori %lt3A_370, %lt3A_372 : i1
        %and3A_374 = arith.andi %ne3A_373, %ne3A_368 : i1
        %add3A_375 = arith.addi %rem3A_366, %select_n3A_365 : i32
        %select_n3A_376 = arith.select %and3A_374, %add3A_375, %rem3A_366 : i32
        %swap3A_377 = arith.index_cast %select_n3A : i32 to index
        %swap3A_378 = arith.index_cast %select_n3A_376 : i32 to index
        %swap3A_379 = tpu.vector_load %arg9[%swap3A_377, %swap3A_378] {strides = array<i32>} : memref<1x512xi32, #tpu.memory_space<vmem>>, vector<1x16xi32>,
        %swap3A_380 = vector.shape_cast %swap3A_379 : vector<1x16xi32> to vector<16xi32>
        %swap3A_381 = vector.shape_cast %get3A_340 : vector<16xi32> to vector<1x16xi32>
        tpu.vector_store %arg9[%swap3A_377, %swap3A_378], %swap3A_381 {strides = array<i32>} : memref<1x512xi32, #tpu.memory_space<vmem>>, vector<1x16xi32>,
      }
      %scan3A_211 = arith.constant 32 : i32
      %dma_start3A_212 = arith.constant 0 : i32
      %dma_start3A_213 = arith.constant 0 : i32
      %dma_start3A_214 = arith.constant 0 : i32
      %dma_start3A_215 = tpu.memref_slice %arg11[%dma_start3A_213, %dma_start3A_214] : memref<512x16xf32, #tpu.memory_space<vmem>> -> memref<512x16xf32, #tpu.memory_space<vmem>>
      %dma_start3A_216 = arith.constant 0 : i32
      %dma_start3A_217 = tpu.memref_slice %arg7[%dma_start3A_212, %dma_start3A_216] : memref<2x512xi32, #tpu.memory_space<vmem>> -> memref<1x512xi32, #tpu.memory_space<vmem>>
      %dma_start3A_218 = tpu.memref_squeeze %dma_start3A_217 : memref<1x512xi32, #tpu.memory_space<vmem>> -> memref<512xi32, #tpu.memory_space<vmem>>
      %dma_start3A_219 = arith.constant 0 : i32
      %dma_start3A_220 = arith.constant 0 : i32
      %dma_start3A_221 = tpu.memref_slice %arg3[%dma_start3A_219, %dma_start3A_220] : memref<200000x16xf32, #tpu.memory_space<hbm>> -> memref<200000x16xf32, #tpu.memory_space<hbm>>
      tpu.enqueue_indirect_dma source(%dma_start3A_221 : memref<200000x16xf32, #tpu.memory_space<hbm>>) target(%dma_start3A_215 : memref<512x16xf32, #tpu.memory_space<vmem>>) offsets(%dma_start3A_218 : memref<512xi32, #tpu.memory_space<vmem>>) semaphore(%arg17 : memref<!tpu.dma_semaphore, #tpu.memory_space<semaphore_mem>>)
      %dma_wait3A_222 = arith.constant 0 : i32
      %dma_wait3A_223 = arith.constant 0 : i32
      %dma_wait3A_224 = arith.constant 0 : i32
      %dma_wait3A_225 = tpu.memref_slice %arg12[%dma_wait3A_223, %dma_wait3A_224] : memref<512x16xf32, #tpu.memory_space<vmem>> -> memref<512x16xf32, #tpu.memory_space<vmem>>
      %dma_wait3A_226 = arith.constant 0 : i32
      %dma_wait3A_227 = tpu.memref_slice %arg6[%dma_wait3A_222, %dma_wait3A_226] : memref<2x512xi32, #tpu.memory_space<vmem>> -> memref<1x512xi32, #tpu.memory_space<vmem>>
      %dma_wait3A_228 = tpu.memref_squeeze %dma_wait3A_227 : memref<1x512xi32, #tpu.memory_space<vmem>> -> memref<512xi32, #tpu.memory_space<vmem>>
      %dma_wait3A_229 = arith.constant 0 : i32
      %dma_wait3A_230 = arith.constant 0 : i32
      %dma_wait3A_231 = tpu.memref_slice %arg3[%dma_wait3A_229, %dma_wait3A_230] : memref<200000x16xf32, #tpu.memory_space<hbm>> -> memref<200000x16xf32, #tpu.memory_space<hbm>>
      tpu.wait_indirect_dma semaphore(%arg18 : memref<!tpu.dma_semaphore, #tpu.memory_space<semaphore_mem>>) src(%dma_wait3A_231 : memref<200000x16xf32, #tpu.memory_space<hbm>>) dst(%dma_wait3A_225 : memref<512x16xf32, #tpu.memory_space<vmem>>)
      %dma_start3A_232 = arith.constant 0 : i32
      %dma_start3A_233 = arith.constant 0 : i32
      %dma_start3A_234 = arith.constant 0 : i32
      %dma_start3A_235 = tpu.memref_slice %arg12[%dma_start3A_233, %dma_start3A_234] : memref<512x16xf32, #tpu.memory_space<vmem>> -> memref<512x16xf32, #tpu.memory_space<vmem>>
      %dma_start3A_236 = arith.constant 0 : i32
      %dma_start3A_237 = tpu.memref_slice %arg10[%dma_start3A_232, %dma_start3A_236] : memref<1x512xi32, #tpu.memory_space<vmem>> -> memref<1x512xi32, #tpu.memory_space<vmem>>
      %dma_start3A_238 = tpu.memref_squeeze %dma_start3A_237 : memref<1x512xi32, #tpu.memory_space<vmem>> -> memref<512xi32, #tpu.memory_space<vmem>>
      %dma_start3A_239 = arith.constant 0 : i32
      %dma_start3A_240 = arith.constant 0 : i32
      %dma_start3A_241 = tpu.memref_slice %arg21[%dma_start3A_239, %dma_start3A_240] : memref<100096x16xf32, #tpu.memory_space<vmem_shared>> -> memref<100096x16xf32, #tpu.memory_space<vmem_shared>>
      tpu.enqueue_indirect_dma source(%dma_start3A_235 : memref<512x16xf32, #tpu.memory_space<vmem>>) target(%dma_start3A_241 : memref<100096x16xf32, #tpu.memory_space<vmem_shared>>) offsets(%dma_start3A_238 : memref<512xi32, #tpu.memory_space<vmem>>) semaphore(%arg20 : memref<!tpu.dma_semaphore, #tpu.memory_space<semaphore_mem>>) {add = true}
      %add3A_242 = arith.constant 2 : i32
      %add3A_243 = arith.addi %mul3A_98, %add3A_242 : i32
      %add3A_244 = arith.constant 3 : i32
      %add3A_245 = arith.addi %add3A_243, %add3A_244 : i32
      %mul3A_246 = arith.constant 512 : i32
      %mul3A_247 = arith.muli %add3A_245, %mul3A_246 : i32
      %add3A_248 = arith.addi %mul3A_0, %mul3A_247 : i32
      %dma_start3A_249 = arith.constant 0 : i32
      %dma_start3A_250 = tpu.memref_slice %arg2[%dma_start3A_249, %add3A_248] : memref<2x1639936xi32, #tpu.memory_space<hbm>> -> memref<2x512xi32, #tpu.memory_space<hbm>>
      %dma_start3A_251 = arith.constant 0 : i32
      %dma_start3A_252 = tpu.memref_slice %arg2[%dma_start3A_251, %add3A_248] : memref<2x1639936xi32, #tpu.memory_space<hbm>> -> memref<2x512xi32, #tpu.memory_space<hbm>>
      tpu.enqueue_dma source(%dma_start3A_252 : memref<2x512xi32, #tpu.memory_space<hbm>>) target(%arg6 : memref<2x512xi32, #tpu.memory_space<vmem>>) target_semaphore(%arg14 : memref<!tpu.dma_semaphore, #tpu.memory_space<semaphore_mem>>)
      %dma_wait3A_253 = arith.constant 0 : i32
      %dma_wait3A_254 = tpu.memref_slice %arg2[%dma_wait3A_253, %mul3A_0] : memref<2x1639936xi32, #tpu.memory_space<hbm>> -> memref<2x512xi32, #tpu.memory_space<hbm>>
      %dma_wait3A_255 = arith.constant 0 : i32
      %dma_wait3A_256 = tpu.memref_slice %arg2[%dma_wait3A_255, %mul3A_0] : memref<2x1639936xi32, #tpu.memory_space<hbm>> -> memref<2x512xi32, #tpu.memory_space<hbm>>
      tpu.wait_dma2 semaphore(%arg16 : memref<!tpu.dma_semaphore, #tpu.memory_space<semaphore_mem>>) src(%dma_wait3A_256 : memref<2x512xi32, #tpu.memory_space<hbm>>) dst(%arg8 : memref<2x512xi32, #tpu.memory_space<vmem>>)
      %dma_wait3A_257 = arith.constant 0 : i32
      %dma_wait3A_258 = arith.constant 0 : i32
      %dma_wait3A_259 = arith.constant 0 : i32
      %dma_wait3A_260 = tpu.memref_slice %arg12[%dma_wait3A_258, %dma_wait3A_259] : memref<512x16xf32, #tpu.memory_space<vmem>> -> memref<512x16xf32, #tpu.memory_space<vmem>>
      %dma_wait3A_261 = arith.constant 0 : i32
      %dma_wait3A_262 = tpu.memref_slice %arg10[%dma_wait3A_257, %dma_wait3A_261] : memref<1x512xi32, #tpu.memory_space<vmem>> -> memref<1x512xi32, #tpu.memory_space<vmem>>
      %dma_wait3A_263 = tpu.memref_squeeze %dma_wait3A_262 : memref<1x512xi32, #tpu.memory_space<vmem>> -> memref<512xi32, #tpu.memory_space<vmem>>
      %dma_wait3A_264 = arith.constant 0 : i32
      %dma_wait3A_265 = arith.constant 0 : i32
      %dma_wait3A_266 = tpu.memref_slice %arg21[%dma_wait3A_264, %dma_wait3A_265] : memref<100096x16xf32, #tpu.memory_space<vmem_shared>> -> memref<100096x16xf32, #tpu.memory_space<vmem_shared>>
      tpu.wait_indirect_dma semaphore(%arg20 : memref<!tpu.dma_semaphore, #tpu.memory_space<semaphore_mem>>) src(%dma_wait3A_260 : memref<512x16xf32, #tpu.memory_space<vmem>>) dst(%dma_wait3A_266 : memref<100096x16xf32, #tpu.memory_space<vmem_shared>>)
      %scan3A_267 = arith.constant 0 : i32
      %scan3A_268 = arith.constant 32 : i32
      %scan3A_269 = arith.addi %scan3A_267, %scan3A_268 : i32
      %scan3A_270 = arith.constant 1 : i32
      scf.for %scan3A_313 = %scan3A_267 to %scan3A_269 step %scan3A_270  : i32 {
        %mul3A_314 = arith.constant 1 : i32
        %mul3A_315 = arith.muli %scan3A_313, %mul3A_314 : i32
        %add3A_316 = arith.constant 0 : i32
        %add3A_317 = arith.addi %add3A_316, %mul3A_315 : i32
        %mul3A_318 = arith.constant 16 : i32
        %mul3A_319 = arith.muli %add3A_317, %mul3A_318 : i32
        %get3A = arith.constant 0 : i32
        %get3A_320 = arith.index_cast %get3A : i32 to index
        %get3A_321 = arith.index_cast %mul3A_319 : i32 to index
        %get3A_322 = tpu.vector_load %arg8[%get3A_320, %get3A_321] {strides = array<i32>} : memref<2x512xi32, #tpu.memory_space<vmem>>, vector<1x16xi32>,
        %get3A_323 = vector.shape_cast %get3A_322 : vector<1x16xi32> to vector<16xi32>
        %add3A_324 = arith.addi %get3A_323, %get3A_323 : vector<16xi32>
        %add3A_325 = vector.broadcast %arg0 : i32 to vector<16xi32>
        %add3A_326 = arith.addi %add3A_324, %add3A_325 : vector<16xi32>
        %mul3A_327 = arith.constant 16 : i32
        %mul3A_328 = arith.muli %add3A_317, %mul3A_327 : i32
        %swap3A = arith.constant 0 : i32
        %swap3A_329 = arith.index_cast %swap3A : i32 to index
        %swap3A_330 = arith.index_cast %mul3A_328 : i32 to index
        %swap3A_331 = tpu.vector_load %arg8[%swap3A_329, %swap3A_330] {strides = array<i32>} : memref<2x512xi32, #tpu.memory_space<vmem>>, vector<1x16xi32>,
        %swap3A_332 = vector.shape_cast %swap3A_331 : vector<1x16xi32> to vector<16xi32>
        %swap3A_333 = vector.shape_cast %add3A_326 : vector<16xi32> to vector<1x16xi32>
        tpu.vector_store %arg8[%swap3A_329, %swap3A_330], %swap3A_333 {strides = array<i32>} : memref<2x512xi32, #tpu.memory_space<vmem>>, vector<1x16xi32>,
        %mul3A_334 = arith.constant 16 : i32
        %mul3A_335 = arith.muli %add3A_317, %mul3A_334 : i32
        %get3A_336 = arith.constant 1 : i32
        %get3A_337 = arith.index_cast %get3A_336 : i32 to index
        %get3A_338 = arith.index_cast %mul3A_335 : i32 to index
        %get3A_339 = tpu.vector_load %arg8[%get3A_337, %get3A_338] {strides = array<i32>} : memref<2x512xi32, #tpu.memory_space<vmem>>, vector<1x16xi32>,
        %get3A_340 = vector.shape_cast %get3A_339 : vector<1x16xi32> to vector<16xi32>
        %mul3A_341 = arith.constant 16 : i32
        %mul3A_342 = arith.muli %add3A_317, %mul3A_341 : i32
        %jit3A = arith.constant 512 : i32
        %div3A = arith.divsi %mul3A_342, %jit3A : i32
        %sign3A = arith.constant 0 : i32
        %sign3A_343 = arith.cmpi sgt, %mul3A_342, %sign3A : i32
        %sign3A_344 = arith.extui %sign3A_343 : i1 to i32
        %sign3A_345 = arith.constant 0 : i32
        %sign3A_346 = arith.cmpi slt, %mul3A_342, %sign3A_345 : i32
        %sign3A_347 = arith.extui %sign3A_346 : i1 to i32
        %sign3A_348 = arith.subi %sign3A_344, %sign3A_347 : i32
        %sign3A_349 = arith.constant 0 : i32
        %sign3A_350 = arith.cmpi sgt, %jit3A, %sign3A_349 : i32
        %sign3A_351 = arith.extui %sign3A_350 : i1 to i32
        %sign3A_352 = arith.constant 0 : i32
        %sign3A_353 = arith.cmpi slt, %jit3A, %sign3A_352 : i32
        %sign3A_354 = arith.extui %sign3A_353 : i1 to i32
        %sign3A_355 = arith.subi %sign3A_351, %sign3A_354 : i32
        %ne3A = arith.cmpi ne, %sign3A_348, %sign3A_355 : i32
        %rem3A = arith.remsi %mul3A_342, %jit3A : i32
        %ne3A_356 = arith.constant 0 : i32
        %ne3A_357 = arith.cmpi ne, %rem3A, %ne3A_356 : i32
        %and3A = arith.andi %ne3A, %ne3A_357 : i1
        %sub3A = arith.constant 1 : i32
        %sub3A_358 = arith.subi %div3A, %sub3A : i32
        %select_n3A = arith.select %and3A, %sub3A_358, %div3A : i32
        %mul3A_359 = arith.constant 16 : i32
        %mul3A_360 = arith.muli %add3A_317, %mul3A_359 : i32
        %jit3A_361 = arith.constant 512 : i32
        %eq3A_362 = arith.constant 0 : i32
        %eq3A_363 = arith.cmpi eq, %jit3A_361, %eq3A_362 : i32
        %jit3A_364 = arith.constant 1 : i32
        %select_n3A_365 = arith.select %eq3A_363, %jit3A_364, %jit3A_361 : i32
        %rem3A_366 = arith.remsi %mul3A_360, %select_n3A_365 : i32
        %ne3A_367 = arith.constant 0 : i32
        %ne3A_368 = arith.cmpi ne, %rem3A_366, %ne3A_367 : i32
        %lt3A_369 = arith.constant 0 : i32
        %lt3A_370 = arith.cmpi slt, %rem3A_366, %lt3A_369 : i32
        %lt3A_371 = arith.constant 0 : i32
        %lt3A_372 = arith.cmpi slt, %select_n3A_365, %lt3A_371 : i32
        %ne3A_373 = arith.xori %lt3A_370, %lt3A_372 : i1
        %and3A_374 = arith.andi %ne3A_373, %ne3A_368 : i1
        %add3A_375 = arith.addi %rem3A_366, %select_n3A_365 : i32
        %select_n3A_376 = arith.select %and3A_374, %add3A_375, %rem3A_366 : i32
        %swap3A_377 = arith.index_cast %select_n3A : i32 to index
        %swap3A_378 = arith.index_cast %select_n3A_376 : i32 to index
        %swap3A_379 = tpu.vector_load %arg10[%swap3A_377, %swap3A_378] {strides = array<i32>} : memref<1x512xi32, #tpu.memory_space<vmem>>, vector<1x16xi32>,
        %swap3A_380 = vector.shape_cast %swap3A_379 : vector<1x16xi32> to vector<16xi32>
        %swap3A_381 = vector.shape_cast %get3A_340 : vector<16xi32> to vector<1x16xi32>
        tpu.vector_store %arg10[%swap3A_377, %swap3A_378], %swap3A_381 {strides = array<i32>} : memref<1x512xi32, #tpu.memory_space<vmem>>, vector<1x16xi32>,
      }
      %scan3A_271 = arith.constant 32 : i32
      %dma_start3A_272 = arith.constant 0 : i32
      %dma_start3A_273 = arith.constant 0 : i32
      %dma_start3A_274 = arith.constant 0 : i32
      %dma_start3A_275 = tpu.memref_slice %arg12[%dma_start3A_273, %dma_start3A_274] : memref<512x16xf32, #tpu.memory_space<vmem>> -> memref<512x16xf32, #tpu.memory_space<vmem>>
      %dma_start3A_276 = arith.constant 0 : i32
      %dma_start3A_277 = tpu.memref_slice %arg8[%dma_start3A_272, %dma_start3A_276] : memref<2x512xi32, #tpu.memory_space<vmem>> -> memref<1x512xi32, #tpu.memory_space<vmem>>
      %dma_start3A_278 = tpu.memref_squeeze %dma_start3A_277 : memref<1x512xi32, #tpu.memory_space<vmem>> -> memref<512xi32, #tpu.memory_space<vmem>>
      %dma_start3A_279 = arith.constant 0 : i32
      %dma_start3A_280 = arith.constant 0 : i32
      %dma_start3A_281 = tpu.memref_slice %arg3[%dma_start3A_279, %dma_start3A_280] : memref<200000x16xf32, #tpu.memory_space<hbm>> -> memref<200000x16xf32, #tpu.memory_space<hbm>>
      tpu.enqueue_indirect_dma source(%dma_start3A_281 : memref<200000x16xf32, #tpu.memory_space<hbm>>) target(%dma_start3A_275 : memref<512x16xf32, #tpu.memory_space<vmem>>) offsets(%dma_start3A_278 : memref<512xi32, #tpu.memory_space<vmem>>) semaphore(%arg18 : memref<!tpu.dma_semaphore, #tpu.memory_space<semaphore_mem>>)
      %dma_wait3A_282 = arith.constant 0 : i32
      %dma_wait3A_283 = arith.constant 0 : i32
      %dma_wait3A_284 = arith.constant 0 : i32
      %dma_wait3A_285 = tpu.memref_slice %arg11[%dma_wait3A_283, %dma_wait3A_284] : memref<512x16xf32, #tpu.memory_space<vmem>> -> memref<512x16xf32, #tpu.memory_space<vmem>>
      %dma_wait3A_286 = arith.constant 0 : i32
      %dma_wait3A_287 = tpu.memref_slice %arg7[%dma_wait3A_282, %dma_wait3A_286] : memref<2x512xi32, #tpu.memory_space<vmem>> -> memref<1x512xi32, #tpu.memory_space<vmem>>
      %dma_wait3A_288 = tpu.memref_squeeze %dma_wait3A_287 : memref<1x512xi32, #tpu.memory_space<vmem>> -> memref<512xi32, #tpu.memory_space<vmem>>
      %dma_wait3A_289 = arith.constant 0 : i32
      %dma_wait3A_290 = arith.constant 0 : i32
      %dma_wait3A_291 = tpu.memref_slice %arg3[%dma_wait3A_289, %dma_wait3A_290] : memref<200000x16xf32, #tpu.memory_space<hbm>> -> memref<200000x16xf32, #tpu.memory_space<hbm>>
      tpu.wait_indirect_dma semaphore(%arg17 : memref<!tpu.dma_semaphore, #tpu.memory_space<semaphore_mem>>) src(%dma_wait3A_291 : memref<200000x16xf32, #tpu.memory_space<hbm>>) dst(%dma_wait3A_285 : memref<512x16xf32, #tpu.memory_space<vmem>>)
      %dma_start3A_292 = arith.constant 0 : i32
      %dma_start3A_293 = arith.constant 0 : i32
      %dma_start3A_294 = arith.constant 0 : i32
      %dma_start3A_295 = tpu.memref_slice %arg11[%dma_start3A_293, %dma_start3A_294] : memref<512x16xf32, #tpu.memory_space<vmem>> -> memref<512x16xf32, #tpu.memory_space<vmem>>
      %dma_start3A_296 = arith.constant 0 : i32
      %dma_start3A_297 = tpu.memref_slice %arg9[%dma_start3A_292, %dma_start3A_296] : memref<1x512xi32, #tpu.memory_space<vmem>> -> memref<1x512xi32, #tpu.memory_space<vmem>>
      %dma_start3A_298 = tpu.memref_squeeze %dma_start3A_297 : memref<1x512xi32, #tpu.memory_space<vmem>> -> memref<512xi32, #tpu.memory_space<vmem>>
      %dma_start3A_299 = arith.constant 0 : i32
      %dma_start3A_300 = arith.constant 0 : i32
      %dma_start3A_301 = tpu.memref_slice %arg21[%dma_start3A_299, %dma_start3A_300] : memref<100096x16xf32, #tpu.memory_space<vmem_shared>> -> memref<100096x16xf32, #tpu.memory_space<vmem_shared>>
      tpu.enqueue_indirect_dma source(%dma_start3A_295 : memref<512x16xf32, #tpu.memory_space<vmem>>) target(%dma_start3A_301 : memref<100096x16xf32, #tpu.memory_space<vmem_shared>>) offsets(%dma_start3A_298 : memref<512xi32, #tpu.memory_space<vmem>>) semaphore(%arg19 : memref<!tpu.dma_semaphore, #tpu.memory_space<semaphore_mem>>) {add = true}
      %add3A_302 = arith.constant 3 : i32
      %add3A_303 = arith.addi %mul3A_98, %add3A_302 : i32
      %add3A_304 = arith.constant 3 : i32
      %add3A_305 = arith.addi %add3A_303, %add3A_304 : i32
      %mul3A_306 = arith.constant 512 : i32
      %mul3A_307 = arith.muli %add3A_305, %mul3A_306 : i32
      %add3A_308 = arith.addi %mul3A_0, %mul3A_307 : i32
      %dma_start3A_309 = arith.constant 0 : i32
      %dma_start3A_310 = tpu.memref_slice %arg2[%dma_start3A_309, %add3A_308] : memref<2x1639936xi32, #tpu.memory_space<hbm>> -> memref<2x512xi32, #tpu.memory_space<hbm>>
      %dma_start3A_311 = arith.constant 0 : i32
      %dma_start3A_312 = tpu.memref_slice %arg2[%dma_start3A_311, %add3A_308] : memref<2x1639936xi32, #tpu.memory_space<hbm>> -> memref<2x512xi32, #tpu.memory_space<hbm>>
      tpu.enqueue_dma source(%dma_start3A_312 : memref<2x512xi32, #tpu.memory_space<hbm>>) target(%arg7 : memref<2x512xi32, #tpu.memory_space<vmem>>) target_semaphore(%arg15 : memref<!tpu.dma_semaphore, #tpu.memory_space<semaphore_mem>>)
    }
    %scan3A_33 = arith.constant 50 : i32
    %dma_wait3A = arith.constant 0 : i32
    %dma_wait3A_34 = arith.constant 0 : i32
    %dma_wait3A_35 = arith.constant 0 : i32
    %dma_wait3A_36 = tpu.memref_slice %arg12[%dma_wait3A_34, %dma_wait3A_35] : memref<512x16xf32, #tpu.memory_space<vmem>> -> memref<512x16xf32, #tpu.memory_space<vmem>>
    %dma_wait3A_37 = arith.constant 0 : i32
    %dma_wait3A_38 = tpu.memref_slice %arg8[%dma_wait3A, %dma_wait3A_37] : memref<2x512xi32, #tpu.memory_space<vmem>> -> memref<1x512xi32, #tpu.memory_space<vmem>>
    %dma_wait3A_39 = tpu.memref_squeeze %dma_wait3A_38 : memref<1x512xi32, #tpu.memory_space<vmem>> -> memref<512xi32, #tpu.memory_space<vmem>>
    %dma_wait3A_40 = arith.constant 0 : i32
    %dma_wait3A_41 = arith.constant 0 : i32
    %dma_wait3A_42 = tpu.memref_slice %arg3[%dma_wait3A_40, %dma_wait3A_41] : memref<200000x16xf32, #tpu.memory_space<hbm>> -> memref<200000x16xf32, #tpu.memory_space<hbm>>
    tpu.wait_indirect_dma semaphore(%arg18 : memref<!tpu.dma_semaphore, #tpu.memory_space<semaphore_mem>>) src(%dma_wait3A_42 : memref<200000x16xf32, #tpu.memory_space<hbm>>) dst(%dma_wait3A_36 : memref<512x16xf32, #tpu.memory_space<vmem>>)
    %dma_start3A_43 = arith.constant 0 : i32
    %dma_start3A_44 = arith.constant 0 : i32
    %dma_start3A_45 = arith.constant 0 : i32
    %dma_start3A_46 = tpu.memref_slice %arg12[%dma_start3A_44, %dma_start3A_45] : memref<512x16xf32, #tpu.memory_space<vmem>> -> memref<512x16xf32, #tpu.memory_space<vmem>>
    %dma_start3A_47 = arith.constant 0 : i32
    %dma_start3A_48 = tpu.memref_slice %arg10[%dma_start3A_43, %dma_start3A_47] : memref<1x512xi32, #tpu.memory_space<vmem>> -> memref<1x512xi32, #tpu.memory_space<vmem>>
    %dma_start3A_49 = tpu.memref_squeeze %dma_start3A_48 : memref<1x512xi32, #tpu.memory_space<vmem>> -> memref<512xi32, #tpu.memory_space<vmem>>
    %dma_start3A_50 = arith.constant 0 : i32
    %dma_start3A_51 = arith.constant 0 : i32
    %dma_start3A_52 = tpu.memref_slice %arg21[%dma_start3A_50, %dma_start3A_51] : memref<100096x16xf32, #tpu.memory_space<vmem_shared>> -> memref<100096x16xf32, #tpu.memory_space<vmem_shared>>
    tpu.enqueue_indirect_dma source(%dma_start3A_46 : memref<512x16xf32, #tpu.memory_space<vmem>>) target(%dma_start3A_52 : memref<100096x16xf32, #tpu.memory_space<vmem_shared>>) offsets(%dma_start3A_49 : memref<512xi32, #tpu.memory_space<vmem>>) semaphore(%arg20 : memref<!tpu.dma_semaphore, #tpu.memory_space<semaphore_mem>>) {add = true}
    %dma_wait3A_53 = arith.constant 0 : i32
    %dma_wait3A_54 = arith.constant 0 : i32
    %dma_wait3A_55 = arith.constant 0 : i32
    %dma_wait3A_56 = tpu.memref_slice %arg11[%dma_wait3A_54, %dma_wait3A_55] : memref<512x16xf32, #tpu.memory_space<vmem>> -> memref<512x16xf32, #tpu.memory_space<vmem>>
    %dma_wait3A_57 = arith.constant 0 : i32
    %dma_wait3A_58 = tpu.memref_slice %arg9[%dma_wait3A_53, %dma_wait3A_57] : memref<1x512xi32, #tpu.memory_space<vmem>> -> memref<1x512xi32, #tpu.memory_space<vmem>>
    %dma_wait3A_59 = tpu.memref_squeeze %dma_wait3A_58 : memref<1x512xi32, #tpu.memory_space<vmem>> -> memref<512xi32, #tpu.memory_space<vmem>>
    %dma_wait3A_60 = arith.constant 0 : i32
    %dma_wait3A_61 = arith.constant 0 : i32
    %dma_wait3A_62 = tpu.memref_slice %arg21[%dma_wait3A_60, %dma_wait3A_61] : memref<100096x16xf32, #tpu.memory_space<vmem_shared>> -> memref<100096x16xf32, #tpu.memory_space<vmem_shared>>
    tpu.wait_indirect_dma semaphore(%arg19 : memref<!tpu.dma_semaphore, #tpu.memory_space<semaphore_mem>>) src(%dma_wait3A_56 : memref<512x16xf32, #tpu.memory_space<vmem>>) dst(%dma_wait3A_62 : memref<100096x16xf32, #tpu.memory_space<vmem_shared>>)
    %dma_wait3A_63 = arith.constant 0 : i32
    %dma_wait3A_64 = arith.constant 0 : i32
    %dma_wait3A_65 = arith.constant 0 : i32
    %dma_wait3A_66 = tpu.memref_slice %arg12[%dma_wait3A_64, %dma_wait3A_65] : memref<512x16xf32, #tpu.memory_space<vmem>> -> memref<512x16xf32, #tpu.memory_space<vmem>>
    %dma_wait3A_67 = arith.constant 0 : i32
    %dma_wait3A_68 = tpu.memref_slice %arg10[%dma_wait3A_63, %dma_wait3A_67] : memref<1x512xi32, #tpu.memory_space<vmem>> -> memref<1x512xi32, #tpu.memory_space<vmem>>
    %dma_wait3A_69 = tpu.memref_squeeze %dma_wait3A_68 : memref<1x512xi32, #tpu.memory_space<vmem>> -> memref<512xi32, #tpu.memory_space<vmem>>
    %dma_wait3A_70 = arith.constant 0 : i32
    %dma_wait3A_71 = arith.constant 0 : i32
    %dma_wait3A_72 = tpu.memref_slice %arg21[%dma_wait3A_70, %dma_wait3A_71] : memref<100096x16xf32, #tpu.memory_space<vmem_shared>> -> memref<100096x16xf32, #tpu.memory_space<vmem_shared>>
    tpu.wait_indirect_dma semaphore(%arg20 : memref<!tpu.dma_semaphore, #tpu.memory_space<semaphore_mem>>) src(%dma_wait3A_66 : memref<512x16xf32, #tpu.memory_space<vmem>>) dst(%dma_wait3A_72 : memref<100096x16xf32, #tpu.memory_space<vmem_shared>>)
    %dma_wait3A_73 = arith.constant 0 : i32
    %dma_wait3A_74 = tpu.memref_slice %arg2[%dma_wait3A_73, %mul3A_0] : memref<2x1639936xi32, #tpu.memory_space<hbm>> -> memref<2x512xi32, #tpu.memory_space<hbm>>
    %dma_wait3A_75 = arith.constant 0 : i32
    %dma_wait3A_76 = tpu.memref_slice %arg2[%dma_wait3A_75, %mul3A_0] : memref<2x1639936xi32, #tpu.memory_space<hbm>> -> memref<2x512xi32, #tpu.memory_space<hbm>>
    tpu.wait_dma2 semaphore(%arg13 : memref<!tpu.dma_semaphore, #tpu.memory_space<semaphore_mem>>) src(%dma_wait3A_76 : memref<2x512xi32, #tpu.memory_space<hbm>>) dst(%arg5 : memref<2x512xi32, #tpu.memory_space<vmem>>)
    %dma_wait3A_77 = arith.constant 0 : i32
    %dma_wait3A_78 = tpu.memref_slice %arg2[%dma_wait3A_77, %mul3A_0] : memref<2x1639936xi32, #tpu.memory_space<hbm>> -> memref<2x512xi32, #tpu.memory_space<hbm>>
    %dma_wait3A_79 = arith.constant 0 : i32
    %dma_wait3A_80 = tpu.memref_slice %arg2[%dma_wait3A_79, %mul3A_0] : memref<2x1639936xi32, #tpu.memory_space<hbm>> -> memref<2x512xi32, #tpu.memory_space<hbm>>
    tpu.wait_dma2 semaphore(%arg14 : memref<!tpu.dma_semaphore, #tpu.memory_space<semaphore_mem>>) src(%dma_wait3A_80 : memref<2x512xi32, #tpu.memory_space<hbm>>) dst(%arg6 : memref<2x512xi32, #tpu.memory_space<vmem>>)
    %dma_wait3A_81 = arith.constant 0 : i32
    %dma_wait3A_82 = tpu.memref_slice %arg2[%dma_wait3A_81, %mul3A_0] : memref<2x1639936xi32, #tpu.memory_space<hbm>> -> memref<2x512xi32, #tpu.memory_space<hbm>>
    %dma_wait3A_83 = arith.constant 0 : i32
    %dma_wait3A_84 = tpu.memref_slice %arg2[%dma_wait3A_83, %mul3A_0] : memref<2x1639936xi32, #tpu.memory_space<hbm>> -> memref<2x512xi32, #tpu.memory_space<hbm>>
    tpu.wait_dma2 semaphore(%arg15 : memref<!tpu.dma_semaphore, #tpu.memory_space<semaphore_mem>>) src(%dma_wait3A_84 : memref<2x512xi32, #tpu.memory_space<hbm>>) dst(%arg7 : memref<2x512xi32, #tpu.memory_space<vmem>>)
    %barrier3A_85 = arith.constant 0 : index
    tpu.barrier barrier_id(%barrier3A_85)
    %lt3A = arith.constant 15 : i32
    %lt3A_86 = arith.cmpi slt, %arg1, %lt3A : i32
    %convert_element_type3A = arith.extui %lt3A_86 : i1 to i32
    %cond3A = arith.constant 0 : i32
    %cond3A_87 = arith.cmpi ne, %convert_element_type3A, %cond3A : i32
    scf.if %cond3A_87 {
      %mul3A_92 = arith.constant 6256 : i32
      %mul3A_93 = arith.muli %arg1, %mul3A_92 : i32
      %mul3A_94 = arith.constant 6256 : i32
      %mul3A_95 = arith.muli %arg1, %mul3A_94 : i32
      %mul3A_96 = arith.constant 16 : i32
      %mul3A_97 = arith.muli %arg0, %mul3A_96 : i32
      "tpu.region"() ({
        %run_scoped3A = tpu.sem_alloc : memref<!tpu.dma_semaphore, #tpu.memory_space<semaphore_mem>>
        %dma_start3A_98 = tpu.memref_slice %arg4[%mul3A_95, %mul3A_97] : memref<100000x32xf32, #tpu.memory_space<hbm>> -> memref<6256x16xf32, #tpu.memory_space<hbm>>
        %dma_start3A_99 = arith.constant 0 : i32
        %dma_start3A_100 = tpu.memref_slice %arg21[%mul3A_93, %dma_start3A_99] : memref<100096x16xf32, #tpu.memory_space<vmem_shared>> -> memref<6256x16xf32, #tpu.memory_space<vmem_shared>>
        tpu.enqueue_dma source(%dma_start3A_100 : memref<6256x16xf32, #tpu.memory_space<vmem_shared>>) target(%dma_start3A_98 : memref<6256x16xf32, #tpu.memory_space<hbm>>) target_semaphore(%run_scoped3A : memref<!tpu.dma_semaphore, #tpu.memory_space<semaphore_mem>>)
        %dma_wait3A_101 = tpu.memref_slice %arg4[%mul3A_95, %mul3A_97] : memref<100000x32xf32, #tpu.memory_space<hbm>> -> memref<6256x16xf32, #tpu.memory_space<hbm>>
        %dma_wait3A_102 = arith.constant 0 : i32
        %dma_wait3A_103 = tpu.memref_slice %arg21[%mul3A_93, %dma_wait3A_102] : memref<100096x16xf32, #tpu.memory_space<vmem_shared>> -> memref<6256x16xf32, #tpu.memory_space<vmem_shared>>
        tpu.wait_dma2 semaphore(%run_scoped3A : memref<!tpu.dma_semaphore, #tpu.memory_space<semaphore_mem>>) src(%dma_wait3A_103 : memref<6256x16xf32, #tpu.memory_space<vmem_shared>>) dst(%dma_wait3A_101 : memref<6256x16xf32, #tpu.memory_space<hbm>>)
        tpu.yield
      }) : () -> ()
    } else {
    }
    %eq3A = arith.constant 15 : i32
    %eq3A_88 = arith.cmpi eq, %arg1, %eq3A : i32
    %convert_element_type3A_89 = arith.extui %eq3A_88 : i1 to i32
    %cond3A_90 = arith.constant 0 : i32
    %cond3A_91 = arith.cmpi ne, %convert_element_type3A_89, %cond3A_90 : i32
    scf.if %cond3A_91 {
      %mul3A_92 = arith.constant 16 : i32
      %mul3A_93 = arith.muli %arg0, %mul3A_92 : i32
      "tpu.region"() ({
        %run_scoped3A = tpu.sem_alloc : memref<!tpu.dma_semaphore, #tpu.memory_space<semaphore_mem>>
        %dma_start3A_94 = arith.constant 93840 : i32
        %dma_start3A_95 = tpu.memref_slice %arg4[%dma_start3A_94, %mul3A_93] : memref<100000x32xf32, #tpu.memory_space<hbm>> -> memref<6160x16xf32, #tpu.memory_space<hbm>>
        %dma_start3A_96 = arith.constant 93840 : i32
        %dma_start3A_97 = arith.constant 0 : i32
        %dma_start3A_98 = tpu.memref_slice %arg21[%dma_start3A_96, %dma_start3A_97] : memref<100096x16xf32, #tpu.memory_space<vmem_shared>> -> memref<6160x16xf32, #tpu.memory_space<vmem_shared>>
        tpu.enqueue_dma source(%dma_start3A_98 : memref<6160x16xf32, #tpu.memory_space<vmem_shared>>) target(%dma_start3A_95 : memref<6160x16xf32, #tpu.memory_space<hbm>>) target_semaphore(%run_scoped3A : memref<!tpu.dma_semaphore, #tpu.memory_space<semaphore_mem>>)
        %dma_wait3A_99 = arith.constant 93840 : i32
        %dma_wait3A_100 = tpu.memref_slice %arg4[%dma_wait3A_99, %mul3A_93] : memref<100000x32xf32, #tpu.memory_space<hbm>> -> memref<6160x16xf32, #tpu.memory_space<hbm>>
        %dma_wait3A_101 = arith.constant 93840 : i32
        %dma_wait3A_102 = arith.constant 0 : i32
        %dma_wait3A_103 = tpu.memref_slice %arg21[%dma_wait3A_101, %dma_wait3A_102] : memref<100096x16xf32, #tpu.memory_space<vmem_shared>> -> memref<6160x16xf32, #tpu.memory_space<vmem_shared>>
        tpu.wait_dma2 semaphore(%run_scoped3A : memref<!tpu.dma_semaphore, #tpu.memory_space<semaphore_mem>>) src(%dma_wait3A_103 : memref<6160x16xf32, #tpu.memory_space<vmem_shared>>) dst(%dma_wait3A_100 : memref<6160x16xf32, #tpu.memory_space<hbm>>)
        tpu.yield
      }) : () -> ()
    } else {
    }
    return
  }
}

#map = affine_map<(d0, d1) -> (0, 0)>
module attributes {stable_mosaic.version = 14 : i64} {
  func.func @push(%arg0: i32, %arg1: i32, %arg2: memref<2x1639936xi32, #tpu.memory_space<hbm>>, %arg3: memref<200000x16xf32, #tpu.memory_space<hbm>>, %arg4: memref<100000x32xf32, #tpu.memory_space<hbm>>, %arg5: memref<2x512xi32, #tpu.memory_space<vmem>>, %arg6: memref<2x512xi32, #tpu.memory_space<vmem>>, %arg7: memref<2x512xi32, #tpu.memory_space<vmem>>, %arg8: memref<2x512xi32, #tpu.memory_space<vmem>>, %arg9: memref<1x512xi32, #tpu.memory_space<vmem>>, %arg10: memref<1x512xi32, #tpu.memory_space<vmem>>, %arg11: memref<512x16xf32, #tpu.memory_space<vmem>>, %arg12: memref<512x16xf32, #tpu.memory_space<vmem>>, %arg13: memref<!tpu.dma_semaphore, #tpu.memory_space<semaphore_mem>>, %arg14: memref<!tpu.dma_semaphore, #tpu.memory_space<semaphore_mem>>, %arg15: memref<!tpu.dma_semaphore, #tpu.memory_space<semaphore_mem>>, %arg16: memref<!tpu.dma_semaphore, #tpu.memory_space<semaphore_mem>>, %arg17: memref<!tpu.dma_semaphore, #tpu.memory_space<semaphore_mem>>, %arg18: memref<!tpu.dma_semaphore, #tpu.memory_space<semaphore_mem>>, %arg19: memref<!tpu.dma_semaphore, #tpu.memory_space<semaphore_mem>>, %arg20: memref<!tpu.dma_semaphore, #tpu.memory_space<semaphore_mem>>, %arg21: memref<100096x16xf32, #tpu.memory_space<vmem_shared>>) attributes {dimension_semantics = [#tpu.dimension_semantics<core_parallel>, #tpu.dimension_semantics<subcore_parallel>], iteration_bounds = array<i64: 2, 16>, scalar_prefetch = 0 : i64, scratch_operands = 17 : i64, tpu.core_type = #tpu.core_type<sc_vector_subcore>, window_params = [{transform_indices = #map}, {transform_indices = #map}, {transform_indices = #map}]} {
    %mul3A = arith.constant 102400 : i32
    %mul3A_0 = arith.muli %arg1, %mul3A : i32
    %dma_start3A = arith.constant 0 : i32
    %dma_start3A_1 = tpu.memref_slice %arg2[%dma_start3A, %mul3A_0] : memref<2x1639936xi32, #tpu.memory_space<hbm>> -> memref<2x512xi32, #tpu.memory_space<hbm>>
    %dma_start3A_2 = arith.constant 0 : i32
    %dma_start3A_3 = tpu.memref_slice %arg2[%dma_start3A_2, %mul3A_0] : memref<2x1639936xi32, #tpu.memory_space<hbm>> -> memref<2x512xi32, #tpu.memory_space<hbm>>
    tpu.enqueue_dma source(%dma_start3A_3 : memref<2x512xi32, #tpu.memory_space<hbm>>) target(%arg5 : memref<2x512xi32, #tpu.memory_space<vmem>>) target_semaphore(%arg13 : memref<!tpu.dma_semaphore, #tpu.memory_space<semaphore_mem>>)
    %add3A = arith.constant 512 : i32
    %add3A_4 = arith.addi %mul3A_0, %add3A : i32
    %dma_start3A_5 = arith.constant 0 : i32
    %dma_start3A_6 = tpu.memref_slice %arg2[%dma_start3A_5, %add3A_4] : memref<2x1639936xi32, #tpu.memory_space<hbm>> -> memref<2x512xi32, #tpu.memory_space<hbm>>
    %dma_start3A_7 = arith.constant 0 : i32
    %dma_start3A_8 = tpu.memref_slice %arg2[%dma_start3A_7, %add3A_4] : memref<2x1639936xi32, #tpu.memory_space<hbm>> -> memref<2x512xi32, #tpu.memory_space<hbm>>
    tpu.enqueue_dma source(%dma_start3A_8 : memref<2x512xi32, #tpu.memory_space<hbm>>) target(%arg6 : memref<2x512xi32, #tpu.memory_space<vmem>>) target_semaphore(%arg14 : memref<!tpu.dma_semaphore, #tpu.memory_space<semaphore_mem>>)
    %add3A_9 = arith.constant 1024 : i32
    %add3A_10 = arith.addi %mul3A_0, %add3A_9 : i32
    %dma_start3A_11 = arith.constant 0 : i32
    %dma_start3A_12 = tpu.memref_slice %arg2[%dma_start3A_11, %add3A_10] : memref<2x1639936xi32, #tpu.memory_space<hbm>> -> memref<2x512xi32, #tpu.memory_space<hbm>>
    %dma_start3A_13 = arith.constant 0 : i32
    %dma_start3A_14 = tpu.memref_slice %arg2[%dma_start3A_13, %add3A_10] : memref<2x1639936xi32, #tpu.memory_space<hbm>> -> memref<2x512xi32, #tpu.memory_space<hbm>>
    tpu.enqueue_dma source(%dma_start3A_14 : memref<2x512xi32, #tpu.memory_space<hbm>>) target(%arg7 : memref<2x512xi32, #tpu.memory_space<vmem>>) target_semaphore(%arg15 : memref<!tpu.dma_semaphore, #tpu.memory_space<semaphore_mem>>)
    %broadcast_in_dim3A = arith.constant 0.000000e+00 : f32
    %broadcast_in_dim3A_15 = vector.broadcast %broadcast_in_dim3A : f32 to vector<16xf32>
    %scan3A = arith.constant 0 : i32
    %scan3A_16 = arith.constant 512 : i32
    %scan3A_17 = arith.addi %scan3A, %scan3A_16 : i32
    %scan3A_18 = arith.constant 1 : i32
    scf.for %scan3A_92 = %scan3A to %scan3A_17 step %scan3A_18  : i32 {
      %mul3A_93 = arith.constant 1 : i32
      %mul3A_94 = arith.muli %scan3A_92, %mul3A_93 : i32
      %add3A_95 = arith.constant 0 : i32
      %add3A_96 = arith.addi %add3A_95, %mul3A_94 : i32
      %swap3A = arith.index_cast %add3A_96 : i32 to index
      %swap3A_97 = arith.constant 0 : index
      %swap3A_98 = tpu.vector_load %arg11[%swap3A, %swap3A_97] {strides = array<i32>} : memref<512x16xf32, #tpu.memory_space<vmem>>, vector<1x16xf32>,
      %swap3A_99 = vector.shape_cast %swap3A_98 : vector<1x16xf32> to vector<16xf32>
      %swap3A_100 = vector.shape_cast %broadcast_in_dim3A_15 : vector<16xf32> to vector<1x16xf32>
      tpu.vector_store %arg11[%swap3A, %swap3A_97], %swap3A_100 {strides = array<i32>} : memref<512x16xf32, #tpu.memory_space<vmem>>, vector<1x16xf32>,
    }
    %scan3A_19 = arith.constant 512 : i32
    %mul3A_20 = arith.constant 6256 : i32
    %mul3A_21 = arith.muli %arg1, %mul3A_20 : i32
    %scan3A_22 = arith.constant 0 : i32
    %scan3A_23 = arith.constant 12 : i32
    %scan3A_24 = arith.addi %scan3A_22, %scan3A_23 : i32
    %scan3A_25 = arith.constant 1 : i32
    scf.for %scan3A_92 = %scan3A_22 to %scan3A_24 step %scan3A_25  : i32 {
      %mul3A_93 = arith.constant 1 : i32
      %mul3A_94 = arith.muli %scan3A_92, %mul3A_93 : i32
      %add3A_95 = arith.constant 0 : i32
      %add3A_96 = arith.addi %add3A_95, %mul3A_94 : i32
      %mul3A_97 = arith.constant 512 : i32
      %mul3A_98 = arith.muli %add3A_96, %mul3A_97 : i32
      %add3A_99 = arith.addi %mul3A_21, %mul3A_98 : i32
      "tpu.region"() ({
        %run_scoped3A = tpu.sem_alloc : memref<!tpu.dma_semaphore, #tpu.memory_space<semaphore_mem>>
        %dma_start3A_100 = arith.constant 0 : i32
        %dma_start3A_101 = tpu.memref_slice %arg21[%add3A_99, %dma_start3A_100] : memref<100096x16xf32, #tpu.memory_space<vmem_shared>> -> memref<512x16xf32, #tpu.memory_space<vmem_shared>>
        %dma_start3A_102 = arith.constant 0 : i32
        %dma_start3A_103 = tpu.memref_slice %arg21[%add3A_99, %dma_start3A_102] : memref<100096x16xf32, #tpu.memory_space<vmem_shared>> -> memref<512x16xf32, #tpu.memory_space<vmem_shared>>
        tpu.enqueue_dma source(%arg11 : memref<512x16xf32, #tpu.memory_space<vmem>>) target(%dma_start3A_103 : memref<512x16xf32, #tpu.memory_space<vmem_shared>>) target_semaphore(%run_scoped3A : memref<!tpu.dma_semaphore, #tpu.memory_space<semaphore_mem>>)
        %dma_wait3A_104 = arith.constant 0 : i32
        %dma_wait3A_105 = tpu.memref_slice %arg21[%add3A_99, %dma_wait3A_104] : memref<100096x16xf32, #tpu.memory_space<vmem_shared>> -> memref<512x16xf32, #tpu.memory_space<vmem_shared>>
        %dma_wait3A_106 = arith.constant 0 : i32
        %dma_wait3A_107 = tpu.memref_slice %arg21[%add3A_99, %dma_wait3A_106] : memref<100096x16xf32, #tpu.memory_space<vmem_shared>> -> memref<512x16xf32, #tpu.memory_space<vmem_shared>>
        tpu.wait_dma2 semaphore(%run_scoped3A : memref<!tpu.dma_semaphore, #tpu.memory_space<semaphore_mem>>) src(%arg11 : memref<512x16xf32, #tpu.memory_space<vmem>>) dst(%dma_wait3A_107 : memref<512x16xf32, #tpu.memory_space<vmem_shared>>)
        tpu.yield
      }) : () -> ()
    }
    %scan3A_26 = arith.constant 12 : i32
    %add3A_27 = arith.constant 6144 : i32
    %add3A_28 = arith.addi %mul3A_21, %add3A_27 : i32
    "tpu.region"() ({
      %run_scoped3A = tpu.sem_alloc : memref<!tpu.dma_semaphore, #tpu.memory_space<semaphore_mem>>
      %dma_start3A_92 = arith.constant 0 : i32
      %dma_start3A_93 = arith.constant 0 : i32
      %dma_start3A_94 = tpu.memref_slice %arg11[%dma_start3A_92, %dma_start3A_93] : memref<512x16xf32, #tpu.memory_space<vmem>> -> memref<112x16xf32, #tpu.memory_space<vmem>>
      %dma_start3A_95 = arith.constant 0 : i32
      %dma_start3A_96 = tpu.memref_slice %arg21[%add3A_28, %dma_start3A_95] : memref<100096x16xf32, #tpu.memory_space<vmem_shared>> -> memref<112x16xf32, #tpu.memory_space<vmem_shared>>
      %dma_start3A_97 = arith.constant 0 : i32
      %dma_start3A_98 = tpu.memref_slice %arg21[%add3A_28, %dma_start3A_97] : memref<100096x16xf32, #tpu.memory_space<vmem_shared>> -> memref<112x16xf32, #tpu.memory_space<vmem_shared>>
      %dma_start3A_99 = arith.constant 0 : i32
      %dma_start3A_100 = arith.constant 0 : i32
      %dma_start3A_101 = tpu.memref_slice %arg11[%dma_start3A_99, %dma_start3A_100] : memref<512x16xf32, #tpu.memory_space<vmem>> -> memref<112x16xf32, #tpu.memory_space<vmem>>
      tpu.enqueue_dma source(%dma_start3A_101 : memref<112x16xf32, #tpu.memory_space<vmem>>) target(%dma_start3A_98 : memref<112x16xf32, #tpu.memory_space<vmem_shared>>) target_semaphore(%run_scoped3A : memref<!tpu.dma_semaphore, #tpu.memory_space<semaphore_mem>>)
      %dma_wait3A_102 = arith.constant 0 : i32
      %dma_wait3A_103 = arith.constant 0 : i32
      %dma_wait3A_104 = tpu.memref_slice %arg11[%dma_wait3A_102, %dma_wait3A_103] : memref<512x16xf32, #tpu.memory_space<vmem>> -> memref<112x16xf32, #tpu.memory_space<vmem>>
      %dma_wait3A_105 = arith.constant 0 : i32
      %dma_wait3A_106 = tpu.memref_slice %arg21[%add3A_28, %dma_wait3A_105] : memref<100096x16xf32, #tpu.memory_space<vmem_shared>> -> memref<112x16xf32, #tpu.memory_space<vmem_shared>>
      %dma_wait3A_107 = arith.constant 0 : i32
      %dma_wait3A_108 = tpu.memref_slice %arg21[%add3A_28, %dma_wait3A_107] : memref<100096x16xf32, #tpu.memory_space<vmem_shared>> -> memref<112x16xf32, #tpu.memory_space<vmem_shared>>
      %dma_wait3A_109 = arith.constant 0 : i32
      %dma_wait3A_110 = arith.constant 0 : i32
      %dma_wait3A_111 = tpu.memref_slice %arg11[%dma_wait3A_109, %dma_wait3A_110] : memref<512x16xf32, #tpu.memory_space<vmem>> -> memref<112x16xf32, #tpu.memory_space<vmem>>
      tpu.wait_dma2 semaphore(%run_scoped3A : memref<!tpu.dma_semaphore, #tpu.memory_space<semaphore_mem>>) src(%dma_wait3A_111 : memref<112x16xf32, #tpu.memory_space<vmem>>) dst(%dma_wait3A_108 : memref<112x16xf32, #tpu.memory_space<vmem_shared>>)
      tpu.yield
    }) : () -> ()
    %barrier3A = arith.constant 0 : index
    tpu.barrier barrier_id(%barrier3A)
    %scan3A_29 = arith.constant 0 : i32
    %scan3A_30 = arith.constant 50 : i32
    %scan3A_31 = arith.addi %scan3A_29, %scan3A_30 : i32
    %scan3A_32 = arith.constant 1 : i32
    scf.for %scan3A_92 = %scan3A_29 to %scan3A_31 step %scan3A_32  : i32 {
      %mul3A_93 = arith.constant 1 : i32
      %mul3A_94 = arith.muli %scan3A_92, %mul3A_93 : i32
      %add3A_95 = arith.constant 0 : i32
      %add3A_96 = arith.addi %add3A_95, %mul3A_94 : i32
      %mul3A_97 = arith.constant 4 : i32
      %mul3A_98 = arith.muli %mul3A_97, %add3A_96 : i32
      %dma_wait3A_99 = arith.constant 0 : i32
      %dma_wait3A_100 = tpu.memref_slice %arg2[%dma_wait3A_99, %mul3A_0] : memref<2x1639936xi32, #tpu.memory_space<hbm>> -> memref<2x512xi32, #tpu.memory_space<hbm>>
      %dma_wait3A_101 = arith.constant 0 : i32
      %dma_wait3A_102 = tpu.memref_slice %arg2[%dma_wait3A_101, %mul3A_0] : memref<2x1639936xi32, #tpu.memory_space<hbm>> -> memref<2x512xi32, #tpu.memory_space<hbm>>
      tpu.wait_dma2 semaphore(%arg13 : memref<!tpu.dma_semaphore, #tpu.memory_space<semaphore_mem>>) src(%dma_wait3A_102 : memref<2x512xi32, #tpu.memory_space<hbm>>) dst(%arg5 : memref<2x512xi32, #tpu.memory_space<vmem>>)
      %ge3A = arith.constant 1 : i32
      %ge3A_103 = arith.cmpi sge, %add3A_96, %ge3A : i32
      %convert_element_type3A_104 = arith.extui %ge3A_103 : i1 to i32
      %cond3A_105 = arith.constant 0 : i32
      %cond3A_106 = arith.cmpi ne, %convert_element_type3A_104, %cond3A_105 : i32
      scf.if %cond3A_106 {
        %dma_wait3A_313 = arith.constant 0 : i32
        %dma_wait3A_314 = arith.constant 0 : i32
        %dma_wait3A_315 = arith.constant 0 : i32
        %dma_wait3A_316 = tpu.memref_slice %arg11[%dma_wait3A_314, %dma_wait3A_315] : memref<512x16xf32, #tpu.memory_space<vmem>> -> memref<512x16xf32, #tpu.memory_space<vmem>>
        %dma_wait3A_317 = arith.constant 0 : i32
        %dma_wait3A_318 = tpu.memref_slice %arg9[%dma_wait3A_313, %dma_wait3A_317] : memref<1x512xi32, #tpu.memory_space<vmem>> -> memref<1x512xi32, #tpu.memory_space<vmem>>
        %dma_wait3A_319 = tpu.memref_squeeze %dma_wait3A_318 : memref<1x512xi32, #tpu.memory_space<vmem>> -> memref<512xi32, #tpu.memory_space<vmem>>
        %dma_wait3A_320 = arith.constant 0 : i32
        %dma_wait3A_321 = arith.constant 0 : i32
        %dma_wait3A_322 = tpu.memref_slice %arg21[%dma_wait3A_320, %dma_wait3A_321] : memref<100096x16xf32, #tpu.memory_space<vmem_shared>> -> memref<100096x16xf32, #tpu.memory_space<vmem_shared>>
        tpu.wait_indirect_dma semaphore(%arg19 : memref<!tpu.dma_semaphore, #tpu.memory_space<semaphore_mem>>) src(%dma_wait3A_316 : memref<512x16xf32, #tpu.memory_space<vmem>>) dst(%dma_wait3A_322 : memref<100096x16xf32, #tpu.memory_space<vmem_shared>>)
      } else {
      }
      %scan3A_107 = arith.constant 0 : i32
      %scan3A_108 = arith.constant 32 : i32
      %scan3A_109 = arith.addi %scan3A_107, %scan3A_108 : i32
      %scan3A_110 = arith.constant 1 : i32
      scf.for %scan3A_313 = %scan3A_107 to %scan3A_109 step %scan3A_110  : i32 {
        %mul3A_314 = arith.constant 1 : i32
        %mul3A_315 = arith.muli %scan3A_313, %mul3A_314 : i32
        %add3A_316 = arith.constant 0 : i32
        %add3A_317 = arith.addi %add3A_316, %mul3A_315 : i32
        %mul3A_318 = arith.constant 16 : i32
        %mul3A_319 = arith.muli %add3A_317, %mul3A_318 : i32
        %get3A = arith.constant 0 : i32
        %get3A_320 = arith.index_cast %get3A : i32 to index
        %get3A_321 = arith.index_cast %mul3A_319 : i32 to index
        %get3A_322 = tpu.vector_load %arg5[%get3A_320, %get3A_321] {strides = array<i32>} : memref<2x512xi32, #tpu.memory_space<vmem>>, vector<1x16xi32>,
        %get3A_323 = vector.shape_cast %get3A_322 : vector<1x16xi32> to vector<16xi32>
        %add3A_324 = arith.addi %get3A_323, %get3A_323 : vector<16xi32>
        %add3A_325 = vector.broadcast %arg0 : i32 to vector<16xi32>
        %add3A_326 = arith.addi %add3A_324, %add3A_325 : vector<16xi32>
        %mul3A_327 = arith.constant 16 : i32
        %mul3A_328 = arith.muli %add3A_317, %mul3A_327 : i32
        %swap3A = arith.constant 0 : i32
        %swap3A_329 = arith.index_cast %swap3A : i32 to index
        %swap3A_330 = arith.index_cast %mul3A_328 : i32 to index
        %swap3A_331 = tpu.vector_load %arg5[%swap3A_329, %swap3A_330] {strides = array<i32>} : memref<2x512xi32, #tpu.memory_space<vmem>>, vector<1x16xi32>,
        %swap3A_332 = vector.shape_cast %swap3A_331 : vector<1x16xi32> to vector<16xi32>
        %swap3A_333 = vector.shape_cast %add3A_326 : vector<16xi32> to vector<1x16xi32>
        tpu.vector_store %arg5[%swap3A_329, %swap3A_330], %swap3A_333 {strides = array<i32>} : memref<2x512xi32, #tpu.memory_space<vmem>>, vector<1x16xi32>,
        %mul3A_334 = arith.constant 16 : i32
        %mul3A_335 = arith.muli %add3A_317, %mul3A_334 : i32
        %get3A_336 = arith.constant 1 : i32
        %get3A_337 = arith.index_cast %get3A_336 : i32 to index
        %get3A_338 = arith.index_cast %mul3A_335 : i32 to index
        %get3A_339 = tpu.vector_load %arg5[%get3A_337, %get3A_338] {strides = array<i32>} : memref<2x512xi32, #tpu.memory_space<vmem>>, vector<1x16xi32>,
        %get3A_340 = vector.shape_cast %get3A_339 : vector<1x16xi32> to vector<16xi32>
        %mul3A_341 = arith.constant 16 : i32
        %mul3A_342 = arith.muli %add3A_317, %mul3A_341 : i32
        %jit3A = arith.constant 512 : i32
        %div3A = arith.divsi %mul3A_342, %jit3A : i32
        %sign3A = arith.constant 0 : i32
        %sign3A_343 = arith.cmpi sgt, %mul3A_342, %sign3A : i32
        %sign3A_344 = arith.extui %sign3A_343 : i1 to i32
        %sign3A_345 = arith.constant 0 : i32
        %sign3A_346 = arith.cmpi slt, %mul3A_342, %sign3A_345 : i32
        %sign3A_347 = arith.extui %sign3A_346 : i1 to i32
        %sign3A_348 = arith.subi %sign3A_344, %sign3A_347 : i32
        %sign3A_349 = arith.constant 0 : i32
        %sign3A_350 = arith.cmpi sgt, %jit3A, %sign3A_349 : i32
        %sign3A_351 = arith.extui %sign3A_350 : i1 to i32
        %sign3A_352 = arith.constant 0 : i32
        %sign3A_353 = arith.cmpi slt, %jit3A, %sign3A_352 : i32
        %sign3A_354 = arith.extui %sign3A_353 : i1 to i32
        %sign3A_355 = arith.subi %sign3A_351, %sign3A_354 : i32
        %ne3A = arith.cmpi ne, %sign3A_348, %sign3A_355 : i32
        %rem3A = arith.remsi %mul3A_342, %jit3A : i32
        %ne3A_356 = arith.constant 0 : i32
        %ne3A_357 = arith.cmpi ne, %rem3A, %ne3A_356 : i32
        %and3A = arith.andi %ne3A, %ne3A_357 : i1
        %sub3A = arith.constant 1 : i32
        %sub3A_358 = arith.subi %div3A, %sub3A : i32
        %select_n3A = arith.select %and3A, %sub3A_358, %div3A : i32
        %mul3A_359 = arith.constant 16 : i32
        %mul3A_360 = arith.muli %add3A_317, %mul3A_359 : i32
        %jit3A_361 = arith.constant 512 : i32
        %eq3A_362 = arith.constant 0 : i32
        %eq3A_363 = arith.cmpi eq, %jit3A_361, %eq3A_362 : i32
        %jit3A_364 = arith.constant 1 : i32
        %select_n3A_365 = arith.select %eq3A_363, %jit3A_364, %jit3A_361 : i32
        %rem3A_366 = arith.remsi %mul3A_360, %select_n3A_365 : i32
        %ne3A_367 = arith.constant 0 : i32
        %ne3A_368 = arith.cmpi ne, %rem3A_366, %ne3A_367 : i32
        %lt3A_369 = arith.constant 0 : i32
        %lt3A_370 = arith.cmpi slt, %rem3A_366, %lt3A_369 : i32
        %lt3A_371 = arith.constant 0 : i32
        %lt3A_372 = arith.cmpi slt, %select_n3A_365, %lt3A_371 : i32
        %ne3A_373 = arith.xori %lt3A_370, %lt3A_372 : i1
        %and3A_374 = arith.andi %ne3A_373, %ne3A_368 : i1
        %add3A_375 = arith.addi %rem3A_366, %select_n3A_365 : i32
        %select_n3A_376 = arith.select %and3A_374, %add3A_375, %rem3A_366 : i32
        %swap3A_377 = arith.index_cast %select_n3A : i32 to index
        %swap3A_378 = arith.index_cast %select_n3A_376 : i32 to index
        %swap3A_379 = tpu.vector_load %arg9[%swap3A_377, %swap3A_378] {strides = array<i32>} : memref<1x512xi32, #tpu.memory_space<vmem>>, vector<1x16xi32>,
        %swap3A_380 = vector.shape_cast %swap3A_379 : vector<1x16xi32> to vector<16xi32>
        %swap3A_381 = vector.shape_cast %get3A_340 : vector<16xi32> to vector<1x16xi32>
        tpu.vector_store %arg9[%swap3A_377, %swap3A_378], %swap3A_381 {strides = array<i32>} : memref<1x512xi32, #tpu.memory_space<vmem>>, vector<1x16xi32>,
      }
      %scan3A_111 = arith.constant 32 : i32
      %dma_start3A_112 = arith.constant 0 : i32
      %dma_start3A_113 = arith.constant 0 : i32
      %dma_start3A_114 = arith.constant 0 : i32
      %dma_start3A_115 = tpu.memref_slice %arg11[%dma_start3A_113, %dma_start3A_114] : memref<512x16xf32, #tpu.memory_space<vmem>> -> memref<512x16xf32, #tpu.memory_space<vmem>>
      %dma_start3A_116 = arith.constant 0 : i32
      %dma_start3A_117 = tpu.memref_slice %arg5[%dma_start3A_112, %dma_start3A_116] : memref<2x512xi32, #tpu.memory_space<vmem>> -> memref<1x512xi32, #tpu.memory_space<vmem>>
      %dma_start3A_118 = tpu.memref_squeeze %dma_start3A_117 : memref<1x512xi32, #tpu.memory_space<vmem>> -> memref<512xi32, #tpu.memory_space<vmem>>
      %dma_start3A_119 = arith.constant 0 : i32
      %dma_start3A_120 = arith.constant 0 : i32
      %dma_start3A_121 = tpu.memref_slice %arg3[%dma_start3A_119, %dma_start3A_120] : memref<200000x16xf32, #tpu.memory_space<hbm>> -> memref<200000x16xf32, #tpu.memory_space<hbm>>
      tpu.enqueue_indirect_dma source(%dma_start3A_121 : memref<200000x16xf32, #tpu.memory_space<hbm>>) target(%dma_start3A_115 : memref<512x16xf32, #tpu.memory_space<vmem>>) offsets(%dma_start3A_118 : memref<512xi32, #tpu.memory_space<vmem>>) semaphore(%arg17 : memref<!tpu.dma_semaphore, #tpu.memory_space<semaphore_mem>>)
      %ge3A_122 = arith.constant 1 : i32
      %ge3A_123 = arith.cmpi sge, %add3A_96, %ge3A_122 : i32
      %convert_element_type3A_124 = arith.extui %ge3A_123 : i1 to i32
      %cond3A_125 = arith.constant 0 : i32
      %cond3A_126 = arith.cmpi ne, %convert_element_type3A_124, %cond3A_125 : i32
      scf.if %cond3A_126 {
        %dma_wait3A_313 = arith.constant 0 : i32
        %dma_wait3A_314 = arith.constant 0 : i32
        %dma_wait3A_315 = arith.constant 0 : i32
        %dma_wait3A_316 = tpu.memref_slice %arg12[%dma_wait3A_314, %dma_wait3A_315] : memref<512x16xf32, #tpu.memory_space<vmem>> -> memref<512x16xf32, #tpu.memory_space<vmem>>
        %dma_wait3A_317 = arith.constant 0 : i32
        %dma_wait3A_318 = tpu.memref_slice %arg8[%dma_wait3A_313, %dma_wait3A_317] : memref<2x512xi32, #tpu.memory_space<vmem>> -> memref<1x512xi32, #tpu.memory_space<vmem>>
        %dma_wait3A_319 = tpu.memref_squeeze %dma_wait3A_318 : memref<1x512xi32, #tpu.memory_space<vmem>> -> memref<512xi32, #tpu.memory_space<vmem>>
        %dma_wait3A_320 = arith.constant 0 : i32
        %dma_wait3A_321 = arith.constant 0 : i32
        %dma_wait3A_322 = tpu.memref_slice %arg3[%dma_wait3A_320, %dma_wait3A_321] : memref<200000x16xf32, #tpu.memory_space<hbm>> -> memref<200000x16xf32, #tpu.memory_space<hbm>>
        tpu.wait_indirect_dma semaphore(%arg18 : memref<!tpu.dma_semaphore, #tpu.memory_space<semaphore_mem>>) src(%dma_wait3A_322 : memref<200000x16xf32, #tpu.memory_space<hbm>>) dst(%dma_wait3A_316 : memref<512x16xf32, #tpu.memory_space<vmem>>)
        %dma_start3A_323 = arith.constant 0 : i32
        %dma_start3A_324 = arith.constant 0 : i32
        %dma_start3A_325 = arith.constant 0 : i32
        %dma_start3A_326 = tpu.memref_slice %arg12[%dma_start3A_324, %dma_start3A_325] : memref<512x16xf32, #tpu.memory_space<vmem>> -> memref<512x16xf32, #tpu.memory_space<vmem>>
        %dma_start3A_327 = arith.constant 0 : i32
        %dma_start3A_328 = tpu.memref_slice %arg10[%dma_start3A_323, %dma_start3A_327] : memref<1x512xi32, #tpu.memory_space<vmem>> -> memref<1x512xi32, #tpu.memory_space<vmem>>
        %dma_start3A_329 = tpu.memref_squeeze %dma_start3A_328 : memref<1x512xi32, #tpu.memory_space<vmem>> -> memref<512xi32, #tpu.memory_space<vmem>>
        %dma_start3A_330 = arith.constant 0 : i32
        %dma_start3A_331 = arith.constant 0 : i32
        %dma_start3A_332 = tpu.memref_slice %arg21[%dma_start3A_330, %dma_start3A_331] : memref<100096x16xf32, #tpu.memory_space<vmem_shared>> -> memref<100096x16xf32, #tpu.memory_space<vmem_shared>>
        tpu.enqueue_indirect_dma source(%dma_start3A_326 : memref<512x16xf32, #tpu.memory_space<vmem>>) target(%dma_start3A_332 : memref<100096x16xf32, #tpu.memory_space<vmem_shared>>) offsets(%dma_start3A_329 : memref<512xi32, #tpu.memory_space<vmem>>) semaphore(%arg20 : memref<!tpu.dma_semaphore, #tpu.memory_space<semaphore_mem>>) {add = true}
      } else {
      }
      %add3A_127 = arith.constant 0 : i32
      %add3A_128 = arith.addi %mul3A_98, %add3A_127 : i32
      %add3A_129 = arith.constant 3 : i32
      %add3A_130 = arith.addi %add3A_128, %add3A_129 : i32
      %mul3A_131 = arith.constant 512 : i32
      %mul3A_132 = arith.muli %add3A_130, %mul3A_131 : i32
      %add3A_133 = arith.addi %mul3A_0, %mul3A_132 : i32
      %dma_start3A_134 = arith.constant 0 : i32
      %dma_start3A_135 = tpu.memref_slice %arg2[%dma_start3A_134, %add3A_133] : memref<2x1639936xi32, #tpu.memory_space<hbm>> -> memref<2x512xi32, #tpu.memory_space<hbm>>
      %dma_start3A_136 = arith.constant 0 : i32
      %dma_start3A_137 = tpu.memref_slice %arg2[%dma_start3A_136, %add3A_133] : memref<2x1639936xi32, #tpu.memory_space<hbm>> -> memref<2x512xi32, #tpu.memory_space<hbm>>
      tpu.enqueue_dma source(%dma_start3A_137 : memref<2x512xi32, #tpu.memory_space<hbm>>) target(%arg8 : memref<2x512xi32, #tpu.memory_space<vmem>>) target_semaphore(%arg16 : memref<!tpu.dma_semaphore, #tpu.memory_space<semaphore_mem>>)
      %dma_wait3A_138 = arith.constant 0 : i32
      %dma_wait3A_139 = tpu.memref_slice %arg2[%dma_wait3A_138, %mul3A_0] : memref<2x1639936xi32, #tpu.memory_space<hbm>> -> memref<2x512xi32, #tpu.memory_space<hbm>>
      %dma_wait3A_140 = arith.constant 0 : i32
      %dma_wait3A_141 = tpu.memref_slice %arg2[%dma_wait3A_140, %mul3A_0] : memref<2x1639936xi32, #tpu.memory_space<hbm>> -> memref<2x512xi32, #tpu.memory_space<hbm>>
      tpu.wait_dma2 semaphore(%arg14 : memref<!tpu.dma_semaphore, #tpu.memory_space<semaphore_mem>>) src(%dma_wait3A_141 : memref<2x512xi32, #tpu.memory_space<hbm>>) dst(%arg6 : memref<2x512xi32, #tpu.memory_space<vmem>>)
      %ge3A_142 = arith.constant 1 : i32
      %ge3A_143 = arith.cmpi sge, %add3A_96, %ge3A_142 : i32
      %convert_element_type3A_144 = arith.extui %ge3A_143 : i1 to i32
      %cond3A_145 = arith.constant 0 : i32
      %cond3A_146 = arith.cmpi ne, %convert_element_type3A_144, %cond3A_145 : i32
      scf.if %cond3A_146 {
        %dma_wait3A_313 = arith.constant 0 : i32
        %dma_wait3A_314 = arith.constant 0 : i32
        %dma_wait3A_315 = arith.constant 0 : i32
        %dma_wait3A_316 = tpu.memref_slice %arg12[%dma_wait3A_314, %dma_wait3A_315] : memref<512x16xf32, #tpu.memory_space<vmem>> -> memref<512x16xf32, #tpu.memory_space<vmem>>
        %dma_wait3A_317 = arith.constant 0 : i32
        %dma_wait3A_318 = tpu.memref_slice %arg10[%dma_wait3A_313, %dma_wait3A_317] : memref<1x512xi32, #tpu.memory_space<vmem>> -> memref<1x512xi32, #tpu.memory_space<vmem>>
        %dma_wait3A_319 = tpu.memref_squeeze %dma_wait3A_318 : memref<1x512xi32, #tpu.memory_space<vmem>> -> memref<512xi32, #tpu.memory_space<vmem>>
        %dma_wait3A_320 = arith.constant 0 : i32
        %dma_wait3A_321 = arith.constant 0 : i32
        %dma_wait3A_322 = tpu.memref_slice %arg21[%dma_wait3A_320, %dma_wait3A_321] : memref<100096x16xf32, #tpu.memory_space<vmem_shared>> -> memref<100096x16xf32, #tpu.memory_space<vmem_shared>>
        tpu.wait_indirect_dma semaphore(%arg20 : memref<!tpu.dma_semaphore, #tpu.memory_space<semaphore_mem>>) src(%dma_wait3A_316 : memref<512x16xf32, #tpu.memory_space<vmem>>) dst(%dma_wait3A_322 : memref<100096x16xf32, #tpu.memory_space<vmem_shared>>)
      } else {
      }
      %scan3A_147 = arith.constant 0 : i32
      %scan3A_148 = arith.constant 32 : i32
      %scan3A_149 = arith.addi %scan3A_147, %scan3A_148 : i32
      %scan3A_150 = arith.constant 1 : i32
      scf.for %scan3A_313 = %scan3A_147 to %scan3A_149 step %scan3A_150  : i32 {
        %mul3A_314 = arith.constant 1 : i32
        %mul3A_315 = arith.muli %scan3A_313, %mul3A_314 : i32
        %add3A_316 = arith.constant 0 : i32
        %add3A_317 = arith.addi %add3A_316, %mul3A_315 : i32
        %mul3A_318 = arith.constant 16 : i32
        %mul3A_319 = arith.muli %add3A_317, %mul3A_318 : i32
        %get3A = arith.constant 0 : i32
        %get3A_320 = arith.index_cast %get3A : i32 to index
        %get3A_321 = arith.index_cast %mul3A_319 : i32 to index
        %get3A_322 = tpu.vector_load %arg6[%get3A_320, %get3A_321] {strides = array<i32>} : memref<2x512xi32, #tpu.memory_space<vmem>>, vector<1x16xi32>,
        %get3A_323 = vector.shape_cast %get3A_322 : vector<1x16xi32> to vector<16xi32>
        %add3A_324 = arith.addi %get3A_323, %get3A_323 : vector<16xi32>
        %add3A_325 = vector.broadcast %arg0 : i32 to vector<16xi32>
        %add3A_326 = arith.addi %add3A_324, %add3A_325 : vector<16xi32>
        %mul3A_327 = arith.constant 16 : i32
        %mul3A_328 = arith.muli %add3A_317, %mul3A_327 : i32
        %swap3A = arith.constant 0 : i32
        %swap3A_329 = arith.index_cast %swap3A : i32 to index
        %swap3A_330 = arith.index_cast %mul3A_328 : i32 to index
        %swap3A_331 = tpu.vector_load %arg6[%swap3A_329, %swap3A_330] {strides = array<i32>} : memref<2x512xi32, #tpu.memory_space<vmem>>, vector<1x16xi32>,
        %swap3A_332 = vector.shape_cast %swap3A_331 : vector<1x16xi32> to vector<16xi32>
        %swap3A_333 = vector.shape_cast %add3A_326 : vector<16xi32> to vector<1x16xi32>
        tpu.vector_store %arg6[%swap3A_329, %swap3A_330], %swap3A_333 {strides = array<i32>} : memref<2x512xi32, #tpu.memory_space<vmem>>, vector<1x16xi32>,
        %mul3A_334 = arith.constant 16 : i32
        %mul3A_335 = arith.muli %add3A_317, %mul3A_334 : i32
        %get3A_336 = arith.constant 1 : i32
        %get3A_337 = arith.index_cast %get3A_336 : i32 to index
        %get3A_338 = arith.index_cast %mul3A_335 : i32 to index
        %get3A_339 = tpu.vector_load %arg6[%get3A_337, %get3A_338] {strides = array<i32>} : memref<2x512xi32, #tpu.memory_space<vmem>>, vector<1x16xi32>,
        %get3A_340 = vector.shape_cast %get3A_339 : vector<1x16xi32> to vector<16xi32>
        %mul3A_341 = arith.constant 16 : i32
        %mul3A_342 = arith.muli %add3A_317, %mul3A_341 : i32
        %jit3A = arith.constant 512 : i32
        %div3A = arith.divsi %mul3A_342, %jit3A : i32
        %sign3A = arith.constant 0 : i32
        %sign3A_343 = arith.cmpi sgt, %mul3A_342, %sign3A : i32
        %sign3A_344 = arith.extui %sign3A_343 : i1 to i32
        %sign3A_345 = arith.constant 0 : i32
        %sign3A_346 = arith.cmpi slt, %mul3A_342, %sign3A_345 : i32
        %sign3A_347 = arith.extui %sign3A_346 : i1 to i32
        %sign3A_348 = arith.subi %sign3A_344, %sign3A_347 : i32
        %sign3A_349 = arith.constant 0 : i32
        %sign3A_350 = arith.cmpi sgt, %jit3A, %sign3A_349 : i32
        %sign3A_351 = arith.extui %sign3A_350 : i1 to i32
        %sign3A_352 = arith.constant 0 : i32
        %sign3A_353 = arith.cmpi slt, %jit3A, %sign3A_352 : i32
        %sign3A_354 = arith.extui %sign3A_353 : i1 to i32
        %sign3A_355 = arith.subi %sign3A_351, %sign3A_354 : i32
        %ne3A = arith.cmpi ne, %sign3A_348, %sign3A_355 : i32
        %rem3A = arith.remsi %mul3A_342, %jit3A : i32
        %ne3A_356 = arith.constant 0 : i32
        %ne3A_357 = arith.cmpi ne, %rem3A, %ne3A_356 : i32
        %and3A = arith.andi %ne3A, %ne3A_357 : i1
        %sub3A = arith.constant 1 : i32
        %sub3A_358 = arith.subi %div3A, %sub3A : i32
        %select_n3A = arith.select %and3A, %sub3A_358, %div3A : i32
        %mul3A_359 = arith.constant 16 : i32
        %mul3A_360 = arith.muli %add3A_317, %mul3A_359 : i32
        %jit3A_361 = arith.constant 512 : i32
        %eq3A_362 = arith.constant 0 : i32
        %eq3A_363 = arith.cmpi eq, %jit3A_361, %eq3A_362 : i32
        %jit3A_364 = arith.constant 1 : i32
        %select_n3A_365 = arith.select %eq3A_363, %jit3A_364, %jit3A_361 : i32
        %rem3A_366 = arith.remsi %mul3A_360, %select_n3A_365 : i32
        %ne3A_367 = arith.constant 0 : i32
        %ne3A_368 = arith.cmpi ne, %rem3A_366, %ne3A_367 : i32
        %lt3A_369 = arith.constant 0 : i32
        %lt3A_370 = arith.cmpi slt, %rem3A_366, %lt3A_369 : i32
        %lt3A_371 = arith.constant 0 : i32
        %lt3A_372 = arith.cmpi slt, %select_n3A_365, %lt3A_371 : i32
        %ne3A_373 = arith.xori %lt3A_370, %lt3A_372 : i1
        %and3A_374 = arith.andi %ne3A_373, %ne3A_368 : i1
        %add3A_375 = arith.addi %rem3A_366, %select_n3A_365 : i32
        %select_n3A_376 = arith.select %and3A_374, %add3A_375, %rem3A_366 : i32
        %swap3A_377 = arith.index_cast %select_n3A : i32 to index
        %swap3A_378 = arith.index_cast %select_n3A_376 : i32 to index
        %swap3A_379 = tpu.vector_load %arg10[%swap3A_377, %swap3A_378] {strides = array<i32>} : memref<1x512xi32, #tpu.memory_space<vmem>>, vector<1x16xi32>,
        %swap3A_380 = vector.shape_cast %swap3A_379 : vector<1x16xi32> to vector<16xi32>
        %swap3A_381 = vector.shape_cast %get3A_340 : vector<16xi32> to vector<1x16xi32>
        tpu.vector_store %arg10[%swap3A_377, %swap3A_378], %swap3A_381 {strides = array<i32>} : memref<1x512xi32, #tpu.memory_space<vmem>>, vector<1x16xi32>,
      }
      %scan3A_151 = arith.constant 32 : i32
      %dma_start3A_152 = arith.constant 0 : i32
      %dma_start3A_153 = arith.constant 0 : i32
      %dma_start3A_154 = arith.constant 0 : i32
      %dma_start3A_155 = tpu.memref_slice %arg12[%dma_start3A_153, %dma_start3A_154] : memref<512x16xf32, #tpu.memory_space<vmem>> -> memref<512x16xf32, #tpu.memory_space<vmem>>
      %dma_start3A_156 = arith.constant 0 : i32
      %dma_start3A_157 = tpu.memref_slice %arg6[%dma_start3A_152, %dma_start3A_156] : memref<2x512xi32, #tpu.memory_space<vmem>> -> memref<1x512xi32, #tpu.memory_space<vmem>>
      %dma_start3A_158 = tpu.memref_squeeze %dma_start3A_157 : memref<1x512xi32, #tpu.memory_space<vmem>> -> memref<512xi32, #tpu.memory_space<vmem>>
      %dma_start3A_159 = arith.constant 0 : i32
      %dma_start3A_160 = arith.constant 0 : i32
      %dma_start3A_161 = tpu.memref_slice %arg3[%dma_start3A_159, %dma_start3A_160] : memref<200000x16xf32, #tpu.memory_space<hbm>> -> memref<200000x16xf32, #tpu.memory_space<hbm>>
      tpu.enqueue_indirect_dma source(%dma_start3A_161 : memref<200000x16xf32, #tpu.memory_space<hbm>>) target(%dma_start3A_155 : memref<512x16xf32, #tpu.memory_space<vmem>>) offsets(%dma_start3A_158 : memref<512xi32, #tpu.memory_space<vmem>>) semaphore(%arg18 : memref<!tpu.dma_semaphore, #tpu.memory_space<semaphore_mem>>)
      %dma_wait3A_162 = arith.constant 0 : i32
      %dma_wait3A_163 = arith.constant 0 : i32
      %dma_wait3A_164 = arith.constant 0 : i32
      %dma_wait3A_165 = tpu.memref_slice %arg11[%dma_wait3A_163, %dma_wait3A_164] : memref<512x16xf32, #tpu.memory_space<vmem>> -> memref<512x16xf32, #tpu.memory_space<vmem>>
      %dma_wait3A_166 = arith.constant 0 : i32
      %dma_wait3A_167 = tpu.memref_slice %arg5[%dma_wait3A_162, %dma_wait3A_166] : memref<2x512xi32, #tpu.memory_space<vmem>> -> memref<1x512xi32, #tpu.memory_space<vmem>>
      %dma_wait3A_168 = tpu.memref_squeeze %dma_wait3A_167 : memref<1x512xi32, #tpu.memory_space<vmem>> -> memref<512xi32, #tpu.memory_space<vmem>>
      %dma_wait3A_169 = arith.constant 0 : i32
      %dma_wait3A_170 = arith.constant 0 : i32
      %dma_wait3A_171 = tpu.memref_slice %arg3[%dma_wait3A_169, %dma_wait3A_170] : memref<200000x16xf32, #tpu.memory_space<hbm>> -> memref<200000x16xf32, #tpu.memory_space<hbm>>
      tpu.wait_indirect_dma semaphore(%arg17 : memref<!tpu.dma_semaphore, #tpu.memory_space<semaphore_mem>>) src(%dma_wait3A_171 : memref<200000x16xf32, #tpu.memory_space<hbm>>) dst(%dma_wait3A_165 : memref<512x16xf32, #tpu.memory_space<vmem>>)
      %dma_start3A_172 = arith.constant 0 : i32
      %dma_start3A_173 = arith.constant 0 : i32
      %dma_start3A_174 = arith.constant 0 : i32
      %dma_start3A_175 = tpu.memref_slice %arg11[%dma_start3A_173, %dma_start3A_174] : memref<512x16xf32, #tpu.memory_space<vmem>> -> memref<512x16xf32, #tpu.memory_space<vmem>>
      %dma_start3A_176 = arith.constant 0 : i32
      %dma_start3A_177 = tpu.memref_slice %arg9[%dma_start3A_172, %dma_start3A_176] : memref<1x512xi32, #tpu.memory_space<vmem>> -> memref<1x512xi32, #tpu.memory_space<vmem>>
      %dma_start3A_178 = tpu.memref_squeeze %dma_start3A_177 : memref<1x512xi32, #tpu.memory_space<vmem>> -> memref<512xi32, #tpu.memory_space<vmem>>
      %dma_start3A_179 = arith.constant 0 : i32
      %dma_start3A_180 = arith.constant 0 : i32
      %dma_start3A_181 = tpu.memref_slice %arg21[%dma_start3A_179, %dma_start3A_180] : memref<100096x16xf32, #tpu.memory_space<vmem_shared>> -> memref<100096x16xf32, #tpu.memory_space<vmem_shared>>
      tpu.enqueue_indirect_dma source(%dma_start3A_175 : memref<512x16xf32, #tpu.memory_space<vmem>>) target(%dma_start3A_181 : memref<100096x16xf32, #tpu.memory_space<vmem_shared>>) offsets(%dma_start3A_178 : memref<512xi32, #tpu.memory_space<vmem>>) semaphore(%arg19 : memref<!tpu.dma_semaphore, #tpu.memory_space<semaphore_mem>>) {add = true}
      %add3A_182 = arith.constant 1 : i32
      %add3A_183 = arith.addi %mul3A_98, %add3A_182 : i32
      %add3A_184 = arith.constant 3 : i32
      %add3A_185 = arith.addi %add3A_183, %add3A_184 : i32
      %mul3A_186 = arith.constant 512 : i32
      %mul3A_187 = arith.muli %add3A_185, %mul3A_186 : i32
      %add3A_188 = arith.addi %mul3A_0, %mul3A_187 : i32
      %dma_start3A_189 = arith.constant 0 : i32
      %dma_start3A_190 = tpu.memref_slice %arg2[%dma_start3A_189, %add3A_188] : memref<2x1639936xi32, #tpu.memory_space<hbm>> -> memref<2x512xi32, #tpu.memory_space<hbm>>
      %dma_start3A_191 = arith.constant 0 : i32
      %dma_start3A_192 = tpu.memref_slice %arg2[%dma_start3A_191, %add3A_188] : memref<2x1639936xi32, #tpu.memory_space<hbm>> -> memref<2x512xi32, #tpu.memory_space<hbm>>
      tpu.enqueue_dma source(%dma_start3A_192 : memref<2x512xi32, #tpu.memory_space<hbm>>) target(%arg5 : memref<2x512xi32, #tpu.memory_space<vmem>>) target_semaphore(%arg13 : memref<!tpu.dma_semaphore, #tpu.memory_space<semaphore_mem>>)
      %dma_wait3A_193 = arith.constant 0 : i32
      %dma_wait3A_194 = tpu.memref_slice %arg2[%dma_wait3A_193, %mul3A_0] : memref<2x1639936xi32, #tpu.memory_space<hbm>> -> memref<2x512xi32, #tpu.memory_space<hbm>>
      %dma_wait3A_195 = arith.constant 0 : i32
      %dma_wait3A_196 = tpu.memref_slice %arg2[%dma_wait3A_195, %mul3A_0] : memref<2x1639936xi32, #tpu.memory_space<hbm>> -> memref<2x512xi32, #tpu.memory_space<hbm>>
      tpu.wait_dma2 semaphore(%arg15 : memref<!tpu.dma_semaphore, #tpu.memory_space<semaphore_mem>>) src(%dma_wait3A_196 : memref<2x512xi32, #tpu.memory_space<hbm>>) dst(%arg7 : memref<2x512xi32, #tpu.memory_space<vmem>>)
      %dma_wait3A_197 = arith.constant 0 : i32
      %dma_wait3A_198 = arith.constant 0 : i32
      %dma_wait3A_199 = arith.constant 0 : i32
      %dma_wait3A_200 = tpu.memref_slice %arg11[%dma_wait3A_198, %dma_wait3A_199] : memref<512x16xf32, #tpu.memory_space<vmem>> -> memref<512x16xf32, #tpu.memory_space<vmem>>
      %dma_wait3A_201 = arith.constant 0 : i32
      %dma_wait3A_202 = tpu.memref_slice %arg9[%dma_wait3A_197, %dma_wait3A_201] : memref<1x512xi32, #tpu.memory_space<vmem>> -> memref<1x512xi32, #tpu.memory_space<vmem>>
      %dma_wait3A_203 = tpu.memref_squeeze %dma_wait3A_202 : memref<1x512xi32, #tpu.memory_space<vmem>> -> memref<512xi32, #tpu.memory_space<vmem>>
      %dma_wait3A_204 = arith.constant 0 : i32
      %dma_wait3A_205 = arith.constant 0 : i32
      %dma_wait3A_206 = tpu.memref_slice %arg21[%dma_wait3A_204, %dma_wait3A_205] : memref<100096x16xf32, #tpu.memory_space<vmem_shared>> -> memref<100096x16xf32, #tpu.memory_space<vmem_shared>>
      tpu.wait_indirect_dma semaphore(%arg19 : memref<!tpu.dma_semaphore, #tpu.memory_space<semaphore_mem>>) src(%dma_wait3A_200 : memref<512x16xf32, #tpu.memory_space<vmem>>) dst(%dma_wait3A_206 : memref<100096x16xf32, #tpu.memory_space<vmem_shared>>)
      %scan3A_207 = arith.constant 0 : i32
      %scan3A_208 = arith.constant 32 : i32
      %scan3A_209 = arith.addi %scan3A_207, %scan3A_208 : i32
      %scan3A_210 = arith.constant 1 : i32
      scf.for %scan3A_313 = %scan3A_207 to %scan3A_209 step %scan3A_210  : i32 {
        %mul3A_314 = arith.constant 1 : i32
        %mul3A_315 = arith.muli %scan3A_313, %mul3A_314 : i32
        %add3A_316 = arith.constant 0 : i32
        %add3A_317 = arith.addi %add3A_316, %mul3A_315 : i32
        %mul3A_318 = arith.constant 16 : i32
        %mul3A_319 = arith.muli %add3A_317, %mul3A_318 : i32
        %get3A = arith.constant 0 : i32
        %get3A_320 = arith.index_cast %get3A : i32 to index
        %get3A_321 = arith.index_cast %mul3A_319 : i32 to index
        %get3A_322 = tpu.vector_load %arg7[%get3A_320, %get3A_321] {strides = array<i32>} : memref<2x512xi32, #tpu.memory_space<vmem>>, vector<1x16xi32>,
        %get3A_323 = vector.shape_cast %get3A_322 : vector<1x16xi32> to vector<16xi32>
        %add3A_324 = arith.addi %get3A_323, %get3A_323 : vector<16xi32>
        %add3A_325 = vector.broadcast %arg0 : i32 to vector<16xi32>
        %add3A_326 = arith.addi %add3A_324, %add3A_325 : vector<16xi32>
        %mul3A_327 = arith.constant 16 : i32
        %mul3A_328 = arith.muli %add3A_317, %mul3A_327 : i32
        %swap3A = arith.constant 0 : i32
        %swap3A_329 = arith.index_cast %swap3A : i32 to index
        %swap3A_330 = arith.index_cast %mul3A_328 : i32 to index
        %swap3A_331 = tpu.vector_load %arg7[%swap3A_329, %swap3A_330] {strides = array<i32>} : memref<2x512xi32, #tpu.memory_space<vmem>>, vector<1x16xi32>,
        %swap3A_332 = vector.shape_cast %swap3A_331 : vector<1x16xi32> to vector<16xi32>
        %swap3A_333 = vector.shape_cast %add3A_326 : vector<16xi32> to vector<1x16xi32>
        tpu.vector_store %arg7[%swap3A_329, %swap3A_330], %swap3A_333 {strides = array<i32>} : memref<2x512xi32, #tpu.memory_space<vmem>>, vector<1x16xi32>,
        %mul3A_334 = arith.constant 16 : i32
        %mul3A_335 = arith.muli %add3A_317, %mul3A_334 : i32
        %get3A_336 = arith.constant 1 : i32
        %get3A_337 = arith.index_cast %get3A_336 : i32 to index
        %get3A_338 = arith.index_cast %mul3A_335 : i32 to index
        %get3A_339 = tpu.vector_load %arg7[%get3A_337, %get3A_338] {strides = array<i32>} : memref<2x512xi32, #tpu.memory_space<vmem>>, vector<1x16xi32>,
        %get3A_340 = vector.shape_cast %get3A_339 : vector<1x16xi32> to vector<16xi32>
        %mul3A_341 = arith.constant 16 : i32
        %mul3A_342 = arith.muli %add3A_317, %mul3A_341 : i32
        %jit3A = arith.constant 512 : i32
        %div3A = arith.divsi %mul3A_342, %jit3A : i32
        %sign3A = arith.constant 0 : i32
        %sign3A_343 = arith.cmpi sgt, %mul3A_342, %sign3A : i32
        %sign3A_344 = arith.extui %sign3A_343 : i1 to i32
        %sign3A_345 = arith.constant 0 : i32
        %sign3A_346 = arith.cmpi slt, %mul3A_342, %sign3A_345 : i32
        %sign3A_347 = arith.extui %sign3A_346 : i1 to i32
        %sign3A_348 = arith.subi %sign3A_344, %sign3A_347 : i32
        %sign3A_349 = arith.constant 0 : i32
        %sign3A_350 = arith.cmpi sgt, %jit3A, %sign3A_349 : i32
        %sign3A_351 = arith.extui %sign3A_350 : i1 to i32
        %sign3A_352 = arith.constant 0 : i32
        %sign3A_353 = arith.cmpi slt, %jit3A, %sign3A_352 : i32
        %sign3A_354 = arith.extui %sign3A_353 : i1 to i32
        %sign3A_355 = arith.subi %sign3A_351, %sign3A_354 : i32
        %ne3A = arith.cmpi ne, %sign3A_348, %sign3A_355 : i32
        %rem3A = arith.remsi %mul3A_342, %jit3A : i32
        %ne3A_356 = arith.constant 0 : i32
        %ne3A_357 = arith.cmpi ne, %rem3A, %ne3A_356 : i32
        %and3A = arith.andi %ne3A, %ne3A_357 : i1
        %sub3A = arith.constant 1 : i32
        %sub3A_358 = arith.subi %div3A, %sub3A : i32
        %select_n3A = arith.select %and3A, %sub3A_358, %div3A : i32
        %mul3A_359 = arith.constant 16 : i32
        %mul3A_360 = arith.muli %add3A_317, %mul3A_359 : i32
        %jit3A_361 = arith.constant 512 : i32
        %eq3A_362 = arith.constant 0 : i32
        %eq3A_363 = arith.cmpi eq, %jit3A_361, %eq3A_362 : i32
        %jit3A_364 = arith.constant 1 : i32
        %select_n3A_365 = arith.select %eq3A_363, %jit3A_364, %jit3A_361 : i32
        %rem3A_366 = arith.remsi %mul3A_360, %select_n3A_365 : i32
        %ne3A_367 = arith.constant 0 : i32
        %ne3A_368 = arith.cmpi ne, %rem3A_366, %ne3A_367 : i32
        %lt3A_369 = arith.constant 0 : i32
        %lt3A_370 = arith.cmpi slt, %rem3A_366, %lt3A_369 : i32
        %lt3A_371 = arith.constant 0 : i32
        %lt3A_372 = arith.cmpi slt, %select_n3A_365, %lt3A_371 : i32
        %ne3A_373 = arith.xori %lt3A_370, %lt3A_372 : i1
        %and3A_374 = arith.andi %ne3A_373, %ne3A_368 : i1
        %add3A_375 = arith.addi %rem3A_366, %select_n3A_365 : i32
        %select_n3A_376 = arith.select %and3A_374, %add3A_375, %rem3A_366 : i32
        %swap3A_377 = arith.index_cast %select_n3A : i32 to index
        %swap3A_378 = arith.index_cast %select_n3A_376 : i32 to index
        %swap3A_379 = tpu.vector_load %arg9[%swap3A_377, %swap3A_378] {strides = array<i32>} : memref<1x512xi32, #tpu.memory_space<vmem>>, vector<1x16xi32>,
        %swap3A_380 = vector.shape_cast %swap3A_379 : vector<1x16xi32> to vector<16xi32>
        %swap3A_381 = vector.shape_cast %get3A_340 : vector<16xi32> to vector<1x16xi32>
        tpu.vector_store %arg9[%swap3A_377, %swap3A_378], %swap3A_381 {strides = array<i32>} : memref<1x512xi32, #tpu.memory_space<vmem>>, vector<1x16xi32>,
      }
      %scan3A_211 = arith.constant 32 : i32
      %dma_start3A_212 = arith.constant 0 : i32
      %dma_start3A_213 = arith.constant 0 : i32
      %dma_start3A_214 = arith.constant 0 : i32
      %dma_start3A_215 = tpu.memref_slice %arg11[%dma_start3A_213, %dma_start3A_214] : memref<512x16xf32, #tpu.memory_space<vmem>> -> memref<512x16xf32, #tpu.memory_space<vmem>>
      %dma_start3A_216 = arith.constant 0 : i32
      %dma_start3A_217 = tpu.memref_slice %arg7[%dma_start3A_212, %dma_start3A_216] : memref<2x512xi32, #tpu.memory_space<vmem>> -> memref<1x512xi32, #tpu.memory_space<vmem>>
      %dma_start3A_218 = tpu.memref_squeeze %dma_start3A_217 : memref<1x512xi32, #tpu.memory_space<vmem>> -> memref<512xi32, #tpu.memory_space<vmem>>
      %dma_start3A_219 = arith.constant 0 : i32
      %dma_start3A_220 = arith.constant 0 : i32
      %dma_start3A_221 = tpu.memref_slice %arg3[%dma_start3A_219, %dma_start3A_220] : memref<200000x16xf32, #tpu.memory_space<hbm>> -> memref<200000x16xf32, #tpu.memory_space<hbm>>
      tpu.enqueue_indirect_dma source(%dma_start3A_221 : memref<200000x16xf32, #tpu.memory_space<hbm>>) target(%dma_start3A_215 : memref<512x16xf32, #tpu.memory_space<vmem>>) offsets(%dma_start3A_218 : memref<512xi32, #tpu.memory_space<vmem>>) semaphore(%arg17 : memref<!tpu.dma_semaphore, #tpu.memory_space<semaphore_mem>>)
      %dma_wait3A_222 = arith.constant 0 : i32
      %dma_wait3A_223 = arith.constant 0 : i32
      %dma_wait3A_224 = arith.constant 0 : i32
      %dma_wait3A_225 = tpu.memref_slice %arg12[%dma_wait3A_223, %dma_wait3A_224] : memref<512x16xf32, #tpu.memory_space<vmem>> -> memref<512x16xf32, #tpu.memory_space<vmem>>
      %dma_wait3A_226 = arith.constant 0 : i32
      %dma_wait3A_227 = tpu.memref_slice %arg6[%dma_wait3A_222, %dma_wait3A_226] : memref<2x512xi32, #tpu.memory_space<vmem>> -> memref<1x512xi32, #tpu.memory_space<vmem>>
      %dma_wait3A_228 = tpu.memref_squeeze %dma_wait3A_227 : memref<1x512xi32, #tpu.memory_space<vmem>> -> memref<512xi32, #tpu.memory_space<vmem>>
      %dma_wait3A_229 = arith.constant 0 : i32
      %dma_wait3A_230 = arith.constant 0 : i32
      %dma_wait3A_231 = tpu.memref_slice %arg3[%dma_wait3A_229, %dma_wait3A_230] : memref<200000x16xf32, #tpu.memory_space<hbm>> -> memref<200000x16xf32, #tpu.memory_space<hbm>>
      tpu.wait_indirect_dma semaphore(%arg18 : memref<!tpu.dma_semaphore, #tpu.memory_space<semaphore_mem>>) src(%dma_wait3A_231 : memref<200000x16xf32, #tpu.memory_space<hbm>>) dst(%dma_wait3A_225 : memref<512x16xf32, #tpu.memory_space<vmem>>)
      %dma_start3A_232 = arith.constant 0 : i32
      %dma_start3A_233 = arith.constant 0 : i32
      %dma_start3A_234 = arith.constant 0 : i32
      %dma_start3A_235 = tpu.memref_slice %arg12[%dma_start3A_233, %dma_start3A_234] : memref<512x16xf32, #tpu.memory_space<vmem>> -> memref<512x16xf32, #tpu.memory_space<vmem>>
      %dma_start3A_236 = arith.constant 0 : i32
      %dma_start3A_237 = tpu.memref_slice %arg10[%dma_start3A_232, %dma_start3A_236] : memref<1x512xi32, #tpu.memory_space<vmem>> -> memref<1x512xi32, #tpu.memory_space<vmem>>
      %dma_start3A_238 = tpu.memref_squeeze %dma_start3A_237 : memref<1x512xi32, #tpu.memory_space<vmem>> -> memref<512xi32, #tpu.memory_space<vmem>>
      %dma_start3A_239 = arith.constant 0 : i32
      %dma_start3A_240 = arith.constant 0 : i32
      %dma_start3A_241 = tpu.memref_slice %arg21[%dma_start3A_239, %dma_start3A_240] : memref<100096x16xf32, #tpu.memory_space<vmem_shared>> -> memref<100096x16xf32, #tpu.memory_space<vmem_shared>>
      tpu.enqueue_indirect_dma source(%dma_start3A_235 : memref<512x16xf32, #tpu.memory_space<vmem>>) target(%dma_start3A_241 : memref<100096x16xf32, #tpu.memory_space<vmem_shared>>) offsets(%dma_start3A_238 : memref<512xi32, #tpu.memory_space<vmem>>) semaphore(%arg20 : memref<!tpu.dma_semaphore, #tpu.memory_space<semaphore_mem>>) {add = true}
      %add3A_242 = arith.constant 2 : i32
      %add3A_243 = arith.addi %mul3A_98, %add3A_242 : i32
      %add3A_244 = arith.constant 3 : i32
      %add3A_245 = arith.addi %add3A_243, %add3A_244 : i32
      %mul3A_246 = arith.constant 512 : i32
      %mul3A_247 = arith.muli %add3A_245, %mul3A_246 : i32
      %add3A_248 = arith.addi %mul3A_0, %mul3A_247 : i32
      %dma_start3A_249 = arith.constant 0 : i32
      %dma_start3A_250 = tpu.memref_slice %arg2[%dma_start3A_249, %add3A_248] : memref<2x1639936xi32, #tpu.memory_space<hbm>> -> memref<2x512xi32, #tpu.memory_space<hbm>>
      %dma_start3A_251 = arith.constant 0 : i32
      %dma_start3A_252 = tpu.memref_slice %arg2[%dma_start3A_251, %add3A_248] : memref<2x1639936xi32, #tpu.memory_space<hbm>> -> memref<2x512xi32, #tpu.memory_space<hbm>>
      tpu.enqueue_dma source(%dma_start3A_252 : memref<2x512xi32, #tpu.memory_space<hbm>>) target(%arg6 : memref<2x512xi32, #tpu.memory_space<vmem>>) target_semaphore(%arg14 : memref<!tpu.dma_semaphore, #tpu.memory_space<semaphore_mem>>)
      %dma_wait3A_253 = arith.constant 0 : i32
      %dma_wait3A_254 = tpu.memref_slice %arg2[%dma_wait3A_253, %mul3A_0] : memref<2x1639936xi32, #tpu.memory_space<hbm>> -> memref<2x512xi32, #tpu.memory_space<hbm>>
      %dma_wait3A_255 = arith.constant 0 : i32
      %dma_wait3A_256 = tpu.memref_slice %arg2[%dma_wait3A_255, %mul3A_0] : memref<2x1639936xi32, #tpu.memory_space<hbm>> -> memref<2x512xi32, #tpu.memory_space<hbm>>
      tpu.wait_dma2 semaphore(%arg16 : memref<!tpu.dma_semaphore, #tpu.memory_space<semaphore_mem>>) src(%dma_wait3A_256 : memref<2x512xi32, #tpu.memory_space<hbm>>) dst(%arg8 : memref<2x512xi32, #tpu.memory_space<vmem>>)
      %dma_wait3A_257 = arith.constant 0 : i32
      %dma_wait3A_258 = arith.constant 0 : i32
      %dma_wait3A_259 = arith.constant 0 : i32
      %dma_wait3A_260 = tpu.memref_slice %arg12[%dma_wait3A_258, %dma_wait3A_259] : memref<512x16xf32, #tpu.memory_space<vmem>> -> memref<512x16xf32, #tpu.memory_space<vmem>>
      %dma_wait3A_261 = arith.constant 0 : i32
      %dma_wait3A_262 = tpu.memref_slice %arg10[%dma_wait3A_257, %dma_wait3A_261] : memref<1x512xi32, #tpu.memory_space<vmem>> -> memref<1x512xi32, #tpu.memory_space<vmem>>
      %dma_wait3A_263 = tpu.memref_squeeze %dma_wait3A_262 : memref<1x512xi32, #tpu.memory_space<vmem>> -> memref<512xi32, #tpu.memory_space<vmem>>
      %dma_wait3A_264 = arith.constant 0 : i32
      %dma_wait3A_265 = arith.constant 0 : i32
      %dma_wait3A_266 = tpu.memref_slice %arg21[%dma_wait3A_264, %dma_wait3A_265] : memref<100096x16xf32, #tpu.memory_space<vmem_shared>> -> memref<100096x16xf32, #tpu.memory_space<vmem_shared>>
      tpu.wait_indirect_dma semaphore(%arg20 : memref<!tpu.dma_semaphore, #tpu.memory_space<semaphore_mem>>) src(%dma_wait3A_260 : memref<512x16xf32, #tpu.memory_space<vmem>>) dst(%dma_wait3A_266 : memref<100096x16xf32, #tpu.memory_space<vmem_shared>>)
      %scan3A_267 = arith.constant 0 : i32
      %scan3A_268 = arith.constant 32 : i32
      %scan3A_269 = arith.addi %scan3A_267, %scan3A_268 : i32
      %scan3A_270 = arith.constant 1 : i32
      scf.for %scan3A_313 = %scan3A_267 to %scan3A_269 step %scan3A_270  : i32 {
        %mul3A_314 = arith.constant 1 : i32
        %mul3A_315 = arith.muli %scan3A_313, %mul3A_314 : i32
        %add3A_316 = arith.constant 0 : i32
        %add3A_317 = arith.addi %add3A_316, %mul3A_315 : i32
        %mul3A_318 = arith.constant 16 : i32
        %mul3A_319 = arith.muli %add3A_317, %mul3A_318 : i32
        %get3A = arith.constant 0 : i32
        %get3A_320 = arith.index_cast %get3A : i32 to index
        %get3A_321 = arith.index_cast %mul3A_319 : i32 to index
        %get3A_322 = tpu.vector_load %arg8[%get3A_320, %get3A_321] {strides = array<i32>} : memref<2x512xi32, #tpu.memory_space<vmem>>, vector<1x16xi32>,
        %get3A_323 = vector.shape_cast %get3A_322 : vector<1x16xi32> to vector<16xi32>
        %add3A_324 = arith.addi %get3A_323, %get3A_323 : vector<16xi32>
        %add3A_325 = vector.broadcast %arg0 : i32 to vector<16xi32>
        %add3A_326 = arith.addi %add3A_324, %add3A_325 : vector<16xi32>
        %mul3A_327 = arith.constant 16 : i32
        %mul3A_328 = arith.muli %add3A_317, %mul3A_327 : i32
        %swap3A = arith.constant 0 : i32
        %swap3A_329 = arith.index_cast %swap3A : i32 to index
        %swap3A_330 = arith.index_cast %mul3A_328 : i32 to index
        %swap3A_331 = tpu.vector_load %arg8[%swap3A_329, %swap3A_330] {strides = array<i32>} : memref<2x512xi32, #tpu.memory_space<vmem>>, vector<1x16xi32>,
        %swap3A_332 = vector.shape_cast %swap3A_331 : vector<1x16xi32> to vector<16xi32>
        %swap3A_333 = vector.shape_cast %add3A_326 : vector<16xi32> to vector<1x16xi32>
        tpu.vector_store %arg8[%swap3A_329, %swap3A_330], %swap3A_333 {strides = array<i32>} : memref<2x512xi32, #tpu.memory_space<vmem>>, vector<1x16xi32>,
        %mul3A_334 = arith.constant 16 : i32
        %mul3A_335 = arith.muli %add3A_317, %mul3A_334 : i32
        %get3A_336 = arith.constant 1 : i32
        %get3A_337 = arith.index_cast %get3A_336 : i32 to index
        %get3A_338 = arith.index_cast %mul3A_335 : i32 to index
        %get3A_339 = tpu.vector_load %arg8[%get3A_337, %get3A_338] {strides = array<i32>} : memref<2x512xi32, #tpu.memory_space<vmem>>, vector<1x16xi32>,
        %get3A_340 = vector.shape_cast %get3A_339 : vector<1x16xi32> to vector<16xi32>
        %mul3A_341 = arith.constant 16 : i32
        %mul3A_342 = arith.muli %add3A_317, %mul3A_341 : i32
        %jit3A = arith.constant 512 : i32
        %div3A = arith.divsi %mul3A_342, %jit3A : i32
        %sign3A = arith.constant 0 : i32
        %sign3A_343 = arith.cmpi sgt, %mul3A_342, %sign3A : i32
        %sign3A_344 = arith.extui %sign3A_343 : i1 to i32
        %sign3A_345 = arith.constant 0 : i32
        %sign3A_346 = arith.cmpi slt, %mul3A_342, %sign3A_345 : i32
        %sign3A_347 = arith.extui %sign3A_346 : i1 to i32
        %sign3A_348 = arith.subi %sign3A_344, %sign3A_347 : i32
        %sign3A_349 = arith.constant 0 : i32
        %sign3A_350 = arith.cmpi sgt, %jit3A, %sign3A_349 : i32
        %sign3A_351 = arith.extui %sign3A_350 : i1 to i32
        %sign3A_352 = arith.constant 0 : i32
        %sign3A_353 = arith.cmpi slt, %jit3A, %sign3A_352 : i32
        %sign3A_354 = arith.extui %sign3A_353 : i1 to i32
        %sign3A_355 = arith.subi %sign3A_351, %sign3A_354 : i32
        %ne3A = arith.cmpi ne, %sign3A_348, %sign3A_355 : i32
        %rem3A = arith.remsi %mul3A_342, %jit3A : i32
        %ne3A_356 = arith.constant 0 : i32
        %ne3A_357 = arith.cmpi ne, %rem3A, %ne3A_356 : i32
        %and3A = arith.andi %ne3A, %ne3A_357 : i1
        %sub3A = arith.constant 1 : i32
        %sub3A_358 = arith.subi %div3A, %sub3A : i32
        %select_n3A = arith.select %and3A, %sub3A_358, %div3A : i32
        %mul3A_359 = arith.constant 16 : i32
        %mul3A_360 = arith.muli %add3A_317, %mul3A_359 : i32
        %jit3A_361 = arith.constant 512 : i32
        %eq3A_362 = arith.constant 0 : i32
        %eq3A_363 = arith.cmpi eq, %jit3A_361, %eq3A_362 : i32
        %jit3A_364 = arith.constant 1 : i32
        %select_n3A_365 = arith.select %eq3A_363, %jit3A_364, %jit3A_361 : i32
        %rem3A_366 = arith.remsi %mul3A_360, %select_n3A_365 : i32
        %ne3A_367 = arith.constant 0 : i32
        %ne3A_368 = arith.cmpi ne, %rem3A_366, %ne3A_367 : i32
        %lt3A_369 = arith.constant 0 : i32
        %lt3A_370 = arith.cmpi slt, %rem3A_366, %lt3A_369 : i32
        %lt3A_371 = arith.constant 0 : i32
        %lt3A_372 = arith.cmpi slt, %select_n3A_365, %lt3A_371 : i32
        %ne3A_373 = arith.xori %lt3A_370, %lt3A_372 : i1
        %and3A_374 = arith.andi %ne3A_373, %ne3A_368 : i1
        %add3A_375 = arith.addi %rem3A_366, %select_n3A_365 : i32
        %select_n3A_376 = arith.select %and3A_374, %add3A_375, %rem3A_366 : i32
        %swap3A_377 = arith.index_cast %select_n3A : i32 to index
        %swap3A_378 = arith.index_cast %select_n3A_376 : i32 to index
        %swap3A_379 = tpu.vector_load %arg10[%swap3A_377, %swap3A_378] {strides = array<i32>} : memref<1x512xi32, #tpu.memory_space<vmem>>, vector<1x16xi32>,
        %swap3A_380 = vector.shape_cast %swap3A_379 : vector<1x16xi32> to vector<16xi32>
        %swap3A_381 = vector.shape_cast %get3A_340 : vector<16xi32> to vector<1x16xi32>
        tpu.vector_store %arg10[%swap3A_377, %swap3A_378], %swap3A_381 {strides = array<i32>} : memref<1x512xi32, #tpu.memory_space<vmem>>, vector<1x16xi32>,
      }
      %scan3A_271 = arith.constant 32 : i32
      %dma_start3A_272 = arith.constant 0 : i32
      %dma_start3A_273 = arith.constant 0 : i32
      %dma_start3A_274 = arith.constant 0 : i32
      %dma_start3A_275 = tpu.memref_slice %arg12[%dma_start3A_273, %dma_start3A_274] : memref<512x16xf32, #tpu.memory_space<vmem>> -> memref<512x16xf32, #tpu.memory_space<vmem>>
      %dma_start3A_276 = arith.constant 0 : i32
      %dma_start3A_277 = tpu.memref_slice %arg8[%dma_start3A_272, %dma_start3A_276] : memref<2x512xi32, #tpu.memory_space<vmem>> -> memref<1x512xi32, #tpu.memory_space<vmem>>
      %dma_start3A_278 = tpu.memref_squeeze %dma_start3A_277 : memref<1x512xi32, #tpu.memory_space<vmem>> -> memref<512xi32, #tpu.memory_space<vmem>>
      %dma_start3A_279 = arith.constant 0 : i32
      %dma_start3A_280 = arith.constant 0 : i32
      %dma_start3A_281 = tpu.memref_slice %arg3[%dma_start3A_279, %dma_start3A_280] : memref<200000x16xf32, #tpu.memory_space<hbm>> -> memref<200000x16xf32, #tpu.memory_space<hbm>>
      tpu.enqueue_indirect_dma source(%dma_start3A_281 : memref<200000x16xf32, #tpu.memory_space<hbm>>) target(%dma_start3A_275 : memref<512x16xf32, #tpu.memory_space<vmem>>) offsets(%dma_start3A_278 : memref<512xi32, #tpu.memory_space<vmem>>) semaphore(%arg18 : memref<!tpu.dma_semaphore, #tpu.memory_space<semaphore_mem>>)
      %dma_wait3A_282 = arith.constant 0 : i32
      %dma_wait3A_283 = arith.constant 0 : i32
      %dma_wait3A_284 = arith.constant 0 : i32
      %dma_wait3A_285 = tpu.memref_slice %arg11[%dma_wait3A_283, %dma_wait3A_284] : memref<512x16xf32, #tpu.memory_space<vmem>> -> memref<512x16xf32, #tpu.memory_space<vmem>>
      %dma_wait3A_286 = arith.constant 0 : i32
      %dma_wait3A_287 = tpu.memref_slice %arg7[%dma_wait3A_282, %dma_wait3A_286] : memref<2x512xi32, #tpu.memory_space<vmem>> -> memref<1x512xi32, #tpu.memory_space<vmem>>
      %dma_wait3A_288 = tpu.memref_squeeze %dma_wait3A_287 : memref<1x512xi32, #tpu.memory_space<vmem>> -> memref<512xi32, #tpu.memory_space<vmem>>
      %dma_wait3A_289 = arith.constant 0 : i32
      %dma_wait3A_290 = arith.constant 0 : i32
      %dma_wait3A_291 = tpu.memref_slice %arg3[%dma_wait3A_289, %dma_wait3A_290] : memref<200000x16xf32, #tpu.memory_space<hbm>> -> memref<200000x16xf32, #tpu.memory_space<hbm>>
      tpu.wait_indirect_dma semaphore(%arg17 : memref<!tpu.dma_semaphore, #tpu.memory_space<semaphore_mem>>) src(%dma_wait3A_291 : memref<200000x16xf32, #tpu.memory_space<hbm>>) dst(%dma_wait3A_285 : memref<512x16xf32, #tpu.memory_space<vmem>>)
      %dma_start3A_292 = arith.constant 0 : i32
      %dma_start3A_293 = arith.constant 0 : i32
      %dma_start3A_294 = arith.constant 0 : i32
      %dma_start3A_295 = tpu.memref_slice %arg11[%dma_start3A_293, %dma_start3A_294] : memref<512x16xf32, #tpu.memory_space<vmem>> -> memref<512x16xf32, #tpu.memory_space<vmem>>
      %dma_start3A_296 = arith.constant 0 : i32
      %dma_start3A_297 = tpu.memref_slice %arg9[%dma_start3A_292, %dma_start3A_296] : memref<1x512xi32, #tpu.memory_space<vmem>> -> memref<1x512xi32, #tpu.memory_space<vmem>>
      %dma_start3A_298 = tpu.memref_squeeze %dma_start3A_297 : memref<1x512xi32, #tpu.memory_space<vmem>> -> memref<512xi32, #tpu.memory_space<vmem>>
      %dma_start3A_299 = arith.constant 0 : i32
      %dma_start3A_300 = arith.constant 0 : i32
      %dma_start3A_301 = tpu.memref_slice %arg21[%dma_start3A_299, %dma_start3A_300] : memref<100096x16xf32, #tpu.memory_space<vmem_shared>> -> memref<100096x16xf32, #tpu.memory_space<vmem_shared>>
      tpu.enqueue_indirect_dma source(%dma_start3A_295 : memref<512x16xf32, #tpu.memory_space<vmem>>) target(%dma_start3A_301 : memref<100096x16xf32, #tpu.memory_space<vmem_shared>>) offsets(%dma_start3A_298 : memref<512xi32, #tpu.memory_space<vmem>>) semaphore(%arg19 : memref<!tpu.dma_semaphore, #tpu.memory_space<semaphore_mem>>) {add = true}
      %add3A_302 = arith.constant 3 : i32
      %add3A_303 = arith.addi %mul3A_98, %add3A_302 : i32
      %add3A_304 = arith.constant 3 : i32
      %add3A_305 = arith.addi %add3A_303, %add3A_304 : i32
      %mul3A_306 = arith.constant 512 : i32
      %mul3A_307 = arith.muli %add3A_305, %mul3A_306 : i32
      %add3A_308 = arith.addi %mul3A_0, %mul3A_307 : i32
      %dma_start3A_309 = arith.constant 0 : i32
      %dma_start3A_310 = tpu.memref_slice %arg2[%dma_start3A_309, %add3A_308] : memref<2x1639936xi32, #tpu.memory_space<hbm>> -> memref<2x512xi32, #tpu.memory_space<hbm>>
      %dma_start3A_311 = arith.constant 0 : i32
      %dma_start3A_312 = tpu.memref_slice %arg2[%dma_start3A_311, %add3A_308] : memref<2x1639936xi32, #tpu.memory_space<hbm>> -> memref<2x512xi32, #tpu.memory_space<hbm>>
      tpu.enqueue_dma source(%dma_start3A_312 : memref<2x512xi32, #tpu.memory_space<hbm>>) target(%arg7 : memref<2x512xi32, #tpu.memory_space<vmem>>) target_semaphore(%arg15 : memref<!tpu.dma_semaphore, #tpu.memory_space<semaphore_mem>>)
    }
    %scan3A_33 = arith.constant 50 : i32
    %dma_wait3A = arith.constant 0 : i32
    %dma_wait3A_34 = arith.constant 0 : i32
    %dma_wait3A_35 = arith.constant 0 : i32
    %dma_wait3A_36 = tpu.memref_slice %arg12[%dma_wait3A_34, %dma_wait3A_35] : memref<512x16xf32, #tpu.memory_space<vmem>> -> memref<512x16xf32, #tpu.memory_space<vmem>>
    %dma_wait3A_37 = arith.constant 0 : i32
    %dma_wait3A_38 = tpu.memref_slice %arg8[%dma_wait3A, %dma_wait3A_37] : memref<2x512xi32, #tpu.memory_space<vmem>> -> memref<1x512xi32, #tpu.memory_space<vmem>>
    %dma_wait3A_39 = tpu.memref_squeeze %dma_wait3A_38 : memref<1x512xi32, #tpu.memory_space<vmem>> -> memref<512xi32, #tpu.memory_space<vmem>>
    %dma_wait3A_40 = arith.constant 0 : i32
    %dma_wait3A_41 = arith.constant 0 : i32
    %dma_wait3A_42 = tpu.memref_slice %arg3[%dma_wait3A_40, %dma_wait3A_41] : memref<200000x16xf32, #tpu.memory_space<hbm>> -> memref<200000x16xf32, #tpu.memory_space<hbm>>
    tpu.wait_indirect_dma semaphore(%arg18 : memref<!tpu.dma_semaphore, #tpu.memory_space<semaphore_mem>>) src(%dma_wait3A_42 : memref<200000x16xf32, #tpu.memory_space<hbm>>) dst(%dma_wait3A_36 : memref<512x16xf32, #tpu.memory_space<vmem>>)
    %dma_start3A_43 = arith.constant 0 : i32
    %dma_start3A_44 = arith.constant 0 : i32
    %dma_start3A_45 = arith.constant 0 : i32
    %dma_start3A_46 = tpu.memref_slice %arg12[%dma_start3A_44, %dma_start3A_45] : memref<512x16xf32, #tpu.memory_space<vmem>> -> memref<512x16xf32, #tpu.memory_space<vmem>>
    %dma_start3A_47 = arith.constant 0 : i32
    %dma_start3A_48 = tpu.memref_slice %arg10[%dma_start3A_43, %dma_start3A_47] : memref<1x512xi32, #tpu.memory_space<vmem>> -> memref<1x512xi32, #tpu.memory_space<vmem>>
    %dma_start3A_49 = tpu.memref_squeeze %dma_start3A_48 : memref<1x512xi32, #tpu.memory_space<vmem>> -> memref<512xi32, #tpu.memory_space<vmem>>
    %dma_start3A_50 = arith.constant 0 : i32
    %dma_start3A_51 = arith.constant 0 : i32
    %dma_start3A_52 = tpu.memref_slice %arg21[%dma_start3A_50, %dma_start3A_51] : memref<100096x16xf32, #tpu.memory_space<vmem_shared>> -> memref<100096x16xf32, #tpu.memory_space<vmem_shared>>
    tpu.enqueue_indirect_dma source(%dma_start3A_46 : memref<512x16xf32, #tpu.memory_space<vmem>>) target(%dma_start3A_52 : memref<100096x16xf32, #tpu.memory_space<vmem_shared>>) offsets(%dma_start3A_49 : memref<512xi32, #tpu.memory_space<vmem>>) semaphore(%arg20 : memref<!tpu.dma_semaphore, #tpu.memory_space<semaphore_mem>>) {add = true}
    %dma_wait3A_53 = arith.constant 0 : i32
    %dma_wait3A_54 = arith.constant 0 : i32
    %dma_wait3A_55 = arith.constant 0 : i32
    %dma_wait3A_56 = tpu.memref_slice %arg11[%dma_wait3A_54, %dma_wait3A_55] : memref<512x16xf32, #tpu.memory_space<vmem>> -> memref<512x16xf32, #tpu.memory_space<vmem>>
    %dma_wait3A_57 = arith.constant 0 : i32
    %dma_wait3A_58 = tpu.memref_slice %arg9[%dma_wait3A_53, %dma_wait3A_57] : memref<1x512xi32, #tpu.memory_space<vmem>> -> memref<1x512xi32, #tpu.memory_space<vmem>>
    %dma_wait3A_59 = tpu.memref_squeeze %dma_wait3A_58 : memref<1x512xi32, #tpu.memory_space<vmem>> -> memref<512xi32, #tpu.memory_space<vmem>>
    %dma_wait3A_60 = arith.constant 0 : i32
    %dma_wait3A_61 = arith.constant 0 : i32
    %dma_wait3A_62 = tpu.memref_slice %arg21[%dma_wait3A_60, %dma_wait3A_61] : memref<100096x16xf32, #tpu.memory_space<vmem_shared>> -> memref<100096x16xf32, #tpu.memory_space<vmem_shared>>
    tpu.wait_indirect_dma semaphore(%arg19 : memref<!tpu.dma_semaphore, #tpu.memory_space<semaphore_mem>>) src(%dma_wait3A_56 : memref<512x16xf32, #tpu.memory_space<vmem>>) dst(%dma_wait3A_62 : memref<100096x16xf32, #tpu.memory_space<vmem_shared>>)
    %dma_wait3A_63 = arith.constant 0 : i32
    %dma_wait3A_64 = arith.constant 0 : i32
    %dma_wait3A_65 = arith.constant 0 : i32
    %dma_wait3A_66 = tpu.memref_slice %arg12[%dma_wait3A_64, %dma_wait3A_65] : memref<512x16xf32, #tpu.memory_space<vmem>> -> memref<512x16xf32, #tpu.memory_space<vmem>>
    %dma_wait3A_67 = arith.constant 0 : i32
    %dma_wait3A_68 = tpu.memref_slice %arg10[%dma_wait3A_63, %dma_wait3A_67] : memref<1x512xi32, #tpu.memory_space<vmem>> -> memref<1x512xi32, #tpu.memory_space<vmem>>
    %dma_wait3A_69 = tpu.memref_squeeze %dma_wait3A_68 : memref<1x512xi32, #tpu.memory_space<vmem>> -> memref<512xi32, #tpu.memory_space<vmem>>
    %dma_wait3A_70 = arith.constant 0 : i32
    %dma_wait3A_71 = arith.constant 0 : i32
    %dma_wait3A_72 = tpu.memref_slice %arg21[%dma_wait3A_70, %dma_wait3A_71] : memref<100096x16xf32, #tpu.memory_space<vmem_shared>> -> memref<100096x16xf32, #tpu.memory_space<vmem_shared>>
    tpu.wait_indirect_dma semaphore(%arg20 : memref<!tpu.dma_semaphore, #tpu.memory_space<semaphore_mem>>) src(%dma_wait3A_66 : memref<512x16xf32, #tpu.memory_space<vmem>>) dst(%dma_wait3A_72 : memref<100096x16xf32, #tpu.memory_space<vmem_shared>>)
    %dma_wait3A_73 = arith.constant 0 : i32
    %dma_wait3A_74 = tpu.memref_slice %arg2[%dma_wait3A_73, %mul3A_0] : memref<2x1639936xi32, #tpu.memory_space<hbm>> -> memref<2x512xi32, #tpu.memory_space<hbm>>
    %dma_wait3A_75 = arith.constant 0 : i32
    %dma_wait3A_76 = tpu.memref_slice %arg2[%dma_wait3A_75, %mul3A_0] : memref<2x1639936xi32, #tpu.memory_space<hbm>> -> memref<2x512xi32, #tpu.memory_space<hbm>>
    tpu.wait_dma2 semaphore(%arg13 : memref<!tpu.dma_semaphore, #tpu.memory_space<semaphore_mem>>) src(%dma_wait3A_76 : memref<2x512xi32, #tpu.memory_space<hbm>>) dst(%arg5 : memref<2x512xi32, #tpu.memory_space<vmem>>)
    %dma_wait3A_77 = arith.constant 0 : i32
    %dma_wait3A_78 = tpu.memref_slice %arg2[%dma_wait3A_77, %mul3A_0] : memref<2x1639936xi32, #tpu.memory_space<hbm>> -> memref<2x512xi32, #tpu.memory_space<hbm>>
    %dma_wait3A_79 = arith.constant 0 : i32
    %dma_wait3A_80 = tpu.memref_slice %arg2[%dma_wait3A_79, %mul3A_0] : memref<2x1639936xi32, #tpu.memory_space<hbm>> -> memref<2x512xi32, #tpu.memory_space<hbm>>
    tpu.wait_dma2 semaphore(%arg14 : memref<!tpu.dma_semaphore, #tpu.memory_space<semaphore_mem>>) src(%dma_wait3A_80 : memref<2x512xi32, #tpu.memory_space<hbm>>) dst(%arg6 : memref<2x512xi32, #tpu.memory_space<vmem>>)
    %dma_wait3A_81 = arith.constant 0 : i32
    %dma_wait3A_82 = tpu.memref_slice %arg2[%dma_wait3A_81, %mul3A_0] : memref<2x1639936xi32, #tpu.memory_space<hbm>> -> memref<2x512xi32, #tpu.memory_space<hbm>>
    %dma_wait3A_83 = arith.constant 0 : i32
    %dma_wait3A_84 = tpu.memref_slice %arg2[%dma_wait3A_83, %mul3A_0] : memref<2x1639936xi32, #tpu.memory_space<hbm>> -> memref<2x512xi32, #tpu.memory_space<hbm>>
    tpu.wait_dma2 semaphore(%arg15 : memref<!tpu.dma_semaphore, #tpu.memory_space<semaphore_mem>>) src(%dma_wait3A_84 : memref<2x512xi32, #tpu.memory_space<hbm>>) dst(%arg7 : memref<2x512xi32, #tpu.memory_space<vmem>>)
    %barrier3A_85 = arith.constant 0 : index
    tpu.barrier barrier_id(%barrier3A_85)
    %lt3A = arith.constant 15 : i32
    %lt3A_86 = arith.cmpi slt, %arg1, %lt3A : i32
    %convert_element_type3A = arith.extui %lt3A_86 : i1 to i32
    %cond3A = arith.constant 0 : i32
    %cond3A_87 = arith.cmpi ne, %convert_element_type3A, %cond3A : i32
    scf.if %cond3A_87 {
      %mul3A_92 = arith.constant 6256 : i32
      %mul3A_93 = arith.muli %arg1, %mul3A_92 : i32
      %mul3A_94 = arith.constant 6256 : i32
      %mul3A_95 = arith.muli %arg1, %mul3A_94 : i32
      %mul3A_96 = arith.constant 16 : i32
      %mul3A_97 = arith.muli %arg0, %mul3A_96 : i32
      "tpu.region"() ({
        %run_scoped3A = tpu.sem_alloc : memref<!tpu.dma_semaphore, #tpu.memory_space<semaphore_mem>>
        %dma_start3A_98 = tpu.memref_slice %arg4[%mul3A_95, %mul3A_97] : memref<100000x32xf32, #tpu.memory_space<hbm>> -> memref<6256x16xf32, #tpu.memory_space<hbm>>
        %dma_start3A_99 = arith.constant 0 : i32
        %dma_start3A_100 = tpu.memref_slice %arg21[%mul3A_93, %dma_start3A_99] : memref<100096x16xf32, #tpu.memory_space<vmem_shared>> -> memref<6256x16xf32, #tpu.memory_space<vmem_shared>>
        tpu.enqueue_dma source(%dma_start3A_100 : memref<6256x16xf32, #tpu.memory_space<vmem_shared>>) target(%dma_start3A_98 : memref<6256x16xf32, #tpu.memory_space<hbm>>) target_semaphore(%run_scoped3A : memref<!tpu.dma_semaphore, #tpu.memory_space<semaphore_mem>>)
        %dma_wait3A_101 = tpu.memref_slice %arg4[%mul3A_95, %mul3A_97] : memref<100000x32xf32, #tpu.memory_space<hbm>> -> memref<6256x16xf32, #tpu.memory_space<hbm>>
        %dma_wait3A_102 = arith.constant 0 : i32
        %dma_wait3A_103 = tpu.memref_slice %arg21[%mul3A_93, %dma_wait3A_102] : memref<100096x16xf32, #tpu.memory_space<vmem_shared>> -> memref<6256x16xf32, #tpu.memory_space<vmem_shared>>
        tpu.wait_dma2 semaphore(%run_scoped3A : memref<!tpu.dma_semaphore, #tpu.memory_space<semaphore_mem>>) src(%dma_wait3A_103 : memref<6256x16xf32, #tpu.memory_space<vmem_shared>>) dst(%dma_wait3A_101 : memref<6256x16xf32, #tpu.memory_space<hbm>>)
        tpu.yield
      }) : () -> ()
    } else {
    }
    %eq3A = arith.constant 15 : i32
    %eq3A_88 = arith.cmpi eq, %arg1, %eq3A : i32
    %convert_element_type3A_89 = arith.extui %eq3A_88 : i1 to i32
    %cond3A_90 = arith.constant 0 : i32
    %cond3A_91 = arith.cmpi ne, %convert_element_type3A_89, %cond3A_90 : i32
    scf.if %cond3A_91 {
      %mul3A_92 = arith.constant 16 : i32
      %mul3A_93 = arith.muli %arg0, %mul3A_92 : i32
      "tpu.region"() ({
        %run_scoped3A = tpu.sem_alloc : memref<!tpu.dma_semaphore, #tpu.memory_space<semaphore_mem>>
        %dma_start3A_94 = arith.constant 93840 : i32
        %dma_start3A_95 = tpu.memref_slice %arg4[%dma_start3A_94, %mul3A_93] : memref<100000x32xf32, #tpu.memory_space<hbm>> -> memref<6160x16xf32, #tpu.memory_space<hbm>>
        %dma_start3A_96 = arith.constant 93840 : i32
        %dma_start3A_97 = arith.constant 0 : i32
        %dma_start3A_98 = tpu.memref_slice %arg21[%dma_start3A_96, %dma_start3A_97] : memref<100096x16xf32, #tpu.memory_space<vmem_shared>> -> memref<6160x16xf32, #tpu.memory_space<vmem_shared>>
        tpu.enqueue_dma source(%dma_start3A_98 : memref<6160x16xf32, #tpu.memory_space<vmem_shared>>) target(%dma_start3A_95 : memref<6160x16xf32, #tpu.memory_space<hbm>>) target_semaphore(%run_scoped3A : memref<!tpu.dma_semaphore, #tpu.memory_space<semaphore_mem>>)
        %dma_wait3A_99 = arith.constant 93840 : i32
        %dma_wait3A_100 = tpu.memref_slice %arg4[%dma_wait3A_99, %mul3A_93] : memref<100000x32xf32, #tpu.memory_space<hbm>> -> memref<6160x16xf32, #tpu.memory_space<hbm>>
        %dma_wait3A_101 = arith.constant 93840 : i32
        %dma_wait3A_102 = arith.constant 0 : i32
        %dma_wait3A_103 = tpu.memref_slice %arg21[%dma_wait3A_101, %dma_wait3A_102] : memref<100096x16xf32, #tpu.memory_space<vmem_shared>> -> memref<6160x16xf32, #tpu.memory_space<vmem_shared>>
        tpu.wait_dma2 semaphore(%run_scoped3A : memref<!tpu.dma_semaphore, #tpu.memory_space<semaphore_mem>>) src(%dma_wait3A_103 : memref<6160x16xf32, #tpu.memory_space<vmem_shared>>) dst(%dma_wait3A_100 : memref<6160x16xf32, #tpu.memory_space<hbm>>)
        tpu.yield
      }) : () -> ()
    } else {
    }
    return
  }
}

#map = affine_map<(d0, d1) -> (0, 0)>
module attributes {stable_mosaic.version = 14 : i64} {
  func.func @push(%arg0: i32, %arg1: i32, %arg2: memref<2x1639936xi32, #tpu.memory_space<hbm>>, %arg3: memref<200000x16xf32, #tpu.memory_space<hbm>>, %arg4: memref<100000x32xf32, #tpu.memory_space<hbm>>, %arg5: memref<2x512xi32, #tpu.memory_space<vmem>>, %arg6: memref<2x512xi32, #tpu.memory_space<vmem>>, %arg7: memref<2x512xi32, #tpu.memory_space<vmem>>, %arg8: memref<2x512xi32, #tpu.memory_space<vmem>>, %arg9: memref<1x512xi32, #tpu.memory_space<vmem>>, %arg10: memref<1x512xi32, #tpu.memory_space<vmem>>, %arg11: memref<512x16xf32, #tpu.memory_space<vmem>>, %arg12: memref<512x16xf32, #tpu.memory_space<vmem>>, %arg13: memref<!tpu.dma_semaphore, #tpu.memory_space<semaphore_mem>>, %arg14: memref<!tpu.dma_semaphore, #tpu.memory_space<semaphore_mem>>, %arg15: memref<!tpu.dma_semaphore, #tpu.memory_space<semaphore_mem>>, %arg16: memref<!tpu.dma_semaphore, #tpu.memory_space<semaphore_mem>>, %arg17: memref<!tpu.dma_semaphore, #tpu.memory_space<semaphore_mem>>, %arg18: memref<!tpu.dma_semaphore, #tpu.memory_space<semaphore_mem>>, %arg19: memref<!tpu.dma_semaphore, #tpu.memory_space<semaphore_mem>>, %arg20: memref<!tpu.dma_semaphore, #tpu.memory_space<semaphore_mem>>, %arg21: memref<100096x16xf32, #tpu.memory_space<vmem_shared>>) attributes {dimension_semantics = [#tpu.dimension_semantics<core_parallel>, #tpu.dimension_semantics<subcore_parallel>], iteration_bounds = array<i64: 2, 16>, scalar_prefetch = 0 : i64, scratch_operands = 17 : i64, tpu.core_type = #tpu.core_type<sc_vector_subcore>, window_params = [{transform_indices = #map}, {transform_indices = #map}, {transform_indices = #map}]} {
    %mul3A = arith.constant 102400 : i32
    %mul3A_0 = arith.muli %arg1, %mul3A : i32
    %dma_start3A = arith.constant 0 : i32
    %dma_start3A_1 = tpu.memref_slice %arg2[%dma_start3A, %mul3A_0] : memref<2x1639936xi32, #tpu.memory_space<hbm>> -> memref<2x512xi32, #tpu.memory_space<hbm>>
    %dma_start3A_2 = arith.constant 0 : i32
    %dma_start3A_3 = tpu.memref_slice %arg2[%dma_start3A_2, %mul3A_0] : memref<2x1639936xi32, #tpu.memory_space<hbm>> -> memref<2x512xi32, #tpu.memory_space<hbm>>
    tpu.enqueue_dma source(%dma_start3A_3 : memref<2x512xi32, #tpu.memory_space<hbm>>) target(%arg5 : memref<2x512xi32, #tpu.memory_space<vmem>>) target_semaphore(%arg13 : memref<!tpu.dma_semaphore, #tpu.memory_space<semaphore_mem>>)
    %add3A = arith.constant 512 : i32
    %add3A_4 = arith.addi %mul3A_0, %add3A : i32
    %dma_start3A_5 = arith.constant 0 : i32
    %dma_start3A_6 = tpu.memref_slice %arg2[%dma_start3A_5, %add3A_4] : memref<2x1639936xi32, #tpu.memory_space<hbm>> -> memref<2x512xi32, #tpu.memory_space<hbm>>
    %dma_start3A_7 = arith.constant 0 : i32
    %dma_start3A_8 = tpu.memref_slice %arg2[%dma_start3A_7, %add3A_4] : memref<2x1639936xi32, #tpu.memory_space<hbm>> -> memref<2x512xi32, #tpu.memory_space<hbm>>
    tpu.enqueue_dma source(%dma_start3A_8 : memref<2x512xi32, #tpu.memory_space<hbm>>) target(%arg6 : memref<2x512xi32, #tpu.memory_space<vmem>>) target_semaphore(%arg14 : memref<!tpu.dma_semaphore, #tpu.memory_space<semaphore_mem>>)
    %add3A_9 = arith.constant 1024 : i32
    %add3A_10 = arith.addi %mul3A_0, %add3A_9 : i32
    %dma_start3A_11 = arith.constant 0 : i32
    %dma_start3A_12 = tpu.memref_slice %arg2[%dma_start3A_11, %add3A_10] : memref<2x1639936xi32, #tpu.memory_space<hbm>> -> memref<2x512xi32, #tpu.memory_space<hbm>>
    %dma_start3A_13 = arith.constant 0 : i32
    %dma_start3A_14 = tpu.memref_slice %arg2[%dma_start3A_13, %add3A_10] : memref<2x1639936xi32, #tpu.memory_space<hbm>> -> memref<2x512xi32, #tpu.memory_space<hbm>>
    tpu.enqueue_dma source(%dma_start3A_14 : memref<2x512xi32, #tpu.memory_space<hbm>>) target(%arg7 : memref<2x512xi32, #tpu.memory_space<vmem>>) target_semaphore(%arg15 : memref<!tpu.dma_semaphore, #tpu.memory_space<semaphore_mem>>)
    %broadcast_in_dim3A = arith.constant 0.000000e+00 : f32
    %broadcast_in_dim3A_15 = vector.broadcast %broadcast_in_dim3A : f32 to vector<16xf32>
    %scan3A = arith.constant 0 : i32
    %scan3A_16 = arith.constant 512 : i32
    %scan3A_17 = arith.addi %scan3A, %scan3A_16 : i32
    %scan3A_18 = arith.constant 1 : i32
    scf.for %scan3A_92 = %scan3A to %scan3A_17 step %scan3A_18  : i32 {
      %mul3A_93 = arith.constant 1 : i32
      %mul3A_94 = arith.muli %scan3A_92, %mul3A_93 : i32
      %add3A_95 = arith.constant 0 : i32
      %add3A_96 = arith.addi %add3A_95, %mul3A_94 : i32
      %swap3A = arith.index_cast %add3A_96 : i32 to index
      %swap3A_97 = arith.constant 0 : index
      %swap3A_98 = tpu.vector_load %arg11[%swap3A, %swap3A_97] {strides = array<i32>} : memref<512x16xf32, #tpu.memory_space<vmem>>, vector<1x16xf32>,
      %swap3A_99 = vector.shape_cast %swap3A_98 : vector<1x16xf32> to vector<16xf32>
      %swap3A_100 = vector.shape_cast %broadcast_in_dim3A_15 : vector<16xf32> to vector<1x16xf32>
      tpu.vector_store %arg11[%swap3A, %swap3A_97], %swap3A_100 {strides = array<i32>} : memref<512x16xf32, #tpu.memory_space<vmem>>, vector<1x16xf32>,
    }
    %scan3A_19 = arith.constant 512 : i32
    %mul3A_20 = arith.constant 6256 : i32
    %mul3A_21 = arith.muli %arg1, %mul3A_20 : i32
    %scan3A_22 = arith.constant 0 : i32
    %scan3A_23 = arith.constant 12 : i32
    %scan3A_24 = arith.addi %scan3A_22, %scan3A_23 : i32
    %scan3A_25 = arith.constant 1 : i32
    scf.for %scan3A_92 = %scan3A_22 to %scan3A_24 step %scan3A_25  : i32 {
      %mul3A_93 = arith.constant 1 : i32
      %mul3A_94 = arith.muli %scan3A_92, %mul3A_93 : i32
      %add3A_95 = arith.constant 0 : i32
      %add3A_96 = arith.addi %add3A_95, %mul3A_94 : i32
      %mul3A_97 = arith.constant 512 : i32
      %mul3A_98 = arith.muli %add3A_96, %mul3A_97 : i32
      %add3A_99 = arith.addi %mul3A_21, %mul3A_98 : i32
      "tpu.region"() ({
        %run_scoped3A = tpu.sem_alloc : memref<!tpu.dma_semaphore, #tpu.memory_space<semaphore_mem>>
        %dma_start3A_100 = arith.constant 0 : i32
        %dma_start3A_101 = tpu.memref_slice %arg21[%add3A_99, %dma_start3A_100] : memref<100096x16xf32, #tpu.memory_space<vmem_shared>> -> memref<512x16xf32, #tpu.memory_space<vmem_shared>>
        %dma_start3A_102 = arith.constant 0 : i32
        %dma_start3A_103 = tpu.memref_slice %arg21[%add3A_99, %dma_start3A_102] : memref<100096x16xf32, #tpu.memory_space<vmem_shared>> -> memref<512x16xf32, #tpu.memory_space<vmem_shared>>
        tpu.enqueue_dma source(%arg11 : memref<512x16xf32, #tpu.memory_space<vmem>>) target(%dma_start3A_103 : memref<512x16xf32, #tpu.memory_space<vmem_shared>>) target_semaphore(%run_scoped3A : memref<!tpu.dma_semaphore, #tpu.memory_space<semaphore_mem>>)
        %dma_wait3A_104 = arith.constant 0 : i32
        %dma_wait3A_105 = tpu.memref_slice %arg21[%add3A_99, %dma_wait3A_104] : memref<100096x16xf32, #tpu.memory_space<vmem_shared>> -> memref<512x16xf32, #tpu.memory_space<vmem_shared>>
        %dma_wait3A_106 = arith.constant 0 : i32
        %dma_wait3A_107 = tpu.memref_slice %arg21[%add3A_99, %dma_wait3A_106] : memref<100096x16xf32, #tpu.memory_space<vmem_shared>> -> memref<512x16xf32, #tpu.memory_space<vmem_shared>>
        tpu.wait_dma2 semaphore(%run_scoped3A : memref<!tpu.dma_semaphore, #tpu.memory_space<semaphore_mem>>) src(%arg11 : memref<512x16xf32, #tpu.memory_space<vmem>>) dst(%dma_wait3A_107 : memref<512x16xf32, #tpu.memory_space<vmem_shared>>)
        tpu.yield
      }) : () -> ()
    }
    %scan3A_26 = arith.constant 12 : i32
    %add3A_27 = arith.constant 6144 : i32
    %add3A_28 = arith.addi %mul3A_21, %add3A_27 : i32
    "tpu.region"() ({
      %run_scoped3A = tpu.sem_alloc : memref<!tpu.dma_semaphore, #tpu.memory_space<semaphore_mem>>
      %dma_start3A_92 = arith.constant 0 : i32
      %dma_start3A_93 = arith.constant 0 : i32
      %dma_start3A_94 = tpu.memref_slice %arg11[%dma_start3A_92, %dma_start3A_93] : memref<512x16xf32, #tpu.memory_space<vmem>> -> memref<112x16xf32, #tpu.memory_space<vmem>>
      %dma_start3A_95 = arith.constant 0 : i32
      %dma_start3A_96 = tpu.memref_slice %arg21[%add3A_28, %dma_start3A_95] : memref<100096x16xf32, #tpu.memory_space<vmem_shared>> -> memref<112x16xf32, #tpu.memory_space<vmem_shared>>
      %dma_start3A_97 = arith.constant 0 : i32
      %dma_start3A_98 = tpu.memref_slice %arg21[%add3A_28, %dma_start3A_97] : memref<100096x16xf32, #tpu.memory_space<vmem_shared>> -> memref<112x16xf32, #tpu.memory_space<vmem_shared>>
      %dma_start3A_99 = arith.constant 0 : i32
      %dma_start3A_100 = arith.constant 0 : i32
      %dma_start3A_101 = tpu.memref_slice %arg11[%dma_start3A_99, %dma_start3A_100] : memref<512x16xf32, #tpu.memory_space<vmem>> -> memref<112x16xf32, #tpu.memory_space<vmem>>
      tpu.enqueue_dma source(%dma_start3A_101 : memref<112x16xf32, #tpu.memory_space<vmem>>) target(%dma_start3A_98 : memref<112x16xf32, #tpu.memory_space<vmem_shared>>) target_semaphore(%run_scoped3A : memref<!tpu.dma_semaphore, #tpu.memory_space<semaphore_mem>>)
      %dma_wait3A_102 = arith.constant 0 : i32
      %dma_wait3A_103 = arith.constant 0 : i32
      %dma_wait3A_104 = tpu.memref_slice %arg11[%dma_wait3A_102, %dma_wait3A_103] : memref<512x16xf32, #tpu.memory_space<vmem>> -> memref<112x16xf32, #tpu.memory_space<vmem>>
      %dma_wait3A_105 = arith.constant 0 : i32
      %dma_wait3A_106 = tpu.memref_slice %arg21[%add3A_28, %dma_wait3A_105] : memref<100096x16xf32, #tpu.memory_space<vmem_shared>> -> memref<112x16xf32, #tpu.memory_space<vmem_shared>>
      %dma_wait3A_107 = arith.constant 0 : i32
      %dma_wait3A_108 = tpu.memref_slice %arg21[%add3A_28, %dma_wait3A_107] : memref<100096x16xf32, #tpu.memory_space<vmem_shared>> -> memref<112x16xf32, #tpu.memory_space<vmem_shared>>
      %dma_wait3A_109 = arith.constant 0 : i32
      %dma_wait3A_110 = arith.constant 0 : i32
      %dma_wait3A_111 = tpu.memref_slice %arg11[%dma_wait3A_109, %dma_wait3A_110] : memref<512x16xf32, #tpu.memory_space<vmem>> -> memref<112x16xf32, #tpu.memory_space<vmem>>
      tpu.wait_dma2 semaphore(%run_scoped3A : memref<!tpu.dma_semaphore, #tpu.memory_space<semaphore_mem>>) src(%dma_wait3A_111 : memref<112x16xf32, #tpu.memory_space<vmem>>) dst(%dma_wait3A_108 : memref<112x16xf32, #tpu.memory_space<vmem_shared>>)
      tpu.yield
    }) : () -> ()
    %barrier3A = arith.constant 0 : index
    tpu.barrier barrier_id(%barrier3A)
    %scan3A_29 = arith.constant 0 : i32
    %scan3A_30 = arith.constant 50 : i32
    %scan3A_31 = arith.addi %scan3A_29, %scan3A_30 : i32
    %scan3A_32 = arith.constant 1 : i32
    scf.for %scan3A_92 = %scan3A_29 to %scan3A_31 step %scan3A_32  : i32 {
      %mul3A_93 = arith.constant 1 : i32
      %mul3A_94 = arith.muli %scan3A_92, %mul3A_93 : i32
      %add3A_95 = arith.constant 0 : i32
      %add3A_96 = arith.addi %add3A_95, %mul3A_94 : i32
      %mul3A_97 = arith.constant 4 : i32
      %mul3A_98 = arith.muli %mul3A_97, %add3A_96 : i32
      %dma_wait3A_99 = arith.constant 0 : i32
      %dma_wait3A_100 = tpu.memref_slice %arg2[%dma_wait3A_99, %mul3A_0] : memref<2x1639936xi32, #tpu.memory_space<hbm>> -> memref<2x512xi32, #tpu.memory_space<hbm>>
      %dma_wait3A_101 = arith.constant 0 : i32
      %dma_wait3A_102 = tpu.memref_slice %arg2[%dma_wait3A_101, %mul3A_0] : memref<2x1639936xi32, #tpu.memory_space<hbm>> -> memref<2x512xi32, #tpu.memory_space<hbm>>
      tpu.wait_dma2 semaphore(%arg13 : memref<!tpu.dma_semaphore, #tpu.memory_space<semaphore_mem>>) src(%dma_wait3A_102 : memref<2x512xi32, #tpu.memory_space<hbm>>) dst(%arg5 : memref<2x512xi32, #tpu.memory_space<vmem>>)
      %ge3A = arith.constant 1 : i32
      %ge3A_103 = arith.cmpi sge, %add3A_96, %ge3A : i32
      %convert_element_type3A_104 = arith.extui %ge3A_103 : i1 to i32
      %cond3A_105 = arith.constant 0 : i32
      %cond3A_106 = arith.cmpi ne, %convert_element_type3A_104, %cond3A_105 : i32
      scf.if %cond3A_106 {
        %dma_wait3A_313 = arith.constant 0 : i32
        %dma_wait3A_314 = arith.constant 0 : i32
        %dma_wait3A_315 = arith.constant 0 : i32
        %dma_wait3A_316 = tpu.memref_slice %arg11[%dma_wait3A_314, %dma_wait3A_315] : memref<512x16xf32, #tpu.memory_space<vmem>> -> memref<512x16xf32, #tpu.memory_space<vmem>>
        %dma_wait3A_317 = arith.constant 0 : i32
        %dma_wait3A_318 = tpu.memref_slice %arg9[%dma_wait3A_313, %dma_wait3A_317] : memref<1x512xi32, #tpu.memory_space<vmem>> -> memref<1x512xi32, #tpu.memory_space<vmem>>
        %dma_wait3A_319 = tpu.memref_squeeze %dma_wait3A_318 : memref<1x512xi32, #tpu.memory_space<vmem>> -> memref<512xi32, #tpu.memory_space<vmem>>
        %dma_wait3A_320 = arith.constant 0 : i32
        %dma_wait3A_321 = arith.constant 0 : i32
        %dma_wait3A_322 = tpu.memref_slice %arg21[%dma_wait3A_320, %dma_wait3A_321] : memref<100096x16xf32, #tpu.memory_space<vmem_shared>> -> memref<100096x16xf32, #tpu.memory_space<vmem_shared>>
        tpu.wait_indirect_dma semaphore(%arg19 : memref<!tpu.dma_semaphore, #tpu.memory_space<semaphore_mem>>) src(%dma_wait3A_316 : memref<512x16xf32, #tpu.memory_space<vmem>>) dst(%dma_wait3A_322 : memref<100096x16xf32, #tpu.memory_space<vmem_shared>>)
      } else {
      }
      %scan3A_107 = arith.constant 0 : i32
      %scan3A_108 = arith.constant 32 : i32
      %scan3A_109 = arith.addi %scan3A_107, %scan3A_108 : i32
      %scan3A_110 = arith.constant 1 : i32
      scf.for %scan3A_313 = %scan3A_107 to %scan3A_109 step %scan3A_110  : i32 {
        %mul3A_314 = arith.constant 1 : i32
        %mul3A_315 = arith.muli %scan3A_313, %mul3A_314 : i32
        %add3A_316 = arith.constant 0 : i32
        %add3A_317 = arith.addi %add3A_316, %mul3A_315 : i32
        %mul3A_318 = arith.constant 16 : i32
        %mul3A_319 = arith.muli %add3A_317, %mul3A_318 : i32
        %get3A = arith.constant 0 : i32
        %get3A_320 = arith.index_cast %get3A : i32 to index
        %get3A_321 = arith.index_cast %mul3A_319 : i32 to index
        %get3A_322 = tpu.vector_load %arg5[%get3A_320, %get3A_321] {strides = array<i32>} : memref<2x512xi32, #tpu.memory_space<vmem>>, vector<1x16xi32>,
        %get3A_323 = vector.shape_cast %get3A_322 : vector<1x16xi32> to vector<16xi32>
        %add3A_324 = arith.addi %get3A_323, %get3A_323 : vector<16xi32>
        %add3A_325 = vector.broadcast %arg0 : i32 to vector<16xi32>
        %add3A_326 = arith.addi %add3A_324, %add3A_325 : vector<16xi32>
        %mul3A_327 = arith.constant 16 : i32
        %mul3A_328 = arith.muli %add3A_317, %mul3A_327 : i32
        %swap3A = arith.constant 0 : i32
        %swap3A_329 = arith.index_cast %swap3A : i32 to index
        %swap3A_330 = arith.index_cast %mul3A_328 : i32 to index
        %swap3A_331 = tpu.vector_load %arg5[%swap3A_329, %swap3A_330] {strides = array<i32>} : memref<2x512xi32, #tpu.memory_space<vmem>>, vector<1x16xi32>,
        %swap3A_332 = vector.shape_cast %swap3A_331 : vector<1x16xi32> to vector<16xi32>
        %swap3A_333 = vector.shape_cast %add3A_326 : vector<16xi32> to vector<1x16xi32>
        tpu.vector_store %arg5[%swap3A_329, %swap3A_330], %swap3A_333 {strides = array<i32>} : memref<2x512xi32, #tpu.memory_space<vmem>>, vector<1x16xi32>,
        %mul3A_334 = arith.constant 16 : i32
        %mul3A_335 = arith.muli %add3A_317, %mul3A_334 : i32
        %get3A_336 = arith.constant 1 : i32
        %get3A_337 = arith.index_cast %get3A_336 : i32 to index
        %get3A_338 = arith.index_cast %mul3A_335 : i32 to index
        %get3A_339 = tpu.vector_load %arg5[%get3A_337, %get3A_338] {strides = array<i32>} : memref<2x512xi32, #tpu.memory_space<vmem>>, vector<1x16xi32>,
        %get3A_340 = vector.shape_cast %get3A_339 : vector<1x16xi32> to vector<16xi32>
        %mul3A_341 = arith.constant 16 : i32
        %mul3A_342 = arith.muli %add3A_317, %mul3A_341 : i32
        %jit3A = arith.constant 512 : i32
        %div3A = arith.divsi %mul3A_342, %jit3A : i32
        %sign3A = arith.constant 0 : i32
        %sign3A_343 = arith.cmpi sgt, %mul3A_342, %sign3A : i32
        %sign3A_344 = arith.extui %sign3A_343 : i1 to i32
        %sign3A_345 = arith.constant 0 : i32
        %sign3A_346 = arith.cmpi slt, %mul3A_342, %sign3A_345 : i32
        %sign3A_347 = arith.extui %sign3A_346 : i1 to i32
        %sign3A_348 = arith.subi %sign3A_344, %sign3A_347 : i32
        %sign3A_349 = arith.constant 0 : i32
        %sign3A_350 = arith.cmpi sgt, %jit3A, %sign3A_349 : i32
        %sign3A_351 = arith.extui %sign3A_350 : i1 to i32
        %sign3A_352 = arith.constant 0 : i32
        %sign3A_353 = arith.cmpi slt, %jit3A, %sign3A_352 : i32
        %sign3A_354 = arith.extui %sign3A_353 : i1 to i32
        %sign3A_355 = arith.subi %sign3A_351, %sign3A_354 : i32
        %ne3A = arith.cmpi ne, %sign3A_348, %sign3A_355 : i32
        %rem3A = arith.remsi %mul3A_342, %jit3A : i32
        %ne3A_356 = arith.constant 0 : i32
        %ne3A_357 = arith.cmpi ne, %rem3A, %ne3A_356 : i32
        %and3A = arith.andi %ne3A, %ne3A_357 : i1
        %sub3A = arith.constant 1 : i32
        %sub3A_358 = arith.subi %div3A, %sub3A : i32
        %select_n3A = arith.select %and3A, %sub3A_358, %div3A : i32
        %mul3A_359 = arith.constant 16 : i32
        %mul3A_360 = arith.muli %add3A_317, %mul3A_359 : i32
        %jit3A_361 = arith.constant 512 : i32
        %eq3A_362 = arith.constant 0 : i32
        %eq3A_363 = arith.cmpi eq, %jit3A_361, %eq3A_362 : i32
        %jit3A_364 = arith.constant 1 : i32
        %select_n3A_365 = arith.select %eq3A_363, %jit3A_364, %jit3A_361 : i32
        %rem3A_366 = arith.remsi %mul3A_360, %select_n3A_365 : i32
        %ne3A_367 = arith.constant 0 : i32
        %ne3A_368 = arith.cmpi ne, %rem3A_366, %ne3A_367 : i32
        %lt3A_369 = arith.constant 0 : i32
        %lt3A_370 = arith.cmpi slt, %rem3A_366, %lt3A_369 : i32
        %lt3A_371 = arith.constant 0 : i32
        %lt3A_372 = arith.cmpi slt, %select_n3A_365, %lt3A_371 : i32
        %ne3A_373 = arith.xori %lt3A_370, %lt3A_372 : i1
        %and3A_374 = arith.andi %ne3A_373, %ne3A_368 : i1
        %add3A_375 = arith.addi %rem3A_366, %select_n3A_365 : i32
        %select_n3A_376 = arith.select %and3A_374, %add3A_375, %rem3A_366 : i32
        %swap3A_377 = arith.index_cast %select_n3A : i32 to index
        %swap3A_378 = arith.index_cast %select_n3A_376 : i32 to index
        %swap3A_379 = tpu.vector_load %arg9[%swap3A_377, %swap3A_378] {strides = array<i32>} : memref<1x512xi32, #tpu.memory_space<vmem>>, vector<1x16xi32>,
        %swap3A_380 = vector.shape_cast %swap3A_379 : vector<1x16xi32> to vector<16xi32>
        %swap3A_381 = vector.shape_cast %get3A_340 : vector<16xi32> to vector<1x16xi32>
        tpu.vector_store %arg9[%swap3A_377, %swap3A_378], %swap3A_381 {strides = array<i32>} : memref<1x512xi32, #tpu.memory_space<vmem>>, vector<1x16xi32>,
      }
      %scan3A_111 = arith.constant 32 : i32
      %dma_start3A_112 = arith.constant 0 : i32
      %dma_start3A_113 = arith.constant 0 : i32
      %dma_start3A_114 = arith.constant 0 : i32
      %dma_start3A_115 = tpu.memref_slice %arg11[%dma_start3A_113, %dma_start3A_114] : memref<512x16xf32, #tpu.memory_space<vmem>> -> memref<512x16xf32, #tpu.memory_space<vmem>>
      %dma_start3A_116 = arith.constant 0 : i32
      %dma_start3A_117 = tpu.memref_slice %arg5[%dma_start3A_112, %dma_start3A_116] : memref<2x512xi32, #tpu.memory_space<vmem>> -> memref<1x512xi32, #tpu.memory_space<vmem>>
      %dma_start3A_118 = tpu.memref_squeeze %dma_start3A_117 : memref<1x512xi32, #tpu.memory_space<vmem>> -> memref<512xi32, #tpu.memory_space<vmem>>
      %dma_start3A_119 = arith.constant 0 : i32
      %dma_start3A_120 = arith.constant 0 : i32
      %dma_start3A_121 = tpu.memref_slice %arg3[%dma_start3A_119, %dma_start3A_120] : memref<200000x16xf32, #tpu.memory_space<hbm>> -> memref<200000x16xf32, #tpu.memory_space<hbm>>
      tpu.enqueue_indirect_dma source(%dma_start3A_121 : memref<200000x16xf32, #tpu.memory_space<hbm>>) target(%dma_start3A_115 : memref<512x16xf32, #tpu.memory_space<vmem>>) offsets(%dma_start3A_118 : memref<512xi32, #tpu.memory_space<vmem>>) semaphore(%arg17 : memref<!tpu.dma_semaphore, #tpu.memory_space<semaphore_mem>>)
      %ge3A_122 = arith.constant 1 : i32
      %ge3A_123 = arith.cmpi sge, %add3A_96, %ge3A_122 : i32
      %convert_element_type3A_124 = arith.extui %ge3A_123 : i1 to i32
      %cond3A_125 = arith.constant 0 : i32
      %cond3A_126 = arith.cmpi ne, %convert_element_type3A_124, %cond3A_125 : i32
      scf.if %cond3A_126 {
        %dma_wait3A_313 = arith.constant 0 : i32
        %dma_wait3A_314 = arith.constant 0 : i32
        %dma_wait3A_315 = arith.constant 0 : i32
        %dma_wait3A_316 = tpu.memref_slice %arg12[%dma_wait3A_314, %dma_wait3A_315] : memref<512x16xf32, #tpu.memory_space<vmem>> -> memref<512x16xf32, #tpu.memory_space<vmem>>
        %dma_wait3A_317 = arith.constant 0 : i32
        %dma_wait3A_318 = tpu.memref_slice %arg8[%dma_wait3A_313, %dma_wait3A_317] : memref<2x512xi32, #tpu.memory_space<vmem>> -> memref<1x512xi32, #tpu.memory_space<vmem>>
        %dma_wait3A_319 = tpu.memref_squeeze %dma_wait3A_318 : memref<1x512xi32, #tpu.memory_space<vmem>> -> memref<512xi32, #tpu.memory_space<vmem>>
        %dma_wait3A_320 = arith.constant 0 : i32
        %dma_wait3A_321 = arith.constant 0 : i32
        %dma_wait3A_322 = tpu.memref_slice %arg3[%dma_wait3A_320, %dma_wait3A_321] : memref<200000x16xf32, #tpu.memory_space<hbm>> -> memref<200000x16xf32, #tpu.memory_space<hbm>>
        tpu.wait_indirect_dma semaphore(%arg18 : memref<!tpu.dma_semaphore, #tpu.memory_space<semaphore_mem>>) src(%dma_wait3A_322 : memref<200000x16xf32, #tpu.memory_space<hbm>>) dst(%dma_wait3A_316 : memref<512x16xf32, #tpu.memory_space<vmem>>)
        %dma_start3A_323 = arith.constant 0 : i32
        %dma_start3A_324 = arith.constant 0 : i32
        %dma_start3A_325 = arith.constant 0 : i32
        %dma_start3A_326 = tpu.memref_slice %arg12[%dma_start3A_324, %dma_start3A_325] : memref<512x16xf32, #tpu.memory_space<vmem>> -> memref<512x16xf32, #tpu.memory_space<vmem>>
        %dma_start3A_327 = arith.constant 0 : i32
        %dma_start3A_328 = tpu.memref_slice %arg10[%dma_start3A_323, %dma_start3A_327] : memref<1x512xi32, #tpu.memory_space<vmem>> -> memref<1x512xi32, #tpu.memory_space<vmem>>
        %dma_start3A_329 = tpu.memref_squeeze %dma_start3A_328 : memref<1x512xi32, #tpu.memory_space<vmem>> -> memref<512xi32, #tpu.memory_space<vmem>>
        %dma_start3A_330 = arith.constant 0 : i32
        %dma_start3A_331 = arith.constant 0 : i32
        %dma_start3A_332 = tpu.memref_slice %arg21[%dma_start3A_330, %dma_start3A_331] : memref<100096x16xf32, #tpu.memory_space<vmem_shared>> -> memref<100096x16xf32, #tpu.memory_space<vmem_shared>>
        tpu.enqueue_indirect_dma source(%dma_start3A_326 : memref<512x16xf32, #tpu.memory_space<vmem>>) target(%dma_start3A_332 : memref<100096x16xf32, #tpu.memory_space<vmem_shared>>) offsets(%dma_start3A_329 : memref<512xi32, #tpu.memory_space<vmem>>) semaphore(%arg20 : memref<!tpu.dma_semaphore, #tpu.memory_space<semaphore_mem>>) {add = true}
      } else {
      }
      %add3A_127 = arith.constant 0 : i32
      %add3A_128 = arith.addi %mul3A_98, %add3A_127 : i32
      %add3A_129 = arith.constant 3 : i32
      %add3A_130 = arith.addi %add3A_128, %add3A_129 : i32
      %mul3A_131 = arith.constant 512 : i32
      %mul3A_132 = arith.muli %add3A_130, %mul3A_131 : i32
      %add3A_133 = arith.addi %mul3A_0, %mul3A_132 : i32
      %dma_start3A_134 = arith.constant 0 : i32
      %dma_start3A_135 = tpu.memref_slice %arg2[%dma_start3A_134, %add3A_133] : memref<2x1639936xi32, #tpu.memory_space<hbm>> -> memref<2x512xi32, #tpu.memory_space<hbm>>
      %dma_start3A_136 = arith.constant 0 : i32
      %dma_start3A_137 = tpu.memref_slice %arg2[%dma_start3A_136, %add3A_133] : memref<2x1639936xi32, #tpu.memory_space<hbm>> -> memref<2x512xi32, #tpu.memory_space<hbm>>
      tpu.enqueue_dma source(%dma_start3A_137 : memref<2x512xi32, #tpu.memory_space<hbm>>) target(%arg8 : memref<2x512xi32, #tpu.memory_space<vmem>>) target_semaphore(%arg16 : memref<!tpu.dma_semaphore, #tpu.memory_space<semaphore_mem>>)
      %dma_wait3A_138 = arith.constant 0 : i32
      %dma_wait3A_139 = tpu.memref_slice %arg2[%dma_wait3A_138, %mul3A_0] : memref<2x1639936xi32, #tpu.memory_space<hbm>> -> memref<2x512xi32, #tpu.memory_space<hbm>>
      %dma_wait3A_140 = arith.constant 0 : i32
      %dma_wait3A_141 = tpu.memref_slice %arg2[%dma_wait3A_140, %mul3A_0] : memref<2x1639936xi32, #tpu.memory_space<hbm>> -> memref<2x512xi32, #tpu.memory_space<hbm>>
      tpu.wait_dma2 semaphore(%arg14 : memref<!tpu.dma_semaphore, #tpu.memory_space<semaphore_mem>>) src(%dma_wait3A_141 : memref<2x512xi32, #tpu.memory_space<hbm>>) dst(%arg6 : memref<2x512xi32, #tpu.memory_space<vmem>>)
      %ge3A_142 = arith.constant 1 : i32
      %ge3A_143 = arith.cmpi sge, %add3A_96, %ge3A_142 : i32
      %convert_element_type3A_144 = arith.extui %ge3A_143 : i1 to i32
      %cond3A_145 = arith.constant 0 : i32
      %cond3A_146 = arith.cmpi ne, %convert_element_type3A_144, %cond3A_145 : i32
      scf.if %cond3A_146 {
        %dma_wait3A_313 = arith.constant 0 : i32
        %dma_wait3A_314 = arith.constant 0 : i32
        %dma_wait3A_315 = arith.constant 0 : i32
        %dma_wait3A_316 = tpu.memref_slice %arg12[%dma_wait3A_314, %dma_wait3A_315] : memref<512x16xf32, #tpu.memory_space<vmem>> -> memref<512x16xf32, #tpu.memory_space<vmem>>
        %dma_wait3A_317 = arith.constant 0 : i32
        %dma_wait3A_318 = tpu.memref_slice %arg10[%dma_wait3A_313, %dma_wait3A_317] : memref<1x512xi32, #tpu.memory_space<vmem>> -> memref<1x512xi32, #tpu.memory_space<vmem>>
        %dma_wait3A_319 = tpu.memref_squeeze %dma_wait3A_318 : memref<1x512xi32, #tpu.memory_space<vmem>> -> memref<512xi32, #tpu.memory_space<vmem>>
        %dma_wait3A_320 = arith.constant 0 : i32
        %dma_wait3A_321 = arith.constant 0 : i32
        %dma_wait3A_322 = tpu.memref_slice %arg21[%dma_wait3A_320, %dma_wait3A_321] : memref<100096x16xf32, #tpu.memory_space<vmem_shared>> -> memref<100096x16xf32, #tpu.memory_space<vmem_shared>>
        tpu.wait_indirect_dma semaphore(%arg20 : memref<!tpu.dma_semaphore, #tpu.memory_space<semaphore_mem>>) src(%dma_wait3A_316 : memref<512x16xf32, #tpu.memory_space<vmem>>) dst(%dma_wait3A_322 : memref<100096x16xf32, #tpu.memory_space<vmem_shared>>)
      } else {
      }
      %scan3A_147 = arith.constant 0 : i32
      %scan3A_148 = arith.constant 32 : i32
      %scan3A_149 = arith.addi %scan3A_147, %scan3A_148 : i32
      %scan3A_150 = arith.constant 1 : i32
      scf.for %scan3A_313 = %scan3A_147 to %scan3A_149 step %scan3A_150  : i32 {
        %mul3A_314 = arith.constant 1 : i32
        %mul3A_315 = arith.muli %scan3A_313, %mul3A_314 : i32
        %add3A_316 = arith.constant 0 : i32
        %add3A_317 = arith.addi %add3A_316, %mul3A_315 : i32
        %mul3A_318 = arith.constant 16 : i32
        %mul3A_319 = arith.muli %add3A_317, %mul3A_318 : i32
        %get3A = arith.constant 0 : i32
        %get3A_320 = arith.index_cast %get3A : i32 to index
        %get3A_321 = arith.index_cast %mul3A_319 : i32 to index
        %get3A_322 = tpu.vector_load %arg6[%get3A_320, %get3A_321] {strides = array<i32>} : memref<2x512xi32, #tpu.memory_space<vmem>>, vector<1x16xi32>,
        %get3A_323 = vector.shape_cast %get3A_322 : vector<1x16xi32> to vector<16xi32>
        %add3A_324 = arith.addi %get3A_323, %get3A_323 : vector<16xi32>
        %add3A_325 = vector.broadcast %arg0 : i32 to vector<16xi32>
        %add3A_326 = arith.addi %add3A_324, %add3A_325 : vector<16xi32>
        %mul3A_327 = arith.constant 16 : i32
        %mul3A_328 = arith.muli %add3A_317, %mul3A_327 : i32
        %swap3A = arith.constant 0 : i32
        %swap3A_329 = arith.index_cast %swap3A : i32 to index
        %swap3A_330 = arith.index_cast %mul3A_328 : i32 to index
        %swap3A_331 = tpu.vector_load %arg6[%swap3A_329, %swap3A_330] {strides = array<i32>} : memref<2x512xi32, #tpu.memory_space<vmem>>, vector<1x16xi32>,
        %swap3A_332 = vector.shape_cast %swap3A_331 : vector<1x16xi32> to vector<16xi32>
        %swap3A_333 = vector.shape_cast %add3A_326 : vector<16xi32> to vector<1x16xi32>
        tpu.vector_store %arg6[%swap3A_329, %swap3A_330], %swap3A_333 {strides = array<i32>} : memref<2x512xi32, #tpu.memory_space<vmem>>, vector<1x16xi32>,
        %mul3A_334 = arith.constant 16 : i32
        %mul3A_335 = arith.muli %add3A_317, %mul3A_334 : i32
        %get3A_336 = arith.constant 1 : i32
        %get3A_337 = arith.index_cast %get3A_336 : i32 to index
        %get3A_338 = arith.index_cast %mul3A_335 : i32 to index
        %get3A_339 = tpu.vector_load %arg6[%get3A_337, %get3A_338] {strides = array<i32>} : memref<2x512xi32, #tpu.memory_space<vmem>>, vector<1x16xi32>,
        %get3A_340 = vector.shape_cast %get3A_339 : vector<1x16xi32> to vector<16xi32>
        %mul3A_341 = arith.constant 16 : i32
        %mul3A_342 = arith.muli %add3A_317, %mul3A_341 : i32
        %jit3A = arith.constant 512 : i32
        %div3A = arith.divsi %mul3A_342, %jit3A : i32
        %sign3A = arith.constant 0 : i32
        %sign3A_343 = arith.cmpi sgt, %mul3A_342, %sign3A : i32
        %sign3A_344 = arith.extui %sign3A_343 : i1 to i32
        %sign3A_345 = arith.constant 0 : i32
        %sign3A_346 = arith.cmpi slt, %mul3A_342, %sign3A_345 : i32
        %sign3A_347 = arith.extui %sign3A_346 : i1 to i32
        %sign3A_348 = arith.subi %sign3A_344, %sign3A_347 : i32
        %sign3A_349 = arith.constant 0 : i32
        %sign3A_350 = arith.cmpi sgt, %jit3A, %sign3A_349 : i32
        %sign3A_351 = arith.extui %sign3A_350 : i1 to i32
        %sign3A_352 = arith.constant 0 : i32
        %sign3A_353 = arith.cmpi slt, %jit3A, %sign3A_352 : i32
        %sign3A_354 = arith.extui %sign3A_353 : i1 to i32
        %sign3A_355 = arith.subi %sign3A_351, %sign3A_354 : i32
        %ne3A = arith.cmpi ne, %sign3A_348, %sign3A_355 : i32
        %rem3A = arith.remsi %mul3A_342, %jit3A : i32
        %ne3A_356 = arith.constant 0 : i32
        %ne3A_357 = arith.cmpi ne, %rem3A, %ne3A_356 : i32
        %and3A = arith.andi %ne3A, %ne3A_357 : i1
        %sub3A = arith.constant 1 : i32
        %sub3A_358 = arith.subi %div3A, %sub3A : i32
        %select_n3A = arith.select %and3A, %sub3A_358, %div3A : i32
        %mul3A_359 = arith.constant 16 : i32
        %mul3A_360 = arith.muli %add3A_317, %mul3A_359 : i32
        %jit3A_361 = arith.constant 512 : i32
        %eq3A_362 = arith.constant 0 : i32
        %eq3A_363 = arith.cmpi eq, %jit3A_361, %eq3A_362 : i32
        %jit3A_364 = arith.constant 1 : i32
        %select_n3A_365 = arith.select %eq3A_363, %jit3A_364, %jit3A_361 : i32
        %rem3A_366 = arith.remsi %mul3A_360, %select_n3A_365 : i32
        %ne3A_367 = arith.constant 0 : i32
        %ne3A_368 = arith.cmpi ne, %rem3A_366, %ne3A_367 : i32
        %lt3A_369 = arith.constant 0 : i32
        %lt3A_370 = arith.cmpi slt, %rem3A_366, %lt3A_369 : i32
        %lt3A_371 = arith.constant 0 : i32
        %lt3A_372 = arith.cmpi slt, %select_n3A_365, %lt3A_371 : i32
        %ne3A_373 = arith.xori %lt3A_370, %lt3A_372 : i1
        %and3A_374 = arith.andi %ne3A_373, %ne3A_368 : i1
        %add3A_375 = arith.addi %rem3A_366, %select_n3A_365 : i32
        %select_n3A_376 = arith.select %and3A_374, %add3A_375, %rem3A_366 : i32
        %swap3A_377 = arith.index_cast %select_n3A : i32 to index
        %swap3A_378 = arith.index_cast %select_n3A_376 : i32 to index
        %swap3A_379 = tpu.vector_load %arg10[%swap3A_377, %swap3A_378] {strides = array<i32>} : memref<1x512xi32, #tpu.memory_space<vmem>>, vector<1x16xi32>,
        %swap3A_380 = vector.shape_cast %swap3A_379 : vector<1x16xi32> to vector<16xi32>
        %swap3A_381 = vector.shape_cast %get3A_340 : vector<16xi32> to vector<1x16xi32>
        tpu.vector_store %arg10[%swap3A_377, %swap3A_378], %swap3A_381 {strides = array<i32>} : memref<1x512xi32, #tpu.memory_space<vmem>>, vector<1x16xi32>,
      }
      %scan3A_151 = arith.constant 32 : i32
      %dma_start3A_152 = arith.constant 0 : i32
      %dma_start3A_153 = arith.constant 0 : i32
      %dma_start3A_154 = arith.constant 0 : i32
      %dma_start3A_155 = tpu.memref_slice %arg12[%dma_start3A_153, %dma_start3A_154] : memref<512x16xf32, #tpu.memory_space<vmem>> -> memref<512x16xf32, #tpu.memory_space<vmem>>
      %dma_start3A_156 = arith.constant 0 : i32
      %dma_start3A_157 = tpu.memref_slice %arg6[%dma_start3A_152, %dma_start3A_156] : memref<2x512xi32, #tpu.memory_space<vmem>> -> memref<1x512xi32, #tpu.memory_space<vmem>>
      %dma_start3A_158 = tpu.memref_squeeze %dma_start3A_157 : memref<1x512xi32, #tpu.memory_space<vmem>> -> memref<512xi32, #tpu.memory_space<vmem>>
      %dma_start3A_159 = arith.constant 0 : i32
      %dma_start3A_160 = arith.constant 0 : i32
      %dma_start3A_161 = tpu.memref_slice %arg3[%dma_start3A_159, %dma_start3A_160] : memref<200000x16xf32, #tpu.memory_space<hbm>> -> memref<200000x16xf32, #tpu.memory_space<hbm>>
      tpu.enqueue_indirect_dma source(%dma_start3A_161 : memref<200000x16xf32, #tpu.memory_space<hbm>>) target(%dma_start3A_155 : memref<512x16xf32, #tpu.memory_space<vmem>>) offsets(%dma_start3A_158 : memref<512xi32, #tpu.memory_space<vmem>>) semaphore(%arg18 : memref<!tpu.dma_semaphore, #tpu.memory_space<semaphore_mem>>)
      %dma_wait3A_162 = arith.constant 0 : i32
      %dma_wait3A_163 = arith.constant 0 : i32
      %dma_wait3A_164 = arith.constant 0 : i32
      %dma_wait3A_165 = tpu.memref_slice %arg11[%dma_wait3A_163, %dma_wait3A_164] : memref<512x16xf32, #tpu.memory_space<vmem>> -> memref<512x16xf32, #tpu.memory_space<vmem>>
      %dma_wait3A_166 = arith.constant 0 : i32
      %dma_wait3A_167 = tpu.memref_slice %arg5[%dma_wait3A_162, %dma_wait3A_166] : memref<2x512xi32, #tpu.memory_space<vmem>> -> memref<1x512xi32, #tpu.memory_space<vmem>>
      %dma_wait3A_168 = tpu.memref_squeeze %dma_wait3A_167 : memref<1x512xi32, #tpu.memory_space<vmem>> -> memref<512xi32, #tpu.memory_space<vmem>>
      %dma_wait3A_169 = arith.constant 0 : i32
      %dma_wait3A_170 = arith.constant 0 : i32
      %dma_wait3A_171 = tpu.memref_slice %arg3[%dma_wait3A_169, %dma_wait3A_170] : memref<200000x16xf32, #tpu.memory_space<hbm>> -> memref<200000x16xf32, #tpu.memory_space<hbm>>
      tpu.wait_indirect_dma semaphore(%arg17 : memref<!tpu.dma_semaphore, #tpu.memory_space<semaphore_mem>>) src(%dma_wait3A_171 : memref<200000x16xf32, #tpu.memory_space<hbm>>) dst(%dma_wait3A_165 : memref<512x16xf32, #tpu.memory_space<vmem>>)
      %dma_start3A_172 = arith.constant 0 : i32
      %dma_start3A_173 = arith.constant 0 : i32
      %dma_start3A_174 = arith.constant 0 : i32
      %dma_start3A_175 = tpu.memref_slice %arg11[%dma_start3A_173, %dma_start3A_174] : memref<512x16xf32, #tpu.memory_space<vmem>> -> memref<512x16xf32, #tpu.memory_space<vmem>>
      %dma_start3A_176 = arith.constant 0 : i32
      %dma_start3A_177 = tpu.memref_slice %arg9[%dma_start3A_172, %dma_start3A_176] : memref<1x512xi32, #tpu.memory_space<vmem>> -> memref<1x512xi32, #tpu.memory_space<vmem>>
      %dma_start3A_178 = tpu.memref_squeeze %dma_start3A_177 : memref<1x512xi32, #tpu.memory_space<vmem>> -> memref<512xi32, #tpu.memory_space<vmem>>
      %dma_start3A_179 = arith.constant 0 : i32
      %dma_start3A_180 = arith.constant 0 : i32
      %dma_start3A_181 = tpu.memref_slice %arg21[%dma_start3A_179, %dma_start3A_180] : memref<100096x16xf32, #tpu.memory_space<vmem_shared>> -> memref<100096x16xf32, #tpu.memory_space<vmem_shared>>
      tpu.enqueue_indirect_dma source(%dma_start3A_175 : memref<512x16xf32, #tpu.memory_space<vmem>>) target(%dma_start3A_181 : memref<100096x16xf32, #tpu.memory_space<vmem_shared>>) offsets(%dma_start3A_178 : memref<512xi32, #tpu.memory_space<vmem>>) semaphore(%arg19 : memref<!tpu.dma_semaphore, #tpu.memory_space<semaphore_mem>>) {add = true}
      %add3A_182 = arith.constant 1 : i32
      %add3A_183 = arith.addi %mul3A_98, %add3A_182 : i32
      %add3A_184 = arith.constant 3 : i32
      %add3A_185 = arith.addi %add3A_183, %add3A_184 : i32
      %mul3A_186 = arith.constant 512 : i32
      %mul3A_187 = arith.muli %add3A_185, %mul3A_186 : i32
      %add3A_188 = arith.addi %mul3A_0, %mul3A_187 : i32
      %dma_start3A_189 = arith.constant 0 : i32
      %dma_start3A_190 = tpu.memref_slice %arg2[%dma_start3A_189, %add3A_188] : memref<2x1639936xi32, #tpu.memory_space<hbm>> -> memref<2x512xi32, #tpu.memory_space<hbm>>
      %dma_start3A_191 = arith.constant 0 : i32
      %dma_start3A_192 = tpu.memref_slice %arg2[%dma_start3A_191, %add3A_188] : memref<2x1639936xi32, #tpu.memory_space<hbm>> -> memref<2x512xi32, #tpu.memory_space<hbm>>
      tpu.enqueue_dma source(%dma_start3A_192 : memref<2x512xi32, #tpu.memory_space<hbm>>) target(%arg5 : memref<2x512xi32, #tpu.memory_space<vmem>>) target_semaphore(%arg13 : memref<!tpu.dma_semaphore, #tpu.memory_space<semaphore_mem>>)
      %dma_wait3A_193 = arith.constant 0 : i32
      %dma_wait3A_194 = tpu.memref_slice %arg2[%dma_wait3A_193, %mul3A_0] : memref<2x1639936xi32, #tpu.memory_space<hbm>> -> memref<2x512xi32, #tpu.memory_space<hbm>>
      %dma_wait3A_195 = arith.constant 0 : i32
      %dma_wait3A_196 = tpu.memref_slice %arg2[%dma_wait3A_195, %mul3A_0] : memref<2x1639936xi32, #tpu.memory_space<hbm>> -> memref<2x512xi32, #tpu.memory_space<hbm>>
      tpu.wait_dma2 semaphore(%arg15 : memref<!tpu.dma_semaphore, #tpu.memory_space<semaphore_mem>>) src(%dma_wait3A_196 : memref<2x512xi32, #tpu.memory_space<hbm>>) dst(%arg7 : memref<2x512xi32, #tpu.memory_space<vmem>>)
      %dma_wait3A_197 = arith.constant 0 : i32
      %dma_wait3A_198 = arith.constant 0 : i32
      %dma_wait3A_199 = arith.constant 0 : i32
      %dma_wait3A_200 = tpu.memref_slice %arg11[%dma_wait3A_198, %dma_wait3A_199] : memref<512x16xf32, #tpu.memory_space<vmem>> -> memref<512x16xf32, #tpu.memory_space<vmem>>
      %dma_wait3A_201 = arith.constant 0 : i32
      %dma_wait3A_202 = tpu.memref_slice %arg9[%dma_wait3A_197, %dma_wait3A_201] : memref<1x512xi32, #tpu.memory_space<vmem>> -> memref<1x512xi32, #tpu.memory_space<vmem>>
      %dma_wait3A_203 = tpu.memref_squeeze %dma_wait3A_202 : memref<1x512xi32, #tpu.memory_space<vmem>> -> memref<512xi32, #tpu.memory_space<vmem>>
      %dma_wait3A_204 = arith.constant 0 : i32
      %dma_wait3A_205 = arith.constant 0 : i32
      %dma_wait3A_206 = tpu.memref_slice %arg21[%dma_wait3A_204, %dma_wait3A_205] : memref<100096x16xf32, #tpu.memory_space<vmem_shared>> -> memref<100096x16xf32, #tpu.memory_space<vmem_shared>>
      tpu.wait_indirect_dma semaphore(%arg19 : memref<!tpu.dma_semaphore, #tpu.memory_space<semaphore_mem>>) src(%dma_wait3A_200 : memref<512x16xf32, #tpu.memory_space<vmem>>) dst(%dma_wait3A_206 : memref<100096x16xf32, #tpu.memory_space<vmem_shared>>)
      %scan3A_207 = arith.constant 0 : i32
      %scan3A_208 = arith.constant 32 : i32
      %scan3A_209 = arith.addi %scan3A_207, %scan3A_208 : i32
      %scan3A_210 = arith.constant 1 : i32
      scf.for %scan3A_313 = %scan3A_207 to %scan3A_209 step %scan3A_210  : i32 {
        %mul3A_314 = arith.constant 1 : i32
        %mul3A_315 = arith.muli %scan3A_313, %mul3A_314 : i32
        %add3A_316 = arith.constant 0 : i32
        %add3A_317 = arith.addi %add3A_316, %mul3A_315 : i32
        %mul3A_318 = arith.constant 16 : i32
        %mul3A_319 = arith.muli %add3A_317, %mul3A_318 : i32
        %get3A = arith.constant 0 : i32
        %get3A_320 = arith.index_cast %get3A : i32 to index
        %get3A_321 = arith.index_cast %mul3A_319 : i32 to index
        %get3A_322 = tpu.vector_load %arg7[%get3A_320, %get3A_321] {strides = array<i32>} : memref<2x512xi32, #tpu.memory_space<vmem>>, vector<1x16xi32>,
        %get3A_323 = vector.shape_cast %get3A_322 : vector<1x16xi32> to vector<16xi32>
        %add3A_324 = arith.addi %get3A_323, %get3A_323 : vector<16xi32>
        %add3A_325 = vector.broadcast %arg0 : i32 to vector<16xi32>
        %add3A_326 = arith.addi %add3A_324, %add3A_325 : vector<16xi32>
        %mul3A_327 = arith.constant 16 : i32
        %mul3A_328 = arith.muli %add3A_317, %mul3A_327 : i32
        %swap3A = arith.constant 0 : i32
        %swap3A_329 = arith.index_cast %swap3A : i32 to index
        %swap3A_330 = arith.index_cast %mul3A_328 : i32 to index
        %swap3A_331 = tpu.vector_load %arg7[%swap3A_329, %swap3A_330] {strides = array<i32>} : memref<2x512xi32, #tpu.memory_space<vmem>>, vector<1x16xi32>,
        %swap3A_332 = vector.shape_cast %swap3A_331 : vector<1x16xi32> to vector<16xi32>
        %swap3A_333 = vector.shape_cast %add3A_326 : vector<16xi32> to vector<1x16xi32>
        tpu.vector_store %arg7[%swap3A_329, %swap3A_330], %swap3A_333 {strides = array<i32>} : memref<2x512xi32, #tpu.memory_space<vmem>>, vector<1x16xi32>,
        %mul3A_334 = arith.constant 16 : i32
        %mul3A_335 = arith.muli %add3A_317, %mul3A_334 : i32
        %get3A_336 = arith.constant 1 : i32
        %get3A_337 = arith.index_cast %get3A_336 : i32 to index
        %get3A_338 = arith.index_cast %mul3A_335 : i32 to index
        %get3A_339 = tpu.vector_load %arg7[%get3A_337, %get3A_338] {strides = array<i32>} : memref<2x512xi32, #tpu.memory_space<vmem>>, vector<1x16xi32>,
        %get3A_340 = vector.shape_cast %get3A_339 : vector<1x16xi32> to vector<16xi32>
        %mul3A_341 = arith.constant 16 : i32
        %mul3A_342 = arith.muli %add3A_317, %mul3A_341 : i32
        %jit3A = arith.constant 512 : i32
        %div3A = arith.divsi %mul3A_342, %jit3A : i32
        %sign3A = arith.constant 0 : i32
        %sign3A_343 = arith.cmpi sgt, %mul3A_342, %sign3A : i32
        %sign3A_344 = arith.extui %sign3A_343 : i1 to i32
        %sign3A_345 = arith.constant 0 : i32
        %sign3A_346 = arith.cmpi slt, %mul3A_342, %sign3A_345 : i32
        %sign3A_347 = arith.extui %sign3A_346 : i1 to i32
        %sign3A_348 = arith.subi %sign3A_344, %sign3A_347 : i32
        %sign3A_349 = arith.constant 0 : i32
        %sign3A_350 = arith.cmpi sgt, %jit3A, %sign3A_349 : i32
        %sign3A_351 = arith.extui %sign3A_350 : i1 to i32
        %sign3A_352 = arith.constant 0 : i32
        %sign3A_353 = arith.cmpi slt, %jit3A, %sign3A_352 : i32
        %sign3A_354 = arith.extui %sign3A_353 : i1 to i32
        %sign3A_355 = arith.subi %sign3A_351, %sign3A_354 : i32
        %ne3A = arith.cmpi ne, %sign3A_348, %sign3A_355 : i32
        %rem3A = arith.remsi %mul3A_342, %jit3A : i32
        %ne3A_356 = arith.constant 0 : i32
        %ne3A_357 = arith.cmpi ne, %rem3A, %ne3A_356 : i32
        %and3A = arith.andi %ne3A, %ne3A_357 : i1
        %sub3A = arith.constant 1 : i32
        %sub3A_358 = arith.subi %div3A, %sub3A : i32
        %select_n3A = arith.select %and3A, %sub3A_358, %div3A : i32
        %mul3A_359 = arith.constant 16 : i32
        %mul3A_360 = arith.muli %add3A_317, %mul3A_359 : i32
        %jit3A_361 = arith.constant 512 : i32
        %eq3A_362 = arith.constant 0 : i32
        %eq3A_363 = arith.cmpi eq, %jit3A_361, %eq3A_362 : i32
        %jit3A_364 = arith.constant 1 : i32
        %select_n3A_365 = arith.select %eq3A_363, %jit3A_364, %jit3A_361 : i32
        %rem3A_366 = arith.remsi %mul3A_360, %select_n3A_365 : i32
        %ne3A_367 = arith.constant 0 : i32
        %ne3A_368 = arith.cmpi ne, %rem3A_366, %ne3A_367 : i32
        %lt3A_369 = arith.constant 0 : i32
        %lt3A_370 = arith.cmpi slt, %rem3A_366, %lt3A_369 : i32
        %lt3A_371 = arith.constant 0 : i32
        %lt3A_372 = arith.cmpi slt, %select_n3A_365, %lt3A_371 : i32
        %ne3A_373 = arith.xori %lt3A_370, %lt3A_372 : i1
        %and3A_374 = arith.andi %ne3A_373, %ne3A_368 : i1
        %add3A_375 = arith.addi %rem3A_366, %select_n3A_365 : i32
        %select_n3A_376 = arith.select %and3A_374, %add3A_375, %rem3A_366 : i32
        %swap3A_377 = arith.index_cast %select_n3A : i32 to index
        %swap3A_378 = arith.index_cast %select_n3A_376 : i32 to index
        %swap3A_379 = tpu.vector_load %arg9[%swap3A_377, %swap3A_378] {strides = array<i32>} : memref<1x512xi32, #tpu.memory_space<vmem>>, vector<1x16xi32>,
        %swap3A_380 = vector.shape_cast %swap3A_379 : vector<1x16xi32> to vector<16xi32>
        %swap3A_381 = vector.shape_cast %get3A_340 : vector<16xi32> to vector<1x16xi32>
        tpu.vector_store %arg9[%swap3A_377, %swap3A_378], %swap3A_381 {strides = array<i32>} : memref<1x512xi32, #tpu.memory_space<vmem>>, vector<1x16xi32>,
      }
      %scan3A_211 = arith.constant 32 : i32
      %dma_start3A_212 = arith.constant 0 : i32
      %dma_start3A_213 = arith.constant 0 : i32
      %dma_start3A_214 = arith.constant 0 : i32
      %dma_start3A_215 = tpu.memref_slice %arg11[%dma_start3A_213, %dma_start3A_214] : memref<512x16xf32, #tpu.memory_space<vmem>> -> memref<512x16xf32, #tpu.memory_space<vmem>>
      %dma_start3A_216 = arith.constant 0 : i32
      %dma_start3A_217 = tpu.memref_slice %arg7[%dma_start3A_212, %dma_start3A_216] : memref<2x512xi32, #tpu.memory_space<vmem>> -> memref<1x512xi32, #tpu.memory_space<vmem>>
      %dma_start3A_218 = tpu.memref_squeeze %dma_start3A_217 : memref<1x512xi32, #tpu.memory_space<vmem>> -> memref<512xi32, #tpu.memory_space<vmem>>
      %dma_start3A_219 = arith.constant 0 : i32
      %dma_start3A_220 = arith.constant 0 : i32
      %dma_start3A_221 = tpu.memref_slice %arg3[%dma_start3A_219, %dma_start3A_220] : memref<200000x16xf32, #tpu.memory_space<hbm>> -> memref<200000x16xf32, #tpu.memory_space<hbm>>
      tpu.enqueue_indirect_dma source(%dma_start3A_221 : memref<200000x16xf32, #tpu.memory_space<hbm>>) target(%dma_start3A_215 : memref<512x16xf32, #tpu.memory_space<vmem>>) offsets(%dma_start3A_218 : memref<512xi32, #tpu.memory_space<vmem>>) semaphore(%arg17 : memref<!tpu.dma_semaphore, #tpu.memory_space<semaphore_mem>>)
      %dma_wait3A_222 = arith.constant 0 : i32
      %dma_wait3A_223 = arith.constant 0 : i32
      %dma_wait3A_224 = arith.constant 0 : i32
      %dma_wait3A_225 = tpu.memref_slice %arg12[%dma_wait3A_223, %dma_wait3A_224] : memref<512x16xf32, #tpu.memory_space<vmem>> -> memref<512x16xf32, #tpu.memory_space<vmem>>
      %dma_wait3A_226 = arith.constant 0 : i32
      %dma_wait3A_227 = tpu.memref_slice %arg6[%dma_wait3A_222, %dma_wait3A_226] : memref<2x512xi32, #tpu.memory_space<vmem>> -> memref<1x512xi32, #tpu.memory_space<vmem>>
      %dma_wait3A_228 = tpu.memref_squeeze %dma_wait3A_227 : memref<1x512xi32, #tpu.memory_space<vmem>> -> memref<512xi32, #tpu.memory_space<vmem>>
      %dma_wait3A_229 = arith.constant 0 : i32
      %dma_wait3A_230 = arith.constant 0 : i32
      %dma_wait3A_231 = tpu.memref_slice %arg3[%dma_wait3A_229, %dma_wait3A_230] : memref<200000x16xf32, #tpu.memory_space<hbm>> -> memref<200000x16xf32, #tpu.memory_space<hbm>>
      tpu.wait_indirect_dma semaphore(%arg18 : memref<!tpu.dma_semaphore, #tpu.memory_space<semaphore_mem>>) src(%dma_wait3A_231 : memref<200000x16xf32, #tpu.memory_space<hbm>>) dst(%dma_wait3A_225 : memref<512x16xf32, #tpu.memory_space<vmem>>)
      %dma_start3A_232 = arith.constant 0 : i32
      %dma_start3A_233 = arith.constant 0 : i32
      %dma_start3A_234 = arith.constant 0 : i32
      %dma_start3A_235 = tpu.memref_slice %arg12[%dma_start3A_233, %dma_start3A_234] : memref<512x16xf32, #tpu.memory_space<vmem>> -> memref<512x16xf32, #tpu.memory_space<vmem>>
      %dma_start3A_236 = arith.constant 0 : i32
      %dma_start3A_237 = tpu.memref_slice %arg10[%dma_start3A_232, %dma_start3A_236] : memref<1x512xi32, #tpu.memory_space<vmem>> -> memref<1x512xi32, #tpu.memory_space<vmem>>
      %dma_start3A_238 = tpu.memref_squeeze %dma_start3A_237 : memref<1x512xi32, #tpu.memory_space<vmem>> -> memref<512xi32, #tpu.memory_space<vmem>>
      %dma_start3A_239 = arith.constant 0 : i32
      %dma_start3A_240 = arith.constant 0 : i32
      %dma_start3A_241 = tpu.memref_slice %arg21[%dma_start3A_239, %dma_start3A_240] : memref<100096x16xf32, #tpu.memory_space<vmem_shared>> -> memref<100096x16xf32, #tpu.memory_space<vmem_shared>>
      tpu.enqueue_indirect_dma source(%dma_start3A_235 : memref<512x16xf32, #tpu.memory_space<vmem>>) target(%dma_start3A_241 : memref<100096x16xf32, #tpu.memory_space<vmem_shared>>) offsets(%dma_start3A_238 : memref<512xi32, #tpu.memory_space<vmem>>) semaphore(%arg20 : memref<!tpu.dma_semaphore, #tpu.memory_space<semaphore_mem>>) {add = true}
      %add3A_242 = arith.constant 2 : i32
      %add3A_243 = arith.addi %mul3A_98, %add3A_242 : i32
      %add3A_244 = arith.constant 3 : i32
      %add3A_245 = arith.addi %add3A_243, %add3A_244 : i32
      %mul3A_246 = arith.constant 512 : i32
      %mul3A_247 = arith.muli %add3A_245, %mul3A_246 : i32
      %add3A_248 = arith.addi %mul3A_0, %mul3A_247 : i32
      %dma_start3A_249 = arith.constant 0 : i32
      %dma_start3A_250 = tpu.memref_slice %arg2[%dma_start3A_249, %add3A_248] : memref<2x1639936xi32, #tpu.memory_space<hbm>> -> memref<2x512xi32, #tpu.memory_space<hbm>>
      %dma_start3A_251 = arith.constant 0 : i32
      %dma_start3A_252 = tpu.memref_slice %arg2[%dma_start3A_251, %add3A_248] : memref<2x1639936xi32, #tpu.memory_space<hbm>> -> memref<2x512xi32, #tpu.memory_space<hbm>>
      tpu.enqueue_dma source(%dma_start3A_252 : memref<2x512xi32, #tpu.memory_space<hbm>>) target(%arg6 : memref<2x512xi32, #tpu.memory_space<vmem>>) target_semaphore(%arg14 : memref<!tpu.dma_semaphore, #tpu.memory_space<semaphore_mem>>)
      %dma_wait3A_253 = arith.constant 0 : i32
      %dma_wait3A_254 = tpu.memref_slice %arg2[%dma_wait3A_253, %mul3A_0] : memref<2x1639936xi32, #tpu.memory_space<hbm>> -> memref<2x512xi32, #tpu.memory_space<hbm>>
      %dma_wait3A_255 = arith.constant 0 : i32
      %dma_wait3A_256 = tpu.memref_slice %arg2[%dma_wait3A_255, %mul3A_0] : memref<2x1639936xi32, #tpu.memory_space<hbm>> -> memref<2x512xi32, #tpu.memory_space<hbm>>
      tpu.wait_dma2 semaphore(%arg16 : memref<!tpu.dma_semaphore, #tpu.memory_space<semaphore_mem>>) src(%dma_wait3A_256 : memref<2x512xi32, #tpu.memory_space<hbm>>) dst(%arg8 : memref<2x512xi32, #tpu.memory_space<vmem>>)
      %dma_wait3A_257 = arith.constant 0 : i32
      %dma_wait3A_258 = arith.constant 0 : i32
      %dma_wait3A_259 = arith.constant 0 : i32
      %dma_wait3A_260 = tpu.memref_slice %arg12[%dma_wait3A_258, %dma_wait3A_259] : memref<512x16xf32, #tpu.memory_space<vmem>> -> memref<512x16xf32, #tpu.memory_space<vmem>>
      %dma_wait3A_261 = arith.constant 0 : i32
      %dma_wait3A_262 = tpu.memref_slice %arg10[%dma_wait3A_257, %dma_wait3A_261] : memref<1x512xi32, #tpu.memory_space<vmem>> -> memref<1x512xi32, #tpu.memory_space<vmem>>
      %dma_wait3A_263 = tpu.memref_squeeze %dma_wait3A_262 : memref<1x512xi32, #tpu.memory_space<vmem>> -> memref<512xi32, #tpu.memory_space<vmem>>
      %dma_wait3A_264 = arith.constant 0 : i32
      %dma_wait3A_265 = arith.constant 0 : i32
      %dma_wait3A_266 = tpu.memref_slice %arg21[%dma_wait3A_264, %dma_wait3A_265] : memref<100096x16xf32, #tpu.memory_space<vmem_shared>> -> memref<100096x16xf32, #tpu.memory_space<vmem_shared>>
      tpu.wait_indirect_dma semaphore(%arg20 : memref<!tpu.dma_semaphore, #tpu.memory_space<semaphore_mem>>) src(%dma_wait3A_260 : memref<512x16xf32, #tpu.memory_space<vmem>>) dst(%dma_wait3A_266 : memref<100096x16xf32, #tpu.memory_space<vmem_shared>>)
      %scan3A_267 = arith.constant 0 : i32
      %scan3A_268 = arith.constant 32 : i32
      %scan3A_269 = arith.addi %scan3A_267, %scan3A_268 : i32
      %scan3A_270 = arith.constant 1 : i32
      scf.for %scan3A_313 = %scan3A_267 to %scan3A_269 step %scan3A_270  : i32 {
        %mul3A_314 = arith.constant 1 : i32
        %mul3A_315 = arith.muli %scan3A_313, %mul3A_314 : i32
        %add3A_316 = arith.constant 0 : i32
        %add3A_317 = arith.addi %add3A_316, %mul3A_315 : i32
        %mul3A_318 = arith.constant 16 : i32
        %mul3A_319 = arith.muli %add3A_317, %mul3A_318 : i32
        %get3A = arith.constant 0 : i32
        %get3A_320 = arith.index_cast %get3A : i32 to index
        %get3A_321 = arith.index_cast %mul3A_319 : i32 to index
        %get3A_322 = tpu.vector_load %arg8[%get3A_320, %get3A_321] {strides = array<i32>} : memref<2x512xi32, #tpu.memory_space<vmem>>, vector<1x16xi32>,
        %get3A_323 = vector.shape_cast %get3A_322 : vector<1x16xi32> to vector<16xi32>
        %add3A_324 = arith.addi %get3A_323, %get3A_323 : vector<16xi32>
        %add3A_325 = vector.broadcast %arg0 : i32 to vector<16xi32>
        %add3A_326 = arith.addi %add3A_324, %add3A_325 : vector<16xi32>
        %mul3A_327 = arith.constant 16 : i32
        %mul3A_328 = arith.muli %add3A_317, %mul3A_327 : i32
        %swap3A = arith.constant 0 : i32
        %swap3A_329 = arith.index_cast %swap3A : i32 to index
        %swap3A_330 = arith.index_cast %mul3A_328 : i32 to index
        %swap3A_331 = tpu.vector_load %arg8[%swap3A_329, %swap3A_330] {strides = array<i32>} : memref<2x512xi32, #tpu.memory_space<vmem>>, vector<1x16xi32>,
        %swap3A_332 = vector.shape_cast %swap3A_331 : vector<1x16xi32> to vector<16xi32>
        %swap3A_333 = vector.shape_cast %add3A_326 : vector<16xi32> to vector<1x16xi32>
        tpu.vector_store %arg8[%swap3A_329, %swap3A_330], %swap3A_333 {strides = array<i32>} : memref<2x512xi32, #tpu.memory_space<vmem>>, vector<1x16xi32>,
        %mul3A_334 = arith.constant 16 : i32
        %mul3A_335 = arith.muli %add3A_317, %mul3A_334 : i32
        %get3A_336 = arith.constant 1 : i32
        %get3A_337 = arith.index_cast %get3A_336 : i32 to index
        %get3A_338 = arith.index_cast %mul3A_335 : i32 to index
        %get3A_339 = tpu.vector_load %arg8[%get3A_337, %get3A_338] {strides = array<i32>} : memref<2x512xi32, #tpu.memory_space<vmem>>, vector<1x16xi32>,
        %get3A_340 = vector.shape_cast %get3A_339 : vector<1x16xi32> to vector<16xi32>
        %mul3A_341 = arith.constant 16 : i32
        %mul3A_342 = arith.muli %add3A_317, %mul3A_341 : i32
        %jit3A = arith.constant 512 : i32
        %div3A = arith.divsi %mul3A_342, %jit3A : i32
        %sign3A = arith.constant 0 : i32
        %sign3A_343 = arith.cmpi sgt, %mul3A_342, %sign3A : i32
        %sign3A_344 = arith.extui %sign3A_343 : i1 to i32
        %sign3A_345 = arith.constant 0 : i32
        %sign3A_346 = arith.cmpi slt, %mul3A_342, %sign3A_345 : i32
        %sign3A_347 = arith.extui %sign3A_346 : i1 to i32
        %sign3A_348 = arith.subi %sign3A_344, %sign3A_347 : i32
        %sign3A_349 = arith.constant 0 : i32
        %sign3A_350 = arith.cmpi sgt, %jit3A, %sign3A_349 : i32
        %sign3A_351 = arith.extui %sign3A_350 : i1 to i32
        %sign3A_352 = arith.constant 0 : i32
        %sign3A_353 = arith.cmpi slt, %jit3A, %sign3A_352 : i32
        %sign3A_354 = arith.extui %sign3A_353 : i1 to i32
        %sign3A_355 = arith.subi %sign3A_351, %sign3A_354 : i32
        %ne3A = arith.cmpi ne, %sign3A_348, %sign3A_355 : i32
        %rem3A = arith.remsi %mul3A_342, %jit3A : i32
        %ne3A_356 = arith.constant 0 : i32
        %ne3A_357 = arith.cmpi ne, %rem3A, %ne3A_356 : i32
        %and3A = arith.andi %ne3A, %ne3A_357 : i1
        %sub3A = arith.constant 1 : i32
        %sub3A_358 = arith.subi %div3A, %sub3A : i32
        %select_n3A = arith.select %and3A, %sub3A_358, %div3A : i32
        %mul3A_359 = arith.constant 16 : i32
        %mul3A_360 = arith.muli %add3A_317, %mul3A_359 : i32
        %jit3A_361 = arith.constant 512 : i32
        %eq3A_362 = arith.constant 0 : i32
        %eq3A_363 = arith.cmpi eq, %jit3A_361, %eq3A_362 : i32
        %jit3A_364 = arith.constant 1 : i32
        %select_n3A_365 = arith.select %eq3A_363, %jit3A_364, %jit3A_361 : i32
        %rem3A_366 = arith.remsi %mul3A_360, %select_n3A_365 : i32
        %ne3A_367 = arith.constant 0 : i32
        %ne3A_368 = arith.cmpi ne, %rem3A_366, %ne3A_367 : i32
        %lt3A_369 = arith.constant 0 : i32
        %lt3A_370 = arith.cmpi slt, %rem3A_366, %lt3A_369 : i32
        %lt3A_371 = arith.constant 0 : i32
        %lt3A_372 = arith.cmpi slt, %select_n3A_365, %lt3A_371 : i32
        %ne3A_373 = arith.xori %lt3A_370, %lt3A_372 : i1
        %and3A_374 = arith.andi %ne3A_373, %ne3A_368 : i1
        %add3A_375 = arith.addi %rem3A_366, %select_n3A_365 : i32
        %select_n3A_376 = arith.select %and3A_374, %add3A_375, %rem3A_366 : i32
        %swap3A_377 = arith.index_cast %select_n3A : i32 to index
        %swap3A_378 = arith.index_cast %select_n3A_376 : i32 to index
        %swap3A_379 = tpu.vector_load %arg10[%swap3A_377, %swap3A_378] {strides = array<i32>} : memref<1x512xi32, #tpu.memory_space<vmem>>, vector<1x16xi32>,
        %swap3A_380 = vector.shape_cast %swap3A_379 : vector<1x16xi32> to vector<16xi32>
        %swap3A_381 = vector.shape_cast %get3A_340 : vector<16xi32> to vector<1x16xi32>
        tpu.vector_store %arg10[%swap3A_377, %swap3A_378], %swap3A_381 {strides = array<i32>} : memref<1x512xi32, #tpu.memory_space<vmem>>, vector<1x16xi32>,
      }
      %scan3A_271 = arith.constant 32 : i32
      %dma_start3A_272 = arith.constant 0 : i32
      %dma_start3A_273 = arith.constant 0 : i32
      %dma_start3A_274 = arith.constant 0 : i32
      %dma_start3A_275 = tpu.memref_slice %arg12[%dma_start3A_273, %dma_start3A_274] : memref<512x16xf32, #tpu.memory_space<vmem>> -> memref<512x16xf32, #tpu.memory_space<vmem>>
      %dma_start3A_276 = arith.constant 0 : i32
      %dma_start3A_277 = tpu.memref_slice %arg8[%dma_start3A_272, %dma_start3A_276] : memref<2x512xi32, #tpu.memory_space<vmem>> -> memref<1x512xi32, #tpu.memory_space<vmem>>
      %dma_start3A_278 = tpu.memref_squeeze %dma_start3A_277 : memref<1x512xi32, #tpu.memory_space<vmem>> -> memref<512xi32, #tpu.memory_space<vmem>>
      %dma_start3A_279 = arith.constant 0 : i32
      %dma_start3A_280 = arith.constant 0 : i32
      %dma_start3A_281 = tpu.memref_slice %arg3[%dma_start3A_279, %dma_start3A_280] : memref<200000x16xf32, #tpu.memory_space<hbm>> -> memref<200000x16xf32, #tpu.memory_space<hbm>>
      tpu.enqueue_indirect_dma source(%dma_start3A_281 : memref<200000x16xf32, #tpu.memory_space<hbm>>) target(%dma_start3A_275 : memref<512x16xf32, #tpu.memory_space<vmem>>) offsets(%dma_start3A_278 : memref<512xi32, #tpu.memory_space<vmem>>) semaphore(%arg18 : memref<!tpu.dma_semaphore, #tpu.memory_space<semaphore_mem>>)
      %dma_wait3A_282 = arith.constant 0 : i32
      %dma_wait3A_283 = arith.constant 0 : i32
      %dma_wait3A_284 = arith.constant 0 : i32
      %dma_wait3A_285 = tpu.memref_slice %arg11[%dma_wait3A_283, %dma_wait3A_284] : memref<512x16xf32, #tpu.memory_space<vmem>> -> memref<512x16xf32, #tpu.memory_space<vmem>>
      %dma_wait3A_286 = arith.constant 0 : i32
      %dma_wait3A_287 = tpu.memref_slice %arg7[%dma_wait3A_282, %dma_wait3A_286] : memref<2x512xi32, #tpu.memory_space<vmem>> -> memref<1x512xi32, #tpu.memory_space<vmem>>
      %dma_wait3A_288 = tpu.memref_squeeze %dma_wait3A_287 : memref<1x512xi32, #tpu.memory_space<vmem>> -> memref<512xi32, #tpu.memory_space<vmem>>
      %dma_wait3A_289 = arith.constant 0 : i32
      %dma_wait3A_290 = arith.constant 0 : i32
      %dma_wait3A_291 = tpu.memref_slice %arg3[%dma_wait3A_289, %dma_wait3A_290] : memref<200000x16xf32, #tpu.memory_space<hbm>> -> memref<200000x16xf32, #tpu.memory_space<hbm>>
      tpu.wait_indirect_dma semaphore(%arg17 : memref<!tpu.dma_semaphore, #tpu.memory_space<semaphore_mem>>) src(%dma_wait3A_291 : memref<200000x16xf32, #tpu.memory_space<hbm>>) dst(%dma_wait3A_285 : memref<512x16xf32, #tpu.memory_space<vmem>>)
      %dma_start3A_292 = arith.constant 0 : i32
      %dma_start3A_293 = arith.constant 0 : i32
      %dma_start3A_294 = arith.constant 0 : i32
      %dma_start3A_295 = tpu.memref_slice %arg11[%dma_start3A_293, %dma_start3A_294] : memref<512x16xf32, #tpu.memory_space<vmem>> -> memref<512x16xf32, #tpu.memory_space<vmem>>
      %dma_start3A_296 = arith.constant 0 : i32
      %dma_start3A_297 = tpu.memref_slice %arg9[%dma_start3A_292, %dma_start3A_296] : memref<1x512xi32, #tpu.memory_space<vmem>> -> memref<1x512xi32, #tpu.memory_space<vmem>>
      %dma_start3A_298 = tpu.memref_squeeze %dma_start3A_297 : memref<1x512xi32, #tpu.memory_space<vmem>> -> memref<512xi32, #tpu.memory_space<vmem>>
      %dma_start3A_299 = arith.constant 0 : i32
      %dma_start3A_300 = arith.constant 0 : i32
      %dma_start3A_301 = tpu.memref_slice %arg21[%dma_start3A_299, %dma_start3A_300] : memref<100096x16xf32, #tpu.memory_space<vmem_shared>> -> memref<100096x16xf32, #tpu.memory_space<vmem_shared>>
      tpu.enqueue_indirect_dma source(%dma_start3A_295 : memref<512x16xf32, #tpu.memory_space<vmem>>) target(%dma_start3A_301 : memref<100096x16xf32, #tpu.memory_space<vmem_shared>>) offsets(%dma_start3A_298 : memref<512xi32, #tpu.memory_space<vmem>>) semaphore(%arg19 : memref<!tpu.dma_semaphore, #tpu.memory_space<semaphore_mem>>) {add = true}
      %add3A_302 = arith.constant 3 : i32
      %add3A_303 = arith.addi %mul3A_98, %add3A_302 : i32
      %add3A_304 = arith.constant 3 : i32
      %add3A_305 = arith.addi %add3A_303, %add3A_304 : i32
      %mul3A_306 = arith.constant 512 : i32
      %mul3A_307 = arith.muli %add3A_305, %mul3A_306 : i32
      %add3A_308 = arith.addi %mul3A_0, %mul3A_307 : i32
      %dma_start3A_309 = arith.constant 0 : i32
      %dma_start3A_310 = tpu.memref_slice %arg2[%dma_start3A_309, %add3A_308] : memref<2x1639936xi32, #tpu.memory_space<hbm>> -> memref<2x512xi32, #tpu.memory_space<hbm>>
      %dma_start3A_311 = arith.constant 0 : i32
      %dma_start3A_312 = tpu.memref_slice %arg2[%dma_start3A_311, %add3A_308] : memref<2x1639936xi32, #tpu.memory_space<hbm>> -> memref<2x512xi32, #tpu.memory_space<hbm>>
      tpu.enqueue_dma source(%dma_start3A_312 : memref<2x512xi32, #tpu.memory_space<hbm>>) target(%arg7 : memref<2x512xi32, #tpu.memory_space<vmem>>) target_semaphore(%arg15 : memref<!tpu.dma_semaphore, #tpu.memory_space<semaphore_mem>>)
    }
    %scan3A_33 = arith.constant 50 : i32
    %dma_wait3A = arith.constant 0 : i32
    %dma_wait3A_34 = arith.constant 0 : i32
    %dma_wait3A_35 = arith.constant 0 : i32
    %dma_wait3A_36 = tpu.memref_slice %arg12[%dma_wait3A_34, %dma_wait3A_35] : memref<512x16xf32, #tpu.memory_space<vmem>> -> memref<512x16xf32, #tpu.memory_space<vmem>>
    %dma_wait3A_37 = arith.constant 0 : i32
    %dma_wait3A_38 = tpu.memref_slice %arg8[%dma_wait3A, %dma_wait3A_37] : memref<2x512xi32, #tpu.memory_space<vmem>> -> memref<1x512xi32, #tpu.memory_space<vmem>>
    %dma_wait3A_39 = tpu.memref_squeeze %dma_wait3A_38 : memref<1x512xi32, #tpu.memory_space<vmem>> -> memref<512xi32, #tpu.memory_space<vmem>>
    %dma_wait3A_40 = arith.constant 0 : i32
    %dma_wait3A_41 = arith.constant 0 : i32
    %dma_wait3A_42 = tpu.memref_slice %arg3[%dma_wait3A_40, %dma_wait3A_41] : memref<200000x16xf32, #tpu.memory_space<hbm>> -> memref<200000x16xf32, #tpu.memory_space<hbm>>
    tpu.wait_indirect_dma semaphore(%arg18 : memref<!tpu.dma_semaphore, #tpu.memory_space<semaphore_mem>>) src(%dma_wait3A_42 : memref<200000x16xf32, #tpu.memory_space<hbm>>) dst(%dma_wait3A_36 : memref<512x16xf32, #tpu.memory_space<vmem>>)
    %dma_start3A_43 = arith.constant 0 : i32
    %dma_start3A_44 = arith.constant 0 : i32
    %dma_start3A_45 = arith.constant 0 : i32
    %dma_start3A_46 = tpu.memref_slice %arg12[%dma_start3A_44, %dma_start3A_45] : memref<512x16xf32, #tpu.memory_space<vmem>> -> memref<512x16xf32, #tpu.memory_space<vmem>>
    %dma_start3A_47 = arith.constant 0 : i32
    %dma_start3A_48 = tpu.memref_slice %arg10[%dma_start3A_43, %dma_start3A_47] : memref<1x512xi32, #tpu.memory_space<vmem>> -> memref<1x512xi32, #tpu.memory_space<vmem>>
    %dma_start3A_49 = tpu.memref_squeeze %dma_start3A_48 : memref<1x512xi32, #tpu.memory_space<vmem>> -> memref<512xi32, #tpu.memory_space<vmem>>
    %dma_start3A_50 = arith.constant 0 : i32
    %dma_start3A_51 = arith.constant 0 : i32
    %dma_start3A_52 = tpu.memref_slice %arg21[%dma_start3A_50, %dma_start3A_51] : memref<100096x16xf32, #tpu.memory_space<vmem_shared>> -> memref<100096x16xf32, #tpu.memory_space<vmem_shared>>
    tpu.enqueue_indirect_dma source(%dma_start3A_46 : memref<512x16xf32, #tpu.memory_space<vmem>>) target(%dma_start3A_52 : memref<100096x16xf32, #tpu.memory_space<vmem_shared>>) offsets(%dma_start3A_49 : memref<512xi32, #tpu.memory_space<vmem>>) semaphore(%arg20 : memref<!tpu.dma_semaphore, #tpu.memory_space<semaphore_mem>>) {add = true}
    %dma_wait3A_53 = arith.constant 0 : i32
    %dma_wait3A_54 = arith.constant 0 : i32
    %dma_wait3A_55 = arith.constant 0 : i32
    %dma_wait3A_56 = tpu.memref_slice %arg11[%dma_wait3A_54, %dma_wait3A_55] : memref<512x16xf32, #tpu.memory_space<vmem>> -> memref<512x16xf32, #tpu.memory_space<vmem>>
    %dma_wait3A_57 = arith.constant 0 : i32
    %dma_wait3A_58 = tpu.memref_slice %arg9[%dma_wait3A_53, %dma_wait3A_57] : memref<1x512xi32, #tpu.memory_space<vmem>> -> memref<1x512xi32, #tpu.memory_space<vmem>>
    %dma_wait3A_59 = tpu.memref_squeeze %dma_wait3A_58 : memref<1x512xi32, #tpu.memory_space<vmem>> -> memref<512xi32, #tpu.memory_space<vmem>>
    %dma_wait3A_60 = arith.constant 0 : i32
    %dma_wait3A_61 = arith.constant 0 : i32
    %dma_wait3A_62 = tpu.memref_slice %arg21[%dma_wait3A_60, %dma_wait3A_61] : memref<100096x16xf32, #tpu.memory_space<vmem_shared>> -> memref<100096x16xf32, #tpu.memory_space<vmem_shared>>
    tpu.wait_indirect_dma semaphore(%arg19 : memref<!tpu.dma_semaphore, #tpu.memory_space<semaphore_mem>>) src(%dma_wait3A_56 : memref<512x16xf32, #tpu.memory_space<vmem>>) dst(%dma_wait3A_62 : memref<100096x16xf32, #tpu.memory_space<vmem_shared>>)
    %dma_wait3A_63 = arith.constant 0 : i32
    %dma_wait3A_64 = arith.constant 0 : i32
    %dma_wait3A_65 = arith.constant 0 : i32
    %dma_wait3A_66 = tpu.memref_slice %arg12[%dma_wait3A_64, %dma_wait3A_65] : memref<512x16xf32, #tpu.memory_space<vmem>> -> memref<512x16xf32, #tpu.memory_space<vmem>>
    %dma_wait3A_67 = arith.constant 0 : i32
    %dma_wait3A_68 = tpu.memref_slice %arg10[%dma_wait3A_63, %dma_wait3A_67] : memref<1x512xi32, #tpu.memory_space<vmem>> -> memref<1x512xi32, #tpu.memory_space<vmem>>
    %dma_wait3A_69 = tpu.memref_squeeze %dma_wait3A_68 : memref<1x512xi32, #tpu.memory_space<vmem>> -> memref<512xi32, #tpu.memory_space<vmem>>
    %dma_wait3A_70 = arith.constant 0 : i32
    %dma_wait3A_71 = arith.constant 0 : i32
    %dma_wait3A_72 = tpu.memref_slice %arg21[%dma_wait3A_70, %dma_wait3A_71] : memref<100096x16xf32, #tpu.memory_space<vmem_shared>> -> memref<100096x16xf32, #tpu.memory_space<vmem_shared>>
    tpu.wait_indirect_dma semaphore(%arg20 : memref<!tpu.dma_semaphore, #tpu.memory_space<semaphore_mem>>) src(%dma_wait3A_66 : memref<512x16xf32, #tpu.memory_space<vmem>>) dst(%dma_wait3A_72 : memref<100096x16xf32, #tpu.memory_space<vmem_shared>>)
    %dma_wait3A_73 = arith.constant 0 : i32
    %dma_wait3A_74 = tpu.memref_slice %arg2[%dma_wait3A_73, %mul3A_0] : memref<2x1639936xi32, #tpu.memory_space<hbm>> -> memref<2x512xi32, #tpu.memory_space<hbm>>
    %dma_wait3A_75 = arith.constant 0 : i32
    %dma_wait3A_76 = tpu.memref_slice %arg2[%dma_wait3A_75, %mul3A_0] : memref<2x1639936xi32, #tpu.memory_space<hbm>> -> memref<2x512xi32, #tpu.memory_space<hbm>>
    tpu.wait_dma2 semaphore(%arg13 : memref<!tpu.dma_semaphore, #tpu.memory_space<semaphore_mem>>) src(%dma_wait3A_76 : memref<2x512xi32, #tpu.memory_space<hbm>>) dst(%arg5 : memref<2x512xi32, #tpu.memory_space<vmem>>)
    %dma_wait3A_77 = arith.constant 0 : i32
    %dma_wait3A_78 = tpu.memref_slice %arg2[%dma_wait3A_77, %mul3A_0] : memref<2x1639936xi32, #tpu.memory_space<hbm>> -> memref<2x512xi32, #tpu.memory_space<hbm>>
    %dma_wait3A_79 = arith.constant 0 : i32
    %dma_wait3A_80 = tpu.memref_slice %arg2[%dma_wait3A_79, %mul3A_0] : memref<2x1639936xi32, #tpu.memory_space<hbm>> -> memref<2x512xi32, #tpu.memory_space<hbm>>
    tpu.wait_dma2 semaphore(%arg14 : memref<!tpu.dma_semaphore, #tpu.memory_space<semaphore_mem>>) src(%dma_wait3A_80 : memref<2x512xi32, #tpu.memory_space<hbm>>) dst(%arg6 : memref<2x512xi32, #tpu.memory_space<vmem>>)
    %dma_wait3A_81 = arith.constant 0 : i32
    %dma_wait3A_82 = tpu.memref_slice %arg2[%dma_wait3A_81, %mul3A_0] : memref<2x1639936xi32, #tpu.memory_space<hbm>> -> memref<2x512xi32, #tpu.memory_space<hbm>>
    %dma_wait3A_83 = arith.constant 0 : i32
    %dma_wait3A_84 = tpu.memref_slice %arg2[%dma_wait3A_83, %mul3A_0] : memref<2x1639936xi32, #tpu.memory_space<hbm>> -> memref<2x512xi32, #tpu.memory_space<hbm>>
    tpu.wait_dma2 semaphore(%arg15 : memref<!tpu.dma_semaphore, #tpu.memory_space<semaphore_mem>>) src(%dma_wait3A_84 : memref<2x512xi32, #tpu.memory_space<hbm>>) dst(%arg7 : memref<2x512xi32, #tpu.memory_space<vmem>>)
    %barrier3A_85 = arith.constant 0 : index
    tpu.barrier barrier_id(%barrier3A_85)
    %lt3A = arith.constant 15 : i32
    %lt3A_86 = arith.cmpi slt, %arg1, %lt3A : i32
    %convert_element_type3A = arith.extui %lt3A_86 : i1 to i32
    %cond3A = arith.constant 0 : i32
    %cond3A_87 = arith.cmpi ne, %convert_element_type3A, %cond3A : i32
    scf.if %cond3A_87 {
      %mul3A_92 = arith.constant 6256 : i32
      %mul3A_93 = arith.muli %arg1, %mul3A_92 : i32
      %mul3A_94 = arith.constant 6256 : i32
      %mul3A_95 = arith.muli %arg1, %mul3A_94 : i32
      %mul3A_96 = arith.constant 16 : i32
      %mul3A_97 = arith.muli %arg0, %mul3A_96 : i32
      "tpu.region"() ({
        %run_scoped3A = tpu.sem_alloc : memref<!tpu.dma_semaphore, #tpu.memory_space<semaphore_mem>>
        %dma_start3A_98 = tpu.memref_slice %arg4[%mul3A_95, %mul3A_97] : memref<100000x32xf32, #tpu.memory_space<hbm>> -> memref<6256x16xf32, #tpu.memory_space<hbm>>
        %dma_start3A_99 = arith.constant 0 : i32
        %dma_start3A_100 = tpu.memref_slice %arg21[%mul3A_93, %dma_start3A_99] : memref<100096x16xf32, #tpu.memory_space<vmem_shared>> -> memref<6256x16xf32, #tpu.memory_space<vmem_shared>>
        tpu.enqueue_dma source(%dma_start3A_100 : memref<6256x16xf32, #tpu.memory_space<vmem_shared>>) target(%dma_start3A_98 : memref<6256x16xf32, #tpu.memory_space<hbm>>) target_semaphore(%run_scoped3A : memref<!tpu.dma_semaphore, #tpu.memory_space<semaphore_mem>>)
        %dma_wait3A_101 = tpu.memref_slice %arg4[%mul3A_95, %mul3A_97] : memref<100000x32xf32, #tpu.memory_space<hbm>> -> memref<6256x16xf32, #tpu.memory_space<hbm>>
        %dma_wait3A_102 = arith.constant 0 : i32
        %dma_wait3A_103 = tpu.memref_slice %arg21[%mul3A_93, %dma_wait3A_102] : memref<100096x16xf32, #tpu.memory_space<vmem_shared>> -> memref<6256x16xf32, #tpu.memory_space<vmem_shared>>
        tpu.wait_dma2 semaphore(%run_scoped3A : memref<!tpu.dma_semaphore, #tpu.memory_space<semaphore_mem>>) src(%dma_wait3A_103 : memref<6256x16xf32, #tpu.memory_space<vmem_shared>>) dst(%dma_wait3A_101 : memref<6256x16xf32, #tpu.memory_space<hbm>>)
        tpu.yield
      }) : () -> ()
    } else {
    }
    %eq3A = arith.constant 15 : i32
    %eq3A_88 = arith.cmpi eq, %arg1, %eq3A : i32
    %convert_element_type3A_89 = arith.extui %eq3A_88 : i1 to i32
    %cond3A_90 = arith.constant 0 : i32
    %cond3A_91 = arith.cmpi ne, %convert_element_type3A_89, %cond3A_90 : i32
    scf.if %cond3A_91 {
      %mul3A_92 = arith.constant 16 : i32
      %mul3A_93 = arith.muli %arg0, %mul3A_92 : i32
      "tpu.region"() ({
        %run_scoped3A = tpu.sem_alloc : memref<!tpu.dma_semaphore, #tpu.memory_space<semaphore_mem>>
        %dma_start3A_94 = arith.constant 93840 : i32
        %dma_start3A_95 = tpu.memref_slice %arg4[%dma_start3A_94, %mul3A_93] : memref<100000x32xf32, #tpu.memory_space<hbm>> -> memref<6160x16xf32, #tpu.memory_space<hbm>>
        %dma_start3A_96 = arith.constant 93840 : i32
        %dma_start3A_97 = arith.constant 0 : i32
        %dma_start3A_98 = tpu.memref_slice %arg21[%dma_start3A_96, %dma_start3A_97] : memref<100096x16xf32, #tpu.memory_space<vmem_shared>> -> memref<6160x16xf32, #tpu.memory_space<vmem_shared>>
        tpu.enqueue_dma source(%dma_start3A_98 : memref<6160x16xf32, #tpu.memory_space<vmem_shared>>) target(%dma_start3A_95 : memref<6160x16xf32, #tpu.memory_space<hbm>>) target_semaphore(%run_scoped3A : memref<!tpu.dma_semaphore, #tpu.memory_space<semaphore_mem>>)
        %dma_wait3A_99 = arith.constant 93840 : i32
        %dma_wait3A_100 = tpu.memref_slice %arg4[%dma_wait3A_99, %mul3A_93] : memref<100000x32xf32, #tpu.memory_space<hbm>> -> memref<6160x16xf32, #tpu.memory_space<hbm>>
        %dma_wait3A_101 = arith.constant 93840 : i32
        %dma_wait3A_102 = arith.constant 0 : i32
        %dma_wait3A_103 = tpu.memref_slice %arg21[%dma_wait3A_101, %dma_wait3A_102] : memref<100096x16xf32, #tpu.memory_space<vmem_shared>> -> memref<6160x16xf32, #tpu.memory_space<vmem_shared>>
        tpu.wait_dma2 semaphore(%run_scoped3A : memref<!tpu.dma_semaphore, #tpu.memory_space<semaphore_mem>>) src(%dma_wait3A_103 : memref<6160x16xf32, #tpu.memory_space<vmem_shared>>) dst(%dma_wait3A_100 : memref<6160x16xf32, #tpu.memory_space<hbm>>)
        tpu.yield
      }) : () -> ()
    } else {
    }
    return
  }
}

</mosaic_0001>

<sc_bundles>
// kernel: gather_offload_async_start.1
scs
__scs_entry_jumppad:
0x0: {  	(pc) =	sbr.rel $0x88, $3  }
0x1: {  	(tag) =	ssettag $0x0;
	lr =	simm.s32 $0x1  }
0x2: {  	[smem:$0x3F94] =	sst lr;
	_ =	strace $0xD0000000  }
0x3: {  	_ = 	snop  }
0x4: {  	_ = 	snop  }
0x5: {  	_ = 	snop  }
0x6: {  	_ = 	snop  }
0x7: {  	_ = 	snop  }
__scs_overlays_trampoline_lowered:
0x8: {  	[smem:$0x3FA3] =	sst s0  }
0x9: {  	[smem:$0x3FA4] =	sst s1  }
0xa: {  	[smem:$0x3FA5] =	sst s2  }
0xb: {  	[smem:$0x3FA6] =	sst s3  }
0xc: {  	[smem:$0x3FA7] =	sst s4  }
0xd: {  	[smem:$0x3FA8] =	sst s5  }
0xe: {  	[smem:$0x3FA9] =	sst s6  }
0xf: {  	[smem:$0x3FAA] =	sst s7  }
0x10: {  	[smem:$0x3FAB] =	sst s8  }
0x11: {  	[smem:$0x3FAC] =	sst s9;
	s0 =	simm.s32 @!p0 $0x0  }
0x12: {  	s1 =	sld [smem:$0x3F92];
	s0 =	simm.s32 @p0 $0x1  }
0x13: {  	[smem:$0x3FAD] =	sst s0;
	s0 =	simm.s32 @!p1 $0x0  }
0x14: {  	s2 =	sld [smem:$0x3F91];
	s0 =	simm.s32 @p1 $0x1  }
0x15: {  	[smem:$0x3FAE] =	sst s0;
	s0 =	simm.s32 @!p2 $0x0  }
0x16: {  	s3 =	sld [smem:$0x3FDB];
	s0 =	simm.s32 @p2 $0x1  }
0x17: {  	s4 =	simm.s32 $0x1BF5;
	[smem:$0x3FB0] =	sst s0  }
0x18: {  	s0 =	sld [smem:$0x3F93];
	_ =	swait.ge [sflag:s4], $0x0  }
0x19: {  	s7 =	sld [smem:$0x3F94]  }
0x1a: {  	s8 =	sadd.s32 $0xFFFFE003, lr  }
0x1b: {  	s9 =	sadd.s32 $0xFFFFFEF7, lr;
	s5 =	simm.s32 $0xFFFFFFFF;
	p2 =	slt.u32 s8, $0xFFFFF086  }
0x1c: {  	p1 =	slt.u32 s9, $0xF7A;
	s5 =	simm.s32 @!p2 $0x0  }
0x1d: {  	s5 =	simm.s32 @p1 $0x1;
	p0 =	seq.s32 s7, s2  }
0x1e: {  	s7 =	smul.u32 @!p0 $0xF7A, s2;
	p2 =	seq.s32 @!p0 s5, $0x0  }
0x1f: {  	s9 =	smul.u32 $0xF7A, s1;
	s8 =	simm.s32 @!p0 $0x1BF5;
	p2 =	por !p2, p0  }
0x20: {  	[sflag:s8] =	ssyncset.s32 @!p0 $0xFFFFF086;
	s6 =	sadd.s32 @!p0 s3, s7;
	s7 =	simm.s32 @!p0 $0x108  }
0x21: {  	s3 =	sadd.s32 s3, s9;
	s6 =	sadd.s32 @!p0 $0x88, s6;
	s7 =	simm.s32 @p2 $0x1082  }
0x22: {  	[simem:s7], [sflag:s8] =	dma.local @!p0 [hbm:s6], $0xF7A  }
0x23: {  	s9 =	sor.u32 $0xD0000000, s2;
	s6 =	simm.s32 $0x108;
	_ =	swait.ge @!p0 [sflag:s8], $0x0  }
0x24: {  	s3 =	sadd.s32 $0x88, s3;
	s6 =	simm.s32 @!p1 $0x1082;
	[sflag:s4] =	ssyncset.s32 $0xFFFFF086  }
0x25: {  	[simem:s6], [sflag:s4] =	dma.local [hbm:s3], $0xF7A  }
0x26: {  	[smem:$0x3F94] =	sst s1;
	(tag) =	ssettag s2;
	_ =	strace s9  }
0x27: {  	s1 =	sld [smem:$0x3FA4]  }
0x28: {  	s2 =	sld [smem:$0x3FA5]  }
0x29: {  	s4 =	sld [smem:$0x3FA7]  }
0x2a: {  	p0 =	seq.s32 s5, $0x0;
	s5 =	sld [smem:$0x3FA8]  }
0x2b: {  	s6 =	sld [smem:$0x3FA9]  }
0x2c: {  	s7 =	sld [smem:$0x3FAA]  }
0x2d: {  	s3 =	simm.s32 $0x108;
	s8 =	sld [smem:$0x3FAB]  }
0x2e: {  	s3 =	simm.s32 @!p0 $0x1082;
	s9 =	sld [smem:$0x3FAC]  }
0x2f: {  	lr =	sadd.s32 s0, s3;
	s0 =	sld [smem:$0x3FA3]  }
0x30: {  	s3 =	sld [smem:$0x3FA6]  }
0x31: {  	[smem:$0x3FAF] =	sst s10  }
0x32: {  	s10 =	sld [smem:$0x3FAD];
	_ =	sdelay $0x3  }
0x33: {  	p0 =	seq.s32 s10, $0x1;
	s10 =	sld [smem:$0x3FAF];
	_ =	sdelay $0x3  }
0x34: {  	[smem:$0x3FAF] =	sst s10  }
0x35: {  	s10 =	sld [smem:$0x3FAE];
	_ =	sdelay $0x3  }
0x36: {  	p1 =	seq.s32 s10, $0x1;
	s10 =	sld [smem:$0x3FAF];
	_ =	sdelay $0x3  }
0x37: {  	[smem:$0x3FAF] =	sst s10  }
0x38: {  	s10 =	sld [smem:$0x3FB0]  }
0x39: {  	_ = 	snop;
	(pc) =	sbr.ind lr, $3  }
0x3a: {  	_ = 	snop  }
0x3b: {  	_ = 	snop  }
0x3c: {  	p2 =	seq.s32 s10, $0x1;
	s10 =	sld [smem:$0x3FAF]  }
0x3d: {  	_ =	shalt  }
0x3e: {  	_ =	shalt  }
0x3f: {  	_ =	shalt  }
0x40: {  	_ =	shalt  }
0x41: {  	_ =	shalt  }
0x42: {  	_ =	shalt  }
0x43: {  	_ =	shalt  }
0x44: {  	_ =	shalt  }
0x45: {  	_ =	shalt  }
0x46: {  	_ =	shalt  }
0x47: {  	_ =	shalt  }
0x48: {  	_ =	shalt  }
0x49: {  	_ =	shalt  }
0x4a: {  	_ =	shalt  }
0x4b: {  	_ =	shalt  }
0x4c: {  	_ =	shalt  }
0x4d: {  	_ =	shalt  }
0x4e: {  	_ =	shalt  }
0x4f: {  	_ =	shalt  }
0x50: {  	_ =	shalt  }
0x51: {  	_ =	shalt  }
0x52: {  	_ =	shalt  }
0x53: {  	_ =	shalt  }
0x54: {  	_ =	shalt  }
0x55: {  	_ =	shalt  }
0x56: {  	_ =	shalt  }
0x57: {  	_ =	shalt  }
0x58: {  	_ =	shalt  }
0x59: {  	_ =	shalt  }
0x5a: {  	_ =	shalt  }
0x5b: {  	_ =	shalt  }
0x5c: {  	_ =	shalt  }
0x5d: {  	_ =	shalt  }
0x5e: {  	_ =	shalt  }
0x5f: {  	_ =	shalt  }
0x60: {  	_ =	shalt  }
0x61: {  	_ =	shalt  }
0x62: {  	_ =	shalt  }
0x63: {  	_ =	shalt  }
0x64: {  	_ =	shalt  }
0x65: {  	_ =	shalt  }
0x66: {  	_ =	shalt  }
0x67: {  	_ =	shalt  }
0x68: {  	_ =	shalt  }
0x69: {  	_ =	shalt  }
0x6a: {  	_ =	shalt  }
0x6b: {  	_ =	shalt  }
0x6c: {  	_ =	shalt  }
0x6d: {  	_ =	shalt  }
0x6e: {  	_ =	shalt  }
0x6f: {  	_ =	shalt  }
0x70: {  	_ =	shalt  }
0x71: {  	_ =	shalt  }
0x72: {  	_ =	shalt  }
0x73: {  	_ =	shalt  }
0x74: {  	_ =	shalt  }
0x75: {  	_ =	shalt  }
0x76: {  	_ =	shalt  }
0x77: {  	_ =	shalt  }
0x78: {  	_ =	shalt  }
0x79: {  	_ =	shalt  }
0x7a: {  	_ =	shalt  }
0x7b: {  	_ =	shalt  }
0x7c: {  	_ =	shalt  }
0x7d: {  	_ =	shalt  }
0x7e: {  	_ =	shalt  }
0x7f: {  	_ =	shalt  }
0x80: {  	_ =	shalt  }
0x81: {  	_ =	shalt  }
0x82: {  	_ =	shalt  }
0x83: {  	_ =	shalt  }
0x84: {  	_ =	shalt  }
0x85: {  	_ =	shalt  }
0x86: {  	_ =	shalt  }
0x87: {  	_ =	shalt  }
.Lfunc_end0:
.L_simem_size_0:
called_computation.1_lowered:
.L_overlay_start_0:
0x88: {  	s2 =	sld [smem:$0x3FD9]  }
0x89: {  	s3 =	sld [smem:$0x3FFE];
	_ =	sdelay $0x1  }
0x8a: {  	s1 =	srdreg.scid  }
0x8b: {  	s0 =	sand.u32 $0x1, s1  }
0x8c: {  	s17 =	sshll.u32 s0, $0xA;
	s2 =	sadd.s32 s3, s2  }
0x8d: {  	s2 =	sadd.s32 s2, s17  }
0x8e: {  	[smem:$0x3FBB] =	sst s2  }
0x8f: {  	_ = 	snop  }
0x90: {  	(tm) =	ssettm $0x1  }
0x91: {  	s18 =	sld [smem:$0x3FFB];
	_ =	sdelay $0x3  }
0x92: {  	_ =	strace s18  }
0x93: {  	s2 =	sld [smem:$0x3FFC];
	_ =	sdelay $0x3  }
0x94: {  	_ =	strace s2  }
0x95: {  	s2 =	sld [smem:$0x3FFD];
	_ =	sdelay $0x3  }
0x96: {  	_ =	strace s2  }
0x97: {  	_ =	strace $0x8FFFFFFF  }
0x98: {  	s19 =	sld [smem:$0x3FDB];
	_ =	sdelay $0x1  }
0x99: {  	s20 =	simm.s32 $_scs_section_size  }
0x9a: {  	s4 =	simm.s32 $_size__tile_overlayer_lowered;
	s5 =	simm.s32 $_tile_overlayer_lowered  }
0x9b: {  	s6 =	simm.s32 $0x1BFF;
	s21 =	sshll.u32 s5, $0x1;
	s3 =	sadd.s32 s20, s19  }
0x9c: {  	s22 =	simm.s32 $0x0;
	s4 =	sshll.u32 s4, $0x1;
	s5 =	sadd.s32 s21, s3  }
0x9d: {  	[timem:s22], [sflag:s6] =	dma.local [hbm:s5], s4  }
0x9e: {  	_ =	swait.ge [sflag:s6], s4  }
0x9f: {  	s4 =	ssub.s32 $0x0, s4;
	[sflag:s6] =	ssyncset.done $0x0  }
0xa0: {  	[sflag:s6] =	ssyncadd.s32 s4;
	_ =	sdelay $0x1  }
0xa1: {  	s23 =	simm.s32 $0x1B8B  }
0xa2: {  	_ =	swait.ge [sflag:s23], $0x1  }
0xa3: {  	[sflag:s23] =	ssyncset.done $0x0  }
0xa4: {  	[sflag:s23] =	ssyncadd.s32 $0xFFFFFFFF  }
0xa5: {  	s4 =	sld [smem:$0x0]  }
0xa6: {  	s5 =	sand.u32 $0xFFFFFFFE, s1  }
0xa7: {  	p0 =	sne.s32 s1, s5  }
0xa8: {  	s5 =	sshll.u32 @p0 s5, $0xE  }
0xa9: {  	s5 =	sadd.s32 @p0 $0x11B8D, s5;
	s6 =	sshll.u32 @p0 s4, $0x11  }
0xaa: {  	s5 =	sor.u32 @p0 s6, s5  }
0xab: {  	[sflag:s5] =	ssyncadd.remote.s32 @p0 $0x1;
	_ =	sdelay $0x1  }
0xac: {  	s5 =	simm.s32 @p0 $0x1B8D  }
0xad: {  	_ =	swait.eq @p0 [sflag:s5], $0x1  }
0xae: {  	[sflag:s5] =	ssyncadd.s32 @p0 $0xFFFFFFFF  }
0xaf: {  	s6 =	sshll.u32 @!p0 s1, $0xE  }
0xb0: {  	s6 =	sor.u32 @!p0 $0x4000, s6;
	s5 =	simm.s32 @!p0 $0x1B8D  }
0xb1: {  	s4 =	sshll.u32 @!p0 s4, $0x11;
	s6 =	sadd.s32 @!p0 $0x11B8D, s6;
	_ =	swait.eq @!p0 [sflag:s5], $0x1  }
0xb2: {  	s4 =	sor.u32 @!p0 s4, s6;
	[sflag:s5] =	ssyncadd.s32 @!p0 $0xFFFFFFFF  }
0xb3: {  	s25 =	simm.s32 $0x1B8E;
	s24 =	sld [smem:$0x3FFE];
	[sflag:s4] =	ssyncadd.remote.s32 @!p0 $0x1  }
0xb4: {  	s26 =	simm.s32 $execute0_lowered;
	[smem:$0x3FD2] =	sst s25  }
0xb5: {  	s5 =	sshll.u32 s26, $0x1;
	_ =	strace $0x8000005B;
	[dreg:$0x1] =	wrdreg $0xFFFFFFFF  }
0xb6: {  	s28 =	simm.s32 $_size_execute0_lowered;
	s3 =	sadd.s32 s3, s5;
	[dreg:$0x0] =	wrdreg $0x0  }
0xb7: {  	s5 =	sshll.u32 s28, $0x1;
	[dreg:$0x2] =	wrdreg s3  }
0xb8: {  	[dreg:$0x3] =	wrdreg s5  }
0xb9: {  	[dreg:$0x4] =	wrdreg $0xC0  }
0xba: {  	_ =	task [dreg:s22], $0x5FFFF  }
0xbb: {  	[dreg:$0x1] =	wrdreg $0xFFFFFFFF  }
0xbc: {  	[dreg:$0x0] =	wrdreg $0x60  }
0xbd: {  	[dreg:$0x2] =	wrdreg s24  }
0xbe: {  	[dreg:$0x3] =	wrdreg $0xA  }
0xbf: {  	_ =	task.clear_ibuf [dreg:s22], $0x4FFFF;
	_ =	strace $0x9000005B  }
0xc0: {  	s29 =	simm.s32 $0xA;
	_ =	strace $0x8000005D  }
0xc1: {  	_ =	swait.ge [sflag:s29], $0x1  }
0xc2: {  	[sflag:s29] =	ssyncadd.s32 $0xFFFFFFFF  }
0xc3: {  	_ =	strace $0x9000005D  }
0xc4: {  	_ =	sfence  }
0xc5: {  	s30 =	sld [smem:$0x0];
	_ =	sdelay $0x2  }
0xc6: {  	s31 =	sshll.u32 s1, $0xD;
	s1 =	sshrl.u32 s1, $0x2  }
0xc7: {  	s4 =	sand.u32 $0x4000, s31;
	s1 =	sadd.s32 s1, s30  }
0xc8: {  	s0 =	sor.u32 s4, s0;
	s1 =	sshll.u32 s1, $0x11  }
0xc9: {  	s0 =	sor.u32 s1, s0  }
0xca: {  	s0 =	sadd.s32 $0x8F2B, s0  }
0xcb: {  	[sflag:s0] =	ssyncadd.remote.s32 $0x1  }
0xcc: {  	_ =	sfence.sel $0xFFFF  }
0xcd: {  	[dreg:$0x0] =	wrdreg $0xFFFFFFFF;
	(pc) =	sbr.abs _section_cstart, $3  }
0xce: {  	[dreg:$0x1] =	wrdreg $0xFFFFFFFF  }
0xcf: {  	_ =	task.clear_ibuf [dreg:s22], $0x2FFFF;
	_ =	strace $0x9FFFFFFF  }
0xd0: {  	(tm) =	ssettm $0x7FFFFFFF  }
0xd1: {  	_ =	shalt  }
tec
execute0_lowered:
.L_overlay_start_1:
0x0: {  	(tag) =	ssettag $0x1  }
0x1: {  	s0 =	srdreg.scid;
	s5 =	rddreg [dreg:$0x0]  }
0x2: {  	s1 =	stileid.u32;
	s6 =	simm.s32 $0x1;
	s9 =	simm.s32 $0x1  }
0x3: {  	s10 =	simm.s32 $0x3;
	s13 =	simm.s32 $0x0;
	s2 =	sshll.u32 s0, $0x8  }
0x4: {  	s12 =	simm.s32 $0x0;
	s3 =	sshll.u32 s1, $0x9;
	s2 =	sand.u32 $0x100, s2  }
0x5: {  	s0 =	rddreg [dreg:$0x1];
	_ =	strace $0x8000005C;
	s2 =	sor.u32 s3, s2  }
0x6: {  	s4 =	sadd.s32 $0x1ED400, s5;
	[sflag:s6] =	ssyncpa.u1 $0x0;
	s8 =	ssub.s32 $0x4000, s2  }
.Ltmp0:
0x7: {  	s3 =	sadd.s32 $0x45400, s5;
	s7 =	sand.u32 $0x1F00, s8;
	(pc) =	sbr.rel .LBB2_1-.Ltmp0, $4  }
0x8: {  	s5 =	sadd.s32 $0x2000, s5;
	s11 =	smov.u32 s2;
	p0 =	sne.s32 s7, $0x0  }
0x9: {  	s8 =	sshrl.u32 s8, $0xD;
	s7 =	simm.s32 $0x2;
	s9 =	simm.s32 @!p0 $0x0  }
0xa: {  	[sflag:s7] =	ssyncpa.u1 $0x0;
	p0 =	por $0x0, $0x0;
	s8 =	sadd.s32 s9, s8  }
0xb: {  	vm0 =	vmmov $0xffff;
	[sflag:s10] =	ssyncpa.u1 $0x0;
	s10 =	simm.s32 $0x0;
	s9 =	sadd.s32 $0x1, s8  }
.LBB2_4:
0xc: {  	v2 =	vnsel vm1, $0x0, v2  }
0xd: {  	vm1 =	vgt.s32 v0, $0x0;
	v2 =	vmin.u32 v2, $0x1869F  }
0xe: {  	v0 =	vnsel vm1, $0x0, v0  }
0xf: {  	v0 =	vmin.u32 v0, $0x1869F  }
0x10: {  	[tilespmem:s15], [sflag:$0x1] =	stream.indirect_vreg.gather [hbm4b:s3+s10], $0x1, v1, vm0, $0x4038;
	[tilespmem:$0x400] =	vst v63  }
0x11: {  	(ifvalue) =	ssetifvalue $0x7FFFFFFF  }
0x12: {  	[tilespmem:s16], [sflag:$0x1] =	stream.indirect_vreg.gather [hbm4b:s3+s10], $0x1, v2, vm0, $0x4038;
	[tilespmem:$0x400] =	vst v63  }
0x13: {  	s29 =	sadd.s32 $0x10, s16;
	(ifvalue) =	ssetifvalue $0x7FFFFFFF  }
0x14: {  	[tilespmem:s29], [sflag:$0x1] =	stream.indirect_vreg.gather [hbm4b:s3+s10], $0x1, v0, vm0, $0x4038;
	[tilespmem:$0x400] =	vst v63  }
0x15: {  	_ =	swait.ge [sflag:s6], $0x100  }
0x16: {  	s30 =	sshrl.u32 s13, $0x3;
	[sflag:s6] =	ssyncset.done $0x0  }
0x17: {  	s31 =	sand.u32 $0x7, s13;
	s15 =	sadd.s32 s5, s30;
	[sflag:s6] =	ssyncadd.s32 $0xFFFFFF00  }
0x18: {  	[hbm4b:s15+s31] =	stream.linear.scatter [tilespmem:s14], [sflag:$0x3], $0x100, $0x38;
	[tilespmem:$0x400] =	vst v63  }
.LBB2_5:
0x19: {  	s15 =	sadd.s32 $0x2000, s11  }
0x1a: {  	p2 =	sgt.s32 s15, $0x3FFF  }
0x1b: {  	s15 =	smov.u32 @p2 s2;
	p2 =	sne.s32 s12, s9  }
.Ltmp1:
0x1c: {  	p1 =	slt.u32 s12, $0x2;
	(pc) =	sbr.rel @!p2 .LBB2_6-.Ltmp1, $4  }
0x1d: {  	s14 =	simm.s32 @!p1 $0x3  }
0x1e: {  	s16 =	sadd.s32 $0x1, s12;
	_ =	swait.ge @!p1 [sflag:s14], $0x100  }
0x1f: {  	s13 =	smov.u32 s11;
	p0 =	por !p0, !p0;
	[sflag:s14] =	ssyncset.done @!p1 $0x0  }
0x20: {  	s12 =	smov.u32 s16;
	s11 =	smov.u32 s15;
	[sflag:s14] =	ssyncadd.s32 @!p1 $0xFFFFFF00  }
.LBB2_1:
0x21: {  	p1 =	sge.u32 s12, s8  }
0x22: {  	s14 =	sxor.u32 @!p1 $0xFFFFFFFF, s12  }
0x23: {  	s31 =	sadd.s32 $0xFFFFFFFF, s12;
	s15 =	sshrl.u32 @!p1 s11, $0x3;
	s14 =	sshll.u32 @!p1 s14, $0x8  }
0x24: {  	s16 =	sand.u32 @!p1 $0x7, s11;
	s15 =	sadd.s32 @!p1 s4, s15;
	s14 =	sand.u32 @!p1 $0x100, s14  }
0x25: {  	[tilespmem:s14], [sflag:$0x2] =	stream.linear.gather @!p1 [hbm4b:s15+s16], $0x100, $0x38;
	[tilespmem:$0x400] =	vst v63  }
0x26: {  	p1 =	sge.u32 s31, s8  }
.Ltmp2:
0x27: {  	_ = 	snop;
	(pc) =	sbr.rel @p1 .LBB2_5-.Ltmp2, $1  }
0x28: {  	_ =	sdelay $0x3  }
0x29: {  	s14 =	simm.s32 $0x1  }
0x2a: {  	_ =	swait.ge [sflag:s7], $0x100;
	s14 =	simm.s32 @!p0 $0x0  }
0x2b: {  	[sflag:s7] =	ssyncset.done $0x0;
	s14 =	sshll.u32 s14, $0x8  }
0x2c: {  	[sflag:s7] =	ssyncadd.s32 $0xFFFFFF00;
	(ifvalue) =	ssetifvalue $0x7FFFFFFF;
	v0 =	vld.msk [tilespmem:s14+$0x0 ss:$0x1], $0xffff;
	_ =	sdelay $0x4  }
0x2d: {  	s15 =	sadd.s32 $0x10, s14;
	vm1 =	vgt.s32 v0, $0x0  }
0x2e: {  	v2 =	vld.msk [tilespmem:s15+$0x0 ss:$0x1], $0xffff;
	v1 =	vnsel vm1, $0x0, v0  }
0x2f: {  	v1 =	vmin.u32 v1, $0x1869F;
	_ =	sdelay $0x1  }
0x30: {  	s16 =	sshll.u32 s12, $0x8;
	s18 =	simm.s32 $0x20  }
0x31: {  	s16 =	sand.u32 $0x100, s16;
	s17 =	sadd.s32 $0x10, s15;
	s15 =	sor.u32 $0x200, s14  }
0x32: {  	s14 =	sor.u32 $0x200, s16;
	s16 =	sadd.s32 $0x10, s15;
	v0 =	vld.msk [tilespmem:s17+$0x0 ss:$0x1], $0xffff;
	vm1 =	vgt.s32 v2, $0x0;
	(ifvalue) =	ssetifvalue $0x7FFFFFFF  }
.LBB2_3:
0x33: {  	[tilespmem:s15], [sflag:$0x1] =	stream.indirect_vreg.gather [hbm4b:s3+s10], $0x1, v1, vm0, $0x4038;
	[tilespmem:$0x400] =	vst v63  }
0x34: {  	s18 =	sadd.s32 $0x10, s18  }
0x35: {  	v2 =	vnsel vm1, $0x0, v2;
	p1 =	slt.u32 s18, $0xF0  }
.Ltmp3:
0x36: {  	s15 =	smov.u32 s16;
	v1 =	vmin.u32 v2, $0x1869F;
	(pc) =	sbr.rel @p1 .LBB2_3-.Ltmp3, $3  }
0x37: {  	_ =	sdelay $0x1  }
0x38: {  	s17 =	sadd.s32 $0x10, s17  }
0x39: {  	vm1 =	vgt.s32 v0, $0x0;
	s16 =	sadd.s32 $0x10, s16;
	v2 =	vmov v0;
	(ifvalue) =	ssetifvalue $0x7FFFFFFF;
	v0 =	vld.msk [tilespmem:s17+$0x0 ss:$0x1], $0xffff  }
.Ltmp4:
0x3a: {  	_ = 	snop;
	(pc) =	sbr.rel .LBB2_4-.Ltmp4, $1  }
0x3b: {  	_ =	sdelay $0x3  }
.LBB2_6:
0x3c: {  	_ =	sfence.sel $0x180000  }
0x3d: {  	s2 =	simm.s32 $0x2;
	[bflag:$0x0] =	sbarrier.arrive $0xFFFF  }
0x3e: {  	s30 =	simm.s32 $0x3;
	[sflag:s2] =	ssyncpa.u1 $0x1  }
0x3f: {  	s31 =	simm.s32 $0x1;
	[sflag:s30] =	ssyncpa.u1 $0x1  }
0x40: {  	[sflag:s31] =	ssyncpa.u1 $0x1  }
0x41: {  	p0 =	sne.s32 s1, $0x0;
	_ =	strace $0x9000005C  }
0x42: {  	s0 =	sadd.s32 @!p0 $0x100000, s0;
	[bflag:$0x2] =	sbarrier.arrive $0xFFFF  }
0x43: {  	[sflag:s0] =	ssyncadd.tile.s32 @!p0 $0x1;
	_ =	shalt  }
.Lfunc_end2:
_tile_overlayer_lowered:
.L_overlay_start_2:
0x44: {  	(tag) =	ssettag $0x2  }
0x45: {  	s0 =	rddreg [dreg:$0x0];
	s2 =	stileid.u32  }
0x46: {  	s1 =	rddreg [dreg:$0x1];
	p0 =	sne.s32 s2, $0x0  }
0x47: {  	s3 =	rddreg [dreg:$0x2];
	[bflag:$0x3] =	sbarrier.arrive $0xFFFF;
	s2 =	simm.s32 @!p0 $0x1C01  }
0x48: {  	[timem:s3], [sflag:s2] =	dma.local @!p0 [hbm:s0], s1  }
0x49: {  	s0 =	simm.s32 @!p0 $0x1  }
0x4a: {  	_ =	swait.ge @!p0 [sflag:s0], s1  }
0x4b: {  	s1 =	ssub.s32 @!p0 $0x0, s1;
	[sflag:s0] =	ssyncset.done @!p0 $0x0  }
0x4c: {  	[sflag:s0] =	ssyncadd.s32 @!p0 s1  }
0x4d: {  	[bflag:$0x3] =	sbarrier.arrive $0xFFFF  }
0x4e: {  	_ =	shalt  }

// kernel: gather_offload_async_start.2
scs
__scs_entry_jumppad:
0x0: {  	(pc) =	sbr.rel $0x88, $3  }
0x1: {  	(tag) =	ssettag $0x0;
	lr =	simm.s32 $0x1  }
0x2: {  	[smem:$0x3F94] =	sst lr;
	_ =	strace $0xD0000000  }
0x3: {  	_ = 	snop  }
0x4: {  	_ = 	snop  }
0x5: {  	_ = 	snop  }
0x6: {  	_ = 	snop  }
0x7: {  	_ = 	snop  }
__scs_overlays_trampoline_lowered:
0x8: {  	[smem:$0x3FA3] =	sst s0  }
0x9: {  	[smem:$0x3FA4] =	sst s1  }
0xa: {  	[smem:$0x3FA5] =	sst s2  }
0xb: {  	[smem:$0x3FA6] =	sst s3  }
0xc: {  	[smem:$0x3FA7] =	sst s4  }
0xd: {  	[smem:$0x3FA8] =	sst s5  }
0xe: {  	[smem:$0x3FA9] =	sst s6  }
0xf: {  	[smem:$0x3FAA] =	sst s7  }
0x10: {  	[smem:$0x3FAB] =	sst s8  }
0x11: {  	[smem:$0x3FAC] =	sst s9;
	s0 =	simm.s32 @!p0 $0x0  }
0x12: {  	s1 =	sld [smem:$0x3F92];
	s0 =	simm.s32 @p0 $0x1  }
0x13: {  	[smem:$0x3FAD] =	sst s0;
	s0 =	simm.s32 @!p1 $0x0  }
0x14: {  	s2 =	sld [smem:$0x3F91];
	s0 =	simm.s32 @p1 $0x1  }
0x15: {  	[smem:$0x3FAE] =	sst s0;
	s0 =	simm.s32 @!p2 $0x0  }
0x16: {  	s3 =	sld [smem:$0x3FDB];
	s0 =	simm.s32 @p2 $0x1  }
0x17: {  	s4 =	simm.s32 $0x1BF5;
	[smem:$0x3FB0] =	sst s0  }
0x18: {  	s0 =	sld [smem:$0x3F93];
	_ =	swait.ge [sflag:s4], $0x0  }
0x19: {  	s7 =	sld [smem:$0x3F94]  }
0x1a: {  	s8 =	sadd.s32 $0xFFFFE003, lr  }
0x1b: {  	s9 =	sadd.s32 $0xFFFFFEF7, lr;
	s5 =	simm.s32 $0xFFFFFFFF;
	p2 =	slt.u32 s8, $0xFFFFF086  }
0x1c: {  	p1 =	slt.u32 s9, $0xF7A;
	s5 =	simm.s32 @!p2 $0x0  }
0x1d: {  	s5 =	simm.s32 @p1 $0x1;
	p0 =	seq.s32 s7, s2  }
0x1e: {  	s7 =	smul.u32 @!p0 $0xF7A, s2;
	p2 =	seq.s32 @!p0 s5, $0x0  }
0x1f: {  	s9 =	smul.u32 $0xF7A, s1;
	s8 =	simm.s32 @!p0 $0x1BF5;
	p2 =	por !p2, p0  }
0x20: {  	[sflag:s8] =	ssyncset.s32 @!p0 $0xFFFFF086;
	s6 =	sadd.s32 @!p0 s3, s7;
	s7 =	simm.s32 @!p0 $0x108  }
0x21: {  	s3 =	sadd.s32 s3, s9;
	s6 =	sadd.s32 @!p0 $0x88, s6;
	s7 =	simm.s32 @p2 $0x1082  }
0x22: {  	[simem:s7], [sflag:s8] =	dma.local @!p0 [hbm:s6], $0xF7A  }
0x23: {  	s9 =	sor.u32 $0xD0000000, s2;
	s6 =	simm.s32 $0x108;
	_ =	swait.ge @!p0 [sflag:s8], $0x0  }
0x24: {  	s3 =	sadd.s32 $0x88, s3;
	s6 =	simm.s32 @!p1 $0x1082;
	[sflag:s4] =	ssyncset.s32 $0xFFFFF086  }
0x25: {  	[simem:s6], [sflag:s4] =	dma.local [hbm:s3], $0xF7A  }
0x26: {  	[smem:$0x3F94] =	sst s1;
	(tag) =	ssettag s2;
	_ =	strace s9  }
0x27: {  	s1 =	sld [smem:$0x3FA4]  }
0x28: {  	s2 =	sld [smem:$0x3FA5]  }
0x29: {  	s4 =	sld [smem:$0x3FA7]  }
0x2a: {  	p0 =	seq.s32 s5, $0x0;
	s5 =	sld [smem:$0x3FA8]  }
0x2b: {  	s6 =	sld [smem:$0x3FA9]  }
0x2c: {  	s7 =	sld [smem:$0x3FAA]  }
0x2d: {  	s3 =	simm.s32 $0x108;
	s8 =	sld [smem:$0x3FAB]  }
0x2e: {  	s3 =	simm.s32 @!p0 $0x1082;
	s9 =	sld [smem:$0x3FAC]  }
0x2f: {  	lr =	sadd.s32 s0, s3;
	s0 =	sld [smem:$0x3FA3]  }
0x30: {  	s3 =	sld [smem:$0x3FA6]  }
0x31: {  	[smem:$0x3FAF] =	sst s10  }
0x32: {  	s10 =	sld [smem:$0x3FAD];
	_ =	sdelay $0x3  }
0x33: {  	p0 =	seq.s32 s10, $0x1;
	s10 =	sld [smem:$0x3FAF];
	_ =	sdelay $0x3  }
0x34: {  	[smem:$0x3FAF] =	sst s10  }
0x35: {  	s10 =	sld [smem:$0x3FAE];
	_ =	sdelay $0x3  }
0x36: {  	p1 =	seq.s32 s10, $0x1;
	s10 =	sld [smem:$0x3FAF];
	_ =	sdelay $0x3  }
0x37: {  	[smem:$0x3FAF] =	sst s10  }
0x38: {  	s10 =	sld [smem:$0x3FB0]  }
0x39: {  	_ = 	snop;
	(pc) =	sbr.ind lr, $3  }
0x3a: {  	_ = 	snop  }
0x3b: {  	_ = 	snop  }
0x3c: {  	p2 =	seq.s32 s10, $0x1;
	s10 =	sld [smem:$0x3FAF]  }
0x3d: {  	_ =	shalt  }
0x3e: {  	_ =	shalt  }
0x3f: {  	_ =	shalt  }
0x40: {  	_ =	shalt  }
0x41: {  	_ =	shalt  }
0x42: {  	_ =	shalt  }
0x43: {  	_ =	shalt  }
0x44: {  	_ =	shalt  }
0x45: {  	_ =	shalt  }
0x46: {  	_ =	shalt  }
0x47: {  	_ =	shalt  }
0x48: {  	_ =	shalt  }
0x49: {  	_ =	shalt  }
0x4a: {  	_ =	shalt  }
0x4b: {  	_ =	shalt  }
0x4c: {  	_ =	shalt  }
0x4d: {  	_ =	shalt  }
0x4e: {  	_ =	shalt  }
0x4f: {  	_ =	shalt  }
0x50: {  	_ =	shalt  }
0x51: {  	_ =	shalt  }
0x52: {  	_ =	shalt  }
0x53: {  	_ =	shalt  }
0x54: {  	_ =	shalt  }
0x55: {  	_ =	shalt  }
0x56: {  	_ =	shalt  }
0x57: {  	_ =	shalt  }
0x58: {  	_ =	shalt  }
0x59: {  	_ =	shalt  }
0x5a: {  	_ =	shalt  }
0x5b: {  	_ =	shalt  }
0x5c: {  	_ =	shalt  }
0x5d: {  	_ =	shalt  }
0x5e: {  	_ =	shalt  }
0x5f: {  	_ =	shalt  }
0x60: {  	_ =	shalt  }
0x61: {  	_ =	shalt  }
0x62: {  	_ =	shalt  }
0x63: {  	_ =	shalt  }
0x64: {  	_ =	shalt  }
0x65: {  	_ =	shalt  }
0x66: {  	_ =	shalt  }
0x67: {  	_ =	shalt  }
0x68: {  	_ =	shalt  }
0x69: {  	_ =	shalt  }
0x6a: {  	_ =	shalt  }
0x6b: {  	_ =	shalt  }
0x6c: {  	_ =	shalt  }
0x6d: {  	_ =	shalt  }
0x6e: {  	_ =	shalt  }
0x6f: {  	_ =	shalt  }
0x70: {  	_ =	shalt  }
0x71: {  	_ =	shalt  }
0x72: {  	_ =	shalt  }
0x73: {  	_ =	shalt  }
0x74: {  	_ =	shalt  }
0x75: {  	_ =	shalt  }
0x76: {  	_ =	shalt  }
0x77: {  	_ =	shalt  }
0x78: {  	_ =	shalt  }
0x79: {  	_ =	shalt  }
0x7a: {  	_ =	shalt  }
0x7b: {  	_ =	shalt  }
0x7c: {  	_ =	shalt  }
0x7d: {  	_ =	shalt  }
0x7e: {  	_ =	shalt  }
0x7f: {  	_ =	shalt  }
0x80: {  	_ =	shalt  }
0x81: {  	_ =	shalt  }
0x82: {  	_ =	shalt  }
0x83: {  	_ =	shalt  }
0x84: {  	_ =	shalt  }
0x85: {  	_ =	shalt  }
0x86: {  	_ =	shalt  }
0x87: {  	_ =	shalt  }
.Lfunc_end0:
.L_simem_size_0:
called_computation.2_lowered:
.L_overlay_start_0:
0x88: {  	s2 =	sld [smem:$0x3FD9]  }
0x89: {  	s3 =	sld [smem:$0x3FFE];
	_ =	sdelay $0x1  }
0x8a: {  	s1 =	srdreg.scid  }
0x8b: {  	s0 =	sand.u32 $0x1, s1  }
0x8c: {  	s17 =	sshll.u32 s0, $0xA;
	s2 =	sadd.s32 s3, s2  }
0x8d: {  	s2 =	sadd.s32 s2, s17  }
0x8e: {  	[smem:$0x3FBB] =	sst s2  }
0x8f: {  	_ = 	snop  }
0x90: {  	(tm) =	ssettm $0x1  }
0x91: {  	s18 =	sld [smem:$0x3FFB];
	_ =	sdelay $0x3  }
0x92: {  	_ =	strace s18  }
0x93: {  	s2 =	sld [smem:$0x3FFC];
	_ =	sdelay $0x3  }
0x94: {  	_ =	strace s2  }
0x95: {  	s2 =	sld [smem:$0x3FFD];
	_ =	sdelay $0x3  }
0x96: {  	_ =	strace s2  }
0x97: {  	_ =	strace $0x8FFFFFFF  }
0x98: {  	s19 =	sld [smem:$0x3FDB];
	_ =	sdelay $0x1  }
0x99: {  	s20 =	simm.s32 $_scs_section_size  }
0x9a: {  	s4 =	simm.s32 $_size__tile_overlayer_lowered;
	s5 =	simm.s32 $_tile_overlayer_lowered  }
0x9b: {  	s6 =	simm.s32 $0x1BFF;
	s21 =	sshll.u32 s5, $0x1;
	s3 =	sadd.s32 s20, s19  }
0x9c: {  	s22 =	simm.s32 $0x0;
	s4 =	sshll.u32 s4, $0x1;
	s5 =	sadd.s32 s21, s3  }
0x9d: {  	[timem:s22], [sflag:s6] =	dma.local [hbm:s5], s4  }
0x9e: {  	_ =	swait.ge [sflag:s6], s4  }
0x9f: {  	s4 =	ssub.s32 $0x0, s4;
	[sflag:s6] =	ssyncset.done $0x0  }
0xa0: {  	[sflag:s6] =	ssyncadd.s32 s4;
	_ =	sdelay $0x1  }
0xa1: {  	s23 =	simm.s32 $0x1B8B  }
0xa2: {  	_ =	swait.ge [sflag:s23], $0x1  }
0xa3: {  	[sflag:s23] =	ssyncset.done $0x0  }
0xa4: {  	[sflag:s23] =	ssyncadd.s32 $0xFFFFFFFF  }
0xa5: {  	s4 =	sld [smem:$0x0]  }
0xa6: {  	s5 =	sand.u32 $0xFFFFFFFE, s1  }
0xa7: {  	p0 =	sne.s32 s1, s5  }
0xa8: {  	s5 =	sshll.u32 @p0 s5, $0xE  }
0xa9: {  	s5 =	sadd.s32 @p0 $0x11B8D, s5;
	s6 =	sshll.u32 @p0 s4, $0x11  }
0xaa: {  	s5 =	sor.u32 @p0 s6, s5  }
0xab: {  	[sflag:s5] =	ssyncadd.remote.s32 @p0 $0x1;
	_ =	sdelay $0x1  }
0xac: {  	s5 =	simm.s32 @p0 $0x1B8D  }
0xad: {  	_ =	swait.eq @p0 [sflag:s5], $0x1  }
0xae: {  	[sflag:s5] =	ssyncadd.s32 @p0 $0xFFFFFFFF  }
0xaf: {  	s6 =	sshll.u32 @!p0 s1, $0xE  }
0xb0: {  	s6 =	sor.u32 @!p0 $0x4000, s6;
	s5 =	simm.s32 @!p0 $0x1B8D  }
0xb1: {  	s4 =	sshll.u32 @!p0 s4, $0x11;
	s6 =	sadd.s32 @!p0 $0x11B8D, s6;
	_ =	swait.eq @!p0 [sflag:s5], $0x1  }
0xb2: {  	s4 =	sor.u32 @!p0 s4, s6;
	[sflag:s5] =	ssyncadd.s32 @!p0 $0xFFFFFFFF  }
0xb3: {  	s25 =	simm.s32 $0x1B8E;
	s24 =	sld [smem:$0x3FFE];
	[sflag:s4] =	ssyncadd.remote.s32 @!p0 $0x1  }
0xb4: {  	s26 =	simm.s32 $execute0_lowered;
	[smem:$0x3FD2] =	sst s25  }
0xb5: {  	s5 =	sshll.u32 s26, $0x1;
	_ =	strace $0x80000055;
	[dreg:$0x1] =	wrdreg $0xFFFFFFFF  }
0xb6: {  	s28 =	simm.s32 $_size_execute0_lowered;
	s3 =	sadd.s32 s3, s5;
	[dreg:$0x0] =	wrdreg $0x0  }
0xb7: {  	s5 =	sshll.u32 s28, $0x1;
	[dreg:$0x2] =	wrdreg s3  }
0xb8: {  	[dreg:$0x3] =	wrdreg s5  }
0xb9: {  	[dreg:$0x4] =	wrdreg $0xC0  }
0xba: {  	_ =	task [dreg:s22], $0x5FFFF  }
0xbb: {  	[dreg:$0x1] =	wrdreg $0xFFFFFFFF  }
0xbc: {  	[dreg:$0x0] =	wrdreg $0x60  }
0xbd: {  	[dreg:$0x2] =	wrdreg s24  }
0xbe: {  	[dreg:$0x3] =	wrdreg $0xA  }
0xbf: {  	_ =	task.clear_ibuf [dreg:s22], $0x4FFFF;
	_ =	strace $0x90000055  }
0xc0: {  	s29 =	simm.s32 $0xA;
	_ =	strace $0x80000057  }
0xc1: {  	_ =	swait.ge [sflag:s29], $0x1  }
0xc2: {  	[sflag:s29] =	ssyncadd.s32 $0xFFFFFFFF  }
0xc3: {  	_ =	strace $0x90000057  }
0xc4: {  	_ =	sfence  }
0xc5: {  	s30 =	sld [smem:$0x0];
	_ =	sdelay $0x2  }
0xc6: {  	s31 =	sshll.u32 s1, $0xD;
	s1 =	sshrl.u32 s1, $0x2  }
0xc7: {  	s4 =	sand.u32 $0x4000, s31;
	s1 =	sadd.s32 s1, s30  }
0xc8: {  	s0 =	sor.u32 s4, s0;
	s1 =	sshll.u32 s1, $0x11  }
0xc9: {  	s0 =	sor.u32 s1, s0  }
0xca: {  	s0 =	sadd.s32 $0x8F2B, s0  }
0xcb: {  	[sflag:s0] =	ssyncadd.remote.s32 $0x1  }
0xcc: {  	_ =	sfence.sel $0xFFFF  }
0xcd: {  	[dreg:$0x0] =	wrdreg $0xFFFFFFFF;
	(pc) =	sbr.abs _section_cstart, $3  }
0xce: {  	[dreg:$0x1] =	wrdreg $0xFFFFFFFF  }
0xcf: {  	_ =	task.clear_ibuf [dreg:s22], $0x2FFFF;
	_ =	strace $0x9FFFFFFF  }
0xd0: {  	(tm) =	ssettm $0x7FFFFFFF  }
0xd1: {  	_ =	shalt  }
tec
execute0_lowered:
.L_overlay_start_1:
0x0: {  	(tag) =	ssettag $0x1  }
0x1: {  	s7 =	rddreg [dreg:$0x0]  }
0x2: {  	s0 =	rddreg [dreg:$0x1];
	_ =	strace $0x80000056  }
0x3: {  	s1 =	srdreg.scid;
	s4 =	simm.s32 $0x1;
	s9 =	simm.s32 $0x3  }
0x4: {  	s11 =	simm.s32 $0x0;
	p0 =	por $0x0, $0x0;
	s5 =	sshll.u32 s1, $0x4  }
.Ltmp0:
0x5: {  	s1 =	stileid.u32;
	s5 =	sand.u32 $0x10, s5;
	(pc) =	sbr.rel .LBB2_1-.Ltmp0, $4  }
0x6: {  	s2 =	sadd.s32 $0x6EEE00, s7;
	s3 =	sadd.s32 $0x1ECC00, s7;
	s6 =	sor.u32 s1, s5  }
0x7: {  	[sflag:s4] =	ssyncpa.u1 $0x0;
	s5 =	simm.s32 $0x2;
	s6 =	sshll.u32 s6, $0x9  }
0x8: {  	s7 =	sadd.s32 $0x1EDC00, s7;
	[sflag:s5] =	ssyncpa.u1 $0x0;
	s8 =	sadd.s32 $0x200, s6  }
0x9: {  	vm0 =	vmmov $0xff;
	vm1 =	vcmask $0x3F20;
	[sflag:s9] =	ssyncpa.u1 $0x0;
	s10 =	smov.u32 s6;
	s9 =	simm.s32 $0x0  }
.LBB2_7:
0xa: {  	p1 =	slt.u32 s9, $0x2;
	s11 =	sadd.s32 $0x100, s10  }
0xb: {  	s13 =	smov.u32 s6;
	s9 =	sadd.s32 $0x1, s9;
	p2 =	slt.s32 s11, s8  }
0xc: {  	s13 =	smov.u32 @p2 s11;
	p2 =	sne.s32 s9, $0x4  }
.Ltmp1:
0xd: {  	_ = 	snop;
	(pc) =	sbr.rel @!p2 .LBB2_8-.Ltmp1, $4  }
0xe: {  	s12 =	simm.s32 @!p1 $0x3  }
0xf: {  	_ =	swait.ge @!p1 [sflag:s12], $0x8000  }
0x10: {  	p0 =	por !p0, !p0;
	[sflag:s12] =	ssyncset.done @!p1 $0x0  }
0x11: {  	s11 =	smov.u32 s10;
	s10 =	smov.u32 s13;
	[sflag:s12] =	ssyncadd.s32 @!p1 $0xFFFF8000  }
.LBB2_1:
0x12: {  	p1 =	sgt.u32 s9, $0x1  }
0x13: {  	s12 =	sshll.u32 @!p1 s9, $0x8;
	s13 =	sshrl.u32 @!p1 s10, $0x3  }
0x14: {  	s14 =	sand.u32 @!p1 $0x7, s10;
	s12 =	sxor.u32 @!p1 $0x100, s12;
	s13 =	sadd.s32 @!p1 s3, s13  }
0x15: {  	[tilespmem:s12], [sflag:$0x2] =	stream.linear.gather @!p1 [hbm4b:s13+s14], $0x100, $0x38;
	[tilespmem:$0x10200] =	vst v63  }
0x16: {  	p1 =	seq.s32 s9, $0x0  }
0x17: {  	p2 =	seq.s32 @!p1 s9, $0x3  }
0x18: {  	p1 =	por p1, p2  }
.Ltmp2:
0x19: {  	_ = 	snop;
	(pc) =	sbr.rel @p1 .LBB2_7-.Ltmp2, $1  }
0x1a: {  	_ =	sdelay $0x3  }
0x1b: {  	s12 =	simm.s32 $0x1  }
0x1c: {  	_ =	swait.ge [sflag:s5], $0x100;
	s12 =	simm.s32 @!p0 $0x0  }
0x1d: {  	[sflag:s5] =	ssyncset.done $0x0;
	s14 =	sshll.u32 s12, $0x8  }
0x1e: {  	[sflag:s5] =	ssyncadd.s32 $0xFFFFFF00;
	s13 =	sadd.s32 $0x0, s14  }
0x1f: {  	v0 =	vld.msk [tilespmem:s13+$0x0 ss:$0x1], $0xffff;
	_ =	sdelay $0x4  }
0x20: {  	vm2 =	vgt.s32 v0, $0x0  }
0x21: {  	v0 =	vnsel vm2, $0x0, v0  }
0x22: {  	v0 =	vmin.u32 v0, $0x1869F  }
0x23: {  	v0 =	vshll.u32 v0, $0x4;
	_ =	sdelay $0x2  }
0x24: {  	s12 =	sshll.u32 s12, $0xF  }
0x25: {  	s12 =	sor.u32 $0x200, s12  }
0x26: {  	[tilespmem:s12], [sflag:$0x1] =	stream.indirect_vreg.gather [hbm:s2], $0x80, v0, vm0, $0x38;
	[tilespmem:$0x10200] =	vst v63  }
0x27: {  	s15 =	sadd.s32 $0x10, s14;
	s13 =	sadd.s32 $0x400, s12  }
0x28: {  	[tilespmem:s13], [sflag:$0x1] =	stream.indirect_vreg.gather [hbm:s2], $0x80, v0, vm1, $0x38;
	[tilespmem:$0x10200] =	vst v63  }
0x29: {  	s16 =	simm.s32 $0x80;
	v0 =	vld.msk [tilespmem:s15+$0x0 ss:$0x1], $0xffff;
	s15 =	smov.u32 s12  }
.LBB2_3:
0x2a: {  	p1 =	sne.s32 s16, $0x3C0;
	_ =	sdelay $0x4  }
0x2b: {  	vm2 =	vgt.s32 v0, $0x0  }
0x2c: {  	v0 =	vnsel vm2, $0x0, v0  }
0x2d: {  	v0 =	vmin.u32 v0, $0x1869F  }
0x2e: {  	v0 =	vshll.u32 v0, $0x4;
	_ =	sdelay $0x3  }
.Ltmp3:
0x2f: {  	s17 =	sshra.s32 s16, $0x2;
	s15 =	sadd.s32 $0x800, s15;
	(pc) =	sbr.rel @p1 .LBB2_3-.Ltmp3, $4  }
0x30: {  	[tilespmem:s15], [sflag:$0x1] =	stream.indirect_vreg.gather [hbm:s2], $0x80, v0, vm0, $0x38;
	[tilespmem:$0x10200] =	vst v63  }
0x31: {  	s17 =	sadd.s32 s17, s14;
	s18 =	sadd.s32 $0x400, s15  }
0x32: {  	[tilespmem:s18], [sflag:$0x1] =	stream.indirect_vreg.gather [hbm:s2], $0x80, v0, vm1, $0x38;
	[tilespmem:$0x10200] =	vst v63  }
0x33: {  	s16 =	sadd.s32 $0x40, s16;
	v0 =	vld.msk [tilespmem:s17+$0x0 ss:$0x1], $0xffff  }
0x34: {  	_ =	sdelay $0x3  }
0x35: {  	vm2 =	vgt.s32 v0, $0x0  }
0x36: {  	v0 =	vnsel vm2, $0x0, v0  }
0x37: {  	v0 =	vmin.u32 v0, $0x1869F  }
0x38: {  	v0 =	vshll.u32 v0, $0x4;
	_ =	sdelay $0x3  }
0x39: {  	s14 =	sadd.s32 $0x800, s15  }
0x3a: {  	[tilespmem:s14], [sflag:$0x1] =	stream.indirect_vreg.gather [hbm:s2], $0x80, v0, vm0, $0x38;
	[tilespmem:$0x10200] =	vst v63  }
0x3b: {  	s14 =	sadd.s32 $0x400, s14  }
0x3c: {  	[tilespmem:s14], [sflag:$0x1] =	stream.indirect_vreg.gather [hbm:s2], $0x80, v0, vm1, $0x38;
	[tilespmem:$0x10200] =	vst v63  }
0x3d: {  	s11 =	sshll.u32 s11, $0x4;
	_ =	swait.ge [sflag:s4], $0x8000  }
0x3e: {  	s11 =	sadd.s32 s11, s7;
	[sflag:s4] =	ssyncset.done $0x0  }
0x3f: {  	s15 =	sadd.s32 $0x0, s11;
	s14 =	simm.s32 $0x80;
	[sflag:s4] =	ssyncadd.s32 $0xFFFF8000  }
.LBB2_5:
0x40: {  	[hbm:s15] =	stream.linear.scatter [tilespmem:s12], [sflag:$0x3], $0x400, $0x38;
	[tilespmem:$0x10200] =	vst v63  }
0x41: {  	s15 =	smov.u32 s14;
	s12 =	smov.u32 s13;
	p1 =	sne.s32 s14, $0xF80  }
.Ltmp4:
0x42: {  	s14 =	sadd.s32 $0x80, s14;
	(pc) =	sbr.rel @p1 .LBB2_5-.Ltmp4, $2  }
0x43: {  	_ =	sdelay $0x2  }
0x44: {  	s13 =	sadd.s32 $0x400, s13;
	s15 =	sadd.s32 s15, s11  }
.Ltmp5:
0x45: {  	(pc) =	sbr.rel .LBB2_7-.Ltmp5, $2  }
0x46: {  	_ =	sdelay $0x2  }
0x47: {  	[hbm:s15] =	stream.linear.scatter [tilespmem:s12], [sflag:$0x3], $0x400, $0x38;
	[tilespmem:$0x10200] =	vst v63  }
.LBB2_8:
0x48: {  	_ =	sfence.sel $0x180000  }
0x49: {  	s2 =	simm.s32 $0x2;
	[bflag:$0x0] =	sbarrier.arrive $0xFFFF  }
0x4a: {  	s30 =	simm.s32 $0x3;
	[sflag:s2] =	ssyncpa.u1 $0x1  }
0x4b: {  	s31 =	simm.s32 $0x1;
	[sflag:s30] =	ssyncpa.u1 $0x1  }
0x4c: {  	[sflag:s31] =	ssyncpa.u1 $0x1  }
0x4d: {  	p0 =	sne.s32 s1, $0x0;
	_ =	strace $0x90000056  }
0x4e: {  	s0 =	sadd.s32 @!p0 $0x100000, s0;
	[bflag:$0x2] =	sbarrier.arrive $0xFFFF  }
0x4f: {  	[sflag:s0] =	ssyncadd.tile.s32 @!p0 $0x1;
	_ =	shalt  }
.Lfunc_end2:
_tile_overlayer_lowered:
.L_overlay_start_2:
0x50: {  	(tag) =	ssettag $0x2  }
0x51: {  	s0 =	rddreg [dreg:$0x0];
	s2 =	stileid.u32  }
0x52: {  	s1 =	rddreg [dreg:$0x1];
	p0 =	sne.s32 s2, $0x0  }
0x53: {  	s3 =	rddreg [dreg:$0x2];
	[bflag:$0x3] =	sbarrier.arrive $0xFFFF;
	s2 =	simm.s32 @!p0 $0x1C01  }
0x54: {  	[timem:s3], [sflag:s2] =	dma.local @!p0 [hbm:s0], s1  }
0x55: {  	s0 =	simm.s32 @!p0 $0x1  }
0x56: {  	_ =	swait.ge @!p0 [sflag:s0], s1  }
0x57: {  	s1 =	ssub.s32 @!p0 $0x0, s1;
	[sflag:s0] =	ssyncset.done @!p0 $0x0  }
0x58: {  	[sflag:s0] =	ssyncadd.s32 @!p0 s1  }
0x59: {  	[bflag:$0x3] =	sbarrier.arrive $0xFFFF  }
0x5a: {  	_ =	shalt  }

// kernel: gather_offload_async_start.3
scs
__scs_entry_jumppad:
0x0: {  	(pc) =	sbr.rel $0x88, $3  }
0x1: {  	(tag) =	ssettag $0x0;
	lr =	simm.s32 $0x1  }
0x2: {  	[smem:$0x3F94] =	sst lr;
	_ =	strace $0xD0000000  }
0x3: {  	_ = 	snop  }
0x4: {  	_ = 	snop  }
0x5: {  	_ = 	snop  }
0x6: {  	_ = 	snop  }
0x7: {  	_ = 	snop  }
__scs_overlays_trampoline_lowered:
0x8: {  	[smem:$0x3FA3] =	sst s0  }
0x9: {  	[smem:$0x3FA4] =	sst s1  }
0xa: {  	[smem:$0x3FA5] =	sst s2  }
0xb: {  	[smem:$0x3FA6] =	sst s3  }
0xc: {  	[smem:$0x3FA7] =	sst s4  }
0xd: {  	[smem:$0x3FA8] =	sst s5  }
0xe: {  	[smem:$0x3FA9] =	sst s6  }
0xf: {  	[smem:$0x3FAA] =	sst s7  }
0x10: {  	[smem:$0x3FAB] =	sst s8  }
0x11: {  	[smem:$0x3FAC] =	sst s9;
	s0 =	simm.s32 @!p0 $0x0  }
0x12: {  	s1 =	sld [smem:$0x3F92];
	s0 =	simm.s32 @p0 $0x1  }
0x13: {  	[smem:$0x3FAD] =	sst s0;
	s0 =	simm.s32 @!p1 $0x0  }
0x14: {  	s2 =	sld [smem:$0x3F91];
	s0 =	simm.s32 @p1 $0x1  }
0x15: {  	[smem:$0x3FAE] =	sst s0;
	s0 =	simm.s32 @!p2 $0x0  }
0x16: {  	s3 =	sld [smem:$0x3FDB];
	s0 =	simm.s32 @p2 $0x1  }
0x17: {  	s4 =	simm.s32 $0x1BF5;
	[smem:$0x3FB0] =	sst s0  }
0x18: {  	s0 =	sld [smem:$0x3F93];
	_ =	swait.ge [sflag:s4], $0x0  }
0x19: {  	s7 =	sld [smem:$0x3F94]  }
0x1a: {  	s8 =	sadd.s32 $0xFFFFE003, lr  }
0x1b: {  	s9 =	sadd.s32 $0xFFFFFEF7, lr;
	s5 =	simm.s32 $0xFFFFFFFF;
	p2 =	slt.u32 s8, $0xFFFFF086  }
0x1c: {  	p1 =	slt.u32 s9, $0xF7A;
	s5 =	simm.s32 @!p2 $0x0  }
0x1d: {  	s5 =	simm.s32 @p1 $0x1;
	p0 =	seq.s32 s7, s2  }
0x1e: {  	s7 =	smul.u32 @!p0 $0xF7A, s2;
	p2 =	seq.s32 @!p0 s5, $0x0  }
0x1f: {  	s9 =	smul.u32 $0xF7A, s1;
	s8 =	simm.s32 @!p0 $0x1BF5;
	p2 =	por !p2, p0  }
0x20: {  	[sflag:s8] =	ssyncset.s32 @!p0 $0xFFFFF086;
	s6 =	sadd.s32 @!p0 s3, s7;
	s7 =	simm.s32 @!p0 $0x108  }
0x21: {  	s3 =	sadd.s32 s3, s9;
	s6 =	sadd.s32 @!p0 $0x88, s6;
	s7 =	simm.s32 @p2 $0x1082  }
0x22: {  	[simem:s7], [sflag:s8] =	dma.local @!p0 [hbm:s6], $0xF7A  }
0x23: {  	s9 =	sor.u32 $0xD0000000, s2;
	s6 =	simm.s32 $0x108;
	_ =	swait.ge @!p0 [sflag:s8], $0x0  }
0x24: {  	s3 =	sadd.s32 $0x88, s3;
	s6 =	simm.s32 @!p1 $0x1082;
	[sflag:s4] =	ssyncset.s32 $0xFFFFF086  }
0x25: {  	[simem:s6], [sflag:s4] =	dma.local [hbm:s3], $0xF7A  }
0x26: {  	[smem:$0x3F94] =	sst s1;
	(tag) =	ssettag s2;
	_ =	strace s9  }
0x27: {  	s1 =	sld [smem:$0x3FA4]  }
0x28: {  	s2 =	sld [smem:$0x3FA5]  }
0x29: {  	s4 =	sld [smem:$0x3FA7]  }
0x2a: {  	p0 =	seq.s32 s5, $0x0;
	s5 =	sld [smem:$0x3FA8]  }
0x2b: {  	s6 =	sld [smem:$0x3FA9]  }
0x2c: {  	s7 =	sld [smem:$0x3FAA]  }
0x2d: {  	s3 =	simm.s32 $0x108;
	s8 =	sld [smem:$0x3FAB]  }
0x2e: {  	s3 =	simm.s32 @!p0 $0x1082;
	s9 =	sld [smem:$0x3FAC]  }
0x2f: {  	lr =	sadd.s32 s0, s3;
	s0 =	sld [smem:$0x3FA3]  }
0x30: {  	s3 =	sld [smem:$0x3FA6]  }
0x31: {  	[smem:$0x3FAF] =	sst s10  }
0x32: {  	s10 =	sld [smem:$0x3FAD];
	_ =	sdelay $0x3  }
0x33: {  	p0 =	seq.s32 s10, $0x1;
	s10 =	sld [smem:$0x3FAF];
	_ =	sdelay $0x3  }
0x34: {  	[smem:$0x3FAF] =	sst s10  }
0x35: {  	s10 =	sld [smem:$0x3FAE];
	_ =	sdelay $0x3  }
0x36: {  	p1 =	seq.s32 s10, $0x1;
	s10 =	sld [smem:$0x3FAF];
	_ =	sdelay $0x3  }
0x37: {  	[smem:$0x3FAF] =	sst s10  }
0x38: {  	s10 =	sld [smem:$0x3FB0]  }
0x39: {  	_ = 	snop;
	(pc) =	sbr.ind lr, $3  }
0x3a: {  	_ = 	snop  }
0x3b: {  	_ = 	snop  }
0x3c: {  	p2 =	seq.s32 s10, $0x1;
	s10 =	sld [smem:$0x3FAF]  }
0x3d: {  	_ =	shalt  }
0x3e: {  	_ =	shalt  }
0x3f: {  	_ =	shalt  }
0x40: {  	_ =	shalt  }
0x41: {  	_ =	shalt  }
0x42: {  	_ =	shalt  }
0x43: {  	_ =	shalt  }
0x44: {  	_ =	shalt  }
0x45: {  	_ =	shalt  }
0x46: {  	_ =	shalt  }
0x47: {  	_ =	shalt  }
0x48: {  	_ =	shalt  }
0x49: {  	_ =	shalt  }
0x4a: {  	_ =	shalt  }
0x4b: {  	_ =	shalt  }
0x4c: {  	_ =	shalt  }
0x4d: {  	_ =	shalt  }
0x4e: {  	_ =	shalt  }
0x4f: {  	_ =	shalt  }
0x50: {  	_ =	shalt  }
0x51: {  	_ =	shalt  }
0x52: {  	_ =	shalt  }
0x53: {  	_ =	shalt  }
0x54: {  	_ =	shalt  }
0x55: {  	_ =	shalt  }
0x56: {  	_ =	shalt  }
0x57: {  	_ =	shalt  }
0x58: {  	_ =	shalt  }
0x59: {  	_ =	shalt  }
0x5a: {  	_ =	shalt  }
0x5b: {  	_ =	shalt  }
0x5c: {  	_ =	shalt  }
0x5d: {  	_ =	shalt  }
0x5e: {  	_ =	shalt  }
0x5f: {  	_ =	shalt  }
0x60: {  	_ =	shalt  }
0x61: {  	_ =	shalt  }
0x62: {  	_ =	shalt  }
0x63: {  	_ =	shalt  }
0x64: {  	_ =	shalt  }
0x65: {  	_ =	shalt  }
0x66: {  	_ =	shalt  }
0x67: {  	_ =	shalt  }
0x68: {  	_ =	shalt  }
0x69: {  	_ =	shalt  }
0x6a: {  	_ =	shalt  }
0x6b: {  	_ =	shalt  }
0x6c: {  	_ =	shalt  }
0x6d: {  	_ =	shalt  }
0x6e: {  	_ =	shalt  }
0x6f: {  	_ =	shalt  }
0x70: {  	_ =	shalt  }
0x71: {  	_ =	shalt  }
0x72: {  	_ =	shalt  }
0x73: {  	_ =	shalt  }
0x74: {  	_ =	shalt  }
0x75: {  	_ =	shalt  }
0x76: {  	_ =	shalt  }
0x77: {  	_ =	shalt  }
0x78: {  	_ =	shalt  }
0x79: {  	_ =	shalt  }
0x7a: {  	_ =	shalt  }
0x7b: {  	_ =	shalt  }
0x7c: {  	_ =	shalt  }
0x7d: {  	_ =	shalt  }
0x7e: {  	_ =	shalt  }
0x7f: {  	_ =	shalt  }
0x80: {  	_ =	shalt  }
0x81: {  	_ =	shalt  }
0x82: {  	_ =	shalt  }
0x83: {  	_ =	shalt  }
0x84: {  	_ =	shalt  }
0x85: {  	_ =	shalt  }
0x86: {  	_ =	shalt  }
0x87: {  	_ =	shalt  }
.Lfunc_end0:
.L_simem_size_0:
called_computation.3_lowered:
.L_overlay_start_0:
0x88: {  	s2 =	sld [smem:$0x3FD9]  }
0x89: {  	s3 =	sld [smem:$0x3FFE];
	_ =	sdelay $0x1  }
0x8a: {  	s1 =	srdreg.scid  }
0x8b: {  	s0 =	sand.u32 $0x1, s1  }
0x8c: {  	s16 =	sshll.u32 s0, $0xA;
	s2 =	sadd.s32 s3, s2  }
0x8d: {  	s2 =	sadd.s32 s2, s16  }
0x8e: {  	[smem:$0x3FBB] =	sst s2  }
0x8f: {  	_ = 	snop  }
0x90: {  	(tm) =	ssettm $0x1  }
0x91: {  	s17 =	sld [smem:$0x3FFB];
	_ =	sdelay $0x3  }
0x92: {  	_ =	strace s17  }
0x93: {  	s2 =	sld [smem:$0x3FFC];
	_ =	sdelay $0x3  }
0x94: {  	_ =	strace s2  }
0x95: {  	s2 =	sld [smem:$0x3FFD];
	_ =	sdelay $0x3  }
0x96: {  	_ =	strace s2  }
0x97: {  	_ =	strace $0x8FFFFFFF  }
0x98: {  	s18 =	sld [smem:$0x3FDB];
	_ =	sdelay $0x1  }
0x99: {  	s19 =	simm.s32 $_scs_section_size  }
0x9a: {  	s4 =	simm.s32 $_size__tile_overlayer_lowered;
	s5 =	simm.s32 $_tile_overlayer_lowered  }
0x9b: {  	s22 =	simm.s32 $0x1BFF;
	s21 =	sshll.u32 s5, $0x1;
	s2 =	sadd.s32 s19, s18  }
0x9c: {  	s6 =	simm.s32 $0x0;
	s20 =	sshll.u32 s4, $0x1;
	s4 =	sadd.s32 s21, s2  }
0x9d: {  	[timem:s6], [sflag:s22] =	dma.local [hbm:s4], s20  }
0x9e: {  	_ =	swait.ge [sflag:s22], s20  }
0x9f: {  	s3 =	ssub.s32 $0x0, s20;
	[sflag:s22] =	ssyncset.done $0x0  }
0xa0: {  	[sflag:s22] =	ssyncadd.s32 s3;
	_ =	sdelay $0x1  }
0xa1: {  	s23 =	simm.s32 $0x1B8B  }
0xa2: {  	_ =	swait.ge [sflag:s23], $0x1  }
0xa3: {  	[sflag:s23] =	ssyncset.done $0x0  }
0xa4: {  	s25 =	simm.s32 $0x1B8E;
	s24 =	sld [smem:$0x3FFE];
	[sflag:s23] =	ssyncadd.s32 $0xFFFFFFFF  }
0xa5: {  	s26 =	simm.s32 $execute0_lowered;
	[smem:$0x3FD2] =	sst s25  }
0xa6: {  	s4 =	sshll.u32 s26, $0x1;
	_ =	strace $0x80000052;
	[dreg:$0x1] =	wrdreg $0xFFFFFFFF  }
0xa7: {  	s28 =	simm.s32 $_size_execute0_lowered;
	s2 =	sadd.s32 s2, s4;
	[dreg:$0x0] =	wrdreg $0x0  }
0xa8: {  	s4 =	sshll.u32 s28, $0x1;
	[dreg:$0x2] =	wrdreg s2  }
0xa9: {  	[dreg:$0x3] =	wrdreg s4  }
0xaa: {  	[dreg:$0x4] =	wrdreg $0xC0  }
0xab: {  	_ =	task [dreg:s6], $0x5FFFF  }
0xac: {  	[dreg:$0x1] =	wrdreg $0xFFFFFFFF  }
0xad: {  	[dreg:$0x0] =	wrdreg $0x60  }
0xae: {  	[dreg:$0x2] =	wrdreg s24  }
0xaf: {  	[dreg:$0x3] =	wrdreg $0xB  }
0xb0: {  	_ =	task.clear_ibuf [dreg:s6], $0x4FFFF;
	_ =	strace $0x90000052  }
0xb1: {  	s29 =	simm.s32 $0xB;
	_ =	strace $0x80000054  }
0xb2: {  	_ =	swait.ge [sflag:s29], $0x1  }
0xb3: {  	[sflag:s29] =	ssyncadd.s32 $0xFFFFFFFF  }
0xb4: {  	_ =	strace $0x90000054  }
0xb5: {  	_ =	sfence  }
0xb6: {  	s30 =	sld [smem:$0x0];
	_ =	sdelay $0x2  }
0xb7: {  	s31 =	sshll.u32 s1, $0xD;
	s1 =	sshrl.u32 s1, $0x2  }
0xb8: {  	s3 =	sand.u32 $0x4000, s31;
	s1 =	sadd.s32 s1, s30  }
0xb9: {  	s0 =	sor.u32 s3, s0;
	s1 =	sshll.u32 s1, $0x11  }
0xba: {  	s0 =	sor.u32 s1, s0  }
0xbb: {  	s0 =	sadd.s32 $0x8F2B, s0  }
0xbc: {  	[sflag:s0] =	ssyncadd.remote.s32 $0x1  }
0xbd: {  	_ =	sfence.sel $0xFFFF  }
0xbe: {  	[dreg:$0x0] =	wrdreg $0xFFFFFFFF;
	(pc) =	sbr.abs _section_cstart, $3  }
0xbf: {  	[dreg:$0x1] =	wrdreg $0xFFFFFFFF  }
0xc0: {  	_ =	task.clear_ibuf [dreg:s6], $0x2FFFF;
	_ =	strace $0x9FFFFFFF  }
0xc1: {  	(tm) =	ssettm $0x7FFFFFFF  }
tec
execute0_lowered:
.L_overlay_start_1:
0x0: {  	(tag) =	ssettag $0x1  }
0x1: {  	s7 =	rddreg [dreg:$0x0]  }
0x2: {  	s0 =	rddreg [dreg:$0x1];
	_ =	strace $0x80000053  }
0x3: {  	s1 =	srdreg.scid;
	s4 =	simm.s32 $0x1;
	s9 =	simm.s32 $0x3  }
0x4: {  	s11 =	simm.s32 $0x0;
	p0 =	por $0x0, $0x0;
	s5 =	sshll.u32 s1, $0x4  }
.Ltmp0:
0x5: {  	s1 =	stileid.u32;
	s5 =	sand.u32 $0x10, s5;
	(pc) =	sbr.rel .LBB2_1-.Ltmp0, $4  }
0x6: {  	s2 =	sadd.s32 $0x66200, s7;
	s3 =	sadd.s32 $0x1ED400, s7;
	s6 =	sor.u32 s1, s5  }
0x7: {  	[sflag:s4] =	ssyncpa.u1 $0x0;
	s5 =	simm.s32 $0x2;
	s6 =	sshll.u32 s6, $0x9  }
0x8: {  	s7 =	sadd.s32 $0x2000, s7;
	[sflag:s5] =	ssyncpa.u1 $0x0;
	s8 =	sadd.s32 $0x200, s6  }
0x9: {  	vm0 =	vmmov $0xff;
	vm1 =	vcmask $0x3F20;
	[sflag:s9] =	ssyncpa.u1 $0x0;
	s10 =	smov.u32 s6;
	s9 =	simm.s32 $0x0  }
.LBB2_7:
0xa: {  	p1 =	slt.u32 s9, $0x2;
	s11 =	sadd.s32 $0x100, s10  }
0xb: {  	s13 =	smov.u32 s6;
	s9 =	sadd.s32 $0x1, s9;
	p2 =	slt.s32 s11, s8  }
0xc: {  	s13 =	smov.u32 @p2 s11;
	p2 =	sne.s32 s9, $0x4  }
.Ltmp1:
0xd: {  	_ = 	snop;
	(pc) =	sbr.rel @!p2 .LBB2_8-.Ltmp1, $4  }
0xe: {  	s12 =	simm.s32 @!p1 $0x3  }
0xf: {  	_ =	swait.ge @!p1 [sflag:s12], $0x8000  }
0x10: {  	p0 =	por !p0, !p0;
	[sflag:s12] =	ssyncset.done @!p1 $0x0  }
0x11: {  	s11 =	smov.u32 s10;
	s10 =	smov.u32 s13;
	[sflag:s12] =	ssyncadd.s32 @!p1 $0xFFFF8000  }
.LBB2_1:
0x12: {  	p1 =	sgt.u32 s9, $0x1  }
0x13: {  	s12 =	sshll.u32 @!p1 s9, $0x8;
	s13 =	sshrl.u32 @!p1 s10, $0x3  }
0x14: {  	s14 =	sand.u32 @!p1 $0x7, s10;
	s12 =	sxor.u32 @!p1 $0x100, s12;
	s13 =	sadd.s32 @!p1 s3, s13  }
0x15: {  	[tilespmem:s12], [sflag:$0x2] =	stream.linear.gather @!p1 [hbm4b:s13+s14], $0x100, $0x38;
	[tilespmem:$0x10200] =	vst v63  }
0x16: {  	p1 =	seq.s32 s9, $0x0  }
0x17: {  	p2 =	seq.s32 @!p1 s9, $0x3  }
0x18: {  	p1 =	por p1, p2  }
.Ltmp2:
0x19: {  	_ = 	snop;
	(pc) =	sbr.rel @p1 .LBB2_7-.Ltmp2, $1  }
0x1a: {  	_ =	sdelay $0x3  }
0x1b: {  	s12 =	simm.s32 $0x1  }
0x1c: {  	_ =	swait.ge [sflag:s5], $0x100;
	s12 =	simm.s32 @!p0 $0x0  }
0x1d: {  	[sflag:s5] =	ssyncset.done $0x0;
	s14 =	sshll.u32 s12, $0x8  }
0x1e: {  	[sflag:s5] =	ssyncadd.s32 $0xFFFFFF00;
	s13 =	sadd.s32 $0x0, s14  }
0x1f: {  	v0 =	vld.msk [tilespmem:s13+$0x0 ss:$0x1], $0xffff;
	_ =	sdelay $0x4  }
0x20: {  	vm2 =	vgt.s32 v0, $0x0  }
0x21: {  	v0 =	vnsel vm2, $0x0, v0  }
0x22: {  	v0 =	vmin.u32 v0, $0x1869F  }
0x23: {  	v0 =	vshll.u32 v0, $0x4;
	_ =	sdelay $0x2  }
0x24: {  	s12 =	sshll.u32 s12, $0xF  }
0x25: {  	s12 =	sor.u32 $0x200, s12  }
0x26: {  	[tilespmem:s12], [sflag:$0x1] =	stream.indirect_vreg.gather [hbm:s2], $0x80, v0, vm0, $0x38;
	[tilespmem:$0x10200] =	vst v63  }
0x27: {  	s15 =	sadd.s32 $0x10, s14;
	s13 =	sadd.s32 $0x400, s12  }
0x28: {  	[tilespmem:s13], [sflag:$0x1] =	stream.indirect_vreg.gather [hbm:s2], $0x80, v0, vm1, $0x38;
	[tilespmem:$0x10200] =	vst v63  }
0x29: {  	s16 =	simm.s32 $0x80;
	v0 =	vld.msk [tilespmem:s15+$0x0 ss:$0x1], $0xffff;
	s15 =	smov.u32 s12  }
.LBB2_3:
0x2a: {  	p1 =	sne.s32 s16, $0x3C0;
	_ =	sdelay $0x4  }
0x2b: {  	vm2 =	vgt.s32 v0, $0x0  }
0x2c: {  	v0 =	vnsel vm2, $0x0, v0  }
0x2d: {  	v0 =	vmin.u32 v0, $0x1869F  }
0x2e: {  	v0 =	vshll.u32 v0, $0x4;
	_ =	sdelay $0x3  }
.Ltmp3:
0x2f: {  	s17 =	sshra.s32 s16, $0x2;
	s15 =	sadd.s32 $0x800, s15;
	(pc) =	sbr.rel @p1 .LBB2_3-.Ltmp3, $4  }
0x30: {  	[tilespmem:s15], [sflag:$0x1] =	stream.indirect_vreg.gather [hbm:s2], $0x80, v0, vm0, $0x38;
	[tilespmem:$0x10200] =	vst v63  }
0x31: {  	s17 =	sadd.s32 s17, s14;
	s18 =	sadd.s32 $0x400, s15  }
0x32: {  	[tilespmem:s18], [sflag:$0x1] =	stream.indirect_vreg.gather [hbm:s2], $0x80, v0, vm1, $0x38;
	[tilespmem:$0x10200] =	vst v63  }
0x33: {  	s16 =	sadd.s32 $0x40, s16;
	v0 =	vld.msk [tilespmem:s17+$0x0 ss:$0x1], $0xffff  }
0x34: {  	_ =	sdelay $0x3  }
0x35: {  	vm2 =	vgt.s32 v0, $0x0  }
0x36: {  	v0 =	vnsel vm2, $0x0, v0  }
0x37: {  	v0 =	vmin.u32 v0, $0x1869F  }
0x38: {  	v0 =	vshll.u32 v0, $0x4;
	_ =	sdelay $0x3  }
0x39: {  	s14 =	sadd.s32 $0x800, s15  }
0x3a: {  	[tilespmem:s14], [sflag:$0x1] =	stream.indirect_vreg.gather [hbm:s2], $0x80, v0, vm0, $0x38;
	[tilespmem:$0x10200] =	vst v63  }
0x3b: {  	s14 =	sadd.s32 $0x400, s14  }
0x3c: {  	[tilespmem:s14], [sflag:$0x1] =	stream.indirect_vreg.gather [hbm:s2], $0x80, v0, vm1, $0x38;
	[tilespmem:$0x10200] =	vst v63  }
0x3d: {  	s11 =	sshll.u32 s11, $0x4;
	_ =	swait.ge [sflag:s4], $0x8000  }
0x3e: {  	s11 =	sadd.s32 s11, s7;
	[sflag:s4] =	ssyncset.done $0x0  }
0x3f: {  	s15 =	sadd.s32 $0x0, s11;
	s14 =	simm.s32 $0x80;
	[sflag:s4] =	ssyncadd.s32 $0xFFFF8000  }
.LBB2_5:
0x40: {  	[hbm:s15] =	stream.linear.scatter [tilespmem:s12], [sflag:$0x3], $0x400, $0x38;
	[tilespmem:$0x10200] =	vst v63  }
0x41: {  	s15 =	smov.u32 s14;
	s12 =	smov.u32 s13;
	p1 =	sne.s32 s14, $0xF80  }
.Ltmp4:
0x42: {  	s14 =	sadd.s32 $0x80, s14;
	(pc) =	sbr.rel @p1 .LBB2_5-.Ltmp4, $2  }
0x43: {  	_ =	sdelay $0x2  }
0x44: {  	s13 =	sadd.s32 $0x400, s13;
	s15 =	sadd.s32 s15, s11  }
.Ltmp5:
0x45: {  	(pc) =	sbr.rel .LBB2_7-.Ltmp5, $2  }
0x46: {  	_ =	sdelay $0x2  }
0x47: {  	[hbm:s15] =	stream.linear.scatter [tilespmem:s12], [sflag:$0x3], $0x400, $0x38;
	[tilespmem:$0x10200] =	vst v63  }
.LBB2_8:
0x48: {  	_ =	sfence.sel $0x180000  }
0x49: {  	s2 =	simm.s32 $0x2;
	[bflag:$0x0] =	sbarrier.arrive $0xFFFF  }
0x4a: {  	s30 =	simm.s32 $0x3;
	[sflag:s2] =	ssyncpa.u1 $0x1  }
0x4b: {  	s31 =	simm.s32 $0x1;
	[sflag:s30] =	ssyncpa.u1 $0x1  }
0x4c: {  	[sflag:s31] =	ssyncpa.u1 $0x1  }
0x4d: {  	p0 =	sne.s32 s1, $0x0;
	_ =	strace $0x90000053  }
0x4e: {  	s0 =	sadd.s32 @!p0 $0x100000, s0;
	[bflag:$0x2] =	sbarrier.arrive $0xFFFF  }
0x4f: {  	[sflag:s0] =	ssyncadd.tile.s32 @!p0 $0x1;
	_ =	shalt  }
.Lfunc_end2:
_tile_overlayer_lowered:
.L_overlay_start_2:
0x50: {  	(tag) =	ssettag $0x2  }
0x51: {  	s0 =	rddreg [dreg:$0x0];
	s2 =	stileid.u32  }
0x52: {  	s1 =	rddreg [dreg:$0x1];
	p0 =	sne.s32 s2, $0x0  }
0x53: {  	s3 =	rddreg [dreg:$0x2];
	[bflag:$0x3] =	sbarrier.arrive $0xFFFF;
	s2 =	simm.s32 @!p0 $0x1C01  }
0x54: {  	[timem:s3], [sflag:s2] =	dma.local @!p0 [hbm:s0], s1  }
0x55: {  	s0 =	simm.s32 @!p0 $0x1  }
0x56: {  	_ =	swait.ge @!p0 [sflag:s0], s1  }
0x57: {  	s1 =	ssub.s32 @!p0 $0x0, s1;
	[sflag:s0] =	ssyncset.done @!p0 $0x0  }
0x58: {  	[sflag:s0] =	ssyncadd.s32 @!p0 s1  }
0x59: {  	[bflag:$0x3] =	sbarrier.arrive $0xFFFF  }
0x5a: {  	_ =	shalt  }

// kernel: gather_offload_async_start
scs
__scs_entry_jumppad:
0x0: {  	(pc) =	sbr.rel $0x88, $3  }
0x1: {  	(tag) =	ssettag $0x0;
	lr =	simm.s32 $0x1  }
0x2: {  	[smem:$0x3F94] =	sst lr;
	_ =	strace $0xD0000000  }
0x3: {  	_ = 	snop  }
0x4: {  	_ = 	snop  }
0x5: {  	_ = 	snop  }
0x6: {  	_ = 	snop  }
0x7: {  	_ = 	snop  }
__scs_overlays_trampoline_lowered:
0x8: {  	[smem:$0x3FA3] =	sst s0  }
0x9: {  	[smem:$0x3FA4] =	sst s1  }
0xa: {  	[smem:$0x3FA5] =	sst s2  }
0xb: {  	[smem:$0x3FA6] =	sst s3  }
0xc: {  	[smem:$0x3FA7] =	sst s4  }
0xd: {  	[smem:$0x3FA8] =	sst s5  }
0xe: {  	[smem:$0x3FA9] =	sst s6  }
0xf: {  	[smem:$0x3FAA] =	sst s7  }
0x10: {  	[smem:$0x3FAB] =	sst s8  }
0x11: {  	[smem:$0x3FAC] =	sst s9;
	s0 =	simm.s32 @!p0 $0x0  }
0x12: {  	s1 =	sld [smem:$0x3F92];
	s0 =	simm.s32 @p0 $0x1  }
0x13: {  	[smem:$0x3FAD] =	sst s0;
	s0 =	simm.s32 @!p1 $0x0  }
0x14: {  	s2 =	sld [smem:$0x3F91];
	s0 =	simm.s32 @p1 $0x1  }
0x15: {  	[smem:$0x3FAE] =	sst s0;
	s0 =	simm.s32 @!p2 $0x0  }
0x16: {  	s3 =	sld [smem:$0x3FDB];
	s0 =	simm.s32 @p2 $0x1  }
0x17: {  	s4 =	simm.s32 $0x1BF5;
	[smem:$0x3FB0] =	sst s0  }
0x18: {  	s0 =	sld [smem:$0x3F93];
	_ =	swait.ge [sflag:s4], $0x0  }
0x19: {  	s7 =	sld [smem:$0x3F94]  }
0x1a: {  	s8 =	sadd.s32 $0xFFFFE003, lr  }
0x1b: {  	s9 =	sadd.s32 $0xFFFFFEF7, lr;
	s5 =	simm.s32 $0xFFFFFFFF;
	p2 =	slt.u32 s8, $0xFFFFF086  }
0x1c: {  	p1 =	slt.u32 s9, $0xF7A;
	s5 =	simm.s32 @!p2 $0x0  }
0x1d: {  	s5 =	simm.s32 @p1 $0x1;
	p0 =	seq.s32 s7, s2  }
0x1e: {  	s7 =	smul.u32 @!p0 $0xF7A, s2;
	p2 =	seq.s32 @!p0 s5, $0x0  }
0x1f: {  	s9 =	smul.u32 $0xF7A, s1;
	s8 =	simm.s32 @!p0 $0x1BF5;
	p2 =	por !p2, p0  }
0x20: {  	[sflag:s8] =	ssyncset.s32 @!p0 $0xFFFFF086;
	s6 =	sadd.s32 @!p0 s3, s7;
	s7 =	simm.s32 @!p0 $0x108  }
0x21: {  	s3 =	sadd.s32 s3, s9;
	s6 =	sadd.s32 @!p0 $0x88, s6;
	s7 =	simm.s32 @p2 $0x1082  }
0x22: {  	[simem:s7], [sflag:s8] =	dma.local @!p0 [hbm:s6], $0xF7A  }
0x23: {  	s9 =	sor.u32 $0xD0000000, s2;
	s6 =	simm.s32 $0x108;
	_ =	swait.ge @!p0 [sflag:s8], $0x0  }
0x24: {  	s3 =	sadd.s32 $0x88, s3;
	s6 =	simm.s32 @!p1 $0x1082;
	[sflag:s4] =	ssyncset.s32 $0xFFFFF086  }
0x25: {  	[simem:s6], [sflag:s4] =	dma.local [hbm:s3], $0xF7A  }
0x26: {  	[smem:$0x3F94] =	sst s1;
	(tag) =	ssettag s2;
	_ =	strace s9  }
0x27: {  	s1 =	sld [smem:$0x3FA4]  }
0x28: {  	s2 =	sld [smem:$0x3FA5]  }
0x29: {  	s4 =	sld [smem:$0x3FA7]  }
0x2a: {  	p0 =	seq.s32 s5, $0x0;
	s5 =	sld [smem:$0x3FA8]  }
0x2b: {  	s6 =	sld [smem:$0x3FA9]  }
0x2c: {  	s7 =	sld [smem:$0x3FAA]  }
0x2d: {  	s3 =	simm.s32 $0x108;
	s8 =	sld [smem:$0x3FAB]  }
0x2e: {  	s3 =	simm.s32 @!p0 $0x1082;
	s9 =	sld [smem:$0x3FAC]  }
0x2f: {  	lr =	sadd.s32 s0, s3;
	s0 =	sld [smem:$0x3FA3]  }
0x30: {  	s3 =	sld [smem:$0x3FA6]  }
0x31: {  	[smem:$0x3FAF] =	sst s10  }
0x32: {  	s10 =	sld [smem:$0x3FAD];
	_ =	sdelay $0x3  }
0x33: {  	p0 =	seq.s32 s10, $0x1;
	s10 =	sld [smem:$0x3FAF];
	_ =	sdelay $0x3  }
0x34: {  	[smem:$0x3FAF] =	sst s10  }
0x35: {  	s10 =	sld [smem:$0x3FAE];
	_ =	sdelay $0x3  }
0x36: {  	p1 =	seq.s32 s10, $0x1;
	s10 =	sld [smem:$0x3FAF];
	_ =	sdelay $0x3  }
0x37: {  	[smem:$0x3FAF] =	sst s10  }
0x38: {  	s10 =	sld [smem:$0x3FB0]  }
0x39: {  	_ = 	snop;
	(pc) =	sbr.ind lr, $3  }
0x3a: {  	_ = 	snop  }
0x3b: {  	_ = 	snop  }
0x3c: {  	p2 =	seq.s32 s10, $0x1;
	s10 =	sld [smem:$0x3FAF]  }
0x3d: {  	_ =	shalt  }
0x3e: {  	_ =	shalt  }
0x3f: {  	_ =	shalt  }
0x40: {  	_ =	shalt  }
0x41: {  	_ =	shalt  }
0x42: {  	_ =	shalt  }
0x43: {  	_ =	shalt  }
0x44: {  	_ =	shalt  }
0x45: {  	_ =	shalt  }
0x46: {  	_ =	shalt  }
0x47: {  	_ =	shalt  }
0x48: {  	_ =	shalt  }
0x49: {  	_ =	shalt  }
0x4a: {  	_ =	shalt  }
0x4b: {  	_ =	shalt  }
0x4c: {  	_ =	shalt  }
0x4d: {  	_ =	shalt  }
0x4e: {  	_ =	shalt  }
0x4f: {  	_ =	shalt  }
0x50: {  	_ =	shalt  }
0x51: {  	_ =	shalt  }
0x52: {  	_ =	shalt  }
0x53: {  	_ =	shalt  }
0x54: {  	_ =	shalt  }
0x55: {  	_ =	shalt  }
0x56: {  	_ =	shalt  }
0x57: {  	_ =	shalt  }
0x58: {  	_ =	shalt  }
0x59: {  	_ =	shalt  }
0x5a: {  	_ =	shalt  }
0x5b: {  	_ =	shalt  }
0x5c: {  	_ =	shalt  }
0x5d: {  	_ =	shalt  }
0x5e: {  	_ =	shalt  }
0x5f: {  	_ =	shalt  }
0x60: {  	_ =	shalt  }
0x61: {  	_ =	shalt  }
0x62: {  	_ =	shalt  }
0x63: {  	_ =	shalt  }
0x64: {  	_ =	shalt  }
0x65: {  	_ =	shalt  }
0x66: {  	_ =	shalt  }
0x67: {  	_ =	shalt  }
0x68: {  	_ =	shalt  }
0x69: {  	_ =	shalt  }
0x6a: {  	_ =	shalt  }
0x6b: {  	_ =	shalt  }
0x6c: {  	_ =	shalt  }
0x6d: {  	_ =	shalt  }
0x6e: {  	_ =	shalt  }
0x6f: {  	_ =	shalt  }
0x70: {  	_ =	shalt  }
0x71: {  	_ =	shalt  }
0x72: {  	_ =	shalt  }
0x73: {  	_ =	shalt  }
0x74: {  	_ =	shalt  }
0x75: {  	_ =	shalt  }
0x76: {  	_ =	shalt  }
0x77: {  	_ =	shalt  }
0x78: {  	_ =	shalt  }
0x79: {  	_ =	shalt  }
0x7a: {  	_ =	shalt  }
0x7b: {  	_ =	shalt  }
0x7c: {  	_ =	shalt  }
0x7d: {  	_ =	shalt  }
0x7e: {  	_ =	shalt  }
0x7f: {  	_ =	shalt  }
0x80: {  	_ =	shalt  }
0x81: {  	_ =	shalt  }
0x82: {  	_ =	shalt  }
0x83: {  	_ =	shalt  }
0x84: {  	_ =	shalt  }
0x85: {  	_ =	shalt  }
0x86: {  	_ =	shalt  }
0x87: {  	_ =	shalt  }
.Lfunc_end0:
.L_simem_size_0:
called_computation_lowered:
.L_overlay_start_0:
0x88: {  	s2 =	sld [smem:$0x3FD9]  }
0x89: {  	s3 =	sld [smem:$0x3FFE];
	_ =	sdelay $0x1  }
0x8a: {  	s1 =	srdreg.scid  }
0x8b: {  	s0 =	sand.u32 $0x1, s1  }
0x8c: {  	s17 =	sshll.u32 s0, $0xA;
	s2 =	sadd.s32 s3, s2  }
0x8d: {  	s2 =	sadd.s32 s2, s17  }
0x8e: {  	[smem:$0x3FBB] =	sst s2  }
0x8f: {  	_ = 	snop  }
0x90: {  	(tm) =	ssettm $0x1  }
0x91: {  	s18 =	sld [smem:$0x3FFB];
	_ =	sdelay $0x3  }
0x92: {  	_ =	strace s18  }
0x93: {  	s2 =	sld [smem:$0x3FFC];
	_ =	sdelay $0x3  }
0x94: {  	_ =	strace s2  }
0x95: {  	s2 =	sld [smem:$0x3FFD];
	_ =	sdelay $0x3  }
0x96: {  	_ =	strace s2  }
0x97: {  	_ =	strace $0x8FFFFFFF  }
0x98: {  	s19 =	sld [smem:$0x3FDB];
	_ =	sdelay $0x1  }
0x99: {  	s20 =	simm.s32 $_scs_section_size  }
0x9a: {  	s4 =	simm.s32 $_size__tile_overlayer_lowered;
	s5 =	simm.s32 $_tile_overlayer_lowered  }
0x9b: {  	s6 =	simm.s32 $0x1BFF;
	s21 =	sshll.u32 s5, $0x1;
	s3 =	sadd.s32 s20, s19  }
0x9c: {  	s22 =	simm.s32 $0x0;
	s4 =	sshll.u32 s4, $0x1;
	s5 =	sadd.s32 s21, s3  }
0x9d: {  	[timem:s22], [sflag:s6] =	dma.local [hbm:s5], s4  }
0x9e: {  	_ =	swait.ge [sflag:s6], s4  }
0x9f: {  	s4 =	ssub.s32 $0x0, s4;
	[sflag:s6] =	ssyncset.done $0x0  }
0xa0: {  	[sflag:s6] =	ssyncadd.s32 s4;
	_ =	sdelay $0x1  }
0xa1: {  	s23 =	simm.s32 $0x1B8B  }
0xa2: {  	_ =	swait.ge [sflag:s23], $0x1  }
0xa3: {  	[sflag:s23] =	ssyncset.done $0x0  }
0xa4: {  	[sflag:s23] =	ssyncadd.s32 $0xFFFFFFFF  }
0xa5: {  	s4 =	sld [smem:$0x0]  }
0xa6: {  	s5 =	sand.u32 $0xFFFFFFFE, s1  }
0xa7: {  	p0 =	sne.s32 s1, s5  }
0xa8: {  	s5 =	sshll.u32 @p0 s5, $0xE  }
0xa9: {  	s5 =	sadd.s32 @p0 $0x11B8D, s5;
	s6 =	sshll.u32 @p0 s4, $0x11  }
0xaa: {  	s5 =	sor.u32 @p0 s6, s5  }
0xab: {  	[sflag:s5] =	ssyncadd.remote.s32 @p0 $0x1;
	_ =	sdelay $0x1  }
0xac: {  	s5 =	simm.s32 @p0 $0x1B8D  }
0xad: {  	_ =	swait.eq @p0 [sflag:s5], $0x1  }
0xae: {  	[sflag:s5] =	ssyncadd.s32 @p0 $0xFFFFFFFF  }
0xaf: {  	s6 =	sshll.u32 @!p0 s1, $0xE  }
0xb0: {  	s6 =	sor.u32 @!p0 $0x4000, s6;
	s5 =	simm.s32 @!p0 $0x1B8D  }
0xb1: {  	s4 =	sshll.u32 @!p0 s4, $0x11;
	s6 =	sadd.s32 @!p0 $0x11B8D, s6;
	_ =	swait.eq @!p0 [sflag:s5], $0x1  }
0xb2: {  	s4 =	sor.u32 @!p0 s4, s6;
	[sflag:s5] =	ssyncadd.s32 @!p0 $0xFFFFFFFF  }
0xb3: {  	s25 =	simm.s32 $0x1B8E;
	s24 =	sld [smem:$0x3FFE];
	[sflag:s4] =	ssyncadd.remote.s32 @!p0 $0x1  }
0xb4: {  	s26 =	simm.s32 $execute0_lowered;
	[smem:$0x3FD2] =	sst s25  }
0xb5: {  	s5 =	sshll.u32 s26, $0x1;
	_ =	strace $0x80000058;
	[dreg:$0x1] =	wrdreg $0xFFFFFFFF  }
0xb6: {  	s28 =	simm.s32 $_size_execute0_lowered;
	s3 =	sadd.s32 s3, s5;
	[dreg:$0x0] =	wrdreg $0x0  }
0xb7: {  	s5 =	sshll.u32 s28, $0x1;
	[dreg:$0x2] =	wrdreg s3  }
0xb8: {  	[dreg:$0x3] =	wrdreg s5  }
0xb9: {  	[dreg:$0x4] =	wrdreg $0xC0  }
0xba: {  	_ =	task [dreg:s22], $0x5FFFF  }
0xbb: {  	[dreg:$0x1] =	wrdreg $0xFFFFFFFF  }
0xbc: {  	[dreg:$0x0] =	wrdreg $0x60  }
0xbd: {  	[dreg:$0x2] =	wrdreg s24  }
0xbe: {  	[dreg:$0x3] =	wrdreg $0x9  }
0xbf: {  	_ =	task.clear_ibuf [dreg:s22], $0x4FFFF;
	_ =	strace $0x90000058  }
0xc0: {  	s29 =	simm.s32 $0x9;
	_ =	strace $0x8000005A  }
0xc1: {  	_ =	swait.ge [sflag:s29], $0x1  }
0xc2: {  	[sflag:s29] =	ssyncadd.s32 $0xFFFFFFFF  }
0xc3: {  	_ =	strace $0x9000005A  }
0xc4: {  	_ =	sfence  }
0xc5: {  	s30 =	sld [smem:$0x0];
	_ =	sdelay $0x2  }
0xc6: {  	s31 =	sshll.u32 s1, $0xD;
	s1 =	sshrl.u32 s1, $0x2  }
0xc7: {  	s4 =	sand.u32 $0x4000, s31;
	s1 =	sadd.s32 s1, s30  }
0xc8: {  	s0 =	sor.u32 s4, s0;
	s1 =	sshll.u32 s1, $0x11  }
0xc9: {  	s0 =	sor.u32 s1, s0  }
0xca: {  	s0 =	sadd.s32 $0x8F2B, s0  }
0xcb: {  	[sflag:s0] =	ssyncadd.remote.s32 $0x1  }
0xcc: {  	_ =	sfence.sel $0xFFFF  }
0xcd: {  	[dreg:$0x0] =	wrdreg $0xFFFFFFFF;
	(pc) =	sbr.abs _section_cstart, $3  }
0xce: {  	[dreg:$0x1] =	wrdreg $0xFFFFFFFF  }
0xcf: {  	_ =	task.clear_ibuf [dreg:s22], $0x2FFFF;
	_ =	strace $0x9FFFFFFF  }
0xd0: {  	(tm) =	ssettm $0x7FFFFFFF  }
0xd1: {  	_ =	shalt  }
tec
execute0_lowered:
.L_overlay_start_1:
0x0: {  	(tag) =	ssettag $0x1  }
0x1: {  	s0 =	srdreg.scid;
	s5 =	rddreg [dreg:$0x0]  }
0x2: {  	s1 =	stileid.u32;
	s6 =	simm.s32 $0x1;
	s9 =	simm.s32 $0x1  }
0x3: {  	s10 =	simm.s32 $0x3;
	s13 =	simm.s32 $0x0;
	s2 =	sshll.u32 s0, $0x8  }
0x4: {  	s12 =	simm.s32 $0x0;
	s3 =	sshll.u32 s1, $0x9;
	s2 =	sand.u32 $0x100, s2  }
0x5: {  	s0 =	rddreg [dreg:$0x1];
	_ =	strace $0x80000059;
	s2 =	sor.u32 s3, s2  }
0x6: {  	s4 =	sadd.s32 $0x1ECC00, s5;
	[sflag:s6] =	ssyncpa.u1 $0x0;
	s8 =	ssub.s32 $0x4000, s2  }
.Ltmp0:
0x7: {  	s3 =	sadd.s32 $0x42200, s5;
	s7 =	sand.u32 $0x1F00, s8;
	(pc) =	sbr.rel .LBB2_1-.Ltmp0, $4  }
0x8: {  	s5 =	sadd.s32 $0x48600, s5;
	s11 =	smov.u32 s2;
	p0 =	sne.s32 s7, $0x0  }
0x9: {  	s8 =	sshrl.u32 s8, $0xD;
	s7 =	simm.s32 $0x2;
	s9 =	simm.s32 @!p0 $0x0  }
0xa: {  	[sflag:s7] =	ssyncpa.u1 $0x0;
	p0 =	por $0x0, $0x0;
	s8 =	sadd.s32 s9, s8  }
0xb: {  	vm0 =	vmmov $0xffff;
	[sflag:s10] =	ssyncpa.u1 $0x0;
	s10 =	simm.s32 $0x0;
	s9 =	sadd.s32 $0x1, s8  }
.LBB2_4:
0xc: {  	v2 =	vnsel vm1, $0x0, v2  }
0xd: {  	vm1 =	vgt.s32 v0, $0x0;
	v2 =	vmin.u32 v2, $0x1869F  }
0xe: {  	v0 =	vnsel vm1, $0x0, v0  }
0xf: {  	v0 =	vmin.u32 v0, $0x1869F  }
0x10: {  	[tilespmem:s15], [sflag:$0x1] =	stream.indirect_vreg.gather [hbm4b:s3+s10], $0x1, v1, vm0, $0x4038;
	[tilespmem:$0x400] =	vst v63  }
0x11: {  	(ifvalue) =	ssetifvalue $0x7FFFFFFF  }
0x12: {  	[tilespmem:s16], [sflag:$0x1] =	stream.indirect_vreg.gather [hbm4b:s3+s10], $0x1, v2, vm0, $0x4038;
	[tilespmem:$0x400] =	vst v63  }
0x13: {  	s29 =	sadd.s32 $0x10, s16;
	(ifvalue) =	ssetifvalue $0x7FFFFFFF  }
0x14: {  	[tilespmem:s29], [sflag:$0x1] =	stream.indirect_vreg.gather [hbm4b:s3+s10], $0x1, v0, vm0, $0x4038;
	[tilespmem:$0x400] =	vst v63  }
0x15: {  	_ =	swait.ge [sflag:s6], $0x100  }
0x16: {  	s30 =	sshrl.u32 s13, $0x3;
	[sflag:s6] =	ssyncset.done $0x0  }
0x17: {  	s31 =	sand.u32 $0x7, s13;
	s15 =	sadd.s32 s5, s30;
	[sflag:s6] =	ssyncadd.s32 $0xFFFFFF00  }
0x18: {  	[hbm4b:s15+s31] =	stream.linear.scatter [tilespmem:s14], [sflag:$0x3], $0x100, $0x38;
	[tilespmem:$0x400] =	vst v63  }
.LBB2_5:
0x19: {  	s15 =	sadd.s32 $0x2000, s11  }
0x1a: {  	p2 =	sgt.s32 s15, $0x3FFF  }
0x1b: {  	s15 =	smov.u32 @p2 s2;
	p2 =	sne.s32 s12, s9  }
.Ltmp1:
0x1c: {  	p1 =	slt.u32 s12, $0x2;
	(pc) =	sbr.rel @!p2 .LBB2_6-.Ltmp1, $4  }
0x1d: {  	s14 =	simm.s32 @!p1 $0x3  }
0x1e: {  	s16 =	sadd.s32 $0x1, s12;
	_ =	swait.ge @!p1 [sflag:s14], $0x100  }
0x1f: {  	s13 =	smov.u32 s11;
	p0 =	por !p0, !p0;
	[sflag:s14] =	ssyncset.done @!p1 $0x0  }
0x20: {  	s12 =	smov.u32 s16;
	s11 =	smov.u32 s15;
	[sflag:s14] =	ssyncadd.s32 @!p1 $0xFFFFFF00  }
.LBB2_1:
0x21: {  	p1 =	sge.u32 s12, s8  }
0x22: {  	s14 =	sxor.u32 @!p1 $0xFFFFFFFF, s12  }
0x23: {  	s31 =	sadd.s32 $0xFFFFFFFF, s12;
	s15 =	sshrl.u32 @!p1 s11, $0x3;
	s14 =	sshll.u32 @!p1 s14, $0x8  }
0x24: {  	s16 =	sand.u32 @!p1 $0x7, s11;
	s15 =	sadd.s32 @!p1 s4, s15;
	s14 =	sand.u32 @!p1 $0x100, s14  }
0x25: {  	[tilespmem:s14], [sflag:$0x2] =	stream.linear.gather @!p1 [hbm4b:s15+s16], $0x100, $0x38;
	[tilespmem:$0x400] =	vst v63  }
0x26: {  	p1 =	sge.u32 s31, s8  }
.Ltmp2:
0x27: {  	_ = 	snop;
	(pc) =	sbr.rel @p1 .LBB2_5-.Ltmp2, $1  }
0x28: {  	_ =	sdelay $0x3  }
0x29: {  	s14 =	simm.s32 $0x1  }
0x2a: {  	_ =	swait.ge [sflag:s7], $0x100;
	s14 =	simm.s32 @!p0 $0x0  }
0x2b: {  	[sflag:s7] =	ssyncset.done $0x0;
	s14 =	sshll.u32 s14, $0x8  }
0x2c: {  	[sflag:s7] =	ssyncadd.s32 $0xFFFFFF00;
	(ifvalue) =	ssetifvalue $0x7FFFFFFF;
	v0 =	vld.msk [tilespmem:s14+$0x0 ss:$0x1], $0xffff;
	_ =	sdelay $0x4  }
0x2d: {  	s15 =	sadd.s32 $0x10, s14;
	vm1 =	vgt.s32 v0, $0x0  }
0x2e: {  	v2 =	vld.msk [tilespmem:s15+$0x0 ss:$0x1], $0xffff;
	v1 =	vnsel vm1, $0x0, v0  }
0x2f: {  	v1 =	vmin.u32 v1, $0x1869F;
	_ =	sdelay $0x1  }
0x30: {  	s16 =	sshll.u32 s12, $0x8;
	s18 =	simm.s32 $0x20  }
0x31: {  	s16 =	sand.u32 $0x100, s16;
	s17 =	sadd.s32 $0x10, s15;
	s15 =	sor.u32 $0x200, s14  }
0x32: {  	s14 =	sor.u32 $0x200, s16;
	s16 =	sadd.s32 $0x10, s15;
	v0 =	vld.msk [tilespmem:s17+$0x0 ss:$0x1], $0xffff;
	vm1 =	vgt.s32 v2, $0x0;
	(ifvalue) =	ssetifvalue $0x7FFFFFFF  }
.LBB2_3:
0x33: {  	[tilespmem:s15], [sflag:$0x1] =	stream.indirect_vreg.gather [hbm4b:s3+s10], $0x1, v1, vm0, $0x4038;
	[tilespmem:$0x400] =	vst v63  }
0x34: {  	s18 =	sadd.s32 $0x10, s18  }
0x35: {  	v2 =	vnsel vm1, $0x0, v2;
	p1 =	slt.u32 s18, $0xF0  }
.Ltmp3:
0x36: {  	s15 =	smov.u32 s16;
	v1 =	vmin.u32 v2, $0x1869F;
	(pc) =	sbr.rel @p1 .LBB2_3-.Ltmp3, $3  }
0x37: {  	_ =	sdelay $0x1  }
0x38: {  	s17 =	sadd.s32 $0x10, s17  }
0x39: {  	vm1 =	vgt.s32 v0, $0x0;
	s16 =	sadd.s32 $0x10, s16;
	v2 =	vmov v0;
	(ifvalue) =	ssetifvalue $0x7FFFFFFF;
	v0 =	vld.msk [tilespmem:s17+$0x0 ss:$0x1], $0xffff  }
.Ltmp4:
0x3a: {  	_ = 	snop;
	(pc) =	sbr.rel .LBB2_4-.Ltmp4, $1  }
0x3b: {  	_ =	sdelay $0x3  }
.LBB2_6:
0x3c: {  	_ =	sfence.sel $0x180000  }
0x3d: {  	s2 =	simm.s32 $0x2;
	[bflag:$0x0] =	sbarrier.arrive $0xFFFF  }
0x3e: {  	s30 =	simm.s32 $0x3;
	[sflag:s2] =	ssyncpa.u1 $0x1  }
0x3f: {  	s31 =	simm.s32 $0x1;
	[sflag:s30] =	ssyncpa.u1 $0x1  }
0x40: {  	[sflag:s31] =	ssyncpa.u1 $0x1  }
0x41: {  	p0 =	sne.s32 s1, $0x0;
	_ =	strace $0x90000059  }
0x42: {  	s0 =	sadd.s32 @!p0 $0x100000, s0;
	[bflag:$0x2] =	sbarrier.arrive $0xFFFF  }
0x43: {  	[sflag:s0] =	ssyncadd.tile.s32 @!p0 $0x1;
	_ =	shalt  }
.Lfunc_end2:
_tile_overlayer_lowered:
.L_overlay_start_2:
0x44: {  	(tag) =	ssettag $0x2  }
0x45: {  	s0 =	rddreg [dreg:$0x0];
	s2 =	stileid.u32  }
0x46: {  	s1 =	rddreg [dreg:$0x1];
	p0 =	sne.s32 s2, $0x0  }
0x47: {  	s3 =	rddreg [dreg:$0x2];
	[bflag:$0x3] =	sbarrier.arrive $0xFFFF;
	s2 =	simm.s32 @!p0 $0x1C01  }
0x48: {  	[timem:s3], [sflag:s2] =	dma.local @!p0 [hbm:s0], s1  }
0x49: {  	s0 =	simm.s32 @!p0 $0x1  }
0x4a: {  	_ =	swait.ge @!p0 [sflag:s0], s1  }
0x4b: {  	s1 =	ssub.s32 @!p0 $0x0, s1;
	[sflag:s0] =	ssyncset.done @!p0 $0x0  }
0x4c: {  	[sflag:s0] =	ssyncadd.s32 @!p0 s1  }
0x4d: {  	[bflag:$0x3] =	sbarrier.arrive $0xFFFF  }
0x4e: {  	_ =	shalt  }

// kernel: kernel.12.cloned.1.call-start
scs
__scs_entry_jumppad:
0x0: {  	(pc) =	sbr.rel $0x88, $3  }
0x1: {  	(tag) =	ssettag $0x0;
	lr =	simm.s32 $0x1  }
0x2: {  	[smem:$0x3F94] =	sst lr;
	_ =	strace $0xD0000000  }
0x3: {  	_ = 	snop  }
0x4: {  	_ = 	snop  }
0x5: {  	_ = 	snop  }
0x6: {  	_ = 	snop  }
0x7: {  	_ = 	snop  }
__scs_overlays_trampoline_lowered:
0x8: {  	[smem:$0x3FA3] =	sst s0  }
0x9: {  	[smem:$0x3FA4] =	sst s1  }
0xa: {  	[smem:$0x3FA5] =	sst s2  }
0xb: {  	[smem:$0x3FA6] =	sst s3  }
0xc: {  	[smem:$0x3FA7] =	sst s4  }
0xd: {  	[smem:$0x3FA8] =	sst s5  }
0xe: {  	[smem:$0x3FA9] =	sst s6  }
0xf: {  	[smem:$0x3FAA] =	sst s7  }
0x10: {  	[smem:$0x3FAB] =	sst s8  }
0x11: {  	[smem:$0x3FAC] =	sst s9;
	s0 =	simm.s32 @!p0 $0x0  }
0x12: {  	s1 =	sld [smem:$0x3F92];
	s0 =	simm.s32 @p0 $0x1  }
0x13: {  	[smem:$0x3FAD] =	sst s0;
	s0 =	simm.s32 @!p1 $0x0  }
0x14: {  	s2 =	sld [smem:$0x3F91];
	s0 =	simm.s32 @p1 $0x1  }
0x15: {  	[smem:$0x3FAE] =	sst s0;
	s0 =	simm.s32 @!p2 $0x0  }
0x16: {  	s3 =	sld [smem:$0x3FDB];
	s0 =	simm.s32 @p2 $0x1  }
0x17: {  	s4 =	simm.s32 $0x1BF5;
	[smem:$0x3FB0] =	sst s0  }
0x18: {  	s0 =	sld [smem:$0x3F93];
	_ =	swait.ge [sflag:s4], $0x0  }
0x19: {  	s7 =	sld [smem:$0x3F94]  }
0x1a: {  	s8 =	sadd.s32 $0xFFFFE003, lr  }
0x1b: {  	s9 =	sadd.s32 $0xFFFFFEF7, lr;
	s5 =	simm.s32 $0xFFFFFFFF;
	p2 =	slt.u32 s8, $0xFFFFF086  }
0x1c: {  	p1 =	slt.u32 s9, $0xF7A;
	s5 =	simm.s32 @!p2 $0x0  }
0x1d: {  	s5 =	simm.s32 @p1 $0x1;
	p0 =	seq.s32 s7, s2  }
0x1e: {  	s7 =	smul.u32 @!p0 $0xF7A, s2;
	p2 =	seq.s32 @!p0 s5, $0x0  }
0x1f: {  	s9 =	smul.u32 $0xF7A, s1;
	s8 =	simm.s32 @!p0 $0x1BF5;
	p2 =	por !p2, p0  }
0x20: {  	[sflag:s8] =	ssyncset.s32 @!p0 $0xFFFFF086;
	s6 =	sadd.s32 @!p0 s3, s7;
	s7 =	simm.s32 @!p0 $0x108  }
0x21: {  	s3 =	sadd.s32 s3, s9;
	s6 =	sadd.s32 @!p0 $0x88, s6;
	s7 =	simm.s32 @p2 $0x1082  }
0x22: {  	[simem:s7], [sflag:s8] =	dma.local @!p0 [hbm:s6], $0xF7A  }
0x23: {  	s9 =	sor.u32 $0xD0000000, s2;
	s6 =	simm.s32 $0x108;
	_ =	swait.ge @!p0 [sflag:s8], $0x0  }
0x24: {  	s3 =	sadd.s32 $0x88, s3;
	s6 =	simm.s32 @!p1 $0x1082;
	[sflag:s4] =	ssyncset.s32 $0xFFFFF086  }
0x25: {  	[simem:s6], [sflag:s4] =	dma.local [hbm:s3], $0xF7A  }
0x26: {  	[smem:$0x3F94] =	sst s1;
	(tag) =	ssettag s2;
	_ =	strace s9  }
0x27: {  	s1 =	sld [smem:$0x3FA4]  }
0x28: {  	s2 =	sld [smem:$0x3FA5]  }
0x29: {  	s4 =	sld [smem:$0x3FA7]  }
0x2a: {  	p0 =	seq.s32 s5, $0x0;
	s5 =	sld [smem:$0x3FA8]  }
0x2b: {  	s6 =	sld [smem:$0x3FA9]  }
0x2c: {  	s7 =	sld [smem:$0x3FAA]  }
0x2d: {  	s3 =	simm.s32 $0x108;
	s8 =	sld [smem:$0x3FAB]  }
0x2e: {  	s3 =	simm.s32 @!p0 $0x1082;
	s9 =	sld [smem:$0x3FAC]  }
0x2f: {  	lr =	sadd.s32 s0, s3;
	s0 =	sld [smem:$0x3FA3]  }
0x30: {  	s3 =	sld [smem:$0x3FA6]  }
0x31: {  	[smem:$0x3FAF] =	sst s10  }
0x32: {  	s10 =	sld [smem:$0x3FAD];
	_ =	sdelay $0x3  }
0x33: {  	p0 =	seq.s32 s10, $0x1;
	s10 =	sld [smem:$0x3FAF];
	_ =	sdelay $0x3  }
0x34: {  	[smem:$0x3FAF] =	sst s10  }
0x35: {  	s10 =	sld [smem:$0x3FAE];
	_ =	sdelay $0x3  }
0x36: {  	p1 =	seq.s32 s10, $0x1;
	s10 =	sld [smem:$0x3FAF];
	_ =	sdelay $0x3  }
0x37: {  	[smem:$0x3FAF] =	sst s10  }
0x38: {  	s10 =	sld [smem:$0x3FB0]  }
0x39: {  	_ = 	snop;
	(pc) =	sbr.ind lr, $3  }
0x3a: {  	_ = 	snop  }
0x3b: {  	_ = 	snop  }
0x3c: {  	p2 =	seq.s32 s10, $0x1;
	s10 =	sld [smem:$0x3FAF]  }
0x3d: {  	_ =	shalt  }
0x3e: {  	_ =	shalt  }
0x3f: {  	_ =	shalt  }
0x40: {  	_ =	shalt  }
0x41: {  	_ =	shalt  }
0x42: {  	_ =	shalt  }
0x43: {  	_ =	shalt  }
0x44: {  	_ =	shalt  }
0x45: {  	_ =	shalt  }
0x46: {  	_ =	shalt  }
0x47: {  	_ =	shalt  }
0x48: {  	_ =	shalt  }
0x49: {  	_ =	shalt  }
0x4a: {  	_ =	shalt  }
0x4b: {  	_ =	shalt  }
0x4c: {  	_ =	shalt  }
0x4d: {  	_ =	shalt  }
0x4e: {  	_ =	shalt  }
0x4f: {  	_ =	shalt  }
0x50: {  	_ =	shalt  }
0x51: {  	_ =	shalt  }
0x52: {  	_ =	shalt  }
0x53: {  	_ =	shalt  }
0x54: {  	_ =	shalt  }
0x55: {  	_ =	shalt  }
0x56: {  	_ =	shalt  }
0x57: {  	_ =	shalt  }
0x58: {  	_ =	shalt  }
0x59: {  	_ =	shalt  }
0x5a: {  	_ =	shalt  }
0x5b: {  	_ =	shalt  }
0x5c: {  	_ =	shalt  }
0x5d: {  	_ =	shalt  }
0x5e: {  	_ =	shalt  }
0x5f: {  	_ =	shalt  }
0x60: {  	_ =	shalt  }
0x61: {  	_ =	shalt  }
0x62: {  	_ =	shalt  }
0x63: {  	_ =	shalt  }
0x64: {  	_ =	shalt  }
0x65: {  	_ =	shalt  }
0x66: {  	_ =	shalt  }
0x67: {  	_ =	shalt  }
0x68: {  	_ =	shalt  }
0x69: {  	_ =	shalt  }
0x6a: {  	_ =	shalt  }
0x6b: {  	_ =	shalt  }
0x6c: {  	_ =	shalt  }
0x6d: {  	_ =	shalt  }
0x6e: {  	_ =	shalt  }
0x6f: {  	_ =	shalt  }
0x70: {  	_ =	shalt  }
0x71: {  	_ =	shalt  }
0x72: {  	_ =	shalt  }
0x73: {  	_ =	shalt  }
0x74: {  	_ =	shalt  }
0x75: {  	_ =	shalt  }
0x76: {  	_ =	shalt  }
0x77: {  	_ =	shalt  }
0x78: {  	_ =	shalt  }
0x79: {  	_ =	shalt  }
0x7a: {  	_ =	shalt  }
0x7b: {  	_ =	shalt  }
0x7c: {  	_ =	shalt  }
0x7d: {  	_ =	shalt  }
0x7e: {  	_ =	shalt  }
0x7f: {  	_ =	shalt  }
0x80: {  	_ =	shalt  }
0x81: {  	_ =	shalt  }
0x82: {  	_ =	shalt  }
0x83: {  	_ =	shalt  }
0x84: {  	_ =	shalt  }
0x85: {  	_ =	shalt  }
0x86: {  	_ =	shalt  }
0x87: {  	_ =	shalt  }
.Lfunc_end0:
.L_simem_size_0:
called_computation.6_lowered:
.L_overlay_start_0:
0x88: {  	s2 =	sld [smem:$0x3FD9]  }
0x89: {  	s3 =	sld [smem:$0x3FFE];
	_ =	sdelay $0x1  }
0x8a: {  	s1 =	srdreg.scid  }
0x8b: {  	s0 =	sand.u32 $0x1, s1  }
0x8c: {  	s16 =	sshll.u32 s0, $0xA;
	s2 =	sadd.s32 s3, s2  }
0x8d: {  	s2 =	sadd.s32 s2, s16  }
0x8e: {  	[smem:$0x3FBB] =	sst s2  }
0x8f: {  	_ = 	snop  }
0x90: {  	(tm) =	ssettm $0x1  }
0x91: {  	s17 =	sld [smem:$0x3FFB];
	_ =	sdelay $0x3  }
0x92: {  	_ =	strace s17  }
0x93: {  	s2 =	sld [smem:$0x3FFC];
	_ =	sdelay $0x3  }
0x94: {  	_ =	strace s2  }
0x95: {  	s2 =	sld [smem:$0x3FFD];
	_ =	sdelay $0x3  }
0x96: {  	_ =	strace s2  }
0x97: {  	_ =	strace $0x8FFFFFFF  }
0x98: {  	s18 =	sld [smem:$0x3FDB];
	_ =	sdelay $0x1  }
0x99: {  	s19 =	simm.s32 $_scs_section_size  }
0x9a: {  	s4 =	simm.s32 $_size__tile_overlayer_lowered;
	s5 =	simm.s32 $_tile_overlayer_lowered  }
0x9b: {  	s22 =	simm.s32 $0x1BFF;
	s21 =	sshll.u32 s5, $0x1;
	s2 =	sadd.s32 s19, s18  }
0x9c: {  	s6 =	simm.s32 $0x0;
	s20 =	sshll.u32 s4, $0x1;
	s4 =	sadd.s32 s21, s2  }
0x9d: {  	[timem:s6], [sflag:s22] =	dma.local [hbm:s4], s20  }
0x9e: {  	_ =	swait.ge [sflag:s22], s20  }
0x9f: {  	s3 =	ssub.s32 $0x0, s20;
	[sflag:s22] =	ssyncset.done $0x0  }
0xa0: {  	[sflag:s22] =	ssyncadd.s32 s3;
	_ =	sdelay $0x1  }
0xa1: {  	s23 =	simm.s32 $0x1B8B  }
0xa2: {  	_ =	swait.ge [sflag:s23], $0x1  }
0xa3: {  	[sflag:s23] =	ssyncset.done $0x0  }
0xa4: {  	s25 =	simm.s32 $0x1B8E;
	s24 =	sld [smem:$0x3FFE];
	[sflag:s23] =	ssyncadd.s32 $0xFFFFFFFF  }
0xa5: {  	s26 =	simm.s32 $execute0_lowered;
	[smem:$0x3FD2] =	sst s25  }
0xa6: {  	s4 =	sshll.u32 s26, $0x1;
	_ =	strace $0x8000004F;
	[dreg:$0x1] =	wrdreg $0xFFFFFFFF  }
0xa7: {  	s28 =	simm.s32 $_size_execute0_lowered;
	s2 =	sadd.s32 s2, s4;
	[dreg:$0x0] =	wrdreg $0x0  }
0xa8: {  	s4 =	sshll.u32 s28, $0x1;
	[dreg:$0x2] =	wrdreg s2  }
0xa9: {  	[dreg:$0x3] =	wrdreg s4  }
0xaa: {  	[dreg:$0x4] =	wrdreg $0xC0  }
0xab: {  	_ =	task [dreg:s6], $0x5FFFF  }
0xac: {  	[dreg:$0x1] =	wrdreg $0xFFFFFFFF  }
0xad: {  	[dreg:$0x0] =	wrdreg $0x60  }
0xae: {  	[dreg:$0x2] =	wrdreg s24  }
0xaf: {  	[dreg:$0x3] =	wrdreg $0x54000  }
0xb0: {  	[dreg:$0x4] =	wrdreg $0x9  }
0xb1: {  	_ =	task.clear_ibuf [dreg:s6], $0x5FFFF;
	_ =	strace $0x9000004F  }
0xb2: {  	s29 =	simm.s32 $0x9;
	_ =	strace $0x80000051  }
0xb3: {  	_ =	swait.ge [sflag:s29], $0x1  }
0xb4: {  	[sflag:s29] =	ssyncadd.s32 $0xFFFFFFFF  }
0xb5: {  	_ =	strace $0x90000051  }
0xb6: {  	_ =	sfence  }
0xb7: {  	s30 =	sld [smem:$0x0];
	_ =	sdelay $0x2  }
0xb8: {  	s31 =	sshll.u32 s1, $0xD;
	s1 =	sshrl.u32 s1, $0x2  }
0xb9: {  	s3 =	sand.u32 $0x4000, s31;
	s1 =	sadd.s32 s1, s30  }
0xba: {  	s0 =	sor.u32 s3, s0;
	s1 =	sshll.u32 s1, $0x11  }
0xbb: {  	s0 =	sor.u32 s1, s0  }
0xbc: {  	s0 =	sadd.s32 $0x8F2B, s0  }
0xbd: {  	[sflag:s0] =	ssyncadd.remote.s32 $0x1  }
0xbe: {  	_ =	sfence.sel $0xFFFF  }
0xbf: {  	[dreg:$0x0] =	wrdreg $0xFFFFFFFF;
	(pc) =	sbr.abs _section_cstart, $3  }
0xc0: {  	[dreg:$0x1] =	wrdreg $0xFFFFFFFF  }
0xc1: {  	_ =	task.clear_ibuf [dreg:s6], $0x2FFFF;
	_ =	strace $0x9FFFFFFF  }
0xc2: {  	(tm) =	ssettm $0x7FFFFFFF  }
0xc3: {  	_ =	shalt  }
tec
execute0_lowered:
.L_overlay_start_1:
0x0: {  	(tag) =	ssettag $0x1  }
0x1: {  	s0 =	rddreg [dreg:$0x0]  }
0x2: {  	s2 =	rddreg [dreg:$0x1]  }
0x3: {  	s1 =	simm.s32 $0x0;
	s3 =	stileid.u32;
	s26 =	srdreg.scid  }
0x4: {  	[smem:$0x7FF] =	sst s1;
	s6 =	smul.u32 $0x19000, s3;
	s4 =	sadd.s32 $0x2000, s0  }
0x5: {  	s5 =	sadd.s32 $0x37FE00, s0;
	s9 =	sand.u32 $0x1, s26;
	s8 =	smul.u32 $0x61C00, s3  }
0x6: {  	s0 =	sadd.s32 $0x1F9400, s0;
	s14 =	sshll.u32 s9, $0x1;
	s7 =	sshrl.u32 s6, $0x3  }
0x7: {  	s29 =	sshrl.u32 s8, $0x2;
	s8 =	sadd.s32 s14, s0;
	s11 =	sadd.s32 s4, s7  }
0x8: {  	_ =	strace $0x80000050;
	s15 =	sadd.s32 $0x5BA40, s8;
	[dreg:$0x3] =	wrdreg s11  }
0x9: {  	s31 =	sadd.s32 s29, s2;
	[dreg:$0x9] =	wrdreg s15  }
0xa: {  	s1 =	ssub.s32 $0x2, s9;
	s7 =	sadd.s32 $0x40, s11;
	[dreg:$0x6] =	wrdreg s31  }
0xb: {  	s10 =	sshrl.u32 s1, $0x1;
	s30 =	sadd.s32 $0x80, s11;
	[dreg:$0x4] =	wrdreg s7  }
0xc: {  	s1 =	ssub.s32 s1, s10;
	s12 =	sadd.s32 $0x18000, s31;
	[dreg:$0x5] =	wrdreg s30  }
0xd: {  	s1 =	smax.u32 s1, $0x1;
	[dreg:$0x7] =	wrdreg s12  }
0xe: {  	s28 =	simm.s32 $0x0;
	s16 =	sadd.s32 $0x2000, s31;
	[dreg:$0xa] =	wrdreg s1  }
0xf: {  	p0 =	seq.s32 s3, $0xF;
	s17 =	sadd.s32 $0x4000, s31;
	[dreg:$0xb] =	wrdreg s16  }
0x10: {  	s13 =	sshll.u32 s9, $0x4;
	s18 =	sadd.s32 $0x6000, s31;
	[dreg:$0xc] =	wrdreg s17  }
0x11: {  	s14 =	sor.u32 $0xC00, s6;
	s19 =	sadd.s32 $0x8000, s31;
	[dreg:$0xd] =	wrdreg s18  }
0x12: {  	s10 =	smul.u32 $0x30E00, s3;
	s20 =	sadd.s32 $0xA000, s31;
	[dreg:$0xe] =	wrdreg s19  }
0x13: {  	s8 =	simm.s32 $0x800;
	s22 =	sadd.s32 $0xC000, s31;
	[dreg:$0xf] =	wrdreg s20  }
0x14: {  	s11 =	sor.u32 $0x600, s6;
	s24 =	sadd.s32 $0xE000, s31;
	[dreg:$0x11] =	wrdreg s22  }
0x15: {  	s25 =	sadd.s32 $0x10000, s31;
	s26 =	sadd.s32 $0x12000, s31;
	[dreg:$0x12] =	wrdreg s24  }
0x16: {  	s29 =	sadd.s32 $0x14000, s31;
	s15 =	simm.s32 $0x9;
	[dreg:$0x13] =	wrdreg s25  }
0x17: {  	s12 =	sor.u32 $0x800, s6;
	s7 =	sor.u32 s13, s10;
	[dreg:$0x14] =	wrdreg s26  }
0x18: {  	s13 =	sor.u32 $0xA00, s6;
	s21 =	sshrl.u32 s11, $0x3;
	[dreg:$0x15] =	wrdreg s29  }
0x19: {  	s30 =	sadd.s32 $0x16000, s31;
	s1 =	simm.s32 $0x190600;
	s10 =	simm.s32 $0x1400  }
0x1a: {  	s16 =	simm.s32 $0x1;
	s17 =	simm.s32 $0x3400;
	s18 =	simm.s32 $0x5  }
0x1b: {  	s19 =	simm.s32 $0x1000;
	s20 =	simm.s32 $0x3;
	s6 =	simm.s32 $0x7  }
0x1c: {  	s22 =	simm.s32 $0x1200;
	s24 =	simm.s32 $0x4;
	s7 =	sshrl.u32 s7, $0x3  }
0x1d: {  	s25 =	simm.s32 $0x8;
	s26 =	simm.s32 $0xC00;
	s0 =	sadd.s32 s0, s7  }
0x1e: {  	s23 =	sadd.s32 s4, s21;
	[dreg:$0x8] =	wrdreg s0;
	s0 =	sadd.s32 $0x16E900, s2  }
0x1f: {  	[dreg:$0x16] =	wrdreg s30;
	s21 =	simm.s32 $0x6;
	s0 =	sshrl.u32 @p0 s0, $0x3  }
0x20: {  	v1 =	vimm.f32 $0.0e+00;
	v0 =	vmov s9;
	s7 =	simm.s32 $0x400;
	[dreg:$0x10] =	wrdreg s0;
	s0 =	simm.s32 $0x200  }
.LBB2_1:
0x21: {  	[dreg:$0x17] =	wrdreg s28  }
0x22: {  	s3 =	simm.s32 $0x0;
	s9 =	rddreg [dreg:$0x3]  }
0x23: {  	[tilespmem:s3], [sflag:$0x1] =	stream.strided.gather [hbm4b:s9+s0], $0x400, s1, s0, $0x38;
	[tilespmem:$0x1DB00] =	vst v63  }
0x24: {  	s29 =	rddreg [dreg:$0x4]  }
0x25: {  	[tilespmem:s7], [sflag:$0x2] =	stream.strided.gather [hbm4b:s29+s0], $0x400, s1, s0, $0x38;
	[tilespmem:$0x1DB00] =	vst v63  }
0x26: {  	s30 =	rddreg [dreg:$0x5];
	s28 =	simm.s32 $0x0;
	s9 =	simm.s32 $0x40  }
0x27: {  	[tilespmem:s8], [sflag:$0x3] =	stream.strided.gather [hbm4b:s30+s0], $0x400, s1, s0, $0x38;
	[tilespmem:$0x1DB00] =	vst v63  }
.LBB2_2:
0x28: {  	p1 =	sne.s32 s9, $0x7FC0;
	[tilespmem:s28+$0x1400] =	vst v1;
	s28 =	smov.u32 s9;
	s9 =	sadd.s32 $0x40, s9  }
.Ltmp0:
0x29: {  	(pc) =	sbr.rel @p1 .LBB2_2-.Ltmp0, $2  }
0x2a: {  	_ =	sdelay $0x2  }
0x2b: {  	s28 =	sshra.s32 s28, $0x2  }
0x2c: {  	[tilespmem:s28+$0x1400] =	vst v1  }
0x2d: {  	[spmem:s31] =	stream.linear.scatter [tilespmem:s10], [sflag:$0x9], $0x2000, $0x38;
	[tilespmem:$0x1DB00] =	vst v63  }
0x2e: {  	_ =	swait.ge [sflag:s15], $0x2000  }
0x2f: {  	[sflag:s15] =	ssyncset.done $0x0  }
0x30: {  	s3 =	rddreg [dreg:$0xb];
	[sflag:s15] =	ssyncadd.s32 $0xFFFFE000  }
0x31: {  	[spmem:s3] =	stream.linear.scatter [tilespmem:s10], [sflag:$0x9], $0x2000, $0x38;
	[tilespmem:$0x1DB00] =	vst v63  }
0x32: {  	_ =	swait.ge [sflag:s15], $0x2000  }
0x33: {  	[sflag:s15] =	ssyncset.done $0x0  }
0x34: {  	s28 =	rddreg [dreg:$0xc];
	[sflag:s15] =	ssyncadd.s32 $0xFFFFE000  }
0x35: {  	[spmem:s28] =	stream.linear.scatter [tilespmem:s10], [sflag:$0x9], $0x2000, $0x38;
	[tilespmem:$0x1DB00] =	vst v63  }
0x36: {  	_ =	swait.ge [sflag:s15], $0x2000  }
0x37: {  	[sflag:s15] =	ssyncset.done $0x0  }
0x38: {  	s29 =	rddreg [dreg:$0xd];
	[sflag:s15] =	ssyncadd.s32 $0xFFFFE000  }
0x39: {  	[spmem:s29] =	stream.linear.scatter [tilespmem:s10], [sflag:$0x9], $0x2000, $0x38;
	[tilespmem:$0x1DB00] =	vst v63  }
0x3a: {  	_ =	swait.ge [sflag:s15], $0x2000  }
0x3b: {  	[sflag:s15] =	ssyncset.done $0x0  }
0x3c: {  	s31 =	rddreg [dreg:$0xe];
	[sflag:s15] =	ssyncadd.s32 $0xFFFFE000  }
0x3d: {  	[spmem:s31] =	stream.linear.scatter [tilespmem:s10], [sflag:$0x9], $0x2000, $0x38;
	[tilespmem:$0x1DB00] =	vst v63  }
0x3e: {  	_ =	swait.ge [sflag:s15], $0x2000  }
0x3f: {  	[sflag:s15] =	ssyncset.done $0x0  }
0x40: {  	s9 =	rddreg [dreg:$0xf];
	[sflag:s15] =	ssyncadd.s32 $0xFFFFE000  }
0x41: {  	[spmem:s9] =	stream.linear.scatter [tilespmem:s10], [sflag:$0x9], $0x2000, $0x38;
	[tilespmem:$0x1DB00] =	vst v63  }
0x42: {  	_ =	swait.ge [sflag:s15], $0x2000  }
0x43: {  	[sflag:s15] =	ssyncset.done $0x0  }
0x44: {  	s28 =	rddreg [dreg:$0x11];
	[sflag:s15] =	ssyncadd.s32 $0xFFFFE000  }
0x45: {  	[spmem:s28] =	stream.linear.scatter [tilespmem:s10], [sflag:$0x9], $0x2000, $0x38;
	[tilespmem:$0x1DB00] =	vst v63  }
0x46: {  	_ =	swait.ge [sflag:s15], $0x2000  }
0x47: {  	[sflag:s15] =	ssyncset.done $0x0  }
0x48: {  	s29 =	rddreg [dreg:$0x12];
	[sflag:s15] =	ssyncadd.s32 $0xFFFFE000  }
0x49: {  	[spmem:s29] =	stream.linear.scatter [tilespmem:s10], [sflag:$0x9], $0x2000, $0x38;
	[tilespmem:$0x1DB00] =	vst v63  }
0x4a: {  	_ =	swait.ge [sflag:s15], $0x2000  }
0x4b: {  	[sflag:s15] =	ssyncset.done $0x0  }
0x4c: {  	s31 =	rddreg [dreg:$0x13];
	[sflag:s15] =	ssyncadd.s32 $0xFFFFE000  }
0x4d: {  	[spmem:s31] =	stream.linear.scatter [tilespmem:s10], [sflag:$0x9], $0x2000, $0x38;
	[tilespmem:$0x1DB00] =	vst v63  }
0x4e: {  	_ =	swait.ge [sflag:s15], $0x2000  }
0x4f: {  	[sflag:s15] =	ssyncset.done $0x0  }
0x50: {  	s9 =	rddreg [dreg:$0x14];
	[sflag:s15] =	ssyncadd.s32 $0xFFFFE000  }
0x51: {  	[spmem:s9] =	stream.linear.scatter [tilespmem:s10], [sflag:$0x9], $0x2000, $0x38;
	[tilespmem:$0x1DB00] =	vst v63  }
0x52: {  	_ =	swait.ge [sflag:s15], $0x2000  }
0x53: {  	[sflag:s15] =	ssyncset.done $0x0  }
0x54: {  	s28 =	rddreg [dreg:$0x15];
	[sflag:s15] =	ssyncadd.s32 $0xFFFFE000  }
0x55: {  	[spmem:s28] =	stream.linear.scatter [tilespmem:s10], [sflag:$0x9], $0x2000, $0x38;
	[tilespmem:$0x1DB00] =	vst v63  }
0x56: {  	_ =	swait.ge [sflag:s15], $0x2000  }
0x57: {  	[sflag:s15] =	ssyncset.done $0x0  }
0x58: {  	s29 =	rddreg [dreg:$0x16];
	[sflag:s15] =	ssyncadd.s32 $0xFFFFE000  }
0x59: {  	[spmem:s29] =	stream.linear.scatter [tilespmem:s10], [sflag:$0x9], $0x2000, $0x38;
	[tilespmem:$0x1DB00] =	vst v63  }
0x5a: {  	_ =	swait.ge [sflag:s15], $0x2000  }
0x5b: {  	[sflag:s15] =	ssyncset.done $0x0  }
0x5c: {  	s31 =	rddreg [dreg:$0x7];
	[sflag:s15] =	ssyncadd.s32 $0xFFFFE000  }
0x5d: {  	[spmem:s31] =	stream.linear.scatter [tilespmem:s10], [sflag:$0x9], $0x700, $0x38;
	[tilespmem:$0x1DB00] =	vst v63  }
0x5e: {  	_ =	swait.ge [sflag:s15], $0x700  }
0x5f: {  	[sflag:s15] =	ssyncset.done $0x0  }
0x60: {  	[sflag:s15] =	ssyncadd.s32 $0xFFFFF900  }
0x61: {  	s30 =	simm.s32 $0x0;
	[bflag:$0x0] =	sbarrier.arrive $0xFFFF  }
.LBB2_4:
0x62: {  	_ =	swait.ge [sflag:s16], $0x400  }
0x63: {  	p1 =	seq.s32 s30, $0x0;
	[sflag:s16] =	ssyncset.done $0x0  }
0x64: {  	s9 =	simm.s32 @!p1 $0x7;
	[sflag:s16] =	ssyncadd.s32 $0xFFFFFC00  }
0x65: {  	_ =	swait.ge @!p1 [sflag:s9], $0x2000  }
0x66: {  	s31 =	sshll.u32 s30, $0xB;
	[sflag:s9] =	ssyncset.done @!p1 $0x0  }
0x67: {  	s28 =	simm.s32 $0x0;
	[sflag:s9] =	ssyncadd.s32 @!p1 $0xFFFFE000;
	s9 =	simm.s32 $0x40  }
.LBB2_5:
0x68: {  	p2 =	sne.s32 s9, $0x7C0;
	v2 =	vld [tilespmem:s28+$0x0]  }
0x69: {  	v3 =	vld [tilespmem:s28+$0x200];
	_ =	sdelay $0x1  }
.Ltmp1:
0x6a: {  	(pc) =	sbr.rel @p2 .LBB2_5-.Ltmp1, $4  }
0x6b: {  	_ = 	snop  }
0x6c: {  	v2 =	vshll.u32 v2, $0x1  }
0x6d: {  	v2 =	vor.u32 v0, v2;
	[tilespmem:s28+$0x1000] =	vst v3  }
0x6e: {  	[tilespmem:s28+$0x0] =	vst v2;
	s28 =	sshra.s32 s9, $0x2;
	s9 =	sadd.s32 $0x40, s9  }
0x6f: {  	v2 =	vld [tilespmem:s28+$0x0]  }
0x70: {  	v3 =	vld [tilespmem:s28+$0x200];
	_ =	sdelay $0x3  }
0x71: {  	v2 =	vshll.u32 v2, $0x1  }
0x72: {  	[tilespmem:s28+$0x1000] =	vst v3;
	v2 =	vor.u32 v0, v2  }
0x73: {  	s3 =	simm.s32 $0x0;
	[tilespmem:s28+$0x0] =	vst v2  }
0x74: {  	[tilespmem:s10], [sflag:$0x5] =	stream.indirect.gather [hbm4b:s5+s0], $0x10, s3, s0, $0xb8;
	[tilespmem:$0x1DB00] =	vst v63  }
0x75: {  	s9 =	simm.s32 @p1 $0x200;
	s29 =	simm.s32 @p1 $0xC00;
	s28 =	simm.s32 @p1 $0x190600  }
0x76: {  	[tilespmem:s29], [sflag:$0x4] =	stream.strided.gather @p1 [hbm4b:s23+s9], $0x400, s28, s9, $0x38;
	[tilespmem:$0x1DB00] =	vst v63  }
0x77: {  	s9 =	simm.s32 @p1 $0x2  }
0x78: {  	_ =	swait.ge @p1 [sflag:s9], $0x400  }
0x79: {  	[sflag:s9] =	ssyncset.done @p1 $0x0  }
0x7a: {  	[sflag:s9] =	ssyncadd.s32 @p1 $0xFFFFFC00;
	s9 =	simm.s32 @!p1 $0x6  }
0x7b: {  	_ =	swait.ge @!p1 [sflag:s9], $0x2000  }
0x7c: {  	s28 =	simm.s32 @!p1 $0x1200;
	[sflag:s9] =	ssyncset.done @!p1 $0x0  }
0x7d: {  	s29 =	simm.s32 @!p1 $0x3400;
	[sflag:s9] =	ssyncadd.s32 @!p1 $0xFFFFE000;
	s9 =	simm.s32 @!p1 $0x200  }
0x7e: {  	[spmem:s2] =	stream.indirect.scatter.add.f32 @!p1 [tilespmem:s29], [sflag:$0x8], $0x10, s28, s9, $0xb8;
	[tilespmem:$0x1DB00] =	vst v63  }
0x7f: {  	s28 =	sadd.s32 @!p1 s31, s11  }
0x80: {  	s28 =	sshrl.u32 @!p1 s28, $0x3  }
0x81: {  	s3 =	simm.s32 @!p1 $0xC00;
	s29 =	simm.s32 @!p1 $0x190600;
	s28 =	sadd.s32 @!p1 s4, s28  }
0x82: {  	[tilespmem:s3], [sflag:$0x4] =	stream.strided.gather @!p1 [hbm4b:s28+s9], $0x400, s29, s9, $0x38;
	[tilespmem:$0x1DB00] =	vst v63  }
0x83: {  	s3 =	simm.s32 @!p1 $0x2  }
0x84: {  	_ =	swait.ge @!p1 [sflag:s3], $0x400  }
0x85: {  	[sflag:s3] =	ssyncset.done @!p1 $0x0  }
0x86: {  	[sflag:s3] =	ssyncadd.s32 @!p1 $0xFFFFFC00;
	s3 =	simm.s32 @!p1 $0x8  }
0x87: {  	_ =	swait.ge @!p1 [sflag:s3], $0x2000  }
0x88: {  	[sflag:s3] =	ssyncset.done @!p1 $0x0  }
0x89: {  	s28 =	simm.s32 $0x0;
	s9 =	simm.s32 $0x40;
	[sflag:s3] =	ssyncadd.s32 @!p1 $0xFFFFE000  }
.LBB2_7:
0x8a: {  	p1 =	sne.s32 s9, $0x7C0;
	v2 =	vld [tilespmem:s28+$0x400]  }
0x8b: {  	v3 =	vld [tilespmem:s28+$0x600];
	_ =	sdelay $0x1  }
.Ltmp2:
0x8c: {  	(pc) =	sbr.rel @p1 .LBB2_7-.Ltmp2, $4  }
0x8d: {  	_ = 	snop  }
0x8e: {  	v2 =	vshll.u32 v2, $0x1  }
0x8f: {  	v2 =	vor.u32 v0, v2;
	[tilespmem:s28+$0x1200] =	vst v3  }
0x90: {  	[tilespmem:s28+$0x400] =	vst v2;
	s28 =	sshra.s32 s9, $0x2;
	s9 =	sadd.s32 $0x40, s9  }
0x91: {  	v2 =	vld [tilespmem:s28+$0x400]  }
0x92: {  	v3 =	vld [tilespmem:s28+$0x600];
	_ =	sdelay $0x3  }
0x93: {  	v2 =	vshll.u32 v2, $0x1  }
0x94: {  	[tilespmem:s28+$0x1200] =	vst v3;
	v2 =	vor.u32 v0, v2  }
0x95: {  	[tilespmem:s28+$0x400] =	vst v2  }
0x96: {  	[tilespmem:s17], [sflag:$0x6] =	stream.indirect.gather [hbm4b:s5+s0], $0x10, s7, s0, $0xb8;
	[tilespmem:$0x1DB00] =	vst v63  }
0x97: {  	_ =	swait.ge [sflag:s18], $0x2000  }
0x98: {  	s3 =	sadd.s32 s31, s12;
	[sflag:s18] =	ssyncset.done $0x0  }
0x99: {  	s3 =	sshrl.u32 s3, $0x3;
	[sflag:s18] =	ssyncadd.s32 $0xFFFFE000  }
0x9a: {  	[spmem:s2] =	stream.indirect.scatter.add.f32 [tilespmem:s10], [sflag:$0x7], $0x10, s19, s0, $0xb8;
	[tilespmem:$0x1DB00] =	vst v63  }
0x9b: {  	s9 =	simm.s32 $0x0;
	s3 =	sadd.s32 s4, s3  }
0x9c: {  	[tilespmem:s9], [sflag:$0x1] =	stream.strided.gather [hbm4b:s3+s0], $0x400, s1, s0, $0x38;
	[tilespmem:$0x1DB00] =	vst v63  }
0x9d: {  	_ =	swait.ge [sflag:s20], $0x400  }
0x9e: {  	[sflag:s20] =	ssyncset.done $0x0  }
0x9f: {  	[sflag:s20] =	ssyncadd.s32 $0xFFFFFC00  }
0xa0: {  	_ =	swait.ge [sflag:s6], $0x2000  }
0xa1: {  	[sflag:s6] =	ssyncset.done $0x0  }
0xa2: {  	s28 =	simm.s32 $0x0;
	s9 =	simm.s32 $0x40;
	[sflag:s6] =	ssyncadd.s32 $0xFFFFE000  }
.LBB2_9:
0xa3: {  	p1 =	sne.s32 s9, $0x7C0;
	v2 =	vld [tilespmem:s28+$0x800]  }
0xa4: {  	v3 =	vld [tilespmem:s28+$0xA00];
	_ =	sdelay $0x1  }
.Ltmp3:
0xa5: {  	(pc) =	sbr.rel @p1 .LBB2_9-.Ltmp3, $4  }
0xa6: {  	_ = 	snop  }
0xa7: {  	v2 =	vshll.u32 v2, $0x1  }
0xa8: {  	v2 =	vor.u32 v0, v2;
	[tilespmem:s28+$0x1000] =	vst v3  }
0xa9: {  	[tilespmem:s28+$0x800] =	vst v2;
	s28 =	sshra.s32 s9, $0x2;
	s9 =	sadd.s32 $0x40, s9  }
0xaa: {  	v2 =	vld [tilespmem:s28+$0x800]  }
0xab: {  	v3 =	vld [tilespmem:s28+$0xA00];
	_ =	sdelay $0x3  }
0xac: {  	v2 =	vshll.u32 v2, $0x1  }
0xad: {  	[tilespmem:s28+$0x1000] =	vst v3;
	v2 =	vor.u32 v0, v2  }
0xae: {  	[tilespmem:s28+$0x800] =	vst v2  }
0xaf: {  	[tilespmem:s10], [sflag:$0x5] =	stream.indirect.gather [hbm4b:s5+s0], $0x10, s8, s0, $0xb8;
	[tilespmem:$0x1DB00] =	vst v63  }
0xb0: {  	_ =	swait.ge [sflag:s21], $0x2000  }
0xb1: {  	s3 =	sadd.s32 s31, s13;
	[sflag:s21] =	ssyncset.done $0x0  }
0xb2: {  	s3 =	sshrl.u32 s3, $0x3;
	[sflag:s21] =	ssyncadd.s32 $0xFFFFE000  }
0xb3: {  	[spmem:s2] =	stream.indirect.scatter.add.f32 [tilespmem:s17], [sflag:$0x8], $0x10, s22, s0, $0xb8;
	[tilespmem:$0x1DB00] =	vst v63  }
0xb4: {  	s3 =	sadd.s32 s4, s3  }
0xb5: {  	[tilespmem:s7], [sflag:$0x2] =	stream.strided.gather [hbm4b:s3+s0], $0x400, s1, s0, $0x38;
	[tilespmem:$0x1DB00] =	vst v63  }
0xb6: {  	_ =	swait.ge [sflag:s24], $0x400  }
0xb7: {  	[sflag:s24] =	ssyncset.done $0x0  }
0xb8: {  	[sflag:s24] =	ssyncadd.s32 $0xFFFFFC00  }
0xb9: {  	_ =	swait.ge [sflag:s25], $0x2000  }
0xba: {  	[sflag:s25] =	ssyncset.done $0x0  }
0xbb: {  	s9 =	simm.s32 $0x40;
	s28 =	simm.s32 $0x0;
	[sflag:s25] =	ssyncadd.s32 $0xFFFFE000  }
.LBB2_11:
0xbc: {  	p1 =	sne.s32 s9, $0x7C0;
	v2 =	vld [tilespmem:s28+$0xC00]  }
0xbd: {  	v3 =	vld [tilespmem:s28+$0xE00];
	_ =	sdelay $0x1  }
.Ltmp4:
0xbe: {  	(pc) =	sbr.rel @p1 .LBB2_11-.Ltmp4, $4  }
0xbf: {  	_ = 	snop  }
0xc0: {  	v2 =	vshll.u32 v2, $0x1  }
0xc1: {  	v2 =	vor.u32 v0, v2;
	[tilespmem:s28+$0x1200] =	vst v3  }
0xc2: {  	[tilespmem:s28+$0xC00] =	vst v2;
	s28 =	sshra.s32 s9, $0x2;
	s9 =	sadd.s32 $0x40, s9  }
0xc3: {  	v2 =	vld [tilespmem:s28+$0xC00]  }
0xc4: {  	v3 =	vld [tilespmem:s28+$0xE00];
	_ =	sdelay $0x3  }
0xc5: {  	v2 =	vshll.u32 v2, $0x1  }
0xc6: {  	[tilespmem:s28+$0x1200] =	vst v3;
	v2 =	vor.u32 v0, v2  }
0xc7: {  	s30 =	sadd.s32 $0x1, s30;
	[tilespmem:s28+$0xC00] =	vst v2  }
0xc8: {  	[tilespmem:s17], [sflag:$0x6] =	stream.indirect.gather [hbm4b:s5+s0], $0x10, s26, s0, $0xb8;
	[tilespmem:$0x1DB00] =	vst v63  }
0xc9: {  	p1 =	sne.s32 s30, $0x32;
	_ =	swait.ge [sflag:s18], $0x2000  }
.Ltmp5:
0xca: {  	s3 =	sadd.s32 s31, s14;
	[sflag:s18] =	ssyncset.done $0x0;
	(pc) =	sbr.rel @p1 .LBB2_4-.Ltmp5, $4  }
0xcb: {  	s3 =	sshrl.u32 s3, $0x3;
	[sflag:s18] =	ssyncadd.s32 $0xFFFFE000  }
0xcc: {  	[spmem:s2] =	stream.indirect.scatter.add.f32 [tilespmem:s10], [sflag:$0x7], $0x10, s19, s0, $0xb8;
	[tilespmem:$0x1DB00] =	vst v63  }
0xcd: {  	s3 =	sadd.s32 s4, s3  }
0xce: {  	[tilespmem:s8], [sflag:$0x3] =	stream.strided.gather [hbm4b:s3+s0], $0x400, s1, s0, $0x38;
	[tilespmem:$0x1DB00] =	vst v63  }
0xcf: {  	_ =	swait.ge [sflag:s21], $0x2000  }
0xd0: {  	[sflag:s21] =	ssyncset.done $0x0  }
0xd1: {  	[sflag:s21] =	ssyncadd.s32 $0xFFFFE000  }
0xd2: {  	[spmem:s2] =	stream.indirect.scatter.add.f32 [tilespmem:s17], [sflag:$0x8], $0x10, s22, s0, $0xb8;
	[tilespmem:$0x1DB00] =	vst v63  }
0xd3: {  	_ =	swait.ge [sflag:s6], $0x2000  }
0xd4: {  	[sflag:s6] =	ssyncset.done $0x0  }
0xd5: {  	[sflag:s6] =	ssyncadd.s32 $0xFFFFE000  }
0xd6: {  	_ =	swait.ge [sflag:s25], $0x2000  }
0xd7: {  	[sflag:s25] =	ssyncset.done $0x0  }
0xd8: {  	[sflag:s25] =	ssyncadd.s32 $0xFFFFE000  }
0xd9: {  	_ =	swait.ge [sflag:s16], $0x400  }
0xda: {  	[sflag:s16] =	ssyncset.done $0x0  }
0xdb: {  	s3 =	simm.s32 $0x2;
	[sflag:s16] =	ssyncadd.s32 $0xFFFFFC00  }
0xdc: {  	_ =	swait.ge [sflag:s3], $0x400  }
0xdd: {  	[sflag:s3] =	ssyncset.done $0x0  }
0xde: {  	[sflag:s3] =	ssyncadd.s32 $0xFFFFFC00  }
0xdf: {  	_ =	swait.ge [sflag:s20], $0x400  }
0xe0: {  	[sflag:s20] =	ssyncset.done $0x0  }
0xe1: {  	[sflag:s20] =	ssyncadd.s32 $0xFFFFFC00  }
0xe2: {  	[bflag:$0x0] =	sbarrier.arrive $0xFFFF  }
0xe3: {  	s9 =	simm.s32 @p0 $0x4;
	s28 =	simm.s32 @p0 $0x2;
	s30 =	rddreg [dreg:$0x9]  }
0xe4: {  	s29 =	simm.s32 @p0 $0x1FC9;
	s3 =	simm.s32 @p0 $0x1;
	s31 =	rddreg [dreg:$0x10]  }
0xe5: {  	[hbm:s30@s9], [sflag:s29] =	dma.strided @p0 [spmem:s31@s28], $0x3020, s3, $0x2   }
0xe6: {  	s3 =	simm.s32 @p0 $0x9  }
0xe7: {  	s26 =	simm.s32 @!p0 $0x4;
	s9 =	stileid.u32;
	_ =	swait.ge @p0 [sflag:s3], $0x3020  }
0xe8: {  	s30 =	simm.s32 @!p0 $0x2;
	s29 =	simm.s32 @!p0 $0x1;
	s31 =	rddreg [dreg:$0x6]  }
0xe9: {  	s9 =	sshll.u32 @!p0 s9, $0x6;
	[sflag:s3] =	ssyncset.done @p0 $0x0;
	s28 =	rddreg [dreg:$0x8]  }
0xea: {  	[sflag:s3] =	ssyncadd.s32 @p0 $0xFFFFCFE0;
	s3 =	sor.u32 @!p0 $0x1C09, s9;
	s9 =	sshrl.u32 @!p0 s31, $0x3  }
0xeb: {  	[hbm:s28@s26], [sflag:s3] =	dma.strided @!p0 [spmem:s9@s30], $0x30E0, s29, $0x2   }
0xec: {  	s3 =	simm.s32 @!p0 $0x9  }
0xed: {  	_ =	swait.ge @!p0 [sflag:s3], $0x30E0  }
0xee: {  	s28 =	rddreg [dreg:$0x17]  }
0xef: {  	s30 =	rddreg [dreg:$0xa];
	s28 =	sadd.s32 $0x1, s28  }
0xf0: {  	p1 =	sne.s32 s28, s30  }
.Ltmp6:
0xf1: {  	_ = 	snop;
	(pc) =	sbr.rel @p1 .LBB2_1-.Ltmp6, $3  }
0xf2: {  	_ =	sdelay $0x1  }
0xf3: {  	[sflag:s3] =	ssyncset.done @!p0 $0x0  }
0xf4: {  	s26 =	simm.s32 $0xC00;
	[sflag:s3] =	ssyncadd.s32 @!p0 $0xFFFFCF20  }
0xf5: {  	_ =	sfence.sel $0x180000  }
0xf6: {  	[bflag:$0x0] =	sbarrier.arrive $0xFFFF  }
0xf7: {  	_ =	strace $0x90000050  }
0xf8: {  	s0 =	stileid.u32;
	[bflag:$0x2] =	sbarrier.arrive $0xFFFF  }
0xf9: {  	p0 =	sne.s32 s0, $0x0;
	s0 =	rddreg [dreg:$0x2]  }
0xfa: {  	s0 =	sadd.s32 @!p0 $0x100000, s0  }
0xfb: {  	[sflag:s0] =	ssyncadd.tile.s32 @!p0 $0x1;
	_ =	shalt  }
.Lfunc_end2:
_tile_overlayer_lowered:
.L_overlay_start_2:
0xfc: {  	(tag) =	ssettag $0x2  }
0xfd: {  	s0 =	rddreg [dreg:$0x0];
	s2 =	stileid.u32  }
0xfe: {  	s1 =	rddreg [dreg:$0x1];
	p0 =	sne.s32 s2, $0x0  }
0xff: {  	s3 =	rddreg [dreg:$0x2];
	[bflag:$0x3] =	sbarrier.arrive $0xFFFF;
	s2 =	simm.s32 @!p0 $0x1C09  }
0x100: {  	[timem:s3], [sflag:s2] =	dma.local @!p0 [hbm:s0], s1  }
0x101: {  	s0 =	simm.s32 @!p0 $0x9  }
0x102: {  	_ =	swait.ge @!p0 [sflag:s0], s1  }
0x103: {  	s1 =	ssub.s32 @!p0 $0x0, s1;
	[sflag:s0] =	ssyncset.done @!p0 $0x0  }
0x104: {  	[sflag:s0] =	ssyncadd.s32 @!p0 s1  }
0x105: {  	[bflag:$0x3] =	sbarrier.arrive $0xFFFF  }
0x106: {  	_ =	shalt  }

// kernel: kernel.15.cloned.1.call-start
scs
__scs_entry_jumppad:
0x0: {  	(pc) =	sbr.rel $0x88, $3  }
0x1: {  	(tag) =	ssettag $0x0;
	lr =	simm.s32 $0x1  }
0x2: {  	[smem:$0x3F94] =	sst lr;
	_ =	strace $0xD0000000  }
0x3: {  	_ = 	snop  }
0x4: {  	_ = 	snop  }
0x5: {  	_ = 	snop  }
0x6: {  	_ = 	snop  }
0x7: {  	_ = 	snop  }
__scs_overlays_trampoline_lowered:
0x8: {  	[smem:$0x3FA3] =	sst s0  }
0x9: {  	[smem:$0x3FA4] =	sst s1  }
0xa: {  	[smem:$0x3FA5] =	sst s2  }
0xb: {  	[smem:$0x3FA6] =	sst s3  }
0xc: {  	[smem:$0x3FA7] =	sst s4  }
0xd: {  	[smem:$0x3FA8] =	sst s5  }
0xe: {  	[smem:$0x3FA9] =	sst s6  }
0xf: {  	[smem:$0x3FAA] =	sst s7  }
0x10: {  	[smem:$0x3FAB] =	sst s8  }
0x11: {  	[smem:$0x3FAC] =	sst s9;
	s0 =	simm.s32 @!p0 $0x0  }
0x12: {  	s1 =	sld [smem:$0x3F92];
	s0 =	simm.s32 @p0 $0x1  }
0x13: {  	[smem:$0x3FAD] =	sst s0;
	s0 =	simm.s32 @!p1 $0x0  }
0x14: {  	s2 =	sld [smem:$0x3F91];
	s0 =	simm.s32 @p1 $0x1  }
0x15: {  	[smem:$0x3FAE] =	sst s0;
	s0 =	simm.s32 @!p2 $0x0  }
0x16: {  	s3 =	sld [smem:$0x3FDB];
	s0 =	simm.s32 @p2 $0x1  }
0x17: {  	s4 =	simm.s32 $0x1BF5;
	[smem:$0x3FB0] =	sst s0  }
0x18: {  	s0 =	sld [smem:$0x3F93];
	_ =	swait.ge [sflag:s4], $0x0  }
0x19: {  	s7 =	sld [smem:$0x3F94]  }
0x1a: {  	s8 =	sadd.s32 $0xFFFFE003, lr  }
0x1b: {  	s9 =	sadd.s32 $0xFFFFFEF7, lr;
	s5 =	simm.s32 $0xFFFFFFFF;
	p2 =	slt.u32 s8, $0xFFFFF086  }
0x1c: {  	p1 =	slt.u32 s9, $0xF7A;
	s5 =	simm.s32 @!p2 $0x0  }
0x1d: {  	s5 =	simm.s32 @p1 $0x1;
	p0 =	seq.s32 s7, s2  }
0x1e: {  	s7 =	smul.u32 @!p0 $0xF7A, s2;
	p2 =	seq.s32 @!p0 s5, $0x0  }
0x1f: {  	s9 =	smul.u32 $0xF7A, s1;
	s8 =	simm.s32 @!p0 $0x1BF5;
	p2 =	por !p2, p0  }
0x20: {  	[sflag:s8] =	ssyncset.s32 @!p0 $0xFFFFF086;
	s6 =	sadd.s32 @!p0 s3, s7;
	s7 =	simm.s32 @!p0 $0x108  }
0x21: {  	s3 =	sadd.s32 s3, s9;
	s6 =	sadd.s32 @!p0 $0x88, s6;
	s7 =	simm.s32 @p2 $0x1082  }
0x22: {  	[simem:s7], [sflag:s8] =	dma.local @!p0 [hbm:s6], $0xF7A  }
0x23: {  	s9 =	sor.u32 $0xD0000000, s2;
	s6 =	simm.s32 $0x108;
	_ =	swait.ge @!p0 [sflag:s8], $0x0  }
0x24: {  	s3 =	sadd.s32 $0x88, s3;
	s6 =	simm.s32 @!p1 $0x1082;
	[sflag:s4] =	ssyncset.s32 $0xFFFFF086  }
0x25: {  	[simem:s6], [sflag:s4] =	dma.local [hbm:s3], $0xF7A  }
0x26: {  	[smem:$0x3F94] =	sst s1;
	(tag) =	ssettag s2;
	_ =	strace s9  }
0x27: {  	s1 =	sld [smem:$0x3FA4]  }
0x28: {  	s2 =	sld [smem:$0x3FA5]  }
0x29: {  	s4 =	sld [smem:$0x3FA7]  }
0x2a: {  	p0 =	seq.s32 s5, $0x0;
	s5 =	sld [smem:$0x3FA8]  }
0x2b: {  	s6 =	sld [smem:$0x3FA9]  }
0x2c: {  	s7 =	sld [smem:$0x3FAA]  }
0x2d: {  	s3 =	simm.s32 $0x108;
	s8 =	sld [smem:$0x3FAB]  }
0x2e: {  	s3 =	simm.s32 @!p0 $0x1082;
	s9 =	sld [smem:$0x3FAC]  }
0x2f: {  	lr =	sadd.s32 s0, s3;
	s0 =	sld [smem:$0x3FA3]  }
0x30: {  	s3 =	sld [smem:$0x3FA6]  }
0x31: {  	[smem:$0x3FAF] =	sst s10  }
0x32: {  	s10 =	sld [smem:$0x3FAD];
	_ =	sdelay $0x3  }
0x33: {  	p0 =	seq.s32 s10, $0x1;
	s10 =	sld [smem:$0x3FAF];
	_ =	sdelay $0x3  }
0x34: {  	[smem:$0x3FAF] =	sst s10  }
0x35: {  	s10 =	sld [smem:$0x3FAE];
	_ =	sdelay $0x3  }
0x36: {  	p1 =	seq.s32 s10, $0x1;
	s10 =	sld [smem:$0x3FAF];
	_ =	sdelay $0x3  }
0x37: {  	[smem:$0x3FAF] =	sst s10  }
0x38: {  	s10 =	sld [smem:$0x3FB0]  }
0x39: {  	_ = 	snop;
	(pc) =	sbr.ind lr, $3  }
0x3a: {  	_ = 	snop  }
0x3b: {  	_ = 	snop  }
0x3c: {  	p2 =	seq.s32 s10, $0x1;
	s10 =	sld [smem:$0x3FAF]  }
0x3d: {  	_ =	shalt  }
0x3e: {  	_ =	shalt  }
0x3f: {  	_ =	shalt  }
0x40: {  	_ =	shalt  }
0x41: {  	_ =	shalt  }
0x42: {  	_ =	shalt  }
0x43: {  	_ =	shalt  }
0x44: {  	_ =	shalt  }
0x45: {  	_ =	shalt  }
0x46: {  	_ =	shalt  }
0x47: {  	_ =	shalt  }
0x48: {  	_ =	shalt  }
0x49: {  	_ =	shalt  }
0x4a: {  	_ =	shalt  }
0x4b: {  	_ =	shalt  }
0x4c: {  	_ =	shalt  }
0x4d: {  	_ =	shalt  }
0x4e: {  	_ =	shalt  }
0x4f: {  	_ =	shalt  }
0x50: {  	_ =	shalt  }
0x51: {  	_ =	shalt  }
0x52: {  	_ =	shalt  }
0x53: {  	_ =	shalt  }
0x54: {  	_ =	shalt  }
0x55: {  	_ =	shalt  }
0x56: {  	_ =	shalt  }
0x57: {  	_ =	shalt  }
0x58: {  	_ =	shalt  }
0x59: {  	_ =	shalt  }
0x5a: {  	_ =	shalt  }
0x5b: {  	_ =	shalt  }
0x5c: {  	_ =	shalt  }
0x5d: {  	_ =	shalt  }
0x5e: {  	_ =	shalt  }
0x5f: {  	_ =	shalt  }
0x60: {  	_ =	shalt  }
0x61: {  	_ =	shalt  }
0x62: {  	_ =	shalt  }
0x63: {  	_ =	shalt  }
0x64: {  	_ =	shalt  }
0x65: {  	_ =	shalt  }
0x66: {  	_ =	shalt  }
0x67: {  	_ =	shalt  }
0x68: {  	_ =	shalt  }
0x69: {  	_ =	shalt  }
0x6a: {  	_ =	shalt  }
0x6b: {  	_ =	shalt  }
0x6c: {  	_ =	shalt  }
0x6d: {  	_ =	shalt  }
0x6e: {  	_ =	shalt  }
0x6f: {  	_ =	shalt  }
0x70: {  	_ =	shalt  }
0x71: {  	_ =	shalt  }
0x72: {  	_ =	shalt  }
0x73: {  	_ =	shalt  }
0x74: {  	_ =	shalt  }
0x75: {  	_ =	shalt  }
0x76: {  	_ =	shalt  }
0x77: {  	_ =	shalt  }
0x78: {  	_ =	shalt  }
0x79: {  	_ =	shalt  }
0x7a: {  	_ =	shalt  }
0x7b: {  	_ =	shalt  }
0x7c: {  	_ =	shalt  }
0x7d: {  	_ =	shalt  }
0x7e: {  	_ =	shalt  }
0x7f: {  	_ =	shalt  }
0x80: {  	_ =	shalt  }
0x81: {  	_ =	shalt  }
0x82: {  	_ =	shalt  }
0x83: {  	_ =	shalt  }
0x84: {  	_ =	shalt  }
0x85: {  	_ =	shalt  }
0x86: {  	_ =	shalt  }
0x87: {  	_ =	shalt  }
.Lfunc_end0:
.L_simem_size_0:
called_computation.7_lowered:
.L_overlay_start_0:
0x88: {  	s2 =	sld [smem:$0x3FD9]  }
0x89: {  	s3 =	sld [smem:$0x3FFE];
	_ =	sdelay $0x1  }
0x8a: {  	s1 =	srdreg.scid  }
0x8b: {  	s0 =	sand.u32 $0x1, s1  }
0x8c: {  	s17 =	sshll.u32 s0, $0xA;
	s2 =	sadd.s32 s3, s2  }
0x8d: {  	s2 =	sadd.s32 s2, s17  }
0x8e: {  	[smem:$0x3FBB] =	sst s2  }
0x8f: {  	_ = 	snop  }
0x90: {  	(tm) =	ssettm $0x1  }
0x91: {  	s18 =	sld [smem:$0x3FFB];
	_ =	sdelay $0x3  }
0x92: {  	_ =	strace s18  }
0x93: {  	s2 =	sld [smem:$0x3FFC];
	_ =	sdelay $0x3  }
0x94: {  	_ =	strace s2  }
0x95: {  	s2 =	sld [smem:$0x3FFD];
	_ =	sdelay $0x3  }
0x96: {  	_ =	strace s2  }
0x97: {  	_ =	strace $0x8FFFFFFF  }
0x98: {  	s19 =	sld [smem:$0x3FDB];
	_ =	sdelay $0x1  }
0x99: {  	s20 =	simm.s32 $_scs_section_size  }
0x9a: {  	s4 =	simm.s32 $_size__tile_overlayer_lowered;
	s5 =	simm.s32 $_tile_overlayer_lowered  }
0x9b: {  	s6 =	simm.s32 $0x1BFF;
	s21 =	sshll.u32 s5, $0x1;
	s3 =	sadd.s32 s20, s19  }
0x9c: {  	s22 =	simm.s32 $0x0;
	s4 =	sshll.u32 s4, $0x1;
	s5 =	sadd.s32 s21, s3  }
0x9d: {  	[timem:s22], [sflag:s6] =	dma.local [hbm:s5], s4  }
0x9e: {  	_ =	swait.ge [sflag:s6], s4  }
0x9f: {  	s4 =	ssub.s32 $0x0, s4;
	[sflag:s6] =	ssyncset.done $0x0  }
0xa0: {  	[sflag:s6] =	ssyncadd.s32 s4;
	_ =	sdelay $0x1  }
0xa1: {  	s23 =	simm.s32 $0x1B8B  }
0xa2: {  	_ =	swait.ge [sflag:s23], $0x1  }
0xa3: {  	[sflag:s23] =	ssyncset.done $0x0  }
0xa4: {  	[sflag:s23] =	ssyncadd.s32 $0xFFFFFFFF  }
0xa5: {  	s4 =	sld [smem:$0x0]  }
0xa6: {  	s5 =	sand.u32 $0xFFFFFFFE, s1  }
0xa7: {  	p0 =	sne.s32 s1, s5  }
0xa8: {  	s5 =	sshll.u32 @p0 s5, $0xE  }
0xa9: {  	s5 =	sadd.s32 @p0 $0x11B8D, s5;
	s6 =	sshll.u32 @p0 s4, $0x11  }
0xaa: {  	s5 =	sor.u32 @p0 s6, s5  }
0xab: {  	[sflag:s5] =	ssyncadd.remote.s32 @p0 $0x1;
	_ =	sdelay $0x1  }
0xac: {  	s5 =	simm.s32 @p0 $0x1B8D  }
0xad: {  	_ =	swait.eq @p0 [sflag:s5], $0x1  }
0xae: {  	[sflag:s5] =	ssyncadd.s32 @p0 $0xFFFFFFFF  }
0xaf: {  	s6 =	sshll.u32 @!p0 s1, $0xE  }
0xb0: {  	s6 =	sor.u32 @!p0 $0x4000, s6;
	s5 =	simm.s32 @!p0 $0x1B8D  }
0xb1: {  	s4 =	sshll.u32 @!p0 s4, $0x11;
	s6 =	sadd.s32 @!p0 $0x11B8D, s6;
	_ =	swait.eq @!p0 [sflag:s5], $0x1  }
0xb2: {  	s4 =	sor.u32 @!p0 s4, s6;
	[sflag:s5] =	ssyncadd.s32 @!p0 $0xFFFFFFFF  }
0xb3: {  	s25 =	simm.s32 $0x1B8E;
	s24 =	sld [smem:$0x3FFE];
	[sflag:s4] =	ssyncadd.remote.s32 @!p0 $0x1  }
0xb4: {  	s26 =	simm.s32 $execute0_lowered;
	[smem:$0x3FD2] =	sst s25  }
0xb5: {  	s5 =	sshll.u32 s26, $0x1;
	_ =	strace $0x8000004C;
	[dreg:$0x1] =	wrdreg $0xFFFFFFFF  }
0xb6: {  	s28 =	simm.s32 $_size_execute0_lowered;
	s3 =	sadd.s32 s3, s5;
	[dreg:$0x0] =	wrdreg $0x0  }
0xb7: {  	s5 =	sshll.u32 s28, $0x1;
	[dreg:$0x2] =	wrdreg s3  }
0xb8: {  	[dreg:$0x3] =	wrdreg s5  }
0xb9: {  	[dreg:$0x4] =	wrdreg $0xC0  }
0xba: {  	_ =	task [dreg:s22], $0x5FFFF  }
0xbb: {  	[dreg:$0x1] =	wrdreg $0xFFFFFFFF  }
0xbc: {  	[dreg:$0x0] =	wrdreg $0x60  }
0xbd: {  	[dreg:$0x2] =	wrdreg s24  }
0xbe: {  	[dreg:$0x3] =	wrdreg $0x54000  }
0xbf: {  	[dreg:$0x4] =	wrdreg $0xA  }
0xc0: {  	_ =	task.clear_ibuf [dreg:s22], $0x5FFFF;
	_ =	strace $0x9000004C  }
0xc1: {  	s29 =	simm.s32 $0xA;
	_ =	strace $0x8000004E  }
0xc2: {  	_ =	swait.ge [sflag:s29], $0x1  }
0xc3: {  	[sflag:s29] =	ssyncadd.s32 $0xFFFFFFFF  }
0xc4: {  	_ =	strace $0x9000004E  }
0xc5: {  	_ =	sfence  }
0xc6: {  	s30 =	sld [smem:$0x0];
	_ =	sdelay $0x2  }
0xc7: {  	s31 =	sshll.u32 s1, $0xD;
	s1 =	sshrl.u32 s1, $0x2  }
0xc8: {  	s4 =	sand.u32 $0x4000, s31;
	s1 =	sadd.s32 s1, s30  }
0xc9: {  	s0 =	sor.u32 s4, s0;
	s1 =	sshll.u32 s1, $0x11  }
0xca: {  	s0 =	sor.u32 s1, s0  }
0xcb: {  	s0 =	sadd.s32 $0x8F2B, s0  }
0xcc: {  	[sflag:s0] =	ssyncadd.remote.s32 $0x1  }
0xcd: {  	_ =	sfence.sel $0xFFFF  }
0xce: {  	[dreg:$0x0] =	wrdreg $0xFFFFFFFF;
	(pc) =	sbr.abs _section_cstart, $3  }
0xcf: {  	[dreg:$0x1] =	wrdreg $0xFFFFFFFF  }
0xd0: {  	_ =	task.clear_ibuf [dreg:s22], $0x2FFFF;
	_ =	strace $0x9FFFFFFF  }
0xd1: {  	(tm) =	ssettm $0x7FFFFFFF  }
tec
execute0_lowered:
.L_overlay_start_1:
0x0: {  	(tag) =	ssettag $0x1  }
0x1: {  	s0 =	rddreg [dreg:$0x0]  }
0x2: {  	s2 =	rddreg [dreg:$0x1]  }
0x3: {  	s1 =	simm.s32 $0x0;
	s3 =	stileid.u32;
	s26 =	srdreg.scid  }
0x4: {  	[smem:$0x7FF] =	sst s1;
	s6 =	smul.u32 $0x19000, s3;
	s4 =	sadd.s32 $0x25B000, s0  }
0x5: {  	s5 =	sadd.s32 $0x320E00, s0;
	s9 =	sand.u32 $0x1, s26;
	s8 =	smul.u32 $0x61C00, s3  }
0x6: {  	s0 =	sadd.s32 $0x6EEE00, s0;
	s14 =	sshll.u32 s9, $0x1;
	s7 =	sshrl.u32 s6, $0x3  }
0x7: {  	s29 =	sshrl.u32 s8, $0x2;
	s8 =	sadd.s32 s14, s0;
	s11 =	sadd.s32 s4, s7  }
0x8: {  	_ =	strace $0x8000004D;
	s15 =	sadd.s32 $0x5BA40, s8;
	[dreg:$0x3] =	wrdreg s11  }
0x9: {  	s31 =	sadd.s32 s29, s2;
	[dreg:$0x9] =	wrdreg s15  }
0xa: {  	s1 =	ssub.s32 $0x2, s9;
	s7 =	sadd.s32 $0x40, s11;
	[dreg:$0x6] =	wrdreg s31  }
0xb: {  	s10 =	sshrl.u32 s1, $0x1;
	s30 =	sadd.s32 $0x80, s11;
	[dreg:$0x4] =	wrdreg s7  }
0xc: {  	s1 =	ssub.s32 s1, s10;
	s12 =	sadd.s32 $0x18000, s31;
	[dreg:$0x5] =	wrdreg s30  }
0xd: {  	s1 =	smax.u32 s1, $0x1;
	[dreg:$0x7] =	wrdreg s12  }
0xe: {  	s28 =	simm.s32 $0x0;
	s16 =	sadd.s32 $0x2000, s31;
	[dreg:$0xa] =	wrdreg s1  }
0xf: {  	p0 =	seq.s32 s3, $0xF;
	s17 =	sadd.s32 $0x4000, s31;
	[dreg:$0xb] =	wrdreg s16  }
0x10: {  	s13 =	sshll.u32 s9, $0x4;
	s18 =	sadd.s32 $0x6000, s31;
	[dreg:$0xc] =	wrdreg s17  }
0x11: {  	s14 =	sor.u32 $0xC00, s6;
	s19 =	sadd.s32 $0x8000, s31;
	[dreg:$0xd] =	wrdreg s18  }
0x12: {  	s10 =	smul.u32 $0x30E00, s3;
	s20 =	sadd.s32 $0xA000, s31;
	[dreg:$0xe] =	wrdreg s19  }
0x13: {  	s8 =	simm.s32 $0x800;
	s22 =	sadd.s32 $0xC000, s31;
	[dreg:$0xf] =	wrdreg s20  }
0x14: {  	s11 =	sor.u32 $0x600, s6;
	s24 =	sadd.s32 $0xE000, s31;
	[dreg:$0x11] =	wrdreg s22  }
0x15: {  	s25 =	sadd.s32 $0x10000, s31;
	s26 =	sadd.s32 $0x12000, s31;
	[dreg:$0x12] =	wrdreg s24  }
0x16: {  	s29 =	sadd.s32 $0x14000, s31;
	s15 =	simm.s32 $0x9;
	[dreg:$0x13] =	wrdreg s25  }
0x17: {  	s12 =	sor.u32 $0x800, s6;
	s7 =	sor.u32 s13, s10;
	[dreg:$0x14] =	wrdreg s26  }
0x18: {  	s13 =	sor.u32 $0xA00, s6;
	s21 =	sshrl.u32 s11, $0x3;
	[dreg:$0x15] =	wrdreg s29  }
0x19: {  	s30 =	sadd.s32 $0x16000, s31;
	s1 =	simm.s32 $0x190600;
	s10 =	simm.s32 $0x1400  }
0x1a: {  	s16 =	simm.s32 $0x1;
	s17 =	simm.s32 $0x3400;
	s18 =	simm.s32 $0x5  }
0x1b: {  	s19 =	simm.s32 $0x1000;
	s20 =	simm.s32 $0x3;
	s6 =	simm.s32 $0x7  }
0x1c: {  	s22 =	simm.s32 $0x1200;
	s24 =	simm.s32 $0x4;
	s7 =	sshrl.u32 s7, $0x3  }
0x1d: {  	s25 =	simm.s32 $0x8;
	s26 =	simm.s32 $0xC00;
	s0 =	sadd.s32 s0, s7  }
0x1e: {  	s23 =	sadd.s32 s4, s21;
	[dreg:$0x8] =	wrdreg s0;
	s0 =	sadd.s32 $0x16E900, s2  }
0x1f: {  	[dreg:$0x16] =	wrdreg s30;
	s21 =	simm.s32 $0x6;
	s0 =	sshrl.u32 @p0 s0, $0x3  }
0x20: {  	v1 =	vimm.f32 $0.0e+00;
	v0 =	vmov s9;
	s7 =	simm.s32 $0x400;
	[dreg:$0x10] =	wrdreg s0;
	s0 =	simm.s32 $0x200  }
.LBB2_1:
0x21: {  	[dreg:$0x17] =	wrdreg s28  }
0x22: {  	s3 =	simm.s32 $0x0;
	s9 =	rddreg [dreg:$0x3]  }
0x23: {  	[tilespmem:s3], [sflag:$0x1] =	stream.strided.gather [hbm4b:s9+s0], $0x400, s1, s0, $0x38;
	[tilespmem:$0x1DB00] =	vst v63  }
0x24: {  	s29 =	rddreg [dreg:$0x4]  }
0x25: {  	[tilespmem:s7], [sflag:$0x2] =	stream.strided.gather [hbm4b:s29+s0], $0x400, s1, s0, $0x38;
	[tilespmem:$0x1DB00] =	vst v63  }
0x26: {  	s30 =	rddreg [dreg:$0x5];
	s28 =	simm.s32 $0x0;
	s9 =	simm.s32 $0x40  }
0x27: {  	[tilespmem:s8], [sflag:$0x3] =	stream.strided.gather [hbm4b:s30+s0], $0x400, s1, s0, $0x38;
	[tilespmem:$0x1DB00] =	vst v63  }
.LBB2_2:
0x28: {  	p1 =	sne.s32 s9, $0x7FC0;
	[tilespmem:s28+$0x1400] =	vst v1;
	s28 =	smov.u32 s9;
	s9 =	sadd.s32 $0x40, s9  }
.Ltmp0:
0x29: {  	(pc) =	sbr.rel @p1 .LBB2_2-.Ltmp0, $2  }
0x2a: {  	_ =	sdelay $0x2  }
0x2b: {  	s28 =	sshra.s32 s28, $0x2  }
0x2c: {  	[tilespmem:s28+$0x1400] =	vst v1  }
0x2d: {  	[spmem:s31] =	stream.linear.scatter [tilespmem:s10], [sflag:$0x9], $0x2000, $0x38;
	[tilespmem:$0x1DB00] =	vst v63  }
0x2e: {  	_ =	swait.ge [sflag:s15], $0x2000  }
0x2f: {  	[sflag:s15] =	ssyncset.done $0x0  }
0x30: {  	s3 =	rddreg [dreg:$0xb];
	[sflag:s15] =	ssyncadd.s32 $0xFFFFE000  }
0x31: {  	[spmem:s3] =	stream.linear.scatter [tilespmem:s10], [sflag:$0x9], $0x2000, $0x38;
	[tilespmem:$0x1DB00] =	vst v63  }
0x32: {  	_ =	swait.ge [sflag:s15], $0x2000  }
0x33: {  	[sflag:s15] =	ssyncset.done $0x0  }
0x34: {  	s28 =	rddreg [dreg:$0xc];
	[sflag:s15] =	ssyncadd.s32 $0xFFFFE000  }
0x35: {  	[spmem:s28] =	stream.linear.scatter [tilespmem:s10], [sflag:$0x9], $0x2000, $0x38;
	[tilespmem:$0x1DB00] =	vst v63  }
0x36: {  	_ =	swait.ge [sflag:s15], $0x2000  }
0x37: {  	[sflag:s15] =	ssyncset.done $0x0  }
0x38: {  	s29 =	rddreg [dreg:$0xd];
	[sflag:s15] =	ssyncadd.s32 $0xFFFFE000  }
0x39: {  	[spmem:s29] =	stream.linear.scatter [tilespmem:s10], [sflag:$0x9], $0x2000, $0x38;
	[tilespmem:$0x1DB00] =	vst v63  }
0x3a: {  	_ =	swait.ge [sflag:s15], $0x2000  }
0x3b: {  	[sflag:s15] =	ssyncset.done $0x0  }
0x3c: {  	s31 =	rddreg [dreg:$0xe];
	[sflag:s15] =	ssyncadd.s32 $0xFFFFE000  }
0x3d: {  	[spmem:s31] =	stream.linear.scatter [tilespmem:s10], [sflag:$0x9], $0x2000, $0x38;
	[tilespmem:$0x1DB00] =	vst v63  }
0x3e: {  	_ =	swait.ge [sflag:s15], $0x2000  }
0x3f: {  	[sflag:s15] =	ssyncset.done $0x0  }
0x40: {  	s9 =	rddreg [dreg:$0xf];
	[sflag:s15] =	ssyncadd.s32 $0xFFFFE000  }
0x41: {  	[spmem:s9] =	stream.linear.scatter [tilespmem:s10], [sflag:$0x9], $0x2000, $0x38;
	[tilespmem:$0x1DB00] =	vst v63  }
0x42: {  	_ =	swait.ge [sflag:s15], $0x2000  }
0x43: {  	[sflag:s15] =	ssyncset.done $0x0  }
0x44: {  	s28 =	rddreg [dreg:$0x11];
	[sflag:s15] =	ssyncadd.s32 $0xFFFFE000  }
0x45: {  	[spmem:s28] =	stream.linear.scatter [tilespmem:s10], [sflag:$0x9], $0x2000, $0x38;
	[tilespmem:$0x1DB00] =	vst v63  }
0x46: {  	_ =	swait.ge [sflag:s15], $0x2000  }
0x47: {  	[sflag:s15] =	ssyncset.done $0x0  }
0x48: {  	s29 =	rddreg [dreg:$0x12];
	[sflag:s15] =	ssyncadd.s32 $0xFFFFE000  }
0x49: {  	[spmem:s29] =	stream.linear.scatter [tilespmem:s10], [sflag:$0x9], $0x2000, $0x38;
	[tilespmem:$0x1DB00] =	vst v63  }
0x4a: {  	_ =	swait.ge [sflag:s15], $0x2000  }
0x4b: {  	[sflag:s15] =	ssyncset.done $0x0  }
0x4c: {  	s31 =	rddreg [dreg:$0x13];
	[sflag:s15] =	ssyncadd.s32 $0xFFFFE000  }
0x4d: {  	[spmem:s31] =	stream.linear.scatter [tilespmem:s10], [sflag:$0x9], $0x2000, $0x38;
	[tilespmem:$0x1DB00] =	vst v63  }
0x4e: {  	_ =	swait.ge [sflag:s15], $0x2000  }
0x4f: {  	[sflag:s15] =	ssyncset.done $0x0  }
0x50: {  	s9 =	rddreg [dreg:$0x14];
	[sflag:s15] =	ssyncadd.s32 $0xFFFFE000  }
0x51: {  	[spmem:s9] =	stream.linear.scatter [tilespmem:s10], [sflag:$0x9], $0x2000, $0x38;
	[tilespmem:$0x1DB00] =	vst v63  }
0x52: {  	_ =	swait.ge [sflag:s15], $0x2000  }
0x53: {  	[sflag:s15] =	ssyncset.done $0x0  }
0x54: {  	s28 =	rddreg [dreg:$0x15];
	[sflag:s15] =	ssyncadd.s32 $0xFFFFE000  }
0x55: {  	[spmem:s28] =	stream.linear.scatter [tilespmem:s10], [sflag:$0x9], $0x2000, $0x38;
	[tilespmem:$0x1DB00] =	vst v63  }
0x56: {  	_ =	swait.ge [sflag:s15], $0x2000  }
0x57: {  	[sflag:s15] =	ssyncset.done $0x0  }
0x58: {  	s29 =	rddreg [dreg:$0x16];
	[sflag:s15] =	ssyncadd.s32 $0xFFFFE000  }
0x59: {  	[spmem:s29] =	stream.linear.scatter [tilespmem:s10], [sflag:$0x9], $0x2000, $0x38;
	[tilespmem:$0x1DB00] =	vst v63  }
0x5a: {  	_ =	swait.ge [sflag:s15], $0x2000  }
0x5b: {  	[sflag:s15] =	ssyncset.done $0x0  }
0x5c: {  	s31 =	rddreg [dreg:$0x7];
	[sflag:s15] =	ssyncadd.s32 $0xFFFFE000  }
0x5d: {  	[spmem:s31] =	stream.linear.scatter [tilespmem:s10], [sflag:$0x9], $0x700, $0x38;
	[tilespmem:$0x1DB00] =	vst v63  }
0x5e: {  	_ =	swait.ge [sflag:s15], $0x700  }
0x5f: {  	[sflag:s15] =	ssyncset.done $0x0  }
0x60: {  	[sflag:s15] =	ssyncadd.s32 $0xFFFFF900  }
0x61: {  	s30 =	simm.s32 $0x0;
	[bflag:$0x0] =	sbarrier.arrive $0xFFFF  }
.LBB2_4:
0x62: {  	_ =	swait.ge [sflag:s16], $0x400  }
0x63: {  	p1 =	seq.s32 s30, $0x0;
	[sflag:s16] =	ssyncset.done $0x0  }
0x64: {  	s9 =	simm.s32 @!p1 $0x7;
	[sflag:s16] =	ssyncadd.s32 $0xFFFFFC00  }
0x65: {  	_ =	swait.ge @!p1 [sflag:s9], $0x2000  }
0x66: {  	s31 =	sshll.u32 s30, $0xB;
	[sflag:s9] =	ssyncset.done @!p1 $0x0  }
0x67: {  	s28 =	simm.s32 $0x0;
	[sflag:s9] =	ssyncadd.s32 @!p1 $0xFFFFE000;
	s9 =	simm.s32 $0x40  }
.LBB2_5:
0x68: {  	p2 =	sne.s32 s9, $0x7C0;
	v2 =	vld [tilespmem:s28+$0x0]  }
0x69: {  	v3 =	vld [tilespmem:s28+$0x200];
	_ =	sdelay $0x1  }
.Ltmp1:
0x6a: {  	(pc) =	sbr.rel @p2 .LBB2_5-.Ltmp1, $4  }
0x6b: {  	_ = 	snop  }
0x6c: {  	v2 =	vshll.u32 v2, $0x1  }
0x6d: {  	v2 =	vor.u32 v0, v2;
	[tilespmem:s28+$0x1000] =	vst v3  }
0x6e: {  	[tilespmem:s28+$0x0] =	vst v2;
	s28 =	sshra.s32 s9, $0x2;
	s9 =	sadd.s32 $0x40, s9  }
0x6f: {  	v2 =	vld [tilespmem:s28+$0x0]  }
0x70: {  	v3 =	vld [tilespmem:s28+$0x200];
	_ =	sdelay $0x3  }
0x71: {  	v2 =	vshll.u32 v2, $0x1  }
0x72: {  	[tilespmem:s28+$0x1000] =	vst v3;
	v2 =	vor.u32 v0, v2  }
0x73: {  	s3 =	simm.s32 $0x0;
	[tilespmem:s28+$0x0] =	vst v2  }
0x74: {  	[tilespmem:s10], [sflag:$0x5] =	stream.indirect.gather [hbm4b:s5+s0], $0x10, s3, s0, $0xb8;
	[tilespmem:$0x1DB00] =	vst v63  }
0x75: {  	s9 =	simm.s32 @p1 $0x200;
	s29 =	simm.s32 @p1 $0xC00;
	s28 =	simm.s32 @p1 $0x190600  }
0x76: {  	[tilespmem:s29], [sflag:$0x4] =	stream.strided.gather @p1 [hbm4b:s23+s9], $0x400, s28, s9, $0x38;
	[tilespmem:$0x1DB00] =	vst v63  }
0x77: {  	s9 =	simm.s32 @p1 $0x2  }
0x78: {  	_ =	swait.ge @p1 [sflag:s9], $0x400  }
0x79: {  	[sflag:s9] =	ssyncset.done @p1 $0x0  }
0x7a: {  	[sflag:s9] =	ssyncadd.s32 @p1 $0xFFFFFC00;
	s9 =	simm.s32 @!p1 $0x6  }
0x7b: {  	_ =	swait.ge @!p1 [sflag:s9], $0x2000  }
0x7c: {  	s28 =	simm.s32 @!p1 $0x1200;
	[sflag:s9] =	ssyncset.done @!p1 $0x0  }
0x7d: {  	s29 =	simm.s32 @!p1 $0x3400;
	[sflag:s9] =	ssyncadd.s32 @!p1 $0xFFFFE000;
	s9 =	simm.s32 @!p1 $0x200  }
0x7e: {  	[spmem:s2] =	stream.indirect.scatter.add.f32 @!p1 [tilespmem:s29], [sflag:$0x8], $0x10, s28, s9, $0xb8;
	[tilespmem:$0x1DB00] =	vst v63  }
0x7f: {  	s28 =	sadd.s32 @!p1 s31, s11  }
0x80: {  	s28 =	sshrl.u32 @!p1 s28, $0x3  }
0x81: {  	s3 =	simm.s32 @!p1 $0xC00;
	s29 =	simm.s32 @!p1 $0x190600;
	s28 =	sadd.s32 @!p1 s4, s28  }
0x82: {  	[tilespmem:s3], [sflag:$0x4] =	stream.strided.gather @!p1 [hbm4b:s28+s9], $0x400, s29, s9, $0x38;
	[tilespmem:$0x1DB00] =	vst v63  }
0x83: {  	s3 =	simm.s32 @!p1 $0x2  }
0x84: {  	_ =	swait.ge @!p1 [sflag:s3], $0x400  }
0x85: {  	[sflag:s3] =	ssyncset.done @!p1 $0x0  }
0x86: {  	[sflag:s3] =	ssyncadd.s32 @!p1 $0xFFFFFC00;
	s3 =	simm.s32 @!p1 $0x8  }
0x87: {  	_ =	swait.ge @!p1 [sflag:s3], $0x2000  }
0x88: {  	[sflag:s3] =	ssyncset.done @!p1 $0x0  }
0x89: {  	s28 =	simm.s32 $0x0;
	s9 =	simm.s32 $0x40;
	[sflag:s3] =	ssyncadd.s32 @!p1 $0xFFFFE000  }
.LBB2_7:
0x8a: {  	p1 =	sne.s32 s9, $0x7C0;
	v2 =	vld [tilespmem:s28+$0x400]  }
0x8b: {  	v3 =	vld [tilespmem:s28+$0x600];
	_ =	sdelay $0x1  }
.Ltmp2:
0x8c: {  	(pc) =	sbr.rel @p1 .LBB2_7-.Ltmp2, $4  }
0x8d: {  	_ = 	snop  }
0x8e: {  	v2 =	vshll.u32 v2, $0x1  }
0x8f: {  	v2 =	vor.u32 v0, v2;
	[tilespmem:s28+$0x1200] =	vst v3  }
0x90: {  	[tilespmem:s28+$0x400] =	vst v2;
	s28 =	sshra.s32 s9, $0x2;
	s9 =	sadd.s32 $0x40, s9  }
0x91: {  	v2 =	vld [tilespmem:s28+$0x400]  }
0x92: {  	v3 =	vld [tilespmem:s28+$0x600];
	_ =	sdelay $0x3  }
0x93: {  	v2 =	vshll.u32 v2, $0x1  }
0x94: {  	[tilespmem:s28+$0x1200] =	vst v3;
	v2 =	vor.u32 v0, v2  }
0x95: {  	[tilespmem:s28+$0x400] =	vst v2  }
0x96: {  	[tilespmem:s17], [sflag:$0x6] =	stream.indirect.gather [hbm4b:s5+s0], $0x10, s7, s0, $0xb8;
	[tilespmem:$0x1DB00] =	vst v63  }
0x97: {  	_ =	swait.ge [sflag:s18], $0x2000  }
0x98: {  	s3 =	sadd.s32 s31, s12;
	[sflag:s18] =	ssyncset.done $0x0  }
0x99: {  	s3 =	sshrl.u32 s3, $0x3;
	[sflag:s18] =	ssyncadd.s32 $0xFFFFE000  }
0x9a: {  	[spmem:s2] =	stream.indirect.scatter.add.f32 [tilespmem:s10], [sflag:$0x7], $0x10, s19, s0, $0xb8;
	[tilespmem:$0x1DB00] =	vst v63  }
0x9b: {  	s9 =	simm.s32 $0x0;
	s3 =	sadd.s32 s4, s3  }
0x9c: {  	[tilespmem:s9], [sflag:$0x1] =	stream.strided.gather [hbm4b:s3+s0], $0x400, s1, s0, $0x38;
	[tilespmem:$0x1DB00] =	vst v63  }
0x9d: {  	_ =	swait.ge [sflag:s20], $0x400  }
0x9e: {  	[sflag:s20] =	ssyncset.done $0x0  }
0x9f: {  	[sflag:s20] =	ssyncadd.s32 $0xFFFFFC00  }
0xa0: {  	_ =	swait.ge [sflag:s6], $0x2000  }
0xa1: {  	[sflag:s6] =	ssyncset.done $0x0  }
0xa2: {  	s28 =	simm.s32 $0x0;
	s9 =	simm.s32 $0x40;
	[sflag:s6] =	ssyncadd.s32 $0xFFFFE000  }
.LBB2_9:
0xa3: {  	p1 =	sne.s32 s9, $0x7C0;
	v2 =	vld [tilespmem:s28+$0x800]  }
0xa4: {  	v3 =	vld [tilespmem:s28+$0xA00];
	_ =	sdelay $0x1  }
.Ltmp3:
0xa5: {  	(pc) =	sbr.rel @p1 .LBB2_9-.Ltmp3, $4  }
0xa6: {  	_ = 	snop  }
0xa7: {  	v2 =	vshll.u32 v2, $0x1  }
0xa8: {  	v2 =	vor.u32 v0, v2;
	[tilespmem:s28+$0x1000] =	vst v3  }
0xa9: {  	[tilespmem:s28+$0x800] =	vst v2;
	s28 =	sshra.s32 s9, $0x2;
	s9 =	sadd.s32 $0x40, s9  }
0xaa: {  	v2 =	vld [tilespmem:s28+$0x800]  }
0xab: {  	v3 =	vld [tilespmem:s28+$0xA00];
	_ =	sdelay $0x3  }
0xac: {  	v2 =	vshll.u32 v2, $0x1  }
0xad: {  	[tilespmem:s28+$0x1000] =	vst v3;
	v2 =	vor.u32 v0, v2  }
0xae: {  	[tilespmem:s28+$0x800] =	vst v2  }
0xaf: {  	[tilespmem:s10], [sflag:$0x5] =	stream.indirect.gather [hbm4b:s5+s0], $0x10, s8, s0, $0xb8;
	[tilespmem:$0x1DB00] =	vst v63  }
0xb0: {  	_ =	swait.ge [sflag:s21], $0x2000  }
0xb1: {  	s3 =	sadd.s32 s31, s13;
	[sflag:s21] =	ssyncset.done $0x0  }
0xb2: {  	s3 =	sshrl.u32 s3, $0x3;
	[sflag:s21] =	ssyncadd.s32 $0xFFFFE000  }
0xb3: {  	[spmem:s2] =	stream.indirect.scatter.add.f32 [tilespmem:s17], [sflag:$0x8], $0x10, s22, s0, $0xb8;
	[tilespmem:$0x1DB00] =	vst v63  }
0xb4: {  	s3 =	sadd.s32 s4, s3  }
0xb5: {  	[tilespmem:s7], [sflag:$0x2] =	stream.strided.gather [hbm4b:s3+s0], $0x400, s1, s0, $0x38;
	[tilespmem:$0x1DB00] =	vst v63  }
0xb6: {  	_ =	swait.ge [sflag:s24], $0x400  }
0xb7: {  	[sflag:s24] =	ssyncset.done $0x0  }
0xb8: {  	[sflag:s24] =	ssyncadd.s32 $0xFFFFFC00  }
0xb9: {  	_ =	swait.ge [sflag:s25], $0x2000  }
0xba: {  	[sflag:s25] =	ssyncset.done $0x0  }
0xbb: {  	s9 =	simm.s32 $0x40;
	s28 =	simm.s32 $0x0;
	[sflag:s25] =	ssyncadd.s32 $0xFFFFE000  }
.LBB2_11:
0xbc: {  	p1 =	sne.s32 s9, $0x7C0;
	v2 =	vld [tilespmem:s28+$0xC00]  }
0xbd: {  	v3 =	vld [tilespmem:s28+$0xE00];
	_ =	sdelay $0x1  }
.Ltmp4:
0xbe: {  	(pc) =	sbr.rel @p1 .LBB2_11-.Ltmp4, $4  }
0xbf: {  	_ = 	snop  }
0xc0: {  	v2 =	vshll.u32 v2, $0x1  }
0xc1: {  	v2 =	vor.u32 v0, v2;
	[tilespmem:s28+$0x1200] =	vst v3  }
0xc2: {  	[tilespmem:s28+$0xC00] =	vst v2;
	s28 =	sshra.s32 s9, $0x2;
	s9 =	sadd.s32 $0x40, s9  }
0xc3: {  	v2 =	vld [tilespmem:s28+$0xC00]  }
0xc4: {  	v3 =	vld [tilespmem:s28+$0xE00];
	_ =	sdelay $0x3  }
0xc5: {  	v2 =	vshll.u32 v2, $0x1  }
0xc6: {  	[tilespmem:s28+$0x1200] =	vst v3;
	v2 =	vor.u32 v0, v2  }
0xc7: {  	s30 =	sadd.s32 $0x1, s30;
	[tilespmem:s28+$0xC00] =	vst v2  }
0xc8: {  	[tilespmem:s17], [sflag:$0x6] =	stream.indirect.gather [hbm4b:s5+s0], $0x10, s26, s0, $0xb8;
	[tilespmem:$0x1DB00] =	vst v63  }
0xc9: {  	p1 =	sne.s32 s30, $0x32;
	_ =	swait.ge [sflag:s18], $0x2000  }
.Ltmp5:
0xca: {  	s3 =	sadd.s32 s31, s14;
	[sflag:s18] =	ssyncset.done $0x0;
	(pc) =	sbr.rel @p1 .LBB2_4-.Ltmp5, $4  }
0xcb: {  	s3 =	sshrl.u32 s3, $0x3;
	[sflag:s18] =	ssyncadd.s32 $0xFFFFE000  }
0xcc: {  	[spmem:s2] =	stream.indirect.scatter.add.f32 [tilespmem:s10], [sflag:$0x7], $0x10, s19, s0, $0xb8;
	[tilespmem:$0x1DB00] =	vst v63  }
0xcd: {  	s3 =	sadd.s32 s4, s3  }
0xce: {  	[tilespmem:s8], [sflag:$0x3] =	stream.strided.gather [hbm4b:s3+s0], $0x400, s1, s0, $0x38;
	[tilespmem:$0x1DB00] =	vst v63  }
0xcf: {  	_ =	swait.ge [sflag:s21], $0x2000  }
0xd0: {  	[sflag:s21] =	ssyncset.done $0x0  }
0xd1: {  	[sflag:s21] =	ssyncadd.s32 $0xFFFFE000  }
0xd2: {  	[spmem:s2] =	stream.indirect.scatter.add.f32 [tilespmem:s17], [sflag:$0x8], $0x10, s22, s0, $0xb8;
	[tilespmem:$0x1DB00] =	vst v63  }
0xd3: {  	_ =	swait.ge [sflag:s6], $0x2000  }
0xd4: {  	[sflag:s6] =	ssyncset.done $0x0  }
0xd5: {  	[sflag:s6] =	ssyncadd.s32 $0xFFFFE000  }
0xd6: {  	_ =	swait.ge [sflag:s25], $0x2000  }
0xd7: {  	[sflag:s25] =	ssyncset.done $0x0  }
0xd8: {  	[sflag:s25] =	ssyncadd.s32 $0xFFFFE000  }
0xd9: {  	_ =	swait.ge [sflag:s16], $0x400  }
0xda: {  	[sflag:s16] =	ssyncset.done $0x0  }
0xdb: {  	s3 =	simm.s32 $0x2;
	[sflag:s16] =	ssyncadd.s32 $0xFFFFFC00  }
0xdc: {  	_ =	swait.ge [sflag:s3], $0x400  }
0xdd: {  	[sflag:s3] =	ssyncset.done $0x0  }
0xde: {  	[sflag:s3] =	ssyncadd.s32 $0xFFFFFC00  }
0xdf: {  	_ =	swait.ge [sflag:s20], $0x400  }
0xe0: {  	[sflag:s20] =	ssyncset.done $0x0  }
0xe1: {  	[sflag:s20] =	ssyncadd.s32 $0xFFFFFC00  }
0xe2: {  	[bflag:$0x0] =	sbarrier.arrive $0xFFFF  }
0xe3: {  	s9 =	simm.s32 @p0 $0x4;
	s28 =	simm.s32 @p0 $0x2;
	s30 =	rddreg [dreg:$0x9]  }
0xe4: {  	s29 =	simm.s32 @p0 $0x1FC9;
	s3 =	simm.s32 @p0 $0x1;
	s31 =	rddreg [dreg:$0x10]  }
0xe5: {  	[hbm:s30@s9], [sflag:s29] =	dma.strided @p0 [spmem:s31@s28], $0x3020, s3, $0x2   }
0xe6: {  	s3 =	simm.s32 @p0 $0x9  }
0xe7: {  	s26 =	simm.s32 @!p0 $0x4;
	s9 =	stileid.u32;
	_ =	swait.ge @p0 [sflag:s3], $0x3020  }
0xe8: {  	s30 =	simm.s32 @!p0 $0x2;
	s29 =	simm.s32 @!p0 $0x1;
	s31 =	rddreg [dreg:$0x6]  }
0xe9: {  	s9 =	sshll.u32 @!p0 s9, $0x6;
	[sflag:s3] =	ssyncset.done @p0 $0x0;
	s28 =	rddreg [dreg:$0x8]  }
0xea: {  	[sflag:s3] =	ssyncadd.s32 @p0 $0xFFFFCFE0;
	s3 =	sor.u32 @!p0 $0x1C09, s9;
	s9 =	sshrl.u32 @!p0 s31, $0x3  }
0xeb: {  	[hbm:s28@s26], [sflag:s3] =	dma.strided @!p0 [spmem:s9@s30], $0x30E0, s29, $0x2   }
0xec: {  	s3 =	simm.s32 @!p0 $0x9  }
0xed: {  	_ =	swait.ge @!p0 [sflag:s3], $0x30E0  }
0xee: {  	s28 =	rddreg [dreg:$0x17]  }
0xef: {  	s30 =	rddreg [dreg:$0xa];
	s28 =	sadd.s32 $0x1, s28  }
0xf0: {  	p1 =	sne.s32 s28, s30  }
.Ltmp6:
0xf1: {  	_ = 	snop;
	(pc) =	sbr.rel @p1 .LBB2_1-.Ltmp6, $3  }
0xf2: {  	_ =	sdelay $0x1  }
0xf3: {  	[sflag:s3] =	ssyncset.done @!p0 $0x0  }
0xf4: {  	s26 =	simm.s32 $0xC00;
	[sflag:s3] =	ssyncadd.s32 @!p0 $0xFFFFCF20  }
0xf5: {  	_ =	sfence.sel $0x180000  }
0xf6: {  	[bflag:$0x0] =	sbarrier.arrive $0xFFFF  }
0xf7: {  	_ =	strace $0x9000004D  }
0xf8: {  	s0 =	stileid.u32;
	[bflag:$0x2] =	sbarrier.arrive $0xFFFF  }
0xf9: {  	p0 =	sne.s32 s0, $0x0;
	s0 =	rddreg [dreg:$0x2]  }
0xfa: {  	s0 =	sadd.s32 @!p0 $0x100000, s0  }
0xfb: {  	[sflag:s0] =	ssyncadd.tile.s32 @!p0 $0x1;
	_ =	shalt  }
.Lfunc_end2:
_tile_overlayer_lowered:
.L_overlay_start_2:
0xfc: {  	(tag) =	ssettag $0x2  }
0xfd: {  	s0 =	rddreg [dreg:$0x0];
	s2 =	stileid.u32  }
0xfe: {  	s1 =	rddreg [dreg:$0x1];
	p0 =	sne.s32 s2, $0x0  }
0xff: {  	s3 =	rddreg [dreg:$0x2];
	[bflag:$0x3] =	sbarrier.arrive $0xFFFF;
	s2 =	simm.s32 @!p0 $0x1C09  }
0x100: {  	[timem:s3], [sflag:s2] =	dma.local @!p0 [hbm:s0], s1  }
0x101: {  	s0 =	simm.s32 @!p0 $0x9  }
0x102: {  	_ =	swait.ge @!p0 [sflag:s0], s1  }
0x103: {  	s1 =	ssub.s32 @!p0 $0x0, s1;
	[sflag:s0] =	ssyncset.done @!p0 $0x0  }
0x104: {  	[sflag:s0] =	ssyncadd.s32 @!p0 s1  }
0x105: {  	[bflag:$0x3] =	sbarrier.arrive $0xFFFF  }
0x106: {  	_ =	shalt  }

// kernel: kernel.6.cloned.1.call-start
scs
__scs_entry_jumppad:
0x0: {  	(pc) =	sbr.rel $0x88, $3  }
0x1: {  	(tag) =	ssettag $0x0;
	lr =	simm.s32 $0x1  }
0x2: {  	[smem:$0x3F94] =	sst lr;
	_ =	strace $0xD0000000  }
0x3: {  	_ = 	snop  }
0x4: {  	_ = 	snop  }
0x5: {  	_ = 	snop  }
0x6: {  	_ = 	snop  }
0x7: {  	_ = 	snop  }
__scs_overlays_trampoline_lowered:
0x8: {  	[smem:$0x3FA3] =	sst s0  }
0x9: {  	[smem:$0x3FA4] =	sst s1  }
0xa: {  	[smem:$0x3FA5] =	sst s2  }
0xb: {  	[smem:$0x3FA6] =	sst s3  }
0xc: {  	[smem:$0x3FA7] =	sst s4  }
0xd: {  	[smem:$0x3FA8] =	sst s5  }
0xe: {  	[smem:$0x3FA9] =	sst s6  }
0xf: {  	[smem:$0x3FAA] =	sst s7  }
0x10: {  	[smem:$0x3FAB] =	sst s8  }
0x11: {  	[smem:$0x3FAC] =	sst s9;
	s0 =	simm.s32 @!p0 $0x0  }
0x12: {  	s1 =	sld [smem:$0x3F92];
	s0 =	simm.s32 @p0 $0x1  }
0x13: {  	[smem:$0x3FAD] =	sst s0;
	s0 =	simm.s32 @!p1 $0x0  }
0x14: {  	s2 =	sld [smem:$0x3F91];
	s0 =	simm.s32 @p1 $0x1  }
0x15: {  	[smem:$0x3FAE] =	sst s0;
	s0 =	simm.s32 @!p2 $0x0  }
0x16: {  	s3 =	sld [smem:$0x3FDB];
	s0 =	simm.s32 @p2 $0x1  }
0x17: {  	s4 =	simm.s32 $0x1BF5;
	[smem:$0x3FB0] =	sst s0  }
0x18: {  	s0 =	sld [smem:$0x3F93];
	_ =	swait.ge [sflag:s4], $0x0  }
0x19: {  	s7 =	sld [smem:$0x3F94]  }
0x1a: {  	s8 =	sadd.s32 $0xFFFFE003, lr  }
0x1b: {  	s9 =	sadd.s32 $0xFFFFFEF7, lr;
	s5 =	simm.s32 $0xFFFFFFFF;
	p2 =	slt.u32 s8, $0xFFFFF086  }
0x1c: {  	p1 =	slt.u32 s9, $0xF7A;
	s5 =	simm.s32 @!p2 $0x0  }
0x1d: {  	s5 =	simm.s32 @p1 $0x1;
	p0 =	seq.s32 s7, s2  }
0x1e: {  	s7 =	smul.u32 @!p0 $0xF7A, s2;
	p2 =	seq.s32 @!p0 s5, $0x0  }
0x1f: {  	s9 =	smul.u32 $0xF7A, s1;
	s8 =	simm.s32 @!p0 $0x1BF5;
	p2 =	por !p2, p0  }
0x20: {  	[sflag:s8] =	ssyncset.s32 @!p0 $0xFFFFF086;
	s6 =	sadd.s32 @!p0 s3, s7;
	s7 =	simm.s32 @!p0 $0x108  }
0x21: {  	s3 =	sadd.s32 s3, s9;
	s6 =	sadd.s32 @!p0 $0x88, s6;
	s7 =	simm.s32 @p2 $0x1082  }
0x22: {  	[simem:s7], [sflag:s8] =	dma.local @!p0 [hbm:s6], $0xF7A  }
0x23: {  	s9 =	sor.u32 $0xD0000000, s2;
	s6 =	simm.s32 $0x108;
	_ =	swait.ge @!p0 [sflag:s8], $0x0  }
0x24: {  	s3 =	sadd.s32 $0x88, s3;
	s6 =	simm.s32 @!p1 $0x1082;
	[sflag:s4] =	ssyncset.s32 $0xFFFFF086  }
0x25: {  	[simem:s6], [sflag:s4] =	dma.local [hbm:s3], $0xF7A  }
0x26: {  	[smem:$0x3F94] =	sst s1;
	(tag) =	ssettag s2;
	_ =	strace s9  }
0x27: {  	s1 =	sld [smem:$0x3FA4]  }
0x28: {  	s2 =	sld [smem:$0x3FA5]  }
0x29: {  	s4 =	sld [smem:$0x3FA7]  }
0x2a: {  	p0 =	seq.s32 s5, $0x0;
	s5 =	sld [smem:$0x3FA8]  }
0x2b: {  	s6 =	sld [smem:$0x3FA9]  }
0x2c: {  	s7 =	sld [smem:$0x3FAA]  }
0x2d: {  	s3 =	simm.s32 $0x108;
	s8 =	sld [smem:$0x3FAB]  }
0x2e: {  	s3 =	simm.s32 @!p0 $0x1082;
	s9 =	sld [smem:$0x3FAC]  }
0x2f: {  	lr =	sadd.s32 s0, s3;
	s0 =	sld [smem:$0x3FA3]  }
0x30: {  	s3 =	sld [smem:$0x3FA6]  }
0x31: {  	[smem:$0x3FAF] =	sst s10  }
0x32: {  	s10 =	sld [smem:$0x3FAD];
	_ =	sdelay $0x3  }
0x33: {  	p0 =	seq.s32 s10, $0x1;
	s10 =	sld [smem:$0x3FAF];
	_ =	sdelay $0x3  }
0x34: {  	[smem:$0x3FAF] =	sst s10  }
0x35: {  	s10 =	sld [smem:$0x3FAE];
	_ =	sdelay $0x3  }
0x36: {  	p1 =	seq.s32 s10, $0x1;
	s10 =	sld [smem:$0x3FAF];
	_ =	sdelay $0x3  }
0x37: {  	[smem:$0x3FAF] =	sst s10  }
0x38: {  	s10 =	sld [smem:$0x3FB0]  }
0x39: {  	_ = 	snop;
	(pc) =	sbr.ind lr, $3  }
0x3a: {  	_ = 	snop  }
0x3b: {  	_ = 	snop  }
0x3c: {  	p2 =	seq.s32 s10, $0x1;
	s10 =	sld [smem:$0x3FAF]  }
0x3d: {  	_ =	shalt  }
0x3e: {  	_ =	shalt  }
0x3f: {  	_ =	shalt  }
0x40: {  	_ =	shalt  }
0x41: {  	_ =	shalt  }
0x42: {  	_ =	shalt  }
0x43: {  	_ =	shalt  }
0x44: {  	_ =	shalt  }
0x45: {  	_ =	shalt  }
0x46: {  	_ =	shalt  }
0x47: {  	_ =	shalt  }
0x48: {  	_ =	shalt  }
0x49: {  	_ =	shalt  }
0x4a: {  	_ =	shalt  }
0x4b: {  	_ =	shalt  }
0x4c: {  	_ =	shalt  }
0x4d: {  	_ =	shalt  }
0x4e: {  	_ =	shalt  }
0x4f: {  	_ =	shalt  }
0x50: {  	_ =	shalt  }
0x51: {  	_ =	shalt  }
0x52: {  	_ =	shalt  }
0x53: {  	_ =	shalt  }
0x54: {  	_ =	shalt  }
0x55: {  	_ =	shalt  }
0x56: {  	_ =	shalt  }
0x57: {  	_ =	shalt  }
0x58: {  	_ =	shalt  }
0x59: {  	_ =	shalt  }
0x5a: {  	_ =	shalt  }
0x5b: {  	_ =	shalt  }
0x5c: {  	_ =	shalt  }
0x5d: {  	_ =	shalt  }
0x5e: {  	_ =	shalt  }
0x5f: {  	_ =	shalt  }
0x60: {  	_ =	shalt  }
0x61: {  	_ =	shalt  }
0x62: {  	_ =	shalt  }
0x63: {  	_ =	shalt  }
0x64: {  	_ =	shalt  }
0x65: {  	_ =	shalt  }
0x66: {  	_ =	shalt  }
0x67: {  	_ =	shalt  }
0x68: {  	_ =	shalt  }
0x69: {  	_ =	shalt  }
0x6a: {  	_ =	shalt  }
0x6b: {  	_ =	shalt  }
0x6c: {  	_ =	shalt  }
0x6d: {  	_ =	shalt  }
0x6e: {  	_ =	shalt  }
0x6f: {  	_ =	shalt  }
0x70: {  	_ =	shalt  }
0x71: {  	_ =	shalt  }
0x72: {  	_ =	shalt  }
0x73: {  	_ =	shalt  }
0x74: {  	_ =	shalt  }
0x75: {  	_ =	shalt  }
0x76: {  	_ =	shalt  }
0x77: {  	_ =	shalt  }
0x78: {  	_ =	shalt  }
0x79: {  	_ =	shalt  }
0x7a: {  	_ =	shalt  }
0x7b: {  	_ =	shalt  }
0x7c: {  	_ =	shalt  }
0x7d: {  	_ =	shalt  }
0x7e: {  	_ =	shalt  }
0x7f: {  	_ =	shalt  }
0x80: {  	_ =	shalt  }
0x81: {  	_ =	shalt  }
0x82: {  	_ =	shalt  }
0x83: {  	_ =	shalt  }
0x84: {  	_ =	shalt  }
0x85: {  	_ =	shalt  }
0x86: {  	_ =	shalt  }
0x87: {  	_ =	shalt  }
.Lfunc_end0:
.L_simem_size_0:
called_computation.4_lowered:
.L_overlay_start_0:
0x88: {  	s2 =	sld [smem:$0x3FD9]  }
0x89: {  	s3 =	sld [smem:$0x3FFE];
	_ =	sdelay $0x1  }
0x8a: {  	s1 =	srdreg.scid  }
0x8b: {  	s0 =	sand.u32 $0x1, s1  }
0x8c: {  	s16 =	sshll.u32 s0, $0xA;
	s2 =	sadd.s32 s3, s2  }
0x8d: {  	s2 =	sadd.s32 s2, s16  }
0x8e: {  	[smem:$0x3FBB] =	sst s2  }
0x8f: {  	_ = 	snop  }
0x90: {  	(tm) =	ssettm $0x1  }
0x91: {  	s17 =	sld [smem:$0x3FFB];
	_ =	sdelay $0x3  }
0x92: {  	_ =	strace s17  }
0x93: {  	s2 =	sld [smem:$0x3FFC];
	_ =	sdelay $0x3  }
0x94: {  	_ =	strace s2  }
0x95: {  	s2 =	sld [smem:$0x3FFD];
	_ =	sdelay $0x3  }
0x96: {  	_ =	strace s2  }
0x97: {  	_ =	strace $0x8FFFFFFF  }
0x98: {  	s18 =	sld [smem:$0x3FDB];
	_ =	sdelay $0x1  }
0x99: {  	s19 =	simm.s32 $_scs_section_size  }
0x9a: {  	s4 =	simm.s32 $_size__tile_overlayer_lowered;
	s5 =	simm.s32 $_tile_overlayer_lowered  }
0x9b: {  	s22 =	simm.s32 $0x1BFF;
	s21 =	sshll.u32 s5, $0x1;
	s2 =	sadd.s32 s19, s18  }
0x9c: {  	s6 =	simm.s32 $0x0;
	s20 =	sshll.u32 s4, $0x1;
	s4 =	sadd.s32 s21, s2  }
0x9d: {  	[timem:s6], [sflag:s22] =	dma.local [hbm:s4], s20  }
0x9e: {  	_ =	swait.ge [sflag:s22], s20  }
0x9f: {  	s3 =	ssub.s32 $0x0, s20;
	[sflag:s22] =	ssyncset.done $0x0  }
0xa0: {  	[sflag:s22] =	ssyncadd.s32 s3;
	_ =	sdelay $0x1  }
0xa1: {  	s23 =	simm.s32 $0x1B8B  }
0xa2: {  	_ =	swait.ge [sflag:s23], $0x1  }
0xa3: {  	[sflag:s23] =	ssyncset.done $0x0  }
0xa4: {  	s25 =	simm.s32 $0x1B8E;
	s24 =	sld [smem:$0x3FFE];
	[sflag:s23] =	ssyncadd.s32 $0xFFFFFFFF  }
0xa5: {  	s26 =	simm.s32 $execute0_lowered;
	[smem:$0x3FD2] =	sst s25  }
0xa6: {  	s4 =	sshll.u32 s26, $0x1;
	_ =	strace $0x80000046;
	[dreg:$0x1] =	wrdreg $0xFFFFFFFF  }
0xa7: {  	s28 =	simm.s32 $_size_execute0_lowered;
	s2 =	sadd.s32 s2, s4;
	[dreg:$0x0] =	wrdreg $0x0  }
0xa8: {  	s4 =	sshll.u32 s28, $0x1;
	[dreg:$0x2] =	wrdreg s2  }
0xa9: {  	[dreg:$0x3] =	wrdreg s4  }
0xaa: {  	[dreg:$0x4] =	wrdreg $0xC0  }
0xab: {  	_ =	task [dreg:s6], $0x5FFFF  }
0xac: {  	[dreg:$0x1] =	wrdreg $0xFFFFFFFF  }
0xad: {  	[dreg:$0x0] =	wrdreg $0x60  }
0xae: {  	[dreg:$0x2] =	wrdreg s24  }
0xaf: {  	[dreg:$0x3] =	wrdreg $0x54000  }
0xb0: {  	[dreg:$0x4] =	wrdreg $0x9  }
0xb1: {  	_ =	task.clear_ibuf [dreg:s6], $0x5FFFF;
	_ =	strace $0x90000046  }
0xb2: {  	s29 =	simm.s32 $0x9;
	_ =	strace $0x80000048  }
0xb3: {  	_ =	swait.ge [sflag:s29], $0x1  }
0xb4: {  	[sflag:s29] =	ssyncadd.s32 $0xFFFFFFFF  }
0xb5: {  	_ =	strace $0x90000048  }
0xb6: {  	_ =	sfence  }
0xb7: {  	s30 =	sld [smem:$0x0];
	_ =	sdelay $0x2  }
0xb8: {  	s31 =	sshll.u32 s1, $0xD;
	s1 =	sshrl.u32 s1, $0x2  }
0xb9: {  	s3 =	sand.u32 $0x4000, s31;
	s1 =	sadd.s32 s1, s30  }
0xba: {  	s0 =	sor.u32 s3, s0;
	s1 =	sshll.u32 s1, $0x11  }
0xbb: {  	s0 =	sor.u32 s1, s0  }
0xbc: {  	s0 =	sadd.s32 $0x8F2B, s0  }
0xbd: {  	[sflag:s0] =	ssyncadd.remote.s32 $0x1  }
0xbe: {  	_ =	sfence.sel $0xFFFF  }
0xbf: {  	[dreg:$0x0] =	wrdreg $0xFFFFFFFF;
	(pc) =	sbr.abs _section_cstart, $3  }
0xc0: {  	[dreg:$0x1] =	wrdreg $0xFFFFFFFF  }
0xc1: {  	_ =	task.clear_ibuf [dreg:s6], $0x2FFFF;
	_ =	strace $0x9FFFFFFF  }
0xc2: {  	(tm) =	ssettm $0x7FFFFFFF  }
0xc3: {  	_ =	shalt  }
tec
execute0_lowered:
.L_overlay_start_1:
0x0: {  	(tag) =	ssettag $0x1  }
0x1: {  	s0 =	rddreg [dreg:$0x0]  }
0x2: {  	s2 =	rddreg [dreg:$0x1]  }
0x3: {  	s1 =	simm.s32 $0x0;
	s3 =	stileid.u32;
	s26 =	srdreg.scid  }
0x4: {  	[smem:$0x7FF] =	sst s1;
	s6 =	smul.u32 $0x19000, s3;
	s4 =	sadd.s32 $0x2000, s0  }
0x5: {  	s5 =	sadd.s32 $0x37FE00, s0;
	s9 =	sand.u32 $0x1, s26;
	s8 =	smul.u32 $0x61C00, s3  }
0x6: {  	s0 =	sadd.s32 $0x1F9400, s0;
	s14 =	sshll.u32 s9, $0x1;
	s7 =	sshrl.u32 s6, $0x3  }
0x7: {  	s29 =	sshrl.u32 s8, $0x2;
	s8 =	sadd.s32 s14, s0;
	s11 =	sadd.s32 s4, s7  }
0x8: {  	_ =	strace $0x80000047;
	s15 =	sadd.s32 $0x5BA40, s8;
	[dreg:$0x3] =	wrdreg s11  }
0x9: {  	s31 =	sadd.s32 s29, s2;
	[dreg:$0x9] =	wrdreg s15  }
0xa: {  	s1 =	ssub.s32 $0x2, s9;
	s7 =	sadd.s32 $0x40, s11;
	[dreg:$0x6] =	wrdreg s31  }
0xb: {  	s10 =	sshrl.u32 s1, $0x1;
	s30 =	sadd.s32 $0x80, s11;
	[dreg:$0x4] =	wrdreg s7  }
0xc: {  	s1 =	ssub.s32 s1, s10;
	s12 =	sadd.s32 $0x18000, s31;
	[dreg:$0x5] =	wrdreg s30  }
0xd: {  	s1 =	smax.u32 s1, $0x1;
	[dreg:$0x7] =	wrdreg s12  }
0xe: {  	s28 =	simm.s32 $0x0;
	s16 =	sadd.s32 $0x2000, s31;
	[dreg:$0xa] =	wrdreg s1  }
0xf: {  	p0 =	seq.s32 s3, $0xF;
	s17 =	sadd.s32 $0x4000, s31;
	[dreg:$0xb] =	wrdreg s16  }
0x10: {  	s13 =	sshll.u32 s9, $0x4;
	s18 =	sadd.s32 $0x6000, s31;
	[dreg:$0xc] =	wrdreg s17  }
0x11: {  	s14 =	sor.u32 $0xC00, s6;
	s19 =	sadd.s32 $0x8000, s31;
	[dreg:$0xd] =	wrdreg s18  }
0x12: {  	s10 =	smul.u32 $0x30E00, s3;
	s20 =	sadd.s32 $0xA000, s31;
	[dreg:$0xe] =	wrdreg s19  }
0x13: {  	s8 =	simm.s32 $0x800;
	s22 =	sadd.s32 $0xC000, s31;
	[dreg:$0xf] =	wrdreg s20  }
0x14: {  	s11 =	sor.u32 $0x600, s6;
	s24 =	sadd.s32 $0xE000, s31;
	[dreg:$0x11] =	wrdreg s22  }
0x15: {  	s25 =	sadd.s32 $0x10000, s31;
	s26 =	sadd.s32 $0x12000, s31;
	[dreg:$0x12] =	wrdreg s24  }
0x16: {  	s29 =	sadd.s32 $0x14000, s31;
	s15 =	simm.s32 $0x9;
	[dreg:$0x13] =	wrdreg s25  }
0x17: {  	s12 =	sor.u32 $0x800, s6;
	s7 =	sor.u32 s13, s10;
	[dreg:$0x14] =	wrdreg s26  }
0x18: {  	s13 =	sor.u32 $0xA00, s6;
	s21 =	sshrl.u32 s11, $0x3;
	[dreg:$0x15] =	wrdreg s29  }
0x19: {  	s30 =	sadd.s32 $0x16000, s31;
	s1 =	simm.s32 $0x190600;
	s10 =	simm.s32 $0x1400  }
0x1a: {  	s16 =	simm.s32 $0x1;
	s17 =	simm.s32 $0x3400;
	s18 =	simm.s32 $0x5  }
0x1b: {  	s19 =	simm.s32 $0x1000;
	s20 =	simm.s32 $0x3;
	s6 =	simm.s32 $0x7  }
0x1c: {  	s22 =	simm.s32 $0x1200;
	s24 =	simm.s32 $0x4;
	s7 =	sshrl.u32 s7, $0x3  }
0x1d: {  	s25 =	simm.s32 $0x8;
	s26 =	simm.s32 $0xC00;
	s0 =	sadd.s32 s0, s7  }
0x1e: {  	s23 =	sadd.s32 s4, s21;
	[dreg:$0x8] =	wrdreg s0;
	s0 =	sadd.s32 $0x16E900, s2  }
0x1f: {  	[dreg:$0x16] =	wrdreg s30;
	s21 =	simm.s32 $0x6;
	s0 =	sshrl.u32 @p0 s0, $0x3  }
0x20: {  	v1 =	vimm.f32 $0.0e+00;
	v0 =	vmov s9;
	s7 =	simm.s32 $0x400;
	[dreg:$0x10] =	wrdreg s0;
	s0 =	simm.s32 $0x200  }
.LBB2_1:
0x21: {  	[dreg:$0x17] =	wrdreg s28  }
0x22: {  	s3 =	simm.s32 $0x0;
	s9 =	rddreg [dreg:$0x3]  }
0x23: {  	[tilespmem:s3], [sflag:$0x1] =	stream.strided.gather [hbm4b:s9+s0], $0x400, s1, s0, $0x38;
	[tilespmem:$0x1DB00] =	vst v63  }
0x24: {  	s29 =	rddreg [dreg:$0x4]  }
0x25: {  	[tilespmem:s7], [sflag:$0x2] =	stream.strided.gather [hbm4b:s29+s0], $0x400, s1, s0, $0x38;
	[tilespmem:$0x1DB00] =	vst v63  }
0x26: {  	s30 =	rddreg [dreg:$0x5];
	s28 =	simm.s32 $0x0;
	s9 =	simm.s32 $0x40  }
0x27: {  	[tilespmem:s8], [sflag:$0x3] =	stream.strided.gather [hbm4b:s30+s0], $0x400, s1, s0, $0x38;
	[tilespmem:$0x1DB00] =	vst v63  }
.LBB2_2:
0x28: {  	p1 =	sne.s32 s9, $0x7FC0;
	[tilespmem:s28+$0x1400] =	vst v1;
	s28 =	smov.u32 s9;
	s9 =	sadd.s32 $0x40, s9  }
.Ltmp0:
0x29: {  	(pc) =	sbr.rel @p1 .LBB2_2-.Ltmp0, $2  }
0x2a: {  	_ =	sdelay $0x2  }
0x2b: {  	s28 =	sshra.s32 s28, $0x2  }
0x2c: {  	[tilespmem:s28+$0x1400] =	vst v1  }
0x2d: {  	[spmem:s31] =	stream.linear.scatter [tilespmem:s10], [sflag:$0x9], $0x2000, $0x38;
	[tilespmem:$0x1DB00] =	vst v63  }
0x2e: {  	_ =	swait.ge [sflag:s15], $0x2000  }
0x2f: {  	[sflag:s15] =	ssyncset.done $0x0  }
0x30: {  	s3 =	rddreg [dreg:$0xb];
	[sflag:s15] =	ssyncadd.s32 $0xFFFFE000  }
0x31: {  	[spmem:s3] =	stream.linear.scatter [tilespmem:s10], [sflag:$0x9], $0x2000, $0x38;
	[tilespmem:$0x1DB00] =	vst v63  }
0x32: {  	_ =	swait.ge [sflag:s15], $0x2000  }
0x33: {  	[sflag:s15] =	ssyncset.done $0x0  }
0x34: {  	s28 =	rddreg [dreg:$0xc];
	[sflag:s15] =	ssyncadd.s32 $0xFFFFE000  }
0x35: {  	[spmem:s28] =	stream.linear.scatter [tilespmem:s10], [sflag:$0x9], $0x2000, $0x38;
	[tilespmem:$0x1DB00] =	vst v63  }
0x36: {  	_ =	swait.ge [sflag:s15], $0x2000  }
0x37: {  	[sflag:s15] =	ssyncset.done $0x0  }
0x38: {  	s29 =	rddreg [dreg:$0xd];
	[sflag:s15] =	ssyncadd.s32 $0xFFFFE000  }
0x39: {  	[spmem:s29] =	stream.linear.scatter [tilespmem:s10], [sflag:$0x9], $0x2000, $0x38;
	[tilespmem:$0x1DB00] =	vst v63  }
0x3a: {  	_ =	swait.ge [sflag:s15], $0x2000  }
0x3b: {  	[sflag:s15] =	ssyncset.done $0x0  }
0x3c: {  	s31 =	rddreg [dreg:$0xe];
	[sflag:s15] =	ssyncadd.s32 $0xFFFFE000  }
0x3d: {  	[spmem:s31] =	stream.linear.scatter [tilespmem:s10], [sflag:$0x9], $0x2000, $0x38;
	[tilespmem:$0x1DB00] =	vst v63  }
0x3e: {  	_ =	swait.ge [sflag:s15], $0x2000  }
0x3f: {  	[sflag:s15] =	ssyncset.done $0x0  }
0x40: {  	s9 =	rddreg [dreg:$0xf];
	[sflag:s15] =	ssyncadd.s32 $0xFFFFE000  }
0x41: {  	[spmem:s9] =	stream.linear.scatter [tilespmem:s10], [sflag:$0x9], $0x2000, $0x38;
	[tilespmem:$0x1DB00] =	vst v63  }
0x42: {  	_ =	swait.ge [sflag:s15], $0x2000  }
0x43: {  	[sflag:s15] =	ssyncset.done $0x0  }
0x44: {  	s28 =	rddreg [dreg:$0x11];
	[sflag:s15] =	ssyncadd.s32 $0xFFFFE000  }
0x45: {  	[spmem:s28] =	stream.linear.scatter [tilespmem:s10], [sflag:$0x9], $0x2000, $0x38;
	[tilespmem:$0x1DB00] =	vst v63  }
0x46: {  	_ =	swait.ge [sflag:s15], $0x2000  }
0x47: {  	[sflag:s15] =	ssyncset.done $0x0  }
0x48: {  	s29 =	rddreg [dreg:$0x12];
	[sflag:s15] =	ssyncadd.s32 $0xFFFFE000  }
0x49: {  	[spmem:s29] =	stream.linear.scatter [tilespmem:s10], [sflag:$0x9], $0x2000, $0x38;
	[tilespmem:$0x1DB00] =	vst v63  }
0x4a: {  	_ =	swait.ge [sflag:s15], $0x2000  }
0x4b: {  	[sflag:s15] =	ssyncset.done $0x0  }
0x4c: {  	s31 =	rddreg [dreg:$0x13];
	[sflag:s15] =	ssyncadd.s32 $0xFFFFE000  }
0x4d: {  	[spmem:s31] =	stream.linear.scatter [tilespmem:s10], [sflag:$0x9], $0x2000, $0x38;
	[tilespmem:$0x1DB00] =	vst v63  }
0x4e: {  	_ =	swait.ge [sflag:s15], $0x2000  }
0x4f: {  	[sflag:s15] =	ssyncset.done $0x0  }
0x50: {  	s9 =	rddreg [dreg:$0x14];
	[sflag:s15] =	ssyncadd.s32 $0xFFFFE000  }
0x51: {  	[spmem:s9] =	stream.linear.scatter [tilespmem:s10], [sflag:$0x9], $0x2000, $0x38;
	[tilespmem:$0x1DB00] =	vst v63  }
0x52: {  	_ =	swait.ge [sflag:s15], $0x2000  }
0x53: {  	[sflag:s15] =	ssyncset.done $0x0  }
0x54: {  	s28 =	rddreg [dreg:$0x15];
	[sflag:s15] =	ssyncadd.s32 $0xFFFFE000  }
0x55: {  	[spmem:s28] =	stream.linear.scatter [tilespmem:s10], [sflag:$0x9], $0x2000, $0x38;
	[tilespmem:$0x1DB00] =	vst v63  }
0x56: {  	_ =	swait.ge [sflag:s15], $0x2000  }
0x57: {  	[sflag:s15] =	ssyncset.done $0x0  }
0x58: {  	s29 =	rddreg [dreg:$0x16];
	[sflag:s15] =	ssyncadd.s32 $0xFFFFE000  }
0x59: {  	[spmem:s29] =	stream.linear.scatter [tilespmem:s10], [sflag:$0x9], $0x2000, $0x38;
	[tilespmem:$0x1DB00] =	vst v63  }
0x5a: {  	_ =	swait.ge [sflag:s15], $0x2000  }
0x5b: {  	[sflag:s15] =	ssyncset.done $0x0  }
0x5c: {  	s31 =	rddreg [dreg:$0x7];
	[sflag:s15] =	ssyncadd.s32 $0xFFFFE000  }
0x5d: {  	[spmem:s31] =	stream.linear.scatter [tilespmem:s10], [sflag:$0x9], $0x700, $0x38;
	[tilespmem:$0x1DB00] =	vst v63  }
0x5e: {  	_ =	swait.ge [sflag:s15], $0x700  }
0x5f: {  	[sflag:s15] =	ssyncset.done $0x0  }
0x60: {  	[sflag:s15] =	ssyncadd.s32 $0xFFFFF900  }
0x61: {  	s30 =	simm.s32 $0x0;
	[bflag:$0x0] =	sbarrier.arrive $0xFFFF  }
.LBB2_4:
0x62: {  	_ =	swait.ge [sflag:s16], $0x400  }
0x63: {  	p1 =	seq.s32 s30, $0x0;
	[sflag:s16] =	ssyncset.done $0x0  }
0x64: {  	s9 =	simm.s32 @!p1 $0x7;
	[sflag:s16] =	ssyncadd.s32 $0xFFFFFC00  }
0x65: {  	_ =	swait.ge @!p1 [sflag:s9], $0x2000  }
0x66: {  	s31 =	sshll.u32 s30, $0xB;
	[sflag:s9] =	ssyncset.done @!p1 $0x0  }
0x67: {  	s28 =	simm.s32 $0x0;
	[sflag:s9] =	ssyncadd.s32 @!p1 $0xFFFFE000;
	s9 =	simm.s32 $0x40  }
.LBB2_5:
0x68: {  	p2 =	sne.s32 s9, $0x7C0;
	v2 =	vld [tilespmem:s28+$0x0]  }
0x69: {  	v3 =	vld [tilespmem:s28+$0x200];
	_ =	sdelay $0x1  }
.Ltmp1:
0x6a: {  	(pc) =	sbr.rel @p2 .LBB2_5-.Ltmp1, $4  }
0x6b: {  	_ = 	snop  }
0x6c: {  	v2 =	vshll.u32 v2, $0x1  }
0x6d: {  	v2 =	vor.u32 v0, v2;
	[tilespmem:s28+$0x1000] =	vst v3  }
0x6e: {  	[tilespmem:s28+$0x0] =	vst v2;
	s28 =	sshra.s32 s9, $0x2;
	s9 =	sadd.s32 $0x40, s9  }
0x6f: {  	v2 =	vld [tilespmem:s28+$0x0]  }
0x70: {  	v3 =	vld [tilespmem:s28+$0x200];
	_ =	sdelay $0x3  }
0x71: {  	v2 =	vshll.u32 v2, $0x1  }
0x72: {  	[tilespmem:s28+$0x1000] =	vst v3;
	v2 =	vor.u32 v0, v2  }
0x73: {  	s3 =	simm.s32 $0x0;
	[tilespmem:s28+$0x0] =	vst v2  }
0x74: {  	[tilespmem:s10], [sflag:$0x5] =	stream.indirect.gather [hbm4b:s5+s0], $0x10, s3, s0, $0xb8;
	[tilespmem:$0x1DB00] =	vst v63  }
0x75: {  	s9 =	simm.s32 @p1 $0x200;
	s29 =	simm.s32 @p1 $0xC00;
	s28 =	simm.s32 @p1 $0x190600  }
0x76: {  	[tilespmem:s29], [sflag:$0x4] =	stream.strided.gather @p1 [hbm4b:s23+s9], $0x400, s28, s9, $0x38;
	[tilespmem:$0x1DB00] =	vst v63  }
0x77: {  	s9 =	simm.s32 @p1 $0x2  }
0x78: {  	_ =	swait.ge @p1 [sflag:s9], $0x400  }
0x79: {  	[sflag:s9] =	ssyncset.done @p1 $0x0  }
0x7a: {  	[sflag:s9] =	ssyncadd.s32 @p1 $0xFFFFFC00;
	s9 =	simm.s32 @!p1 $0x6  }
0x7b: {  	_ =	swait.ge @!p1 [sflag:s9], $0x2000  }
0x7c: {  	s28 =	simm.s32 @!p1 $0x1200;
	[sflag:s9] =	ssyncset.done @!p1 $0x0  }
0x7d: {  	s29 =	simm.s32 @!p1 $0x3400;
	[sflag:s9] =	ssyncadd.s32 @!p1 $0xFFFFE000;
	s9 =	simm.s32 @!p1 $0x200  }
0x7e: {  	[spmem:s2] =	stream.indirect.scatter.add.f32 @!p1 [tilespmem:s29], [sflag:$0x8], $0x10, s28, s9, $0xb8;
	[tilespmem:$0x1DB00] =	vst v63  }
0x7f: {  	s28 =	sadd.s32 @!p1 s31, s11  }
0x80: {  	s28 =	sshrl.u32 @!p1 s28, $0x3  }
0x81: {  	s3 =	simm.s32 @!p1 $0xC00;
	s29 =	simm.s32 @!p1 $0x190600;
	s28 =	sadd.s32 @!p1 s4, s28  }
0x82: {  	[tilespmem:s3], [sflag:$0x4] =	stream.strided.gather @!p1 [hbm4b:s28+s9], $0x400, s29, s9, $0x38;
	[tilespmem:$0x1DB00] =	vst v63  }
0x83: {  	s3 =	simm.s32 @!p1 $0x2  }
0x84: {  	_ =	swait.ge @!p1 [sflag:s3], $0x400  }
0x85: {  	[sflag:s3] =	ssyncset.done @!p1 $0x0  }
0x86: {  	[sflag:s3] =	ssyncadd.s32 @!p1 $0xFFFFFC00;
	s3 =	simm.s32 @!p1 $0x8  }
0x87: {  	_ =	swait.ge @!p1 [sflag:s3], $0x2000  }
0x88: {  	[sflag:s3] =	ssyncset.done @!p1 $0x0  }
0x89: {  	s28 =	simm.s32 $0x0;
	s9 =	simm.s32 $0x40;
	[sflag:s3] =	ssyncadd.s32 @!p1 $0xFFFFE000  }
.LBB2_7:
0x8a: {  	p1 =	sne.s32 s9, $0x7C0;
	v2 =	vld [tilespmem:s28+$0x400]  }
0x8b: {  	v3 =	vld [tilespmem:s28+$0x600];
	_ =	sdelay $0x1  }
.Ltmp2:
0x8c: {  	(pc) =	sbr.rel @p1 .LBB2_7-.Ltmp2, $4  }
0x8d: {  	_ = 	snop  }
0x8e: {  	v2 =	vshll.u32 v2, $0x1  }
0x8f: {  	v2 =	vor.u32 v0, v2;
	[tilespmem:s28+$0x1200] =	vst v3  }
0x90: {  	[tilespmem:s28+$0x400] =	vst v2;
	s28 =	sshra.s32 s9, $0x2;
	s9 =	sadd.s32 $0x40, s9  }
0x91: {  	v2 =	vld [tilespmem:s28+$0x400]  }
0x92: {  	v3 =	vld [tilespmem:s28+$0x600];
	_ =	sdelay $0x3  }
0x93: {  	v2 =	vshll.u32 v2, $0x1  }
0x94: {  	[tilespmem:s28+$0x1200] =	vst v3;
	v2 =	vor.u32 v0, v2  }
0x95: {  	[tilespmem:s28+$0x400] =	vst v2  }
0x96: {  	[tilespmem:s17], [sflag:$0x6] =	stream.indirect.gather [hbm4b:s5+s0], $0x10, s7, s0, $0xb8;
	[tilespmem:$0x1DB00] =	vst v63  }
0x97: {  	_ =	swait.ge [sflag:s18], $0x2000  }
0x98: {  	s3 =	sadd.s32 s31, s12;
	[sflag:s18] =	ssyncset.done $0x0  }
0x99: {  	s3 =	sshrl.u32 s3, $0x3;
	[sflag:s18] =	ssyncadd.s32 $0xFFFFE000  }
0x9a: {  	[spmem:s2] =	stream.indirect.scatter.add.f32 [tilespmem:s10], [sflag:$0x7], $0x10, s19, s0, $0xb8;
	[tilespmem:$0x1DB00] =	vst v63  }
0x9b: {  	s9 =	simm.s32 $0x0;
	s3 =	sadd.s32 s4, s3  }
0x9c: {  	[tilespmem:s9], [sflag:$0x1] =	stream.strided.gather [hbm4b:s3+s0], $0x400, s1, s0, $0x38;
	[tilespmem:$0x1DB00] =	vst v63  }
0x9d: {  	_ =	swait.ge [sflag:s20], $0x400  }
0x9e: {  	[sflag:s20] =	ssyncset.done $0x0  }
0x9f: {  	[sflag:s20] =	ssyncadd.s32 $0xFFFFFC00  }
0xa0: {  	_ =	swait.ge [sflag:s6], $0x2000  }
0xa1: {  	[sflag:s6] =	ssyncset.done $0x0  }
0xa2: {  	s28 =	simm.s32 $0x0;
	s9 =	simm.s32 $0x40;
	[sflag:s6] =	ssyncadd.s32 $0xFFFFE000  }
.LBB2_9:
0xa3: {  	p1 =	sne.s32 s9, $0x7C0;
	v2 =	vld [tilespmem:s28+$0x800]  }
0xa4: {  	v3 =	vld [tilespmem:s28+$0xA00];
	_ =	sdelay $0x1  }
.Ltmp3:
0xa5: {  	(pc) =	sbr.rel @p1 .LBB2_9-.Ltmp3, $4  }
0xa6: {  	_ = 	snop  }
0xa7: {  	v2 =	vshll.u32 v2, $0x1  }
0xa8: {  	v2 =	vor.u32 v0, v2;
	[tilespmem:s28+$0x1000] =	vst v3  }
0xa9: {  	[tilespmem:s28+$0x800] =	vst v2;
	s28 =	sshra.s32 s9, $0x2;
	s9 =	sadd.s32 $0x40, s9  }
0xaa: {  	v2 =	vld [tilespmem:s28+$0x800]  }
0xab: {  	v3 =	vld [tilespmem:s28+$0xA00];
	_ =	sdelay $0x3  }
0xac: {  	v2 =	vshll.u32 v2, $0x1  }
0xad: {  	[tilespmem:s28+$0x1000] =	vst v3;
	v2 =	vor.u32 v0, v2  }
0xae: {  	[tilespmem:s28+$0x800] =	vst v2  }
0xaf: {  	[tilespmem:s10], [sflag:$0x5] =	stream.indirect.gather [hbm4b:s5+s0], $0x10, s8, s0, $0xb8;
	[tilespmem:$0x1DB00] =	vst v63  }
0xb0: {  	_ =	swait.ge [sflag:s21], $0x2000  }
0xb1: {  	s3 =	sadd.s32 s31, s13;
	[sflag:s21] =	ssyncset.done $0x0  }
0xb2: {  	s3 =	sshrl.u32 s3, $0x3;
	[sflag:s21] =	ssyncadd.s32 $0xFFFFE000  }
0xb3: {  	[spmem:s2] =	stream.indirect.scatter.add.f32 [tilespmem:s17], [sflag:$0x8], $0x10, s22, s0, $0xb8;
	[tilespmem:$0x1DB00] =	vst v63  }
0xb4: {  	s3 =	sadd.s32 s4, s3  }
0xb5: {  	[tilespmem:s7], [sflag:$0x2] =	stream.strided.gather [hbm4b:s3+s0], $0x400, s1, s0, $0x38;
	[tilespmem:$0x1DB00] =	vst v63  }
0xb6: {  	_ =	swait.ge [sflag:s24], $0x400  }
0xb7: {  	[sflag:s24] =	ssyncset.done $0x0  }
0xb8: {  	[sflag:s24] =	ssyncadd.s32 $0xFFFFFC00  }
0xb9: {  	_ =	swait.ge [sflag:s25], $0x2000  }
0xba: {  	[sflag:s25] =	ssyncset.done $0x0  }
0xbb: {  	s9 =	simm.s32 $0x40;
	s28 =	simm.s32 $0x0;
	[sflag:s25] =	ssyncadd.s32 $0xFFFFE000  }
.LBB2_11:
0xbc: {  	p1 =	sne.s32 s9, $0x7C0;
	v2 =	vld [tilespmem:s28+$0xC00]  }
0xbd: {  	v3 =	vld [tilespmem:s28+$0xE00];
	_ =	sdelay $0x1  }
.Ltmp4:
0xbe: {  	(pc) =	sbr.rel @p1 .LBB2_11-.Ltmp4, $4  }
0xbf: {  	_ = 	snop  }
0xc0: {  	v2 =	vshll.u32 v2, $0x1  }
0xc1: {  	v2 =	vor.u32 v0, v2;
	[tilespmem:s28+$0x1200] =	vst v3  }
0xc2: {  	[tilespmem:s28+$0xC00] =	vst v2;
	s28 =	sshra.s32 s9, $0x2;
	s9 =	sadd.s32 $0x40, s9  }
0xc3: {  	v2 =	vld [tilespmem:s28+$0xC00]  }
0xc4: {  	v3 =	vld [tilespmem:s28+$0xE00];
	_ =	sdelay $0x3  }
0xc5: {  	v2 =	vshll.u32 v2, $0x1  }
0xc6: {  	[tilespmem:s28+$0x1200] =	vst v3;
	v2 =	vor.u32 v0, v2  }
0xc7: {  	s30 =	sadd.s32 $0x1, s30;
	[tilespmem:s28+$0xC00] =	vst v2  }
0xc8: {  	[tilespmem:s17], [sflag:$0x6] =	stream.indirect.gather [hbm4b:s5+s0], $0x10, s26, s0, $0xb8;
	[tilespmem:$0x1DB00] =	vst v63  }
0xc9: {  	p1 =	sne.s32 s30, $0x32;
	_ =	swait.ge [sflag:s18], $0x2000  }
.Ltmp5:
0xca: {  	s3 =	sadd.s32 s31, s14;
	[sflag:s18] =	ssyncset.done $0x0;
	(pc) =	sbr.rel @p1 .LBB2_4-.Ltmp5, $4  }
0xcb: {  	s3 =	sshrl.u32 s3, $0x3;
	[sflag:s18] =	ssyncadd.s32 $0xFFFFE000  }
0xcc: {  	[spmem:s2] =	stream.indirect.scatter.add.f32 [tilespmem:s10], [sflag:$0x7], $0x10, s19, s0, $0xb8;
	[tilespmem:$0x1DB00] =	vst v63  }
0xcd: {  	s3 =	sadd.s32 s4, s3  }
0xce: {  	[tilespmem:s8], [sflag:$0x3] =	stream.strided.gather [hbm4b:s3+s0], $0x400, s1, s0, $0x38;
	[tilespmem:$0x1DB00] =	vst v63  }
0xcf: {  	_ =	swait.ge [sflag:s21], $0x2000  }
0xd0: {  	[sflag:s21] =	ssyncset.done $0x0  }
0xd1: {  	[sflag:s21] =	ssyncadd.s32 $0xFFFFE000  }
0xd2: {  	[spmem:s2] =	stream.indirect.scatter.add.f32 [tilespmem:s17], [sflag:$0x8], $0x10, s22, s0, $0xb8;
	[tilespmem:$0x1DB00] =	vst v63  }
0xd3: {  	_ =	swait.ge [sflag:s6], $0x2000  }
0xd4: {  	[sflag:s6] =	ssyncset.done $0x0  }
0xd5: {  	[sflag:s6] =	ssyncadd.s32 $0xFFFFE000  }
0xd6: {  	_ =	swait.ge [sflag:s25], $0x2000  }
0xd7: {  	[sflag:s25] =	ssyncset.done $0x0  }
0xd8: {  	[sflag:s25] =	ssyncadd.s32 $0xFFFFE000  }
0xd9: {  	_ =	swait.ge [sflag:s16], $0x400  }
0xda: {  	[sflag:s16] =	ssyncset.done $0x0  }
0xdb: {  	s3 =	simm.s32 $0x2;
	[sflag:s16] =	ssyncadd.s32 $0xFFFFFC00  }
0xdc: {  	_ =	swait.ge [sflag:s3], $0x400  }
0xdd: {  	[sflag:s3] =	ssyncset.done $0x0  }
0xde: {  	[sflag:s3] =	ssyncadd.s32 $0xFFFFFC00  }
0xdf: {  	_ =	swait.ge [sflag:s20], $0x400  }
0xe0: {  	[sflag:s20] =	ssyncset.done $0x0  }
0xe1: {  	[sflag:s20] =	ssyncadd.s32 $0xFFFFFC00  }
0xe2: {  	[bflag:$0x0] =	sbarrier.arrive $0xFFFF  }
0xe3: {  	s9 =	simm.s32 @p0 $0x4;
	s28 =	simm.s32 @p0 $0x2;
	s30 =	rddreg [dreg:$0x9]  }
0xe4: {  	s29 =	simm.s32 @p0 $0x1FC9;
	s3 =	simm.s32 @p0 $0x1;
	s31 =	rddreg [dreg:$0x10]  }
0xe5: {  	[hbm:s30@s9], [sflag:s29] =	dma.strided @p0 [spmem:s31@s28], $0x3020, s3, $0x2   }
0xe6: {  	s3 =	simm.s32 @p0 $0x9  }
0xe7: {  	s26 =	simm.s32 @!p0 $0x4;
	s9 =	stileid.u32;
	_ =	swait.ge @p0 [sflag:s3], $0x3020  }
0xe8: {  	s30 =	simm.s32 @!p0 $0x2;
	s29 =	simm.s32 @!p0 $0x1;
	s31 =	rddreg [dreg:$0x6]  }
0xe9: {  	s9 =	sshll.u32 @!p0 s9, $0x6;
	[sflag:s3] =	ssyncset.done @p0 $0x0;
	s28 =	rddreg [dreg:$0x8]  }
0xea: {  	[sflag:s3] =	ssyncadd.s32 @p0 $0xFFFFCFE0;
	s3 =	sor.u32 @!p0 $0x1C09, s9;
	s9 =	sshrl.u32 @!p0 s31, $0x3  }
0xeb: {  	[hbm:s28@s26], [sflag:s3] =	dma.strided @!p0 [spmem:s9@s30], $0x30E0, s29, $0x2   }
0xec: {  	s3 =	simm.s32 @!p0 $0x9  }
0xed: {  	_ =	swait.ge @!p0 [sflag:s3], $0x30E0  }
0xee: {  	s28 =	rddreg [dreg:$0x17]  }
0xef: {  	s30 =	rddreg [dreg:$0xa];
	s28 =	sadd.s32 $0x1, s28  }
0xf0: {  	p1 =	sne.s32 s28, s30  }
.Ltmp6:
0xf1: {  	_ = 	snop;
	(pc) =	sbr.rel @p1 .LBB2_1-.Ltmp6, $3  }
0xf2: {  	_ =	sdelay $0x1  }
0xf3: {  	[sflag:s3] =	ssyncset.done @!p0 $0x0  }
0xf4: {  	s26 =	simm.s32 $0xC00;
	[sflag:s3] =	ssyncadd.s32 @!p0 $0xFFFFCF20  }
0xf5: {  	_ =	sfence.sel $0x180000  }
0xf6: {  	[bflag:$0x0] =	sbarrier.arrive $0xFFFF  }
0xf7: {  	_ =	strace $0x90000047  }
0xf8: {  	s0 =	stileid.u32;
	[bflag:$0x2] =	sbarrier.arrive $0xFFFF  }
0xf9: {  	p0 =	sne.s32 s0, $0x0;
	s0 =	rddreg [dreg:$0x2]  }
0xfa: {  	s0 =	sadd.s32 @!p0 $0x100000, s0  }
0xfb: {  	[sflag:s0] =	ssyncadd.tile.s32 @!p0 $0x1;
	_ =	shalt  }
.Lfunc_end2:
_tile_overlayer_lowered:
.L_overlay_start_2:
0xfc: {  	(tag) =	ssettag $0x2  }
0xfd: {  	s0 =	rddreg [dreg:$0x0];
	s2 =	stileid.u32  }
0xfe: {  	s1 =	rddreg [dreg:$0x1];
	p0 =	sne.s32 s2, $0x0  }
0xff: {  	s3 =	rddreg [dreg:$0x2];
	[bflag:$0x3] =	sbarrier.arrive $0xFFFF;
	s2 =	simm.s32 @!p0 $0x1C09  }
0x100: {  	[timem:s3], [sflag:s2] =	dma.local @!p0 [hbm:s0], s1  }
0x101: {  	s0 =	simm.s32 @!p0 $0x9  }
0x102: {  	_ =	swait.ge @!p0 [sflag:s0], s1  }
0x103: {  	s1 =	ssub.s32 @!p0 $0x0, s1;
	[sflag:s0] =	ssyncset.done @!p0 $0x0  }
0x104: {  	[sflag:s0] =	ssyncadd.s32 @!p0 s1  }
0x105: {  	[bflag:$0x3] =	sbarrier.arrive $0xFFFF  }
0x106: {  	_ =	shalt  }

// kernel: kernel.9.cloned.1.call-start
scs
__scs_entry_jumppad:
0x0: {  	(pc) =	sbr.rel $0x88, $3  }
0x1: {  	(tag) =	ssettag $0x0;
	lr =	simm.s32 $0x1  }
0x2: {  	[smem:$0x3F94] =	sst lr;
	_ =	strace $0xD0000000  }
0x3: {  	_ = 	snop  }
0x4: {  	_ = 	snop  }
0x5: {  	_ = 	snop  }
0x6: {  	_ = 	snop  }
0x7: {  	_ = 	snop  }
__scs_overlays_trampoline_lowered:
0x8: {  	[smem:$0x3FA3] =	sst s0  }
0x9: {  	[smem:$0x3FA4] =	sst s1  }
0xa: {  	[smem:$0x3FA5] =	sst s2  }
0xb: {  	[smem:$0x3FA6] =	sst s3  }
0xc: {  	[smem:$0x3FA7] =	sst s4  }
0xd: {  	[smem:$0x3FA8] =	sst s5  }
0xe: {  	[smem:$0x3FA9] =	sst s6  }
0xf: {  	[smem:$0x3FAA] =	sst s7  }
0x10: {  	[smem:$0x3FAB] =	sst s8  }
0x11: {  	[smem:$0x3FAC] =	sst s9;
	s0 =	simm.s32 @!p0 $0x0  }
0x12: {  	s1 =	sld [smem:$0x3F92];
	s0 =	simm.s32 @p0 $0x1  }
0x13: {  	[smem:$0x3FAD] =	sst s0;
	s0 =	simm.s32 @!p1 $0x0  }
0x14: {  	s2 =	sld [smem:$0x3F91];
	s0 =	simm.s32 @p1 $0x1  }
0x15: {  	[smem:$0x3FAE] =	sst s0;
	s0 =	simm.s32 @!p2 $0x0  }
0x16: {  	s3 =	sld [smem:$0x3FDB];
	s0 =	simm.s32 @p2 $0x1  }
0x17: {  	s4 =	simm.s32 $0x1BF5;
	[smem:$0x3FB0] =	sst s0  }
0x18: {  	s0 =	sld [smem:$0x3F93];
	_ =	swait.ge [sflag:s4], $0x0  }
0x19: {  	s7 =	sld [smem:$0x3F94]  }
0x1a: {  	s8 =	sadd.s32 $0xFFFFE003, lr  }
0x1b: {  	s9 =	sadd.s32 $0xFFFFFEF7, lr;
	s5 =	simm.s32 $0xFFFFFFFF;
	p2 =	slt.u32 s8, $0xFFFFF086  }
0x1c: {  	p1 =	slt.u32 s9, $0xF7A;
	s5 =	simm.s32 @!p2 $0x0  }
0x1d: {  	s5 =	simm.s32 @p1 $0x1;
	p0 =	seq.s32 s7, s2  }
0x1e: {  	s7 =	smul.u32 @!p0 $0xF7A, s2;
	p2 =	seq.s32 @!p0 s5, $0x0  }
0x1f: {  	s9 =	smul.u32 $0xF7A, s1;
	s8 =	simm.s32 @!p0 $0x1BF5;
	p2 =	por !p2, p0  }
0x20: {  	[sflag:s8] =	ssyncset.s32 @!p0 $0xFFFFF086;
	s6 =	sadd.s32 @!p0 s3, s7;
	s7 =	simm.s32 @!p0 $0x108  }
0x21: {  	s3 =	sadd.s32 s3, s9;
	s6 =	sadd.s32 @!p0 $0x88, s6;
	s7 =	simm.s32 @p2 $0x1082  }
0x22: {  	[simem:s7], [sflag:s8] =	dma.local @!p0 [hbm:s6], $0xF7A  }
0x23: {  	s9 =	sor.u32 $0xD0000000, s2;
	s6 =	simm.s32 $0x108;
	_ =	swait.ge @!p0 [sflag:s8], $0x0  }
0x24: {  	s3 =	sadd.s32 $0x88, s3;
	s6 =	simm.s32 @!p1 $0x1082;
	[sflag:s4] =	ssyncset.s32 $0xFFFFF086  }
0x25: {  	[simem:s6], [sflag:s4] =	dma.local [hbm:s3], $0xF7A  }
0x26: {  	[smem:$0x3F94] =	sst s1;
	(tag) =	ssettag s2;
	_ =	strace s9  }
0x27: {  	s1 =	sld [smem:$0x3FA4]  }
0x28: {  	s2 =	sld [smem:$0x3FA5]  }
0x29: {  	s4 =	sld [smem:$0x3FA7]  }
0x2a: {  	p0 =	seq.s32 s5, $0x0;
	s5 =	sld [smem:$0x3FA8]  }
0x2b: {  	s6 =	sld [smem:$0x3FA9]  }
0x2c: {  	s7 =	sld [smem:$0x3FAA]  }
0x2d: {  	s3 =	simm.s32 $0x108;
	s8 =	sld [smem:$0x3FAB]  }
0x2e: {  	s3 =	simm.s32 @!p0 $0x1082;
	s9 =	sld [smem:$0x3FAC]  }
0x2f: {  	lr =	sadd.s32 s0, s3;
	s0 =	sld [smem:$0x3FA3]  }
0x30: {  	s3 =	sld [smem:$0x3FA6]  }
0x31: {  	[smem:$0x3FAF] =	sst s10  }
0x32: {  	s10 =	sld [smem:$0x3FAD];
	_ =	sdelay $0x3  }
0x33: {  	p0 =	seq.s32 s10, $0x1;
	s10 =	sld [smem:$0x3FAF];
	_ =	sdelay $0x3  }
0x34: {  	[smem:$0x3FAF] =	sst s10  }
0x35: {  	s10 =	sld [smem:$0x3FAE];
	_ =	sdelay $0x3  }
0x36: {  	p1 =	seq.s32 s10, $0x1;
	s10 =	sld [smem:$0x3FAF];
	_ =	sdelay $0x3  }
0x37: {  	[smem:$0x3FAF] =	sst s10  }
0x38: {  	s10 =	sld [smem:$0x3FB0]  }
0x39: {  	_ = 	snop;
	(pc) =	sbr.ind lr, $3  }
0x3a: {  	_ = 	snop  }
0x3b: {  	_ = 	snop  }
0x3c: {  	p2 =	seq.s32 s10, $0x1;
	s10 =	sld [smem:$0x3FAF]  }
0x3d: {  	_ =	shalt  }
0x3e: {  	_ =	shalt  }
0x3f: {  	_ =	shalt  }
0x40: {  	_ =	shalt  }
0x41: {  	_ =	shalt  }
0x42: {  	_ =	shalt  }
0x43: {  	_ =	shalt  }
0x44: {  	_ =	shalt  }
0x45: {  	_ =	shalt  }
0x46: {  	_ =	shalt  }
0x47: {  	_ =	shalt  }
0x48: {  	_ =	shalt  }
0x49: {  	_ =	shalt  }
0x4a: {  	_ =	shalt  }
0x4b: {  	_ =	shalt  }
0x4c: {  	_ =	shalt  }
0x4d: {  	_ =	shalt  }
0x4e: {  	_ =	shalt  }
0x4f: {  	_ =	shalt  }
0x50: {  	_ =	shalt  }
0x51: {  	_ =	shalt  }
0x52: {  	_ =	shalt  }
0x53: {  	_ =	shalt  }
0x54: {  	_ =	shalt  }
0x55: {  	_ =	shalt  }
0x56: {  	_ =	shalt  }
0x57: {  	_ =	shalt  }
0x58: {  	_ =	shalt  }
0x59: {  	_ =	shalt  }
0x5a: {  	_ =	shalt  }
0x5b: {  	_ =	shalt  }
0x5c: {  	_ =	shalt  }
0x5d: {  	_ =	shalt  }
0x5e: {  	_ =	shalt  }
0x5f: {  	_ =	shalt  }
0x60: {  	_ =	shalt  }
0x61: {  	_ =	shalt  }
0x62: {  	_ =	shalt  }
0x63: {  	_ =	shalt  }
0x64: {  	_ =	shalt  }
0x65: {  	_ =	shalt  }
0x66: {  	_ =	shalt  }
0x67: {  	_ =	shalt  }
0x68: {  	_ =	shalt  }
0x69: {  	_ =	shalt  }
0x6a: {  	_ =	shalt  }
0x6b: {  	_ =	shalt  }
0x6c: {  	_ =	shalt  }
0x6d: {  	_ =	shalt  }
0x6e: {  	_ =	shalt  }
0x6f: {  	_ =	shalt  }
0x70: {  	_ =	shalt  }
0x71: {  	_ =	shalt  }
0x72: {  	_ =	shalt  }
0x73: {  	_ =	shalt  }
0x74: {  	_ =	shalt  }
0x75: {  	_ =	shalt  }
0x76: {  	_ =	shalt  }
0x77: {  	_ =	shalt  }
0x78: {  	_ =	shalt  }
0x79: {  	_ =	shalt  }
0x7a: {  	_ =	shalt  }
0x7b: {  	_ =	shalt  }
0x7c: {  	_ =	shalt  }
0x7d: {  	_ =	shalt  }
0x7e: {  	_ =	shalt  }
0x7f: {  	_ =	shalt  }
0x80: {  	_ =	shalt  }
0x81: {  	_ =	shalt  }
0x82: {  	_ =	shalt  }
0x83: {  	_ =	shalt  }
0x84: {  	_ =	shalt  }
0x85: {  	_ =	shalt  }
0x86: {  	_ =	shalt  }
0x87: {  	_ =	shalt  }
.Lfunc_end0:
.L_simem_size_0:
called_computation.5_lowered:
.L_overlay_start_0:
0x88: {  	s2 =	sld [smem:$0x3FD9]  }
0x89: {  	s3 =	sld [smem:$0x3FFE];
	_ =	sdelay $0x1  }
0x8a: {  	s1 =	srdreg.scid  }
0x8b: {  	s0 =	sand.u32 $0x1, s1  }
0x8c: {  	s16 =	sshll.u32 s0, $0xA;
	s2 =	sadd.s32 s3, s2  }
0x8d: {  	s2 =	sadd.s32 s2, s16  }
0x8e: {  	[smem:$0x3FBB] =	sst s2  }
0x8f: {  	_ = 	snop  }
0x90: {  	(tm) =	ssettm $0x1  }
0x91: {  	s17 =	sld [smem:$0x3FFB];
	_ =	sdelay $0x3  }
0x92: {  	_ =	strace s17  }
0x93: {  	s2 =	sld [smem:$0x3FFC];
	_ =	sdelay $0x3  }
0x94: {  	_ =	strace s2  }
0x95: {  	s2 =	sld [smem:$0x3FFD];
	_ =	sdelay $0x3  }
0x96: {  	_ =	strace s2  }
0x97: {  	_ =	strace $0x8FFFFFFF  }
0x98: {  	s18 =	sld [smem:$0x3FDB];
	_ =	sdelay $0x1  }
0x99: {  	s19 =	simm.s32 $_scs_section_size  }
0x9a: {  	s4 =	simm.s32 $_size__tile_overlayer_lowered;
	s5 =	simm.s32 $_tile_overlayer_lowered  }
0x9b: {  	s22 =	simm.s32 $0x1BFF;
	s21 =	sshll.u32 s5, $0x1;
	s2 =	sadd.s32 s19, s18  }
0x9c: {  	s6 =	simm.s32 $0x0;
	s20 =	sshll.u32 s4, $0x1;
	s4 =	sadd.s32 s21, s2  }
0x9d: {  	[timem:s6], [sflag:s22] =	dma.local [hbm:s4], s20  }
0x9e: {  	_ =	swait.ge [sflag:s22], s20  }
0x9f: {  	s3 =	ssub.s32 $0x0, s20;
	[sflag:s22] =	ssyncset.done $0x0  }
0xa0: {  	[sflag:s22] =	ssyncadd.s32 s3;
	_ =	sdelay $0x1  }
0xa1: {  	s23 =	simm.s32 $0x1B8B  }
0xa2: {  	_ =	swait.ge [sflag:s23], $0x1  }
0xa3: {  	[sflag:s23] =	ssyncset.done $0x0  }
0xa4: {  	s25 =	simm.s32 $0x1B8E;
	s24 =	sld [smem:$0x3FFE];
	[sflag:s23] =	ssyncadd.s32 $0xFFFFFFFF  }
0xa5: {  	s26 =	simm.s32 $execute0_lowered;
	[smem:$0x3FD2] =	sst s25  }
0xa6: {  	s4 =	sshll.u32 s26, $0x1;
	_ =	strace $0x80000049;
	[dreg:$0x1] =	wrdreg $0xFFFFFFFF  }
0xa7: {  	s28 =	simm.s32 $_size_execute0_lowered;
	s2 =	sadd.s32 s2, s4;
	[dreg:$0x0] =	wrdreg $0x0  }
0xa8: {  	s4 =	sshll.u32 s28, $0x1;
	[dreg:$0x2] =	wrdreg s2  }
0xa9: {  	[dreg:$0x3] =	wrdreg s4  }
0xaa: {  	[dreg:$0x4] =	wrdreg $0xC0  }
0xab: {  	_ =	task [dreg:s6], $0x5FFFF  }
0xac: {  	[dreg:$0x1] =	wrdreg $0xFFFFFFFF  }
0xad: {  	[dreg:$0x0] =	wrdreg $0x60  }
0xae: {  	[dreg:$0x2] =	wrdreg s24  }
0xaf: {  	[dreg:$0x3] =	wrdreg $0x54000  }
0xb0: {  	[dreg:$0x4] =	wrdreg $0x9  }
0xb1: {  	_ =	task.clear_ibuf [dreg:s6], $0x5FFFF;
	_ =	strace $0x90000049  }
0xb2: {  	s29 =	simm.s32 $0x9;
	_ =	strace $0x8000004B  }
0xb3: {  	_ =	swait.ge [sflag:s29], $0x1  }
0xb4: {  	[sflag:s29] =	ssyncadd.s32 $0xFFFFFFFF  }
0xb5: {  	_ =	strace $0x9000004B  }
0xb6: {  	_ =	sfence  }
0xb7: {  	s30 =	sld [smem:$0x0];
	_ =	sdelay $0x2  }
0xb8: {  	s31 =	sshll.u32 s1, $0xD;
	s1 =	sshrl.u32 s1, $0x2  }
0xb9: {  	s3 =	sand.u32 $0x4000, s31;
	s1 =	sadd.s32 s1, s30  }
0xba: {  	s0 =	sor.u32 s3, s0;
	s1 =	sshll.u32 s1, $0x11  }
0xbb: {  	s0 =	sor.u32 s1, s0  }
0xbc: {  	s0 =	sadd.s32 $0x8F2B, s0  }
0xbd: {  	[sflag:s0] =	ssyncadd.remote.s32 $0x1  }
0xbe: {  	_ =	sfence.sel $0xFFFF  }
0xbf: {  	[dreg:$0x0] =	wrdreg $0xFFFFFFFF;
	(pc) =	sbr.abs _section_cstart, $3  }
0xc0: {  	[dreg:$0x1] =	wrdreg $0xFFFFFFFF  }
0xc1: {  	_ =	task.clear_ibuf [dreg:s6], $0x2FFFF;
	_ =	strace $0x9FFFFFFF  }
0xc2: {  	(tm) =	ssettm $0x7FFFFFFF  }
0xc3: {  	_ =	shalt  }
tec
execute0_lowered:
.L_overlay_start_1:
0x0: {  	(tag) =	ssettag $0x1  }
0x1: {  	s0 =	rddreg [dreg:$0x0]  }
0x2: {  	s2 =	rddreg [dreg:$0x1]  }
0x3: {  	s1 =	simm.s32 $0x0;
	s3 =	stileid.u32;
	s26 =	srdreg.scid  }
0x4: {  	[smem:$0x7FF] =	sst s1;
	s6 =	smul.u32 $0x19000, s3;
	s4 =	sadd.s32 $0x25B000, s0  }
0x5: {  	s5 =	sadd.s32 $0x1F9400, s0;
	s9 =	sand.u32 $0x1, s26;
	s8 =	smul.u32 $0x61C00, s3  }
0x6: {  	s0 =	sadd.s32 $0x2BF200, s0;
	s14 =	sshll.u32 s9, $0x1;
	s7 =	sshrl.u32 s6, $0x3  }
0x7: {  	s29 =	sshrl.u32 s8, $0x2;
	s8 =	sadd.s32 s14, s0;
	s11 =	sadd.s32 s4, s7  }
0x8: {  	_ =	strace $0x8000004A;
	s15 =	sadd.s32 $0x5BA40, s8;
	[dreg:$0x3] =	wrdreg s11  }
0x9: {  	s31 =	sadd.s32 s29, s2;
	[dreg:$0x9] =	wrdreg s15  }
0xa: {  	s1 =	ssub.s32 $0x2, s9;
	s7 =	sadd.s32 $0x40, s11;
	[dreg:$0x6] =	wrdreg s31  }
0xb: {  	s10 =	sshrl.u32 s1, $0x1;
	s30 =	sadd.s32 $0x80, s11;
	[dreg:$0x4] =	wrdreg s7  }
0xc: {  	s1 =	ssub.s32 s1, s10;
	s12 =	sadd.s32 $0x18000, s31;
	[dreg:$0x5] =	wrdreg s30  }
0xd: {  	s1 =	smax.u32 s1, $0x1;
	[dreg:$0x7] =	wrdreg s12  }
0xe: {  	s28 =	simm.s32 $0x0;
	s16 =	sadd.s32 $0x2000, s31;
	[dreg:$0xa] =	wrdreg s1  }
0xf: {  	p0 =	seq.s32 s3, $0xF;
	s17 =	sadd.s32 $0x4000, s31;
	[dreg:$0xb] =	wrdreg s16  }
0x10: {  	s13 =	sshll.u32 s9, $0x4;
	s18 =	sadd.s32 $0x6000, s31;
	[dreg:$0xc] =	wrdreg s17  }
0x11: {  	s14 =	sor.u32 $0xC00, s6;
	s19 =	sadd.s32 $0x8000, s31;
	[dreg:$0xd] =	wrdreg s18  }
0x12: {  	s10 =	smul.u32 $0x30E00, s3;
	s20 =	sadd.s32 $0xA000, s31;
	[dreg:$0xe] =	wrdreg s19  }
0x13: {  	s8 =	simm.s32 $0x800;
	s22 =	sadd.s32 $0xC000, s31;
	[dreg:$0xf] =	wrdreg s20  }
0x14: {  	s11 =	sor.u32 $0x600, s6;
	s24 =	sadd.s32 $0xE000, s31;
	[dreg:$0x11] =	wrdreg s22  }
0x15: {  	s25 =	sadd.s32 $0x10000, s31;
	s26 =	sadd.s32 $0x12000, s31;
	[dreg:$0x12] =	wrdreg s24  }
0x16: {  	s29 =	sadd.s32 $0x14000, s31;
	s15 =	simm.s32 $0x9;
	[dreg:$0x13] =	wrdreg s25  }
0x17: {  	s12 =	sor.u32 $0x800, s6;
	s7 =	sor.u32 s13, s10;
	[dreg:$0x14] =	wrdreg s26  }
0x18: {  	s13 =	sor.u32 $0xA00, s6;
	s21 =	sshrl.u32 s11, $0x3;
	[dreg:$0x15] =	wrdreg s29  }
0x19: {  	s30 =	sadd.s32 $0x16000, s31;
	s1 =	simm.s32 $0x190600;
	s10 =	simm.s32 $0x1400  }
0x1a: {  	s16 =	simm.s32 $0x1;
	s17 =	simm.s32 $0x3400;
	s18 =	simm.s32 $0x5  }
0x1b: {  	s19 =	simm.s32 $0x1000;
	s20 =	simm.s32 $0x3;
	s6 =	simm.s32 $0x7  }
0x1c: {  	s22 =	simm.s32 $0x1200;
	s24 =	simm.s32 $0x4;
	s7 =	sshrl.u32 s7, $0x3  }
0x1d: {  	s25 =	simm.s32 $0x8;
	s26 =	simm.s32 $0xC00;
	s0 =	sadd.s32 s0, s7  }
0x1e: {  	s23 =	sadd.s32 s4, s21;
	[dreg:$0x8] =	wrdreg s0;
	s0 =	sadd.s32 $0x16E900, s2  }
0x1f: {  	[dreg:$0x16] =	wrdreg s30;
	s21 =	simm.s32 $0x6;
	s0 =	sshrl.u32 @p0 s0, $0x3  }
0x20: {  	v1 =	vimm.f32 $0.0e+00;
	v0 =	vmov s9;
	s7 =	simm.s32 $0x400;
	[dreg:$0x10] =	wrdreg s0;
	s0 =	simm.s32 $0x200  }
.LBB2_1:
0x21: {  	[dreg:$0x17] =	wrdreg s28  }
0x22: {  	s3 =	simm.s32 $0x0;
	s9 =	rddreg [dreg:$0x3]  }
0x23: {  	[tilespmem:s3], [sflag:$0x1] =	stream.strided.gather [hbm4b:s9+s0], $0x400, s1, s0, $0x38;
	[tilespmem:$0x1DB00] =	vst v63  }
0x24: {  	s29 =	rddreg [dreg:$0x4]  }
0x25: {  	[tilespmem:s7], [sflag:$0x2] =	stream.strided.gather [hbm4b:s29+s0], $0x400, s1, s0, $0x38;
	[tilespmem:$0x1DB00] =	vst v63  }
0x26: {  	s30 =	rddreg [dreg:$0x5];
	s28 =	simm.s32 $0x0;
	s9 =	simm.s32 $0x40  }
0x27: {  	[tilespmem:s8], [sflag:$0x3] =	stream.strided.gather [hbm4b:s30+s0], $0x400, s1, s0, $0x38;
	[tilespmem:$0x1DB00] =	vst v63  }
.LBB2_2:
0x28: {  	p1 =	sne.s32 s9, $0x7FC0;
	[tilespmem:s28+$0x1400] =	vst v1;
	s28 =	smov.u32 s9;
	s9 =	sadd.s32 $0x40, s9  }
.Ltmp0:
0x29: {  	(pc) =	sbr.rel @p1 .LBB2_2-.Ltmp0, $2  }
0x2a: {  	_ =	sdelay $0x2  }
0x2b: {  	s28 =	sshra.s32 s28, $0x2  }
0x2c: {  	[tilespmem:s28+$0x1400] =	vst v1  }
0x2d: {  	[spmem:s31] =	stream.linear.scatter [tilespmem:s10], [sflag:$0x9], $0x2000, $0x38;
	[tilespmem:$0x1DB00] =	vst v63  }
0x2e: {  	_ =	swait.ge [sflag:s15], $0x2000  }
0x2f: {  	[sflag:s15] =	ssyncset.done $0x0  }
0x30: {  	s3 =	rddreg [dreg:$0xb];
	[sflag:s15] =	ssyncadd.s32 $0xFFFFE000  }
0x31: {  	[spmem:s3] =	stream.linear.scatter [tilespmem:s10], [sflag:$0x9], $0x2000, $0x38;
	[tilespmem:$0x1DB00] =	vst v63  }
0x32: {  	_ =	swait.ge [sflag:s15], $0x2000  }
0x33: {  	[sflag:s15] =	ssyncset.done $0x0  }
0x34: {  	s28 =	rddreg [dreg:$0xc];
	[sflag:s15] =	ssyncadd.s32 $0xFFFFE000  }
0x35: {  	[spmem:s28] =	stream.linear.scatter [tilespmem:s10], [sflag:$0x9], $0x2000, $0x38;
	[tilespmem:$0x1DB00] =	vst v63  }
0x36: {  	_ =	swait.ge [sflag:s15], $0x2000  }
0x37: {  	[sflag:s15] =	ssyncset.done $0x0  }
0x38: {  	s29 =	rddreg [dreg:$0xd];
	[sflag:s15] =	ssyncadd.s32 $0xFFFFE000  }
0x39: {  	[spmem:s29] =	stream.linear.scatter [tilespmem:s10], [sflag:$0x9], $0x2000, $0x38;
	[tilespmem:$0x1DB00] =	vst v63  }
0x3a: {  	_ =	swait.ge [sflag:s15], $0x2000  }
0x3b: {  	[sflag:s15] =	ssyncset.done $0x0  }
0x3c: {  	s31 =	rddreg [dreg:$0xe];
	[sflag:s15] =	ssyncadd.s32 $0xFFFFE000  }
0x3d: {  	[spmem:s31] =	stream.linear.scatter [tilespmem:s10], [sflag:$0x9], $0x2000, $0x38;
	[tilespmem:$0x1DB00] =	vst v63  }
0x3e: {  	_ =	swait.ge [sflag:s15], $0x2000  }
0x3f: {  	[sflag:s15] =	ssyncset.done $0x0  }
0x40: {  	s9 =	rddreg [dreg:$0xf];
	[sflag:s15] =	ssyncadd.s32 $0xFFFFE000  }
0x41: {  	[spmem:s9] =	stream.linear.scatter [tilespmem:s10], [sflag:$0x9], $0x2000, $0x38;
	[tilespmem:$0x1DB00] =	vst v63  }
0x42: {  	_ =	swait.ge [sflag:s15], $0x2000  }
0x43: {  	[sflag:s15] =	ssyncset.done $0x0  }
0x44: {  	s28 =	rddreg [dreg:$0x11];
	[sflag:s15] =	ssyncadd.s32 $0xFFFFE000  }
0x45: {  	[spmem:s28] =	stream.linear.scatter [tilespmem:s10], [sflag:$0x9], $0x2000, $0x38;
	[tilespmem:$0x1DB00] =	vst v63  }
0x46: {  	_ =	swait.ge [sflag:s15], $0x2000  }
0x47: {  	[sflag:s15] =	ssyncset.done $0x0  }
0x48: {  	s29 =	rddreg [dreg:$0x12];
	[sflag:s15] =	ssyncadd.s32 $0xFFFFE000  }
0x49: {  	[spmem:s29] =	stream.linear.scatter [tilespmem:s10], [sflag:$0x9], $0x2000, $0x38;
	[tilespmem:$0x1DB00] =	vst v63  }
0x4a: {  	_ =	swait.ge [sflag:s15], $0x2000  }
0x4b: {  	[sflag:s15] =	ssyncset.done $0x0  }
0x4c: {  	s31 =	rddreg [dreg:$0x13];
	[sflag:s15] =	ssyncadd.s32 $0xFFFFE000  }
0x4d: {  	[spmem:s31] =	stream.linear.scatter [tilespmem:s10], [sflag:$0x9], $0x2000, $0x38;
	[tilespmem:$0x1DB00] =	vst v63  }
0x4e: {  	_ =	swait.ge [sflag:s15], $0x2000  }
0x4f: {  	[sflag:s15] =	ssyncset.done $0x0  }
0x50: {  	s9 =	rddreg [dreg:$0x14];
	[sflag:s15] =	ssyncadd.s32 $0xFFFFE000  }
0x51: {  	[spmem:s9] =	stream.linear.scatter [tilespmem:s10], [sflag:$0x9], $0x2000, $0x38;
	[tilespmem:$0x1DB00] =	vst v63  }
0x52: {  	_ =	swait.ge [sflag:s15], $0x2000  }
0x53: {  	[sflag:s15] =	ssyncset.done $0x0  }
0x54: {  	s28 =	rddreg [dreg:$0x15];
	[sflag:s15] =	ssyncadd.s32 $0xFFFFE000  }
0x55: {  	[spmem:s28] =	stream.linear.scatter [tilespmem:s10], [sflag:$0x9], $0x2000, $0x38;
	[tilespmem:$0x1DB00] =	vst v63  }
0x56: {  	_ =	swait.ge [sflag:s15], $0x2000  }
0x57: {  	[sflag:s15] =	ssyncset.done $0x0  }
0x58: {  	s29 =	rddreg [dreg:$0x16];
	[sflag:s15] =	ssyncadd.s32 $0xFFFFE000  }
0x59: {  	[spmem:s29] =	stream.linear.scatter [tilespmem:s10], [sflag:$0x9], $0x2000, $0x38;
	[tilespmem:$0x1DB00] =	vst v63  }
0x5a: {  	_ =	swait.ge [sflag:s15], $0x2000  }
0x5b: {  	[sflag:s15] =	ssyncset.done $0x0  }
0x5c: {  	s31 =	rddreg [dreg:$0x7];
	[sflag:s15] =	ssyncadd.s32 $0xFFFFE000  }
0x5d: {  	[spmem:s31] =	stream.linear.scatter [tilespmem:s10], [sflag:$0x9], $0x700, $0x38;
	[tilespmem:$0x1DB00] =	vst v63  }
0x5e: {  	_ =	swait.ge [sflag:s15], $0x700  }
0x5f: {  	[sflag:s15] =	ssyncset.done $0x0  }
0x60: {  	[sflag:s15] =	ssyncadd.s32 $0xFFFFF900  }
0x61: {  	s30 =	simm.s32 $0x0;
	[bflag:$0x0] =	sbarrier.arrive $0xFFFF  }
.LBB2_4:
0x62: {  	_ =	swait.ge [sflag:s16], $0x400  }
0x63: {  	p1 =	seq.s32 s30, $0x0;
	[sflag:s16] =	ssyncset.done $0x0  }
0x64: {  	s9 =	simm.s32 @!p1 $0x7;
	[sflag:s16] =	ssyncadd.s32 $0xFFFFFC00  }
0x65: {  	_ =	swait.ge @!p1 [sflag:s9], $0x2000  }
0x66: {  	s31 =	sshll.u32 s30, $0xB;
	[sflag:s9] =	ssyncset.done @!p1 $0x0  }
0x67: {  	s28 =	simm.s32 $0x0;
	[sflag:s9] =	ssyncadd.s32 @!p1 $0xFFFFE000;
	s9 =	simm.s32 $0x40  }
.LBB2_5:
0x68: {  	p2 =	sne.s32 s9, $0x7C0;
	v2 =	vld [tilespmem:s28+$0x0]  }
0x69: {  	v3 =	vld [tilespmem:s28+$0x200];
	_ =	sdelay $0x1  }
.Ltmp1:
0x6a: {  	(pc) =	sbr.rel @p2 .LBB2_5-.Ltmp1, $4  }
0x6b: {  	_ = 	snop  }
0x6c: {  	v2 =	vshll.u32 v2, $0x1  }
0x6d: {  	v2 =	vor.u32 v0, v2;
	[tilespmem:s28+$0x1000] =	vst v3  }
0x6e: {  	[tilespmem:s28+$0x0] =	vst v2;
	s28 =	sshra.s32 s9, $0x2;
	s9 =	sadd.s32 $0x40, s9  }
0x6f: {  	v2 =	vld [tilespmem:s28+$0x0]  }
0x70: {  	v3 =	vld [tilespmem:s28+$0x200];
	_ =	sdelay $0x3  }
0x71: {  	v2 =	vshll.u32 v2, $0x1  }
0x72: {  	[tilespmem:s28+$0x1000] =	vst v3;
	v2 =	vor.u32 v0, v2  }
0x73: {  	s3 =	simm.s32 $0x0;
	[tilespmem:s28+$0x0] =	vst v2  }
0x74: {  	[tilespmem:s10], [sflag:$0x5] =	stream.indirect.gather [hbm4b:s5+s0], $0x10, s3, s0, $0xb8;
	[tilespmem:$0x1DB00] =	vst v63  }
0x75: {  	s9 =	simm.s32 @p1 $0x200;
	s29 =	simm.s32 @p1 $0xC00;
	s28 =	simm.s32 @p1 $0x190600  }
0x76: {  	[tilespmem:s29], [sflag:$0x4] =	stream.strided.gather @p1 [hbm4b:s23+s9], $0x400, s28, s9, $0x38;
	[tilespmem:$0x1DB00] =	vst v63  }
0x77: {  	s9 =	simm.s32 @p1 $0x2  }
0x78: {  	_ =	swait.ge @p1 [sflag:s9], $0x400  }
0x79: {  	[sflag:s9] =	ssyncset.done @p1 $0x0  }
0x7a: {  	[sflag:s9] =	ssyncadd.s32 @p1 $0xFFFFFC00;
	s9 =	simm.s32 @!p1 $0x6  }
0x7b: {  	_ =	swait.ge @!p1 [sflag:s9], $0x2000  }
0x7c: {  	s28 =	simm.s32 @!p1 $0x1200;
	[sflag:s9] =	ssyncset.done @!p1 $0x0  }
0x7d: {  	s29 =	simm.s32 @!p1 $0x3400;
	[sflag:s9] =	ssyncadd.s32 @!p1 $0xFFFFE000;
	s9 =	simm.s32 @!p1 $0x200  }
0x7e: {  	[spmem:s2] =	stream.indirect.scatter.add.f32 @!p1 [tilespmem:s29], [sflag:$0x8], $0x10, s28, s9, $0xb8;
	[tilespmem:$0x1DB00] =	vst v63  }
0x7f: {  	s28 =	sadd.s32 @!p1 s31, s11  }
0x80: {  	s28 =	sshrl.u32 @!p1 s28, $0x3  }
0x81: {  	s3 =	simm.s32 @!p1 $0xC00;
	s29 =	simm.s32 @!p1 $0x190600;
	s28 =	sadd.s32 @!p1 s4, s28  }
0x82: {  	[tilespmem:s3], [sflag:$0x4] =	stream.strided.gather @!p1 [hbm4b:s28+s9], $0x400, s29, s9, $0x38;
	[tilespmem:$0x1DB00] =	vst v63  }
0x83: {  	s3 =	simm.s32 @!p1 $0x2  }
0x84: {  	_ =	swait.ge @!p1 [sflag:s3], $0x400  }
0x85: {  	[sflag:s3] =	ssyncset.done @!p1 $0x0  }
0x86: {  	[sflag:s3] =	ssyncadd.s32 @!p1 $0xFFFFFC00;
	s3 =	simm.s32 @!p1 $0x8  }
0x87: {  	_ =	swait.ge @!p1 [sflag:s3], $0x2000  }
0x88: {  	[sflag:s3] =	ssyncset.done @!p1 $0x0  }
0x89: {  	s28 =	simm.s32 $0x0;
	s9 =	simm.s32 $0x40;
	[sflag:s3] =	ssyncadd.s32 @!p1 $0xFFFFE000  }
.LBB2_7:
0x8a: {  	p1 =	sne.s32 s9, $0x7C0;
	v2 =	vld [tilespmem:s28+$0x400]  }
0x8b: {  	v3 =	vld [tilespmem:s28+$0x600];
	_ =	sdelay $0x1  }
.Ltmp2:
0x8c: {  	(pc) =	sbr.rel @p1 .LBB2_7-.Ltmp2, $4  }
0x8d: {  	_ = 	snop  }
0x8e: {  	v2 =	vshll.u32 v2, $0x1  }
0x8f: {  	v2 =	vor.u32 v0, v2;
	[tilespmem:s28+$0x1200] =	vst v3  }
0x90: {  	[tilespmem:s28+$0x400] =	vst v2;
	s28 =	sshra.s32 s9, $0x2;
	s9 =	sadd.s32 $0x40, s9  }
0x91: {  	v2 =	vld [tilespmem:s28+$0x400]  }
0x92: {  	v3 =	vld [tilespmem:s28+$0x600];
	_ =	sdelay $0x3  }
0x93: {  	v2 =	vshll.u32 v2, $0x1  }
0x94: {  	[tilespmem:s28+$0x1200] =	vst v3;
	v2 =	vor.u32 v0, v2  }
0x95: {  	[tilespmem:s28+$0x400] =	vst v2  }
0x96: {  	[tilespmem:s17], [sflag:$0x6] =	stream.indirect.gather [hbm4b:s5+s0], $0x10, s7, s0, $0xb8;
	[tilespmem:$0x1DB00] =	vst v63  }
0x97: {  	_ =	swait.ge [sflag:s18], $0x2000  }
0x98: {  	s3 =	sadd.s32 s31, s12;
	[sflag:s18] =	ssyncset.done $0x0  }
0x99: {  	s3 =	sshrl.u32 s3, $0x3;
	[sflag:s18] =	ssyncadd.s32 $0xFFFFE000  }
0x9a: {  	[spmem:s2] =	stream.indirect.scatter.add.f32 [tilespmem:s10], [sflag:$0x7], $0x10, s19, s0, $0xb8;
	[tilespmem:$0x1DB00] =	vst v63  }
0x9b: {  	s9 =	simm.s32 $0x0;
	s3 =	sadd.s32 s4, s3  }
0x9c: {  	[tilespmem:s9], [sflag:$0x1] =	stream.strided.gather [hbm4b:s3+s0], $0x400, s1, s0, $0x38;
	[tilespmem:$0x1DB00] =	vst v63  }
0x9d: {  	_ =	swait.ge [sflag:s20], $0x400  }
0x9e: {  	[sflag:s20] =	ssyncset.done $0x0  }
0x9f: {  	[sflag:s20] =	ssyncadd.s32 $0xFFFFFC00  }
0xa0: {  	_ =	swait.ge [sflag:s6], $0x2000  }
0xa1: {  	[sflag:s6] =	ssyncset.done $0x0  }
0xa2: {  	s28 =	simm.s32 $0x0;
	s9 =	simm.s32 $0x40;
	[sflag:s6] =	ssyncadd.s32 $0xFFFFE000  }
.LBB2_9:
0xa3: {  	p1 =	sne.s32 s9, $0x7C0;
	v2 =	vld [tilespmem:s28+$0x800]  }
0xa4: {  	v3 =	vld [tilespmem:s28+$0xA00];
	_ =	sdelay $0x1  }
.Ltmp3:
0xa5: {  	(pc) =	sbr.rel @p1 .LBB2_9-.Ltmp3, $4  }
0xa6: {  	_ = 	snop  }
0xa7: {  	v2 =	vshll.u32 v2, $0x1  }
0xa8: {  	v2 =	vor.u32 v0, v2;
	[tilespmem:s28+$0x1000] =	vst v3  }
0xa9: {  	[tilespmem:s28+$0x800] =	vst v2;
	s28 =	sshra.s32 s9, $0x2;
	s9 =	sadd.s32 $0x40, s9  }
0xaa: {  	v2 =	vld [tilespmem:s28+$0x800]  }
0xab: {  	v3 =	vld [tilespmem:s28+$0xA00];
	_ =	sdelay $0x3  }
0xac: {  	v2 =	vshll.u32 v2, $0x1  }
0xad: {  	[tilespmem:s28+$0x1000] =	vst v3;
	v2 =	vor.u32 v0, v2  }
0xae: {  	[tilespmem:s28+$0x800] =	vst v2  }
0xaf: {  	[tilespmem:s10], [sflag:$0x5] =	stream.indirect.gather [hbm4b:s5+s0], $0x10, s8, s0, $0xb8;
	[tilespmem:$0x1DB00] =	vst v63  }
0xb0: {  	_ =	swait.ge [sflag:s21], $0x2000  }
0xb1: {  	s3 =	sadd.s32 s31, s13;
	[sflag:s21] =	ssyncset.done $0x0  }
0xb2: {  	s3 =	sshrl.u32 s3, $0x3;
	[sflag:s21] =	ssyncadd.s32 $0xFFFFE000  }
0xb3: {  	[spmem:s2] =	stream.indirect.scatter.add.f32 [tilespmem:s17], [sflag:$0x8], $0x10, s22, s0, $0xb8;
	[tilespmem:$0x1DB00] =	vst v63  }
0xb4: {  	s3 =	sadd.s32 s4, s3  }
0xb5: {  	[tilespmem:s7], [sflag:$0x2] =	stream.strided.gather [hbm4b:s3+s0], $0x400, s1, s0, $0x38;
	[tilespmem:$0x1DB00] =	vst v63  }
0xb6: {  	_ =	swait.ge [sflag:s24], $0x400  }
0xb7: {  	[sflag:s24] =	ssyncset.done $0x0  }
0xb8: {  	[sflag:s24] =	ssyncadd.s32 $0xFFFFFC00  }
0xb9: {  	_ =	swait.ge [sflag:s25], $0x2000  }
0xba: {  	[sflag:s25] =	ssyncset.done $0x0  }
0xbb: {  	s9 =	simm.s32 $0x40;
	s28 =	simm.s32 $0x0;
	[sflag:s25] =	ssyncadd.s32 $0xFFFFE000  }
.LBB2_11:
0xbc: {  	p1 =	sne.s32 s9, $0x7C0;
	v2 =	vld [tilespmem:s28+$0xC00]  }
0xbd: {  	v3 =	vld [tilespmem:s28+$0xE00];
	_ =	sdelay $0x1  }
.Ltmp4:
0xbe: {  	(pc) =	sbr.rel @p1 .LBB2_11-.Ltmp4, $4  }
0xbf: {  	_ = 	snop  }
0xc0: {  	v2 =	vshll.u32 v2, $0x1  }
0xc1: {  	v2 =	vor.u32 v0, v2;
	[tilespmem:s28+$0x1200] =	vst v3  }
0xc2: {  	[tilespmem:s28+$0xC00] =	vst v2;
	s28 =	sshra.s32 s9, $0x2;
	s9 =	sadd.s32 $0x40, s9  }
0xc3: {  	v2 =	vld [tilespmem:s28+$0xC00]  }
0xc4: {  	v3 =	vld [tilespmem:s28+$0xE00];
	_ =	sdelay $0x3  }
0xc5: {  	v2 =	vshll.u32 v2, $0x1  }
0xc6: {  	[tilespmem:s28+$0x1200] =	vst v3;
	v2 =	vor.u32 v0, v2  }
0xc7: {  	s30 =	sadd.s32 $0x1, s30;
	[tilespmem:s28+$0xC00] =	vst v2  }
0xc8: {  	[tilespmem:s17], [sflag:$0x6] =	stream.indirect.gather [hbm4b:s5+s0], $0x10, s26, s0, $0xb8;
	[tilespmem:$0x1DB00] =	vst v63  }
0xc9: {  	p1 =	sne.s32 s30, $0x32;
	_ =	swait.ge [sflag:s18], $0x2000  }
.Ltmp5:
0xca: {  	s3 =	sadd.s32 s31, s14;
	[sflag:s18] =	ssyncset.done $0x0;
	(pc) =	sbr.rel @p1 .LBB2_4-.Ltmp5, $4  }
0xcb: {  	s3 =	sshrl.u32 s3, $0x3;
	[sflag:s18] =	ssyncadd.s32 $0xFFFFE000  }
0xcc: {  	[spmem:s2] =	stream.indirect.scatter.add.f32 [tilespmem:s10], [sflag:$0x7], $0x10, s19, s0, $0xb8;
	[tilespmem:$0x1DB00] =	vst v63  }
0xcd: {  	s3 =	sadd.s32 s4, s3  }
0xce: {  	[tilespmem:s8], [sflag:$0x3] =	stream.strided.gather [hbm4b:s3+s0], $0x400, s1, s0, $0x38;
	[tilespmem:$0x1DB00] =	vst v63  }
0xcf: {  	_ =	swait.ge [sflag:s21], $0x2000  }
0xd0: {  	[sflag:s21] =	ssyncset.done $0x0  }
0xd1: {  	[sflag:s21] =	ssyncadd.s32 $0xFFFFE000  }
0xd2: {  	[spmem:s2] =	stream.indirect.scatter.add.f32 [tilespmem:s17], [sflag:$0x8], $0x10, s22, s0, $0xb8;
	[tilespmem:$0x1DB00] =	vst v63  }
0xd3: {  	_ =	swait.ge [sflag:s6], $0x2000  }
0xd4: {  	[sflag:s6] =	ssyncset.done $0x0  }
0xd5: {  	[sflag:s6] =	ssyncadd.s32 $0xFFFFE000  }
0xd6: {  	_ =	swait.ge [sflag:s25], $0x2000  }
0xd7: {  	[sflag:s25] =	ssyncset.done $0x0  }
0xd8: {  	[sflag:s25] =	ssyncadd.s32 $0xFFFFE000  }
0xd9: {  	_ =	swait.ge [sflag:s16], $0x400  }
0xda: {  	[sflag:s16] =	ssyncset.done $0x0  }
0xdb: {  	s3 =	simm.s32 $0x2;
	[sflag:s16] =	ssyncadd.s32 $0xFFFFFC00  }
0xdc: {  	_ =	swait.ge [sflag:s3], $0x400  }
0xdd: {  	[sflag:s3] =	ssyncset.done $0x0  }
0xde: {  	[sflag:s3] =	ssyncadd.s32 $0xFFFFFC00  }
0xdf: {  	_ =	swait.ge [sflag:s20], $0x400  }
0xe0: {  	[sflag:s20] =	ssyncset.done $0x0  }
0xe1: {  	[sflag:s20] =	ssyncadd.s32 $0xFFFFFC00  }
0xe2: {  	[bflag:$0x0] =	sbarrier.arrive $0xFFFF  }
0xe3: {  	s9 =	simm.s32 @p0 $0x4;
	s28 =	simm.s32 @p0 $0x2;
	s30 =	rddreg [dreg:$0x9]  }
0xe4: {  	s29 =	simm.s32 @p0 $0x1FC9;
	s3 =	simm.s32 @p0 $0x1;
	s31 =	rddreg [dreg:$0x10]  }
0xe5: {  	[hbm:s30@s9], [sflag:s29] =	dma.strided @p0 [spmem:s31@s28], $0x3020, s3, $0x2   }
0xe6: {  	s3 =	simm.s32 @p0 $0x9  }
0xe7: {  	s26 =	simm.s32 @!p0 $0x4;
	s9 =	stileid.u32;
	_ =	swait.ge @p0 [sflag:s3], $0x3020  }
0xe8: {  	s30 =	simm.s32 @!p0 $0x2;
	s29 =	simm.s32 @!p0 $0x1;
	s31 =	rddreg [dreg:$0x6]  }
0xe9: {  	s9 =	sshll.u32 @!p0 s9, $0x6;
	[sflag:s3] =	ssyncset.done @p0 $0x0;
	s28 =	rddreg [dreg:$0x8]  }
0xea: {  	[sflag:s3] =	ssyncadd.s32 @p0 $0xFFFFCFE0;
	s3 =	sor.u32 @!p0 $0x1C09, s9;
	s9 =	sshrl.u32 @!p0 s31, $0x3  }
0xeb: {  	[hbm:s28@s26], [sflag:s3] =	dma.strided @!p0 [spmem:s9@s30], $0x30E0, s29, $0x2   }
0xec: {  	s3 =	simm.s32 @!p0 $0x9  }
0xed: {  	_ =	swait.ge @!p0 [sflag:s3], $0x30E0  }
0xee: {  	s28 =	rddreg [dreg:$0x17]  }
0xef: {  	s30 =	rddreg [dreg:$0xa];
	s28 =	sadd.s32 $0x1, s28  }
0xf0: {  	p1 =	sne.s32 s28, s30  }
.Ltmp6:
0xf1: {  	_ = 	snop;
	(pc) =	sbr.rel @p1 .LBB2_1-.Ltmp6, $3  }
0xf2: {  	_ =	sdelay $0x1  }
0xf3: {  	[sflag:s3] =	ssyncset.done @!p0 $0x0  }
0xf4: {  	s26 =	simm.s32 $0xC00;
	[sflag:s3] =	ssyncadd.s32 @!p0 $0xFFFFCF20  }
0xf5: {  	_ =	sfence.sel $0x180000  }
0xf6: {  	[bflag:$0x0] =	sbarrier.arrive $0xFFFF  }
0xf7: {  	_ =	strace $0x9000004A  }
0xf8: {  	s0 =	stileid.u32;
	[bflag:$0x2] =	sbarrier.arrive $0xFFFF  }
0xf9: {  	p0 =	sne.s32 s0, $0x0;
	s0 =	rddreg [dreg:$0x2]  }
0xfa: {  	s0 =	sadd.s32 @!p0 $0x100000, s0  }
0xfb: {  	[sflag:s0] =	ssyncadd.tile.s32 @!p0 $0x1;
	_ =	shalt  }
.Lfunc_end2:
_tile_overlayer_lowered:
.L_overlay_start_2:
0xfc: {  	(tag) =	ssettag $0x2  }
0xfd: {  	s0 =	rddreg [dreg:$0x0];
	s2 =	stileid.u32  }
0xfe: {  	s1 =	rddreg [dreg:$0x1];
	p0 =	sne.s32 s2, $0x0  }
0xff: {  	s3 =	rddreg [dreg:$0x2];
	[bflag:$0x3] =	sbarrier.arrive $0xFFFF;
	s2 =	simm.s32 @!p0 $0x1C09  }
0x100: {  	[timem:s3], [sflag:s2] =	dma.local @!p0 [hbm:s0], s1  }
0x101: {  	s0 =	simm.s32 @!p0 $0x9  }
0x102: {  	_ =	swait.ge @!p0 [sflag:s0], s1  }
0x103: {  	s1 =	ssub.s32 @!p0 $0x0, s1;
	[sflag:s0] =	ssyncset.done @!p0 $0x0  }
0x104: {  	[sflag:s0] =	ssyncadd.s32 @!p0 s1  }
0x105: {  	[bflag:$0x3] =	sbarrier.arrive $0xFFFF  }
0x106: {  	_ =	shalt  }

</sc_bundles>
